<compile_context>
chip_gen: v7x
topology: tpu7x:2x2x1
jax: 0.10.2.dev20260603
libtpu: 0.0.44.dev20260713+nightly
codegen_flags: <defaults>
</compile_context>

<pallas_src>
import functools

import jax
import jax.numpy as jnp
from jax import lax
from jax.experimental import pallas as pl
from jax.experimental.pallas import tpu as pltpu
from jax.experimental.pallas import tpu_sc as plsc

_NC = 2
_NS = 16
_W = _NC * _NS
_LANES = 128
_GK = 8


def _sc_mesh():
    return plsc.VectorSubcoreMesh(core_axis_name="c", subcore_axis_name="s")


def _make_agg(NP, RPT, ROWS, DH):
    RPS = NP // _NS
    GRP = RPT // _GK
    LASTW = _W - 1
    REAL_LAST = ROWS - LASTW * RPT
    PADR = RPT - REAL_LAST

    @functools.partial(
        pl.kernel,
        out_type=jax.ShapeDtypeStruct((_NC * NP, DH), jnp.float32),
        mesh=_sc_mesh(),
        compiler_params=pltpu.CompilerParams(use_tc_tiling_on_sc=False),
        scratch_types=[
            pltpu.VMEM((RPT, _LANES), jnp.int32),
            pltpu.VMEM((RPT, _LANES), jnp.int32),
            pltpu.VMEM((_GK * _LANES, DH), jnp.float32),
            pltpu.VMEM((_GK * _LANES, DH), jnp.float32),
            pltpu.VMEM((RPS, DH), jnp.float32),
            pltpu.VMEM_SHARED((NP, DH), jnp.float32),
            pltpu.SemaphoreType.DMA,
            pltpu.SemaphoreType.DMA,
            pltpu.SemaphoreType.DMA,
        ],
    )
    def agg(hs, ei3, padc, zrows, out, srcv, dstv, bufa, bufb, stage, acc,
            gsema, gsemb, ssem):
        cid = lax.axis_index("c")
        sid = lax.axis_index("s")
        wid = cid * _NS + sid
        pltpu.sync_copy(zrows, stage)
        pltpu.sync_copy(stage, acc.at[pl.ds(sid * RPS, RPS)])
        plsc.subcore_barrier()

        @pl.when(wid < LASTW)
        def _():
            pltpu.sync_copy(ei3.at[pl.ds(wid * RPT, RPT), 0], srcv)
            pltpu.sync_copy(ei3.at[pl.ds(wid * RPT, RPT), 1], dstv)

        @pl.when(wid == LASTW)
        def _():
            pltpu.sync_copy(ei3.at[pl.ds(LASTW * RPT, REAL_LAST), 0],
                            srcv.at[pl.ds(0, REAL_LAST)])
            pltpu.sync_copy(ei3.at[pl.ds(LASTW * RPT, REAL_LAST), 1],
                            dstv.at[pl.ds(0, REAL_LAST)])
            pltpu.sync_copy(padc, srcv.at[pl.ds(REAL_LAST, PADR)])
            pltpu.sync_copy(padc, dstv.at[pl.ds(REAL_LAST, PADR)])

        def _fire(buf, sem, r0):
            return [
                pltpu.async_copy(hs.at[srcv.at[r0 + b]],
                                 buf.at[pl.ds(b * _LANES, _LANES)], sem)
                for b in range(_GK)
            ]

        def _drain(buf, sem, r0):
            for b in range(_GK):
                pltpu.make_async_copy(hs.at[srcv.at[r0 + b]],
                                      buf.at[pl.ds(b * _LANES, _LANES)],
                                      sem).wait()

        def _scatter(buf, r0):
            sd = [
                pltpu.async_copy(buf.at[pl.ds(b * _LANES, _LANES)],
                                 acc.at[dstv.at[r0 + b]], ssem, add=True)
                for b in range(_GK)
            ]
            for d in sd:
                d.wait()

        _fire(bufa, gsema, 0)

        def body(i, carry):
            ra = (2 * i) * _GK
            rb = (2 * i + 1) * _GK
            gb_descs = _fire(bufb, gsemb, rb)
            _drain(bufa, gsema, ra)
            _scatter(bufa, ra)

            @pl.when(2 * i + 2 < GRP)
            def _():
                _fire(bufa, gsema, ra + 2 * _GK)

            for d in gb_descs:
                d.wait()
            _scatter(bufb, rb)
            return carry

        lax.fori_loop(0, GRP // 2, body, 0)
        plsc.subcore_barrier()
        pltpu.sync_copy(acc.at[pl.ds(sid * RPS, RPS)], stage)
        pltpu.sync_copy(stage, out.at[pl.ds(cid * NP + sid * RPS, RPS)])

    return agg


def _make_deg(NP, RPT, ROWS):
    RPS = NP // _NS
    GRP = RPT // _GK
    LASTW = _W - 1
    REAL_LAST = ROWS - LASTW * RPT
    PADR = RPT - REAL_LAST

    @functools.partial(
        pl.kernel,
        out_type=jax.ShapeDtypeStruct((_NC * NP,), jnp.float32),
        mesh=_sc_mesh(),
        compiler_params=pltpu.CompilerParams(use_tc_tiling_on_sc=False),
        scratch_types=[
            pltpu.VMEM((RPT, _LANES), jnp.int32),
            pltpu.VMEM((_LANES,), jnp.float32),
            pltpu.VMEM((RPS,), jnp.float32),
            pltpu.VMEM_SHARED((NP,), jnp.float32),
            pltpu.SemaphoreType.DMA,
        ],
    )
    def deg(ei3, padc, ones_h, zcol, out, dstv, onesv, stage, dsh, sem):
        cid = lax.axis_index("c")
        sid = lax.axis_index("s")
        wid = cid * _NS + sid
        pltpu.sync_copy(zcol, stage)
        pltpu.sync_copy(stage, dsh.at[pl.ds(sid * RPS, RPS)])
        plsc.subcore_barrier()
        pltpu.sync_copy(ones_h, onesv)

        @pl.when(wid < LASTW)
        def _():
            pltpu.sync_copy(ei3.at[pl.ds(wid * RPT, RPT), 1], dstv)

        @pl.when(wid == LASTW)
        def _():
            pltpu.sync_copy(ei3.at[pl.ds(LASTW * RPT, REAL_LAST), 1],
                            dstv.at[pl.ds(0, REAL_LAST)])
            pltpu.sync_copy(padc, dstv.at[pl.ds(REAL_LAST, PADR)])

        def fire_body(g, carry):
            r0 = g * _GK
            for b in range(_GK):
                pltpu.async_copy(onesv, dsh.at[dstv.at[r0 + b]], sem, add=True)
            return carry

        lax.fori_loop(0, GRP, fire_body, 0)

        def drain_body(g, carry):
            r0 = g * _GK
            for b in range(_GK):
                pltpu.make_async_copy(onesv, dsh.at[dstv.at[r0 + b]],
                                      sem).wait()
            return carry

        lax.fori_loop(0, GRP, drain_body, 0)
        plsc.subcore_barrier()
        pltpu.sync_copy(dsh.at[pl.ds(sid * RPS, RPS)], stage)
        pltpu.sync_copy(stage, out.at[pl.ds(cid * NP + sid * RPS, RPS)])

    return deg



def _tc1(xg, Wb1, dg2, R, BMp=256):
    NPp = dg2.shape[0] // 2
    DIg = xg.shape[1]
    nblk = NPp // BMp

    def body(x_ref, w_ref, a_ref, b_ref, r_ref, hs_ref, dinv_ref):
        dg = a_ref[...] + b_ref[...] + 1.0
        dinv8 = lax.rsqrt(jnp.maximum(dg, 1e-12))
        dinv = jnp.dot(dinv8, r_ref[...], preferred_element_type=jnp.float32,
                       precision=lax.Precision.HIGHEST)
        h = jnp.dot(x_ref[...], w_ref[...], preferred_element_type=jnp.float32)
        hs_ref[...] = h * dinv
        dinv_ref[...] = dinv

    return pl.pallas_call(
        body,
        grid=(nblk,),
        in_specs=[
            pl.BlockSpec((BMp, DIg), lambda i: (i, 0)),
            pl.BlockSpec((DIg, 128), lambda i: (0, 0)),
            pl.BlockSpec((BMp, 8), lambda i: (i, 0)),
            pl.BlockSpec((BMp, 8), lambda i, n=nblk: (i + n, 0)),
            pl.BlockSpec((8, 128), lambda i: (0, 0)),
        ],
        out_specs=[
            pl.BlockSpec((BMp, 128), lambda i: (i, 0)),
            pl.BlockSpec((BMp, 128), lambda i: (i, 0)),
        ],
        out_shape=[
            jax.ShapeDtypeStruct((NPp, 128), jnp.float32),
            jax.ShapeDtypeStruct((NPp, 128), jnp.float32),
        ],
    )(xg, Wb1, dg2, dg2, R)


def _tc2(dinvp, hs1p, accp, b1p, Wb2, BMp=256):
    NPp = hs1p.shape[0]

    def body(dinv_ref, hs_ref, acc_ref, b_ref, w_ref, o_ref):
        dinv = dinv_ref[...]
        s = hs_ref[...] + acc_ref[0] + acc_ref[1]
        g = jnp.maximum(dinv * s + b_ref[...], 0.0)
        o_ref[...] = jnp.dot(g, w_ref[...],
                             preferred_element_type=jnp.float32,
                             precision=lax.Precision.HIGHEST) * dinv

    return pl.pallas_call(
        body,
        grid=(NPp // BMp,),
        in_specs=[
            pl.BlockSpec((BMp, 128), lambda i: (i, 0)),
            pl.BlockSpec((BMp, 128), lambda i: (i, 0)),
            pl.BlockSpec((2, BMp, 128), lambda i: (0, i, 0)),
            pl.BlockSpec((1, 128), lambda i: (0, 0)),
            pl.BlockSpec((128, 128), lambda i: (0, 0)),
        ],
        out_specs=pl.BlockSpec((BMp, 128), lambda i: (i, 0)),
        out_shape=jax.ShapeDtypeStruct((NPp, 128), jnp.float32),
    )(dinvp, hs1p, accp, b1p, Wb2)


def _tc3(dinvp, hs2p, accp, b2p, BMp=256):
    NPp = hs2p.shape[0]

    def body(dinv_ref, hs_ref, acc_ref, b_ref, o_ref):
        s = hs_ref[...] + acc_ref[0] + acc_ref[1]
        o_ref[...] = dinv_ref[...] * s + b_ref[...]

    return pl.pallas_call(
        body,
        grid=(NPp // BMp,),
        in_specs=[
            pl.BlockSpec((BMp, 128), lambda i: (i, 0)),
            pl.BlockSpec((BMp, 128), lambda i: (i, 0)),
            pl.BlockSpec((2, BMp, 128), lambda i: (0, i, 0)),
            pl.BlockSpec((1, 128), lambda i: (0, 0)),
        ],
        out_specs=pl.BlockSpec((BMp, 128), lambda i: (i, 0)),
        out_shape=jax.ShapeDtypeStruct((NPp, 128), jnp.float32),
    )(dinvp, hs2p, accp, b2p)


def kernel(x, edge_index, W1, b1, W2, b2):
    N, DI = x.shape
    DH = W1.shape[1]
    DO = W2.shape[1]
    E = edge_index.shape[1]

    NP = -(-(N + 1) // 1024) * 1024
    ROWS = E // _LANES
    RPT = -(-ROWS // (_W * 2 * _GK)) * 2 * _GK
    RPS = NP // _NS
    PADR = _W * RPT - ROWS

    ei3 = jnp.transpose(edge_index.reshape(2, ROWS, _LANES), (1, 0, 2))
    padc = (N + jnp.arange(PADR * _LANES, dtype=jnp.int32) % (NP - N)
            ).reshape(PADR, _LANES)

    NPp = NP // 8
    xg = jnp.pad(x, ((0, NP - N), (0, 0))).reshape(NPp, 8 * DI)
    ones = jnp.ones((_LANES,), jnp.float32)
    zcol = jnp.zeros((RPS,), jnp.float32)
    zrows = jnp.zeros((RPS, DH), jnp.float32)
    eye8 = jnp.eye(8, dtype=jnp.float32)
    Wb1 = jnp.kron(eye8, W1)
    Wb2 = jnp.kron(eye8, jnp.pad(W2, ((0, 0), (0, DH - DO))))
    R = jnp.repeat(eye8, DH, axis=1)
    b1p = jnp.tile(b1, 8).reshape(1, 128)
    b2p = jnp.tile(jnp.pad(b2, (0, DH - DO)), 8).reshape(1, 128)

    degf = _make_deg(NP, RPT, ROWS)(ei3, padc, ones, zcol)
    dg2 = degf.reshape(2 * NPp, 8)

    agg = _make_agg(NP, RPT, ROWS, DH)

    hs1p, dinvp = _tc1(xg, Wb1, dg2, R)
    acc1 = agg(hs1p.reshape(NP, DH), ei3, padc, zrows)
    hs2p = _tc2(dinvp, hs1p, acc1.reshape(_NC, NPp, 128), b1p, Wb2)
    acc2 = agg(hs2p.reshape(NP, DH), ei3, padc, zrows)
    outp = _tc3(dinvp, hs2p, acc2.reshape(_NC, NPp, 128), b2p)
    return outp.reshape(NP, DH)[:N, :DO]

# --- scband reference (transcript-rebuilt; emitter-appended) ---
"""Pipeline reference for scband-simple-gnn-40492951667286 (READ-ONLY COPY).

The authoritative reference and input builder live on the scoring server;
editing this copy changes nothing except your own understanding.
"""

import jax, jax.numpy as jnp
import numpy as np

N = 10000
E = 320000
D_IN = 128
D_HID = 16
D_OUT = 2


def setup_inputs(seed: int = 0) -> dict:
    key = jax.random.key(seed)
    k1, k2, k3, k4 = jax.random.split(key, 4)
    x = jax.random.normal(k1, (N, D_IN), dtype=jnp.float32)
    edge_index = jax.random.randint(k2, (2, E), 0, N, dtype=jnp.int32)
    W1 = jax.random.normal(k3, (D_IN, D_HID), dtype=jnp.float32) * (1.0 / np.sqrt(D_IN))
    b1 = jnp.zeros((D_HID,), dtype=jnp.float32)
    W2 = jax.random.normal(k4, (D_HID, D_OUT), dtype=jnp.float32) * (1.0 / np.sqrt(D_HID))
    b2 = jnp.zeros((D_OUT,), dtype=jnp.float32)
    return {"x": x, "edge_index": edge_index, "W1": W1, "b1": b1, "W2": W2, "b2": b2}


def _gcn_conv(x, edge_index, W, b):
    # Faithful GCNConv: linear transform, add self-loops, symmetric normalization, scatter-add aggregate, bias.
    n = x.shape[0]
    src = edge_index[0]
    dst = edge_index[1]
    loop = jnp.arange(n, dtype=src.dtype)
    src = jnp.concatenate([src, loop])
    dst = jnp.concatenate([dst, loop])
    h = x @ W
    ones = jnp.ones(dst.shape[0], dtype=h.dtype)
    deg = jax.ops.segment_sum(ones, dst, num_segments=n)
    dinv = jax.lax.rsqrt(jnp.maximum(deg, 1e-12))
    norm = dinv[src] * dinv[dst]
    msg = h[src] * norm[:, None]
    out = jax.ops.segment_sum(msg, dst, num_segments=n)
    return out + b


def reference(x, edge_index, W1, b1, W2, b2):
    h = _gcn_conv(x, edge_index, W1, b1)
    h = jax.nn.relu(h)
    out = _gcn_conv(h, edge_index, W2, b2)
    return out

if __name__ == "__main__":
    import jax
    _d = setup_inputs()
    print(jax.jit(kernel)(*tuple(_d.values())))

</pallas_src>

<mosaic_0001>
#map = affine_map<(d0, d1) -> (0, 0)>
#map1 = affine_map<(d0, d1) -> (0, 0, 0)>
module attributes {stable_mosaic.version = 14 : i64} {
  func.func @agg(%arg0: i32, %arg1: i32, %arg2: memref<10240x16xf32, #tpu.memory_space<hbm>>, %arg3: memref<2500x2x128xi32, #tpu.memory_space<hbm>>, %arg4: memref<60x128xi32, #tpu.memory_space<hbm>>, %arg5: memref<640x16xf32, #tpu.memory_space<hbm>>, %arg6: memref<20480x16xf32, #tpu.memory_space<hbm>>, %arg7: memref<80x128xi32, #tpu.memory_space<vmem>>, %arg8: memref<80x128xi32, #tpu.memory_space<vmem>>, %arg9: memref<1024x16xf32, #tpu.memory_space<vmem>>, %arg10: memref<1024x16xf32, #tpu.memory_space<vmem>>, %arg11: memref<640x16xf32, #tpu.memory_space<vmem>>, %arg12: memref<10240x16xf32, #tpu.memory_space<vmem_shared>>, %arg13: memref<!tpu.dma_semaphore, #tpu.memory_space<semaphore_mem>>, %arg14: memref<!tpu.dma_semaphore, #tpu.memory_space<semaphore_mem>>, %arg15: memref<!tpu.dma_semaphore, #tpu.memory_space<semaphore_mem>>) attributes {dimension_semantics = [#tpu.dimension_semantics<core_parallel>, #tpu.dimension_semantics<subcore_parallel>], iteration_bounds = array<i64: 2, 16>, scalar_prefetch = 0 : i64, scratch_operands = 9 : i64, tpu.core_type = #tpu.core_type<sc_vector_subcore>, window_params = [{transform_indices = #map}, {transform_indices = #map1}, {transform_indices = #map}, {transform_indices = #map}, {transform_indices = #map}]} {
    %mul3A = arith.constant 16 : i32
    %mul3A_0 = arith.muli %arg0, %mul3A : i32
    %add3A = arith.addi %mul3A_0, %arg1 : i32
    "tpu.region"() ({
      %run_scoped3A = tpu.sem_alloc : memref<!tpu.dma_semaphore, #tpu.memory_space<semaphore_mem>>
      tpu.enqueue_dma source(%arg5 : memref<640x16xf32, #tpu.memory_space<hbm>>) target(%arg11 : memref<640x16xf32, #tpu.memory_space<vmem>>) target_semaphore(%run_scoped3A : memref<!tpu.dma_semaphore, #tpu.memory_space<semaphore_mem>>)
      tpu.wait_dma2 semaphore(%run_scoped3A : memref<!tpu.dma_semaphore, #tpu.memory_space<semaphore_mem>>) src(%arg5 : memref<640x16xf32, #tpu.memory_space<hbm>>) dst(%arg11 : memref<640x16xf32, #tpu.memory_space<vmem>>)
      tpu.yield
    }) : () -> ()
    %mul3A_1 = arith.constant 640 : i32
    %mul3A_2 = arith.muli %arg1, %mul3A_1 : i32
    "tpu.region"() ({
      %run_scoped3A = tpu.sem_alloc : memref<!tpu.dma_semaphore, #tpu.memory_space<semaphore_mem>>
      %dma_start3A_101 = arith.constant 0 : i32
      %dma_start3A_102 = tpu.memref_slice %arg12[%mul3A_2, %dma_start3A_101] : memref<10240x16xf32, #tpu.memory_space<vmem_shared>> -> memref<640x16xf32, #tpu.memory_space<vmem_shared>>
      %dma_start3A_103 = arith.constant 0 : i32
      %dma_start3A_104 = tpu.memref_slice %arg12[%mul3A_2, %dma_start3A_103] : memref<10240x16xf32, #tpu.memory_space<vmem_shared>> -> memref<640x16xf32, #tpu.memory_space<vmem_shared>>
      tpu.enqueue_dma source(%arg11 : memref<640x16xf32, #tpu.memory_space<vmem>>) target(%dma_start3A_104 : memref<640x16xf32, #tpu.memory_space<vmem_shared>>) target_semaphore(%run_scoped3A : memref<!tpu.dma_semaphore, #tpu.memory_space<semaphore_mem>>)
      %dma_wait3A = arith.constant 0 : i32
      %dma_wait3A_105 = tpu.memref_slice %arg12[%mul3A_2, %dma_wait3A] : memref<10240x16xf32, #tpu.memory_space<vmem_shared>> -> memref<640x16xf32, #tpu.memory_space<vmem_shared>>
      %dma_wait3A_106 = arith.constant 0 : i32
      %dma_wait3A_107 = tpu.memref_slice %arg12[%mul3A_2, %dma_wait3A_106] : memref<10240x16xf32, #tpu.memory_space<vmem_shared>> -> memref<640x16xf32, #tpu.memory_space<vmem_shared>>
      tpu.wait_dma2 semaphore(%run_scoped3A : memref<!tpu.dma_semaphore, #tpu.memory_space<semaphore_mem>>) src(%arg11 : memref<640x16xf32, #tpu.memory_space<vmem>>) dst(%dma_wait3A_107 : memref<640x16xf32, #tpu.memory_space<vmem_shared>>)
      tpu.yield
    }) : () -> ()
    %barrier3A = arith.constant 0 : index
    tpu.barrier barrier_id(%barrier3A)
    %lt3A = arith.constant 31 : i32
    %lt3A_3 = arith.cmpi slt, %add3A, %lt3A : i32
    %convert_element_type3A = arith.extui %lt3A_3 : i1 to i32
    %cond3A = arith.constant 0 : i32
    %cond3A_4 = arith.cmpi ne, %convert_element_type3A, %cond3A : i32
    scf.if %cond3A_4 {
      %mul3A_101 = arith.constant 80 : i32
      %mul3A_102 = arith.muli %add3A, %mul3A_101 : i32
      %run_scoped3A = arith.constant 0 : i32
      "tpu.region"() ({
        %run_scoped3A_106 = tpu.sem_alloc : memref<!tpu.dma_semaphore, #tpu.memory_space<semaphore_mem>>
        %dma_start3A_107 = arith.constant 0 : i32
        %dma_start3A_108 = tpu.memref_slice %arg3[%mul3A_102, %run_scoped3A, %dma_start3A_107] : memref<2500x2x128xi32, #tpu.memory_space<hbm>> -> memref<80x1x128xi32, #tpu.memory_space<hbm>>
        %dma_start3A_109 = tpu.memref_squeeze %dma_start3A_108 : memref<80x1x128xi32, #tpu.memory_space<hbm>> -> memref<80x128xi32, #tpu.memory_space<hbm>>
        %dma_start3A_110 = arith.constant 0 : i32
        %dma_start3A_111 = tpu.memref_slice %arg3[%mul3A_102, %run_scoped3A, %dma_start3A_110] : memref<2500x2x128xi32, #tpu.memory_space<hbm>> -> memref<80x1x128xi32, #tpu.memory_space<hbm>>
        %dma_start3A_112 = tpu.memref_squeeze %dma_start3A_111 : memref<80x1x128xi32, #tpu.memory_space<hbm>> -> memref<80x128xi32, #tpu.memory_space<hbm>>
        tpu.enqueue_dma source(%dma_start3A_112 : memref<80x128xi32, #tpu.memory_space<hbm>>) target(%arg7 : memref<80x128xi32, #tpu.memory_space<vmem>>) target_semaphore(%run_scoped3A_106 : memref<!tpu.dma_semaphore, #tpu.memory_space<semaphore_mem>>)
        %dma_wait3A = arith.constant 0 : i32
        %dma_wait3A_113 = tpu.memref_slice %arg3[%mul3A_102, %run_scoped3A, %dma_wait3A] : memref<2500x2x128xi32, #tpu.memory_space<hbm>> -> memref<80x1x128xi32, #tpu.memory_space<hbm>>
        %dma_wait3A_114 = tpu.memref_squeeze %dma_wait3A_113 : memref<80x1x128xi32, #tpu.memory_space<hbm>> -> memref<80x128xi32, #tpu.memory_space<hbm>>
        %dma_wait3A_115 = arith.constant 0 : i32
        %dma_wait3A_116 = tpu.memref_slice %arg3[%mul3A_102, %run_scoped3A, %dma_wait3A_115] : memref<2500x2x128xi32, #tpu.memory_space<hbm>> -> memref<80x1x128xi32, #tpu.memory_space<hbm>>
        %dma_wait3A_117 = tpu.memref_squeeze %dma_wait3A_116 : memref<80x1x128xi32, #tpu.memory_space<hbm>> -> memref<80x128xi32, #tpu.memory_space<hbm>>
        tpu.wait_dma2 semaphore(%run_scoped3A_106 : memref<!tpu.dma_semaphore, #tpu.memory_space<semaphore_mem>>) src(%dma_wait3A_117 : memref<80x128xi32, #tpu.memory_space<hbm>>) dst(%arg7 : memref<80x128xi32, #tpu.memory_space<vmem>>)
        tpu.yield
      }) : () -> ()
      %mul3A_103 = arith.constant 80 : i32
      %mul3A_104 = arith.muli %add3A, %mul3A_103 : i32
      %run_scoped3A_105 = arith.constant 1 : i32
      "tpu.region"() ({
        %run_scoped3A_106 = tpu.sem_alloc : memref<!tpu.dma_semaphore, #tpu.memory_space<semaphore_mem>>
        %dma_start3A_107 = arith.constant 0 : i32
        %dma_start3A_108 = tpu.memref_slice %arg3[%mul3A_104, %run_scoped3A_105, %dma_start3A_107] : memref<2500x2x128xi32, #tpu.memory_space<hbm>> -> memref<80x1x128xi32, #tpu.memory_space<hbm>>
        %dma_start3A_109 = tpu.memref_squeeze %dma_start3A_108 : memref<80x1x128xi32, #tpu.memory_space<hbm>> -> memref<80x128xi32, #tpu.memory_space<hbm>>
        %dma_start3A_110 = arith.constant 0 : i32
        %dma_start3A_111 = tpu.memref_slice %arg3[%mul3A_104, %run_scoped3A_105, %dma_start3A_110] : memref<2500x2x128xi32, #tpu.memory_space<hbm>> -> memref<80x1x128xi32, #tpu.memory_space<hbm>>
        %dma_start3A_112 = tpu.memref_squeeze %dma_start3A_111 : memref<80x1x128xi32, #tpu.memory_space<hbm>> -> memref<80x128xi32, #tpu.memory_space<hbm>>
        tpu.enqueue_dma source(%dma_start3A_112 : memref<80x128xi32, #tpu.memory_space<hbm>>) target(%arg8 : memref<80x128xi32, #tpu.memory_space<vmem>>) target_semaphore(%run_scoped3A_106 : memref<!tpu.dma_semaphore, #tpu.memory_space<semaphore_mem>>)
        %dma_wait3A = arith.constant 0 : i32
        %dma_wait3A_113 = tpu.memref_slice %arg3[%mul3A_104, %run_scoped3A_105, %dma_wait3A] : memref<2500x2x128xi32, #tpu.memory_space<hbm>> -> memref<80x1x128xi32, #tpu.memory_space<hbm>>
        %dma_wait3A_114 = tpu.memref_squeeze %dma_wait3A_113 : memref<80x1x128xi32, #tpu.memory_space<hbm>> -> memref<80x128xi32, #tpu.memory_space<hbm>>
        %dma_wait3A_115 = arith.constant 0 : i32
        %dma_wait3A_116 = tpu.memref_slice %arg3[%mul3A_104, %run_scoped3A_105, %dma_wait3A_115] : memref<2500x2x128xi32, #tpu.memory_space<hbm>> -> memref<80x1x128xi32, #tpu.memory_space<hbm>>
        %dma_wait3A_117 = tpu.memref_squeeze %dma_wait3A_116 : memref<80x1x128xi32, #tpu.memory_space<hbm>> -> memref<80x128xi32, #tpu.memory_space<hbm>>
        tpu.wait_dma2 semaphore(%run_scoped3A_106 : memref<!tpu.dma_semaphore, #tpu.memory_space<semaphore_mem>>) src(%dma_wait3A_117 : memref<80x128xi32, #tpu.memory_space<hbm>>) dst(%arg8 : memref<80x128xi32, #tpu.memory_space<vmem>>)
        tpu.yield
      }) : () -> ()
    } else {
    }
    %eq3A = arith.constant 31 : i32
    %eq3A_5 = arith.cmpi eq, %add3A, %eq3A : i32
    %convert_element_type3A_6 = arith.extui %eq3A_5 : i1 to i32
    %cond3A_7 = arith.constant 0 : i32
    %cond3A_8 = arith.cmpi ne, %convert_element_type3A_6, %cond3A_7 : i32
    scf.if %cond3A_8 {
      %run_scoped3A = arith.constant 0 : i32
      "tpu.region"() ({
        %run_scoped3A_102 = tpu.sem_alloc : memref<!tpu.dma_semaphore, #tpu.memory_space<semaphore_mem>>
        %dma_start3A_103 = arith.constant 0 : i32
        %dma_start3A_104 = arith.constant 0 : i32
        %dma_start3A_105 = tpu.memref_slice %arg7[%dma_start3A_103, %dma_start3A_104] : memref<80x128xi32, #tpu.memory_space<vmem>> -> memref<20x128xi32, #tpu.memory_space<vmem>>
        %dma_start3A_106 = arith.constant 2480 : i32
        %dma_start3A_107 = arith.constant 0 : i32
        %dma_start3A_108 = tpu.memref_slice %arg3[%dma_start3A_106, %run_scoped3A, %dma_start3A_107] : memref<2500x2x128xi32, #tpu.memory_space<hbm>> -> memref<20x1x128xi32, #tpu.memory_space<hbm>>
        %dma_start3A_109 = tpu.memref_squeeze %dma_start3A_108 : memref<20x1x128xi32, #tpu.memory_space<hbm>> -> memref<20x128xi32, #tpu.memory_space<hbm>>
        %dma_start3A_110 = arith.constant 0 : i32
        %dma_start3A_111 = arith.constant 0 : i32
        %dma_start3A_112 = tpu.memref_slice %arg7[%dma_start3A_110, %dma_start3A_111] : memref<80x128xi32, #tpu.memory_space<vmem>> -> memref<20x128xi32, #tpu.memory_space<vmem>>
        %dma_start3A_113 = arith.constant 2480 : i32
        %dma_start3A_114 = arith.constant 0 : i32
        %dma_start3A_115 = tpu.memref_slice %arg3[%dma_start3A_113, %run_scoped3A, %dma_start3A_114] : memref<2500x2x128xi32, #tpu.memory_space<hbm>> -> memref<20x1x128xi32, #tpu.memory_space<hbm>>
        %dma_start3A_116 = tpu.memref_squeeze %dma_start3A_115 : memref<20x1x128xi32, #tpu.memory_space<hbm>> -> memref<20x128xi32, #tpu.memory_space<hbm>>
        tpu.enqueue_dma source(%dma_start3A_116 : memref<20x128xi32, #tpu.memory_space<hbm>>) target(%dma_start3A_112 : memref<20x128xi32, #tpu.memory_space<vmem>>) target_semaphore(%run_scoped3A_102 : memref<!tpu.dma_semaphore, #tpu.memory_space<semaphore_mem>>)
        %dma_wait3A = arith.constant 0 : i32
        %dma_wait3A_117 = arith.constant 0 : i32
        %dma_wait3A_118 = tpu.memref_slice %arg7[%dma_wait3A, %dma_wait3A_117] : memref<80x128xi32, #tpu.memory_space<vmem>> -> memref<20x128xi32, #tpu.memory_space<vmem>>
        %dma_wait3A_119 = arith.constant 2480 : i32
        %dma_wait3A_120 = arith.constant 0 : i32
        %dma_wait3A_121 = tpu.memref_slice %arg3[%dma_wait3A_119, %run_scoped3A, %dma_wait3A_120] : memref<2500x2x128xi32, #tpu.memory_space<hbm>> -> memref<20x1x128xi32, #tpu.memory_space<hbm>>
        %dma_wait3A_122 = tpu.memref_squeeze %dma_wait3A_121 : memref<20x1x128xi32, #tpu.memory_space<hbm>> -> memref<20x128xi32, #tpu.memory_space<hbm>>
        %dma_wait3A_123 = arith.constant 0 : i32
        %dma_wait3A_124 = arith.constant 0 : i32
        %dma_wait3A_125 = tpu.memref_slice %arg7[%dma_wait3A_123, %dma_wait3A_124] : memref<80x128xi32, #tpu.memory_space<vmem>> -> memref<20x128xi32, #tpu.memory_space<vmem>>
        %dma_wait3A_126 = arith.constant 2480 : i32
        %dma_wait3A_127 = arith.constant 0 : i32
        %dma_wait3A_128 = tpu.memref_slice %arg3[%dma_wait3A_126, %run_scoped3A, %dma_wait3A_127] : memref<2500x2x128xi32, #tpu.memory_space<hbm>> -> memref<20x1x128xi32, #tpu.memory_space<hbm>>
        %dma_wait3A_129 = tpu.memref_squeeze %dma_wait3A_128 : memref<20x1x128xi32, #tpu.memory_space<hbm>> -> memref<20x128xi32, #tpu.memory_space<hbm>>
        tpu.wait_dma2 semaphore(%run_scoped3A_102 : memref<!tpu.dma_semaphore, #tpu.memory_space<semaphore_mem>>) src(%dma_wait3A_129 : memref<20x128xi32, #tpu.memory_space<hbm>>) dst(%dma_wait3A_125 : memref<20x128xi32, #tpu.memory_space<vmem>>)
        tpu.yield
      }) : () -> ()
      %run_scoped3A_101 = arith.constant 1 : i32
      "tpu.region"() ({
        %run_scoped3A_102 = tpu.sem_alloc : memref<!tpu.dma_semaphore, #tpu.memory_space<semaphore_mem>>
        %dma_start3A_103 = arith.constant 0 : i32
        %dma_start3A_104 = arith.constant 0 : i32
        %dma_start3A_105 = tpu.memref_slice %arg8[%dma_start3A_103, %dma_start3A_104] : memref<80x128xi32, #tpu.memory_space<vmem>> -> memref<20x128xi32, #tpu.memory_space<vmem>>
        %dma_start3A_106 = arith.constant 2480 : i32
        %dma_start3A_107 = arith.constant 0 : i32
        %dma_start3A_108 = tpu.memref_slice %arg3[%dma_start3A_106, %run_scoped3A_101, %dma_start3A_107] : memref<2500x2x128xi32, #tpu.memory_space<hbm>> -> memref<20x1x128xi32, #tpu.memory_space<hbm>>
        %dma_start3A_109 = tpu.memref_squeeze %dma_start3A_108 : memref<20x1x128xi32, #tpu.memory_space<hbm>> -> memref<20x128xi32, #tpu.memory_space<hbm>>
        %dma_start3A_110 = arith.constant 0 : i32
        %dma_start3A_111 = arith.constant 0 : i32
        %dma_start3A_112 = tpu.memref_slice %arg8[%dma_start3A_110, %dma_start3A_111] : memref<80x128xi32, #tpu.memory_space<vmem>> -> memref<20x128xi32, #tpu.memory_space<vmem>>
        %dma_start3A_113 = arith.constant 2480 : i32
        %dma_start3A_114 = arith.constant 0 : i32
        %dma_start3A_115 = tpu.memref_slice %arg3[%dma_start3A_113, %run_scoped3A_101, %dma_start3A_114] : memref<2500x2x128xi32, #tpu.memory_space<hbm>> -> memref<20x1x128xi32, #tpu.memory_space<hbm>>
        %dma_start3A_116 = tpu.memref_squeeze %dma_start3A_115 : memref<20x1x128xi32, #tpu.memory_space<hbm>> -> memref<20x128xi32, #tpu.memory_space<hbm>>
        tpu.enqueue_dma source(%dma_start3A_116 : memref<20x128xi32, #tpu.memory_space<hbm>>) target(%dma_start3A_112 : memref<20x128xi32, #tpu.memory_space<vmem>>) target_semaphore(%run_scoped3A_102 : memref<!tpu.dma_semaphore, #tpu.memory_space<semaphore_mem>>)
        %dma_wait3A = arith.constant 0 : i32
        %dma_wait3A_117 = arith.constant 0 : i32
        %dma_wait3A_118 = tpu.memref_slice %arg8[%dma_wait3A, %dma_wait3A_117] : memref<80x128xi32, #tpu.memory_space<vmem>> -> memref<20x128xi32, #tpu.memory_space<vmem>>
        %dma_wait3A_119 = arith.constant 2480 : i32
        %dma_wait3A_120 = arith.constant 0 : i32
        %dma_wait3A_121 = tpu.memref_slice %arg3[%dma_wait3A_119, %run_scoped3A_101, %dma_wait3A_120] : memref<2500x2x128xi32, #tpu.memory_space<hbm>> -> memref<20x1x128xi32, #tpu.memory_space<hbm>>
        %dma_wait3A_122 = tpu.memref_squeeze %dma_wait3A_121 : memref<20x1x128xi32, #tpu.memory_space<hbm>> -> memref<20x128xi32, #tpu.memory_space<hbm>>
        %dma_wait3A_123 = arith.constant 0 : i32
        %dma_wait3A_124 = arith.constant 0 : i32
        %dma_wait3A_125 = tpu.memref_slice %arg8[%dma_wait3A_123, %dma_wait3A_124] : memref<80x128xi32, #tpu.memory_space<vmem>> -> memref<20x128xi32, #tpu.memory_space<vmem>>
        %dma_wait3A_126 = arith.constant 2480 : i32
        %dma_wait3A_127 = arith.constant 0 : i32
        %dma_wait3A_128 = tpu.memref_slice %arg3[%dma_wait3A_126, %run_scoped3A_101, %dma_wait3A_127] : memref<2500x2x128xi32, #tpu.memory_space<hbm>> -> memref<20x1x128xi32, #tpu.memory_space<hbm>>
        %dma_wait3A_129 = tpu.memref_squeeze %dma_wait3A_128 : memref<20x1x128xi32, #tpu.memory_space<hbm>> -> memref<20x128xi32, #tpu.memory_space<hbm>>
        tpu.wait_dma2 semaphore(%run_scoped3A_102 : memref<!tpu.dma_semaphore, #tpu.memory_space<semaphore_mem>>) src(%dma_wait3A_129 : memref<20x128xi32, #tpu.memory_space<hbm>>) dst(%dma_wait3A_125 : memref<20x128xi32, #tpu.memory_space<vmem>>)
        tpu.yield
      }) : () -> ()
      "tpu.region"() ({
        %run_scoped3A_102 = tpu.sem_alloc : memref<!tpu.dma_semaphore, #tpu.memory_space<semaphore_mem>>
        %dma_start3A_103 = arith.constant 20 : i32
        %dma_start3A_104 = arith.constant 0 : i32
        %dma_start3A_105 = tpu.memref_slice %arg7[%dma_start3A_103, %dma_start3A_104] : memref<80x128xi32, #tpu.memory_space<vmem>> -> memref<60x128xi32, #tpu.memory_space<vmem>>
        %dma_start3A_106 = arith.constant 20 : i32
        %dma_start3A_107 = arith.constant 0 : i32
        %dma_start3A_108 = tpu.memref_slice %arg7[%dma_start3A_106, %dma_start3A_107] : memref<80x128xi32, #tpu.memory_space<vmem>> -> memref<60x128xi32, #tpu.memory_space<vmem>>
        tpu.enqueue_dma source(%arg4 : memref<60x128xi32, #tpu.memory_space<hbm>>) target(%dma_start3A_108 : memref<60x128xi32, #tpu.memory_space<vmem>>) target_semaphore(%run_scoped3A_102 : memref<!tpu.dma_semaphore, #tpu.memory_space<semaphore_mem>>)
        %dma_wait3A = arith.constant 20 : i32
        %dma_wait3A_109 = arith.constant 0 : i32
        %dma_wait3A_110 = tpu.memref_slice %arg7[%dma_wait3A, %dma_wait3A_109] : memref<80x128xi32, #tpu.memory_space<vmem>> -> memref<60x128xi32, #tpu.memory_space<vmem>>
        %dma_wait3A_111 = arith.constant 20 : i32
        %dma_wait3A_112 = arith.constant 0 : i32
        %dma_wait3A_113 = tpu.memref_slice %arg7[%dma_wait3A_111, %dma_wait3A_112] : memref<80x128xi32, #tpu.memory_space<vmem>> -> memref<60x128xi32, #tpu.memory_space<vmem>>
        tpu.wait_dma2 semaphore(%run_scoped3A_102 : memref<!tpu.dma_semaphore, #tpu.memory_space<semaphore_mem>>) src(%arg4 : memref<60x128xi32, #tpu.memory_space<hbm>>) dst(%dma_wait3A_113 : memref<60x128xi32, #tpu.memory_space<vmem>>)
        tpu.yield
      }) : () -> ()
      "tpu.region"() ({
        %run_scoped3A_102 = tpu.sem_alloc : memref<!tpu.dma_semaphore, #tpu.memory_space<semaphore_mem>>
        %dma_start3A_103 = arith.constant 20 : i32
        %dma_start3A_104 = arith.constant 0 : i32
        %dma_start3A_105 = tpu.memref_slice %arg8[%dma_start3A_103, %dma_start3A_104] : memref<80x128xi32, #tpu.memory_space<vmem>> -> memref<60x128xi32, #tpu.memory_space<vmem>>
        %dma_start3A_106 = arith.constant 20 : i32
        %dma_start3A_107 = arith.constant 0 : i32
        %dma_start3A_108 = tpu.memref_slice %arg8[%dma_start3A_106, %dma_start3A_107] : memref<80x128xi32, #tpu.memory_space<vmem>> -> memref<60x128xi32, #tpu.memory_space<vmem>>
        tpu.enqueue_dma source(%arg4 : memref<60x128xi32, #tpu.memory_space<hbm>>) target(%dma_start3A_108 : memref<60x128xi32, #tpu.memory_space<vmem>>) target_semaphore(%run_scoped3A_102 : memref<!tpu.dma_semaphore, #tpu.memory_space<semaphore_mem>>)
        %dma_wait3A = arith.constant 20 : i32
        %dma_wait3A_109 = arith.constant 0 : i32
        %dma_wait3A_110 = tpu.memref_slice %arg8[%dma_wait3A, %dma_wait3A_109] : memref<80x128xi32, #tpu.memory_space<vmem>> -> memref<60x128xi32, #tpu.memory_space<vmem>>
        %dma_wait3A_111 = arith.constant 20 : i32
        %dma_wait3A_112 = arith.constant 0 : i32
        %dma_wait3A_113 = tpu.memref_slice %arg8[%dma_wait3A_111, %dma_wait3A_112] : memref<80x128xi32, #tpu.memory_space<vmem>> -> memref<60x128xi32, #tpu.memory_space<vmem>>
        tpu.wait_dma2 semaphore(%run_scoped3A_102 : memref<!tpu.dma_semaphore, #tpu.memory_space<semaphore_mem>>) src(%arg4 : memref<60x128xi32, #tpu.memory_space<hbm>>) dst(%dma_wait3A_113 : memref<60x128xi32, #tpu.memory_space<vmem>>)
        tpu.yield
      }) : () -> ()
    } else {
    }
    %dma_start3A = arith.constant 0 : i32
    %dma_start3A_9 = arith.constant 0 : i32
    %dma_start3A_10 = arith.constant 0 : i32
    %dma_start3A_11 = tpu.memref_slice %arg9[%dma_start3A_9, %dma_start3A_10] : memref<1024x16xf32, #tpu.memory_space<vmem>> -> memref<128x16xf32, #tpu.memory_space<vmem>>
    %dma_start3A_12 = arith.constant 0 : i32
    %dma_start3A_13 = tpu.memref_slice %arg7[%dma_start3A, %dma_start3A_12] : memref<80x128xi32, #tpu.memory_space<vmem>> -> memref<1x128xi32, #tpu.memory_space<vmem>>
    %dma_start3A_14 = tpu.memref_squeeze %dma_start3A_13 : memref<1x128xi32, #tpu.memory_space<vmem>> -> memref<128xi32, #tpu.memory_space<vmem>>
    %dma_start3A_15 = arith.constant 0 : i32
    %dma_start3A_16 = arith.constant 0 : i32
    %dma_start3A_17 = tpu.memref_slice %arg2[%dma_start3A_15, %dma_start3A_16] : memref<10240x16xf32, #tpu.memory_space<hbm>> -> memref<10240x16xf32, #tpu.memory_space<hbm>>
    tpu.enqueue_indirect_dma source(%dma_start3A_17 : memref<10240x16xf32, #tpu.memory_space<hbm>>) target(%dma_start3A_11 : memref<128x16xf32, #tpu.memory_space<vmem>>) offsets(%dma_start3A_14 : memref<128xi32, #tpu.memory_space<vmem>>) semaphore(%arg13 : memref<!tpu.dma_semaphore, #tpu.memory_space<semaphore_mem>>)
    %dma_start3A_18 = arith.constant 1 : i32
    %dma_start3A_19 = arith.constant 128 : i32
    %dma_start3A_20 = arith.constant 0 : i32
    %dma_start3A_21 = tpu.memref_slice %arg9[%dma_start3A_19, %dma_start3A_20] : memref<1024x16xf32, #tpu.memory_space<vmem>> -> memref<128x16xf32, #tpu.memory_space<vmem>>
    %dma_start3A_22 = arith.constant 0 : i32
    %dma_start3A_23 = tpu.memref_slice %arg7[%dma_start3A_18, %dma_start3A_22] : memref<80x128xi32, #tpu.memory_space<vmem>> -> memref<1x128xi32, #tpu.memory_space<vmem>>
    %dma_start3A_24 = tpu.memref_squeeze %dma_start3A_23 : memref<1x128xi32, #tpu.memory_space<vmem>> -> memref<128xi32, #tpu.memory_space<vmem>>
    %dma_start3A_25 = arith.constant 0 : i32
    %dma_start3A_26 = arith.constant 0 : i32
    %dma_start3A_27 = tpu.memref_slice %arg2[%dma_start3A_25, %dma_start3A_26] : memref<10240x16xf32, #tpu.memory_space<hbm>> -> memref<10240x16xf32, #tpu.memory_space<hbm>>
    tpu.enqueue_indirect_dma source(%dma_start3A_27 : memref<10240x16xf32, #tpu.memory_space<hbm>>) target(%dma_start3A_21 : memref<128x16xf32, #tpu.memory_space<vmem>>) offsets(%dma_start3A_24 : memref<128xi32, #tpu.memory_space<vmem>>) semaphore(%arg13 : memref<!tpu.dma_semaphore, #tpu.memory_space<semaphore_mem>>)
    %dma_start3A_28 = arith.constant 2 : i32
    %dma_start3A_29 = arith.constant 256 : i32
    %dma_start3A_30 = arith.constant 0 : i32
    %dma_start3A_31 = tpu.memref_slice %arg9[%dma_start3A_29, %dma_start3A_30] : memref<1024x16xf32, #tpu.memory_space<vmem>> -> memref<128x16xf32, #tpu.memory_space<vmem>>
    %dma_start3A_32 = arith.constant 0 : i32
    %dma_start3A_33 = tpu.memref_slice %arg7[%dma_start3A_28, %dma_start3A_32] : memref<80x128xi32, #tpu.memory_space<vmem>> -> memref<1x128xi32, #tpu.memory_space<vmem>>
    %dma_start3A_34 = tpu.memref_squeeze %dma_start3A_33 : memref<1x128xi32, #tpu.memory_space<vmem>> -> memref<128xi32, #tpu.memory_space<vmem>>
    %dma_start3A_35 = arith.constant 0 : i32
    %dma_start3A_36 = arith.constant 0 : i32
    %dma_start3A_37 = tpu.memref_slice %arg2[%dma_start3A_35, %dma_start3A_36] : memref<10240x16xf32, #tpu.memory_space<hbm>> -> memref<10240x16xf32, #tpu.memory_space<hbm>>
    tpu.enqueue_indirect_dma source(%dma_start3A_37 : memref<10240x16xf32, #tpu.memory_space<hbm>>) target(%dma_start3A_31 : memref<128x16xf32, #tpu.memory_space<vmem>>) offsets(%dma_start3A_34 : memref<128xi32, #tpu.memory_space<vmem>>) semaphore(%arg13 : memref<!tpu.dma_semaphore, #tpu.memory_space<semaphore_mem>>)
    %dma_start3A_38 = arith.constant 3 : i32
    %dma_start3A_39 = arith.constant 384 : i32
    %dma_start3A_40 = arith.constant 0 : i32
    %dma_start3A_41 = tpu.memref_slice %arg9[%dma_start3A_39, %dma_start3A_40] : memref<1024x16xf32, #tpu.memory_space<vmem>> -> memref<128x16xf32, #tpu.memory_space<vmem>>
    %dma_start3A_42 = arith.constant 0 : i32
    %dma_start3A_43 = tpu.memref_slice %arg7[%dma_start3A_38, %dma_start3A_42] : memref<80x128xi32, #tpu.memory_space<vmem>> -> memref<1x128xi32, #tpu.memory_space<vmem>>
    %dma_start3A_44 = tpu.memref_squeeze %dma_start3A_43 : memref<1x128xi32, #tpu.memory_space<vmem>> -> memref<128xi32, #tpu.memory_space<vmem>>
    %dma_start3A_45 = arith.constant 0 : i32
    %dma_start3A_46 = arith.constant 0 : i32
    %dma_start3A_47 = tpu.memref_slice %arg2[%dma_start3A_45, %dma_start3A_46] : memref<10240x16xf32, #tpu.memory_space<hbm>> -> memref<10240x16xf32, #tpu.memory_space<hbm>>
    tpu.enqueue_indirect_dma source(%dma_start3A_47 : memref<10240x16xf32, #tpu.memory_space<hbm>>) target(%dma_start3A_41 : memref<128x16xf32, #tpu.memory_space<vmem>>) offsets(%dma_start3A_44 : memref<128xi32, #tpu.memory_space<vmem>>) semaphore(%arg13 : memref<!tpu.dma_semaphore, #tpu.memory_space<semaphore_mem>>)
    %dma_start3A_48 = arith.constant 4 : i32
    %dma_start3A_49 = arith.constant 512 : i32
    %dma_start3A_50 = arith.constant 0 : i32
    %dma_start3A_51 = tpu.memref_slice %arg9[%dma_start3A_49, %dma_start3A_50] : memref<1024x16xf32, #tpu.memory_space<vmem>> -> memref<128x16xf32, #tpu.memory_space<vmem>>
    %dma_start3A_52 = arith.constant 0 : i32
    %dma_start3A_53 = tpu.memref_slice %arg7[%dma_start3A_48, %dma_start3A_52] : memref<80x128xi32, #tpu.memory_space<vmem>> -> memref<1x128xi32, #tpu.memory_space<vmem>>
    %dma_start3A_54 = tpu.memref_squeeze %dma_start3A_53 : memref<1x128xi32, #tpu.memory_space<vmem>> -> memref<128xi32, #tpu.memory_space<vmem>>
    %dma_start3A_55 = arith.constant 0 : i32
    %dma_start3A_56 = arith.constant 0 : i32
    %dma_start3A_57 = tpu.memref_slice %arg2[%dma_start3A_55, %dma_start3A_56] : memref<10240x16xf32, #tpu.memory_space<hbm>> -> memref<10240x16xf32, #tpu.memory_space<hbm>>
    tpu.enqueue_indirect_dma source(%dma_start3A_57 : memref<10240x16xf32, #tpu.memory_space<hbm>>) target(%dma_start3A_51 : memref<128x16xf32, #tpu.memory_space<vmem>>) offsets(%dma_start3A_54 : memref<128xi32, #tpu.memory_space<vmem>>) semaphore(%arg13 : memref<!tpu.dma_semaphore, #tpu.memory_space<semaphore_mem>>)
    %dma_start3A_58 = arith.constant 5 : i32
    %dma_start3A_59 = arith.constant 640 : i32
    %dma_start3A_60 = arith.constant 0 : i32
    %dma_start3A_61 = tpu.memref_slice %arg9[%dma_start3A_59, %dma_start3A_60] : memref<1024x16xf32, #tpu.memory_space<vmem>> -> memref<128x16xf32, #tpu.memory_space<vmem>>
    %dma_start3A_62 = arith.constant 0 : i32
    %dma_start3A_63 = tpu.memref_slice %arg7[%dma_start3A_58, %dma_start3A_62] : memref<80x128xi32, #tpu.memory_space<vmem>> -> memref<1x128xi32, #tpu.memory_space<vmem>>
    %dma_start3A_64 = tpu.memref_squeeze %dma_start3A_63 : memref<1x128xi32, #tpu.memory_space<vmem>> -> memref<128xi32, #tpu.memory_space<vmem>>
    %dma_start3A_65 = arith.constant 0 : i32
    %dma_start3A_66 = arith.constant 0 : i32
    %dma_start3A_67 = tpu.memref_slice %arg2[%dma_start3A_65, %dma_start3A_66] : memref<10240x16xf32, #tpu.memory_space<hbm>> -> memref<10240x16xf32, #tpu.memory_space<hbm>>
    tpu.enqueue_indirect_dma source(%dma_start3A_67 : memref<10240x16xf32, #tpu.memory_space<hbm>>) target(%dma_start3A_61 : memref<128x16xf32, #tpu.memory_space<vmem>>) offsets(%dma_start3A_64 : memref<128xi32, #tpu.memory_space<vmem>>) semaphore(%arg13 : memref<!tpu.dma_semaphore, #tpu.memory_space<semaphore_mem>>)
    %dma_start3A_68 = arith.constant 6 : i32
    %dma_start3A_69 = arith.constant 768 : i32
    %dma_start3A_70 = arith.constant 0 : i32
    %dma_start3A_71 = tpu.memref_slice %arg9[%dma_start3A_69, %dma_start3A_70] : memref<1024x16xf32, #tpu.memory_space<vmem>> -> memref<128x16xf32, #tpu.memory_space<vmem>>
    %dma_start3A_72 = arith.constant 0 : i32
    %dma_start3A_73 = tpu.memref_slice %arg7[%dma_start3A_68, %dma_start3A_72] : memref<80x128xi32, #tpu.memory_space<vmem>> -> memref<1x128xi32, #tpu.memory_space<vmem>>
    %dma_start3A_74 = tpu.memref_squeeze %dma_start3A_73 : memref<1x128xi32, #tpu.memory_space<vmem>> -> memref<128xi32, #tpu.memory_space<vmem>>
    %dma_start3A_75 = arith.constant 0 : i32
    %dma_start3A_76 = arith.constant 0 : i32
    %dma_start3A_77 = tpu.memref_slice %arg2[%dma_start3A_75, %dma_start3A_76] : memref<10240x16xf32, #tpu.memory_space<hbm>> -> memref<10240x16xf32, #tpu.memory_space<hbm>>
    tpu.enqueue_indirect_dma source(%dma_start3A_77 : memref<10240x16xf32, #tpu.memory_space<hbm>>) target(%dma_start3A_71 : memref<128x16xf32, #tpu.memory_space<vmem>>) offsets(%dma_start3A_74 : memref<128xi32, #tpu.memory_space<vmem>>) semaphore(%arg13 : memref<!tpu.dma_semaphore, #tpu.memory_space<semaphore_mem>>)
    %dma_start3A_78 = arith.constant 7 : i32
    %dma_start3A_79 = arith.constant 896 : i32
    %dma_start3A_80 = arith.constant 0 : i32
    %dma_start3A_81 = tpu.memref_slice %arg9[%dma_start3A_79, %dma_start3A_80] : memref<1024x16xf32, #tpu.memory_space<vmem>> -> memref<128x16xf32, #tpu.memory_space<vmem>>
    %dma_start3A_82 = arith.constant 0 : i32
    %dma_start3A_83 = tpu.memref_slice %arg7[%dma_start3A_78, %dma_start3A_82] : memref<80x128xi32, #tpu.memory_space<vmem>> -> memref<1x128xi32, #tpu.memory_space<vmem>>
    %dma_start3A_84 = tpu.memref_squeeze %dma_start3A_83 : memref<1x128xi32, #tpu.memory_space<vmem>> -> memref<128xi32, #tpu.memory_space<vmem>>
    %dma_start3A_85 = arith.constant 0 : i32
    %dma_start3A_86 = arith.constant 0 : i32
    %dma_start3A_87 = tpu.memref_slice %arg2[%dma_start3A_85, %dma_start3A_86] : memref<10240x16xf32, #tpu.memory_space<hbm>> -> memref<10240x16xf32, #tpu.memory_space<hbm>>
    tpu.enqueue_indirect_dma source(%dma_start3A_87 : memref<10240x16xf32, #tpu.memory_space<hbm>>) target(%dma_start3A_81 : memref<128x16xf32, #tpu.memory_space<vmem>>) offsets(%dma_start3A_84 : memref<128xi32, #tpu.memory_space<vmem>>) semaphore(%arg13 : memref<!tpu.dma_semaphore, #tpu.memory_space<semaphore_mem>>)
    %scan3A = arith.constant 0 : i32
    %scan3A_88 = arith.constant 0 : i32
    %scan3A_89 = arith.constant 5 : i32
    %scan3A_90 = arith.addi %scan3A_88, %scan3A_89 : i32
    %scan3A_91 = arith.constant 1 : i32
    scf.for %scan3A_101 = %scan3A_88 to %scan3A_90 step %scan3A_91  : i32 {
      %mul3A_102 = arith.constant 2 : i32
      %mul3A_103 = arith.muli %mul3A_102, %scan3A_101 : i32
      %mul3A_104 = arith.constant 8 : i32
      %mul3A_105 = arith.muli %mul3A_103, %mul3A_104 : i32
      %mul3A_106 = arith.constant 2 : i32
      %mul3A_107 = arith.muli %mul3A_106, %scan3A_101 : i32
      %add3A_108 = arith.constant 1 : i32
      %add3A_109 = arith.addi %mul3A_107, %add3A_108 : i32
      %mul3A_110 = arith.constant 8 : i32
      %mul3A_111 = arith.muli %add3A_109, %mul3A_110 : i32
      %add3A_112 = arith.constant 0 : i32
      %add3A_113 = arith.addi %mul3A_111, %add3A_112 : i32
      %dma_start3A_114 = arith.constant 0 : i32
      %dma_start3A_115 = arith.constant 0 : i32
      %dma_start3A_116 = tpu.memref_slice %arg10[%dma_start3A_114, %dma_start3A_115] : memref<1024x16xf32, #tpu.memory_space<vmem>> -> memref<128x16xf32, #tpu.memory_space<vmem>>
      %dma_start3A_117 = arith.constant 0 : i32
      %dma_start3A_118 = tpu.memref_slice %arg7[%add3A_113, %dma_start3A_117] : memref<80x128xi32, #tpu.memory_space<vmem>> -> memref<1x128xi32, #tpu.memory_space<vmem>>
      %dma_start3A_119 = tpu.memref_squeeze %dma_start3A_118 : memref<1x128xi32, #tpu.memory_space<vmem>> -> memref<128xi32, #tpu.memory_space<vmem>>
      %dma_start3A_120 = arith.constant 0 : i32
      %dma_start3A_121 = arith.constant 0 : i32
      %dma_start3A_122 = tpu.memref_slice %arg2[%dma_start3A_120, %dma_start3A_121] : memref<10240x16xf32, #tpu.memory_space<hbm>> -> memref<10240x16xf32, #tpu.memory_space<hbm>>
      tpu.enqueue_indirect_dma source(%dma_start3A_122 : memref<10240x16xf32, #tpu.memory_space<hbm>>) target(%dma_start3A_116 : memref<128x16xf32, #tpu.memory_space<vmem>>) offsets(%dma_start3A_119 : memref<128xi32, #tpu.memory_space<vmem>>) semaphore(%arg14 : memref<!tpu.dma_semaphore, #tpu.memory_space<semaphore_mem>>)
      %add3A_123 = arith.constant 1 : i32
      %add3A_124 = arith.addi %mul3A_111, %add3A_123 : i32
      %dma_start3A_125 = arith.constant 128 : i32
      %dma_start3A_126 = arith.constant 0 : i32
      %dma_start3A_127 = tpu.memref_slice %arg10[%dma_start3A_125, %dma_start3A_126] : memref<1024x16xf32, #tpu.memory_space<vmem>> -> memref<128x16xf32, #tpu.memory_space<vmem>>
      %dma_start3A_128 = arith.constant 0 : i32
      %dma_start3A_129 = tpu.memref_slice %arg7[%add3A_124, %dma_start3A_128] : memref<80x128xi32, #tpu.memory_space<vmem>> -> memref<1x128xi32, #tpu.memory_space<vmem>>
      %dma_start3A_130 = tpu.memref_squeeze %dma_start3A_129 : memref<1x128xi32, #tpu.memory_space<vmem>> -> memref<128xi32, #tpu.memory_space<vmem>>
      %dma_start3A_131 = arith.constant 0 : i32
      %dma_start3A_132 = arith.constant 0 : i32
      %dma_start3A_133 = tpu.memref_slice %arg2[%dma_start3A_131, %dma_start3A_132] : memref<10240x16xf32, #tpu.memory_space<hbm>> -> memref<10240x16xf32, #tpu.memory_space<hbm>>
      tpu.enqueue_indirect_dma source(%dma_start3A_133 : memref<10240x16xf32, #tpu.memory_space<hbm>>) target(%dma_start3A_127 : memref<128x16xf32, #tpu.memory_space<vmem>>) offsets(%dma_start3A_130 : memref<128xi32, #tpu.memory_space<vmem>>) semaphore(%arg14 : memref<!tpu.dma_semaphore, #tpu.memory_space<semaphore_mem>>)
      %add3A_134 = arith.constant 2 : i32
      %add3A_135 = arith.addi %mul3A_111, %add3A_134 : i32
      %dma_start3A_136 = arith.constant 256 : i32
      %dma_start3A_137 = arith.constant 0 : i32
      %dma_start3A_138 = tpu.memref_slice %arg10[%dma_start3A_136, %dma_start3A_137] : memref<1024x16xf32, #tpu.memory_space<vmem>> -> memref<128x16xf32, #tpu.memory_space<vmem>>
      %dma_start3A_139 = arith.constant 0 : i32
      %dma_start3A_140 = tpu.memref_slice %arg7[%add3A_135, %dma_start3A_139] : memref<80x128xi32, #tpu.memory_space<vmem>> -> memref<1x128xi32, #tpu.memory_space<vmem>>
      %dma_start3A_141 = tpu.memref_squeeze %dma_start3A_140 : memref<1x128xi32, #tpu.memory_space<vmem>> -> memref<128xi32, #tpu.memory_space<vmem>>
      %dma_start3A_142 = arith.constant 0 : i32
      %dma_start3A_143 = arith.constant 0 : i32
      %dma_start3A_144 = tpu.memref_slice %arg2[%dma_start3A_142, %dma_start3A_143] : memref<10240x16xf32, #tpu.memory_space<hbm>> -> memref<10240x16xf32, #tpu.memory_space<hbm>>
      tpu.enqueue_indirect_dma source(%dma_start3A_144 : memref<10240x16xf32, #tpu.memory_space<hbm>>) target(%dma_start3A_138 : memref<128x16xf32, #tpu.memory_space<vmem>>) offsets(%dma_start3A_141 : memref<128xi32, #tpu.memory_space<vmem>>) semaphore(%arg14 : memref<!tpu.dma_semaphore, #tpu.memory_space<semaphore_mem>>)
      %add3A_145 = arith.constant 3 : i32
      %add3A_146 = arith.addi %mul3A_111, %add3A_145 : i32
      %dma_start3A_147 = arith.constant 384 : i32
      %dma_start3A_148 = arith.constant 0 : i32
      %dma_start3A_149 = tpu.memref_slice %arg10[%dma_start3A_147, %dma_start3A_148] : memref<1024x16xf32, #tpu.memory_space<vmem>> -> memref<128x16xf32, #tpu.memory_space<vmem>>
      %dma_start3A_150 = arith.constant 0 : i32
      %dma_start3A_151 = tpu.memref_slice %arg7[%add3A_146, %dma_start3A_150] : memref<80x128xi32, #tpu.memory_space<vmem>> -> memref<1x128xi32, #tpu.memory_space<vmem>>
      %dma_start3A_152 = tpu.memref_squeeze %dma_start3A_151 : memref<1x128xi32, #tpu.memory_space<vmem>> -> memref<128xi32, #tpu.memory_space<vmem>>
      %dma_start3A_153 = arith.constant 0 : i32
      %dma_start3A_154 = arith.constant 0 : i32
      %dma_start3A_155 = tpu.memref_slice %arg2[%dma_start3A_153, %dma_start3A_154] : memref<10240x16xf32, #tpu.memory_space<hbm>> -> memref<10240x16xf32, #tpu.memory_space<hbm>>
      tpu.enqueue_indirect_dma source(%dma_start3A_155 : memref<10240x16xf32, #tpu.memory_space<hbm>>) target(%dma_start3A_149 : memref<128x16xf32, #tpu.memory_space<vmem>>) offsets(%dma_start3A_152 : memref<128xi32, #tpu.memory_space<vmem>>) semaphore(%arg14 : memref<!tpu.dma_semaphore, #tpu.memory_space<semaphore_mem>>)
      %add3A_156 = arith.constant 4 : i32
      %add3A_157 = arith.addi %mul3A_111, %add3A_156 : i32
      %dma_start3A_158 = arith.constant 512 : i32
      %dma_start3A_159 = arith.constant 0 : i32
      %dma_start3A_160 = tpu.memref_slice %arg10[%dma_start3A_158, %dma_start3A_159] : memref<1024x16xf32, #tpu.memory_space<vmem>> -> memref<128x16xf32, #tpu.memory_space<vmem>>
      %dma_start3A_161 = arith.constant 0 : i32
      %dma_start3A_162 = tpu.memref_slice %arg7[%add3A_157, %dma_start3A_161] : memref<80x128xi32, #tpu.memory_space<vmem>> -> memref<1x128xi32, #tpu.memory_space<vmem>>
      %dma_start3A_163 = tpu.memref_squeeze %dma_start3A_162 : memref<1x128xi32, #tpu.memory_space<vmem>> -> memref<128xi32, #tpu.memory_space<vmem>>
      %dma_start3A_164 = arith.constant 0 : i32
      %dma_start3A_165 = arith.constant 0 : i32
      %dma_start3A_166 = tpu.memref_slice %arg2[%dma_start3A_164, %dma_start3A_165] : memref<10240x16xf32, #tpu.memory_space<hbm>> -> memref<10240x16xf32, #tpu.memory_space<hbm>>
      tpu.enqueue_indirect_dma source(%dma_start3A_166 : memref<10240x16xf32, #tpu.memory_space<hbm>>) target(%dma_start3A_160 : memref<128x16xf32, #tpu.memory_space<vmem>>) offsets(%dma_start3A_163 : memref<128xi32, #tpu.memory_space<vmem>>) semaphore(%arg14 : memref<!tpu.dma_semaphore, #tpu.memory_space<semaphore_mem>>)
      %add3A_167 = arith.constant 5 : i32
      %add3A_168 = arith.addi %mul3A_111, %add3A_167 : i32
      %dma_start3A_169 = arith.constant 640 : i32
      %dma_start3A_170 = arith.constant 0 : i32
      %dma_start3A_171 = tpu.memref_slice %arg10[%dma_start3A_169, %dma_start3A_170] : memref<1024x16xf32, #tpu.memory_space<vmem>> -> memref<128x16xf32, #tpu.memory_space<vmem>>
      %dma_start3A_172 = arith.constant 0 : i32
      %dma_start3A_173 = tpu.memref_slice %arg7[%add3A_168, %dma_start3A_172] : memref<80x128xi32, #tpu.memory_space<vmem>> -> memref<1x128xi32, #tpu.memory_space<vmem>>
      %dma_start3A_174 = tpu.memref_squeeze %dma_start3A_173 : memref<1x128xi32, #tpu.memory_space<vmem>> -> memref<128xi32, #tpu.memory_space<vmem>>
      %dma_start3A_175 = arith.constant 0 : i32
      %dma_start3A_176 = arith.constant 0 : i32
      %dma_start3A_177 = tpu.memref_slice %arg2[%dma_start3A_175, %dma_start3A_176] : memref<10240x16xf32, #tpu.memory_space<hbm>> -> memref<10240x16xf32, #tpu.memory_space<hbm>>
      tpu.enqueue_indirect_dma source(%dma_start3A_177 : memref<10240x16xf32, #tpu.memory_space<hbm>>) target(%dma_start3A_171 : memref<128x16xf32, #tpu.memory_space<vmem>>) offsets(%dma_start3A_174 : memref<128xi32, #tpu.memory_space<vmem>>) semaphore(%arg14 : memref<!tpu.dma_semaphore, #tpu.memory_space<semaphore_mem>>)
      %add3A_178 = arith.constant 6 : i32
      %add3A_179 = arith.addi %mul3A_111, %add3A_178 : i32
      %dma_start3A_180 = arith.constant 768 : i32
      %dma_start3A_181 = arith.constant 0 : i32
      %dma_start3A_182 = tpu.memref_slice %arg10[%dma_start3A_180, %dma_start3A_181] : memref<1024x16xf32, #tpu.memory_space<vmem>> -> memref<128x16xf32, #tpu.memory_space<vmem>>
      %dma_start3A_183 = arith.constant 0 : i32
      %dma_start3A_184 = tpu.memref_slice %arg7[%add3A_179, %dma_start3A_183] : memref<80x128xi32, #tpu.memory_space<vmem>> -> memref<1x128xi32, #tpu.memory_space<vmem>>
      %dma_start3A_185 = tpu.memref_squeeze %dma_start3A_184 : memref<1x128xi32, #tpu.memory_space<vmem>> -> memref<128xi32, #tpu.memory_space<vmem>>
      %dma_start3A_186 = arith.constant 0 : i32
      %dma_start3A_187 = arith.constant 0 : i32
      %dma_start3A_188 = tpu.memref_slice %arg2[%dma_start3A_186, %dma_start3A_187] : memref<10240x16xf32, #tpu.memory_space<hbm>> -> memref<10240x16xf32, #tpu.memory_space<hbm>>
      tpu.enqueue_indirect_dma source(%dma_start3A_188 : memref<10240x16xf32, #tpu.memory_space<hbm>>) target(%dma_start3A_182 : memref<128x16xf32, #tpu.memory_space<vmem>>) offsets(%dma_start3A_185 : memref<128xi32, #tpu.memory_space<vmem>>) semaphore(%arg14 : memref<!tpu.dma_semaphore, #tpu.memory_space<semaphore_mem>>)
      %add3A_189 = arith.constant 7 : i32
      %add3A_190 = arith.addi %mul3A_111, %add3A_189 : i32
      %dma_start3A_191 = arith.constant 896 : i32
      %dma_start3A_192 = arith.constant 0 : i32
      %dma_start3A_193 = tpu.memref_slice %arg10[%dma_start3A_191, %dma_start3A_192] : memref<1024x16xf32, #tpu.memory_space<vmem>> -> memref<128x16xf32, #tpu.memory_space<vmem>>
      %dma_start3A_194 = arith.constant 0 : i32
      %dma_start3A_195 = tpu.memref_slice %arg7[%add3A_190, %dma_start3A_194] : memref<80x128xi32, #tpu.memory_space<vmem>> -> memref<1x128xi32, #tpu.memory_space<vmem>>
      %dma_start3A_196 = tpu.memref_squeeze %dma_start3A_195 : memref<1x128xi32, #tpu.memory_space<vmem>> -> memref<128xi32, #tpu.memory_space<vmem>>
      %dma_start3A_197 = arith.constant 0 : i32
      %dma_start3A_198 = arith.constant 0 : i32
      %dma_start3A_199 = tpu.memref_slice %arg2[%dma_start3A_197, %dma_start3A_198] : memref<10240x16xf32, #tpu.memory_space<hbm>> -> memref<10240x16xf32, #tpu.memory_space<hbm>>
      tpu.enqueue_indirect_dma source(%dma_start3A_199 : memref<10240x16xf32, #tpu.memory_space<hbm>>) target(%dma_start3A_193 : memref<128x16xf32, #tpu.memory_space<vmem>>) offsets(%dma_start3A_196 : memref<128xi32, #tpu.memory_space<vmem>>) semaphore(%arg14 : memref<!tpu.dma_semaphore, #tpu.memory_space<semaphore_mem>>)
      %add3A_200 = arith.constant 0 : i32
      %add3A_201 = arith.addi %mul3A_105, %add3A_200 : i32
      %dma_wait3A = arith.constant 0 : i32
      %dma_wait3A_202 = arith.constant 0 : i32
      %dma_wait3A_203 = tpu.memref_slice %arg9[%dma_wait3A, %dma_wait3A_202] : memref<1024x16xf32, #tpu.memory_space<vmem>> -> memref<128x16xf32, #tpu.memory_space<vmem>>
      %dma_wait3A_204 = arith.constant 0 : i32
      %dma_wait3A_205 = tpu.memref_slice %arg7[%add3A_201, %dma_wait3A_204] : memref<80x128xi32, #tpu.memory_space<vmem>> -> memref<1x128xi32, #tpu.memory_space<vmem>>
      %dma_wait3A_206 = tpu.memref_squeeze %dma_wait3A_205 : memref<1x128xi32, #tpu.memory_space<vmem>> -> memref<128xi32, #tpu.memory_space<vmem>>
      %dma_wait3A_207 = arith.constant 0 : i32
      %dma_wait3A_208 = arith.constant 0 : i32
      %dma_wait3A_209 = tpu.memref_slice %arg2[%dma_wait3A_207, %dma_wait3A_208] : memref<10240x16xf32, #tpu.memory_space<hbm>> -> memref<10240x16xf32, #tpu.memory_space<hbm>>
      tpu.wait_indirect_dma semaphore(%arg13 : memref<!tpu.dma_semaphore, #tpu.memory_space<semaphore_mem>>) src(%dma_wait3A_209 : memref<10240x16xf32, #tpu.memory_space<hbm>>) dst(%dma_wait3A_203 : memref<128x16xf32, #tpu.memory_space<vmem>>)
      %add3A_210 = arith.constant 1 : i32
      %add3A_211 = arith.addi %mul3A_105, %add3A_210 : i32
      %dma_wait3A_212 = arith.constant 128 : i32
      %dma_wait3A_213 = arith.constant 0 : i32
      %dma_wait3A_214 = tpu.memref_slice %arg9[%dma_wait3A_212, %dma_wait3A_213] : memref<1024x16xf32, #tpu.memory_space<vmem>> -> memref<128x16xf32, #tpu.memory_space<vmem>>
      %dma_wait3A_215 = arith.constant 0 : i32
      %dma_wait3A_216 = tpu.memref_slice %arg7[%add3A_211, %dma_wait3A_215] : memref<80x128xi32, #tpu.memory_space<vmem>> -> memref<1x128xi32, #tpu.memory_space<vmem>>
      %dma_wait3A_217 = tpu.memref_squeeze %dma_wait3A_216 : memref<1x128xi32, #tpu.memory_space<vmem>> -> memref<128xi32, #tpu.memory_space<vmem>>
      %dma_wait3A_218 = arith.constant 0 : i32
      %dma_wait3A_219 = arith.constant 0 : i32
      %dma_wait3A_220 = tpu.memref_slice %arg2[%dma_wait3A_218, %dma_wait3A_219] : memref<10240x16xf32, #tpu.memory_space<hbm>> -> memref<10240x16xf32, #tpu.memory_space<hbm>>
      tpu.wait_indirect_dma semaphore(%arg13 : memref<!tpu.dma_semaphore, #tpu.memory_space<semaphore_mem>>) src(%dma_wait3A_220 : memref<10240x16xf32, #tpu.memory_space<hbm>>) dst(%dma_wait3A_214 : memref<128x16xf32, #tpu.memory_space<vmem>>)
      %add3A_221 = arith.constant 2 : i32
      %add3A_222 = arith.addi %mul3A_105, %add3A_221 : i32
      %dma_wait3A_223 = arith.constant 256 : i32
      %dma_wait3A_224 = arith.constant 0 : i32
      %dma_wait3A_225 = tpu.memref_slice %arg9[%dma_wait3A_223, %dma_wait3A_224] : memref<1024x16xf32, #tpu.memory_space<vmem>> -> memref<128x16xf32, #tpu.memory_space<vmem>>
      %dma_wait3A_226 = arith.constant 0 : i32
      %dma_wait3A_227 = tpu.memref_slice %arg7[%add3A_222, %dma_wait3A_226] : memref<80x128xi32, #tpu.memory_space<vmem>> -> memref<1x128xi32, #tpu.memory_space<vmem>>
      %dma_wait3A_228 = tpu.memref_squeeze %dma_wait3A_227 : memref<1x128xi32, #tpu.memory_space<vmem>> -> memref<128xi32, #tpu.memory_space<vmem>>
      %dma_wait3A_229 = arith.constant 0 : i32
      %dma_wait3A_230 = arith.constant 0 : i32
      %dma_wait3A_231 = tpu.memref_slice %arg2[%dma_wait3A_229, %dma_wait3A_230] : memref<10240x16xf32, #tpu.memory_space<hbm>> -> memref<10240x16xf32, #tpu.memory_space<hbm>>
      tpu.wait_indirect_dma semaphore(%arg13 : memref<!tpu.dma_semaphore, #tpu.memory_space<semaphore_mem>>) src(%dma_wait3A_231 : memref<10240x16xf32, #tpu.memory_space<hbm>>) dst(%dma_wait3A_225 : memref<128x16xf32, #tpu.memory_space<vmem>>)
      %add3A_232 = arith.constant 3 : i32
      %add3A_233 = arith.addi %mul3A_105, %add3A_232 : i32
      %dma_wait3A_234 = arith.constant 384 : i32
      %dma_wait3A_235 = arith.constant 0 : i32
      %dma_wait3A_236 = tpu.memref_slice %arg9[%dma_wait3A_234, %dma_wait3A_235] : memref<1024x16xf32, #tpu.memory_space<vmem>> -> memref<128x16xf32, #tpu.memory_space<vmem>>
      %dma_wait3A_237 = arith.constant 0 : i32
      %dma_wait3A_238 = tpu.memref_slice %arg7[%add3A_233, %dma_wait3A_237] : memref<80x128xi32, #tpu.memory_space<vmem>> -> memref<1x128xi32, #tpu.memory_space<vmem>>
      %dma_wait3A_239 = tpu.memref_squeeze %dma_wait3A_238 : memref<1x128xi32, #tpu.memory_space<vmem>> -> memref<128xi32, #tpu.memory_space<vmem>>
      %dma_wait3A_240 = arith.constant 0 : i32
      %dma_wait3A_241 = arith.constant 0 : i32
      %dma_wait3A_242 = tpu.memref_slice %arg2[%dma_wait3A_240, %dma_wait3A_241] : memref<10240x16xf32, #tpu.memory_space<hbm>> -> memref<10240x16xf32, #tpu.memory_space<hbm>>
      tpu.wait_indirect_dma semaphore(%arg13 : memref<!tpu.dma_semaphore, #tpu.memory_space<semaphore_mem>>) src(%dma_wait3A_242 : memref<10240x16xf32, #tpu.memory_space<hbm>>) dst(%dma_wait3A_236 : memref<128x16xf32, #tpu.memory_space<vmem>>)
      %add3A_243 = arith.constant 4 : i32
      %add3A_244 = arith.addi %mul3A_105, %add3A_243 : i32
      %dma_wait3A_245 = arith.constant 512 : i32
      %dma_wait3A_246 = arith.constant 0 : i32
      %dma_wait3A_247 = tpu.memref_slice %arg9[%dma_wait3A_245, %dma_wait3A_246] : memref<1024x16xf32, #tpu.memory_space<vmem>> -> memref<128x16xf32, #tpu.memory_space<vmem>>
      %dma_wait3A_248 = arith.constant 0 : i32
      %dma_wait3A_249 = tpu.memref_slice %arg7[%add3A_244, %dma_wait3A_248] : memref<80x128xi32, #tpu.memory_space<vmem>> -> memref<1x128xi32, #tpu.memory_space<vmem>>
      %dma_wait3A_250 = tpu.memref_squeeze %dma_wait3A_249 : memref<1x128xi32, #tpu.memory_space<vmem>> -> memref<128xi32, #tpu.memory_space<vmem>>
      %dma_wait3A_251 = arith.constant 0 : i32
      %dma_wait3A_252 = arith.constant 0 : i32
      %dma_wait3A_253 = tpu.memref_slice %arg2[%dma_wait3A_251, %dma_wait3A_252] : memref<10240x16xf32, #tpu.memory_space<hbm>> -> memref<10240x16xf32, #tpu.memory_space<hbm>>
      tpu.wait_indirect_dma semaphore(%arg13 : memref<!tpu.dma_semaphore, #tpu.memory_space<semaphore_mem>>) src(%dma_wait3A_253 : memref<10240x16xf32, #tpu.memory_space<hbm>>) dst(%dma_wait3A_247 : memref<128x16xf32, #tpu.memory_space<vmem>>)
      %add3A_254 = arith.constant 5 : i32
      %add3A_255 = arith.addi %mul3A_105, %add3A_254 : i32
      %dma_wait3A_256 = arith.constant 640 : i32
      %dma_wait3A_257 = arith.constant 0 : i32
      %dma_wait3A_258 = tpu.memref_slice %arg9[%dma_wait3A_256, %dma_wait3A_257] : memref<1024x16xf32, #tpu.memory_space<vmem>> -> memref<128x16xf32, #tpu.memory_space<vmem>>
      %dma_wait3A_259 = arith.constant 0 : i32
      %dma_wait3A_260 = tpu.memref_slice %arg7[%add3A_255, %dma_wait3A_259] : memref<80x128xi32, #tpu.memory_space<vmem>> -> memref<1x128xi32, #tpu.memory_space<vmem>>
      %dma_wait3A_261 = tpu.memref_squeeze %dma_wait3A_260 : memref<1x128xi32, #tpu.memory_space<vmem>> -> memref<128xi32, #tpu.memory_space<vmem>>
      %dma_wait3A_262 = arith.constant 0 : i32
      %dma_wait3A_263 = arith.constant 0 : i32
      %dma_wait3A_264 = tpu.memref_slice %arg2[%dma_wait3A_262, %dma_wait3A_263] : memref<10240x16xf32, #tpu.memory_space<hbm>> -> memref<10240x16xf32, #tpu.memory_space<hbm>>
      tpu.wait_indirect_dma semaphore(%arg13 : memref<!tpu.dma_semaphore, #tpu.memory_space<semaphore_mem>>) src(%dma_wait3A_264 : memref<10240x16xf32, #tpu.memory_space<hbm>>) dst(%dma_wait3A_258 : memref<128x16xf32, #tpu.memory_space<vmem>>)
      %add3A_265 = arith.constant 6 : i32
      %add3A_266 = arith.addi %mul3A_105, %add3A_265 : i32
      %dma_wait3A_267 = arith.constant 768 : i32
      %dma_wait3A_268 = arith.constant 0 : i32
      %dma_wait3A_269 = tpu.memref_slice %arg9[%dma_wait3A_267, %dma_wait3A_268] : memref<1024x16xf32, #tpu.memory_space<vmem>> -> memref<128x16xf32, #tpu.memory_space<vmem>>
      %dma_wait3A_270 = arith.constant 0 : i32
      %dma_wait3A_271 = tpu.memref_slice %arg7[%add3A_266, %dma_wait3A_270] : memref<80x128xi32, #tpu.memory_space<vmem>> -> memref<1x128xi32, #tpu.memory_space<vmem>>
      %dma_wait3A_272 = tpu.memref_squeeze %dma_wait3A_271 : memref<1x128xi32, #tpu.memory_space<vmem>> -> memref<128xi32, #tpu.memory_space<vmem>>
      %dma_wait3A_273 = arith.constant 0 : i32
      %dma_wait3A_274 = arith.constant 0 : i32
      %dma_wait3A_275 = tpu.memref_slice %arg2[%dma_wait3A_273, %dma_wait3A_274] : memref<10240x16xf32, #tpu.memory_space<hbm>> -> memref<10240x16xf32, #tpu.memory_space<hbm>>
      tpu.wait_indirect_dma semaphore(%arg13 : memref<!tpu.dma_semaphore, #tpu.memory_space<semaphore_mem>>) src(%dma_wait3A_275 : memref<10240x16xf32, #tpu.memory_space<hbm>>) dst(%dma_wait3A_269 : memref<128x16xf32, #tpu.memory_space<vmem>>)
      %add3A_276 = arith.constant 7 : i32
      %add3A_277 = arith.addi %mul3A_105, %add3A_276 : i32
      %dma_wait3A_278 = arith.constant 896 : i32
      %dma_wait3A_279 = arith.constant 0 : i32
      %dma_wait3A_280 = tpu.memref_slice %arg9[%dma_wait3A_278, %dma_wait3A_279] : memref<1024x16xf32, #tpu.memory_space<vmem>> -> memref<128x16xf32, #tpu.memory_space<vmem>>
      %dma_wait3A_281 = arith.constant 0 : i32
      %dma_wait3A_282 = tpu.memref_slice %arg7[%add3A_277, %dma_wait3A_281] : memref<80x128xi32, #tpu.memory_space<vmem>> -> memref<1x128xi32, #tpu.memory_space<vmem>>
      %dma_wait3A_283 = tpu.memref_squeeze %dma_wait3A_282 : memref<1x128xi32, #tpu.memory_space<vmem>> -> memref<128xi32, #tpu.memory_space<vmem>>
      %dma_wait3A_284 = arith.constant 0 : i32
      %dma_wait3A_285 = arith.constant 0 : i32
      %dma_wait3A_286 = tpu.memref_slice %arg2[%dma_wait3A_284, %dma_wait3A_285] : memref<10240x16xf32, #tpu.memory_space<hbm>> -> memref<10240x16xf32, #tpu.memory_space<hbm>>
      tpu.wait_indirect_dma semaphore(%arg13 : memref<!tpu.dma_semaphore, #tpu.memory_space<semaphore_mem>>) src(%dma_wait3A_286 : memref<10240x16xf32, #tpu.memory_space<hbm>>) dst(%dma_wait3A_280 : memref<128x16xf32, #tpu.memory_space<vmem>>)
      %add3A_287 = arith.constant 0 : i32
      %add3A_288 = arith.addi %mul3A_105, %add3A_287 : i32
      %dma_start3A_289 = arith.constant 0 : i32
      %dma_start3A_290 = arith.constant 0 : i32
      %dma_start3A_291 = tpu.memref_slice %arg9[%dma_start3A_289, %dma_start3A_290] : memref<1024x16xf32, #tpu.memory_space<vmem>> -> memref<128x16xf32, #tpu.memory_space<vmem>>
      %dma_start3A_292 = arith.constant 0 : i32
      %dma_start3A_293 = tpu.memref_slice %arg8[%add3A_288, %dma_start3A_292] : memref<80x128xi32, #tpu.memory_space<vmem>> -> memref<1x128xi32, #tpu.memory_space<vmem>>
      %dma_start3A_294 = tpu.memref_squeeze %dma_start3A_293 : memref<1x128xi32, #tpu.memory_space<vmem>> -> memref<128xi32, #tpu.memory_space<vmem>>
      %dma_start3A_295 = arith.constant 0 : i32
      %dma_start3A_296 = arith.constant 0 : i32
      %dma_start3A_297 = tpu.memref_slice %arg12[%dma_start3A_295, %dma_start3A_296] : memref<10240x16xf32, #tpu.memory_space<vmem_shared>> -> memref<10240x16xf32, #tpu.memory_space<vmem_shared>>
      tpu.enqueue_indirect_dma source(%dma_start3A_291 : memref<128x16xf32, #tpu.memory_space<vmem>>) target(%dma_start3A_297 : memref<10240x16xf32, #tpu.memory_space<vmem_shared>>) offsets(%dma_start3A_294 : memref<128xi32, #tpu.memory_space<vmem>>) semaphore(%arg15 : memref<!tpu.dma_semaphore, #tpu.memory_space<semaphore_mem>>) {add = true}
      %add3A_298 = arith.constant 1 : i32
      %add3A_299 = arith.addi %mul3A_105, %add3A_298 : i32
      %dma_start3A_300 = arith.constant 128 : i32
      %dma_start3A_301 = arith.constant 0 : i32
      %dma_start3A_302 = tpu.memref_slice %arg9[%dma_start3A_300, %dma_start3A_301] : memref<1024x16xf32, #tpu.memory_space<vmem>> -> memref<128x16xf32, #tpu.memory_space<vmem>>
      %dma_start3A_303 = arith.constant 0 : i32
      %dma_start3A_304 = tpu.memref_slice %arg8[%add3A_299, %dma_start3A_303] : memref<80x128xi32, #tpu.memory_space<vmem>> -> memref<1x128xi32, #tpu.memory_space<vmem>>
      %dma_start3A_305 = tpu.memref_squeeze %dma_start3A_304 : memref<1x128xi32, #tpu.memory_space<vmem>> -> memref<128xi32, #tpu.memory_space<vmem>>
      %dma_start3A_306 = arith.constant 0 : i32
      %dma_start3A_307 = arith.constant 0 : i32
      %dma_start3A_308 = tpu.memref_slice %arg12[%dma_start3A_306, %dma_start3A_307] : memref<10240x16xf32, #tpu.memory_space<vmem_shared>> -> memref<10240x16xf32, #tpu.memory_space<vmem_shared>>
      tpu.enqueue_indirect_dma source(%dma_start3A_302 : memref<128x16xf32, #tpu.memory_space<vmem>>) target(%dma_start3A_308 : memref<10240x16xf32, #tpu.memory_space<vmem_shared>>) offsets(%dma_start3A_305 : memref<128xi32, #tpu.memory_space<vmem>>) semaphore(%arg15 : memref<!tpu.dma_semaphore, #tpu.memory_space<semaphore_mem>>) {add = true}
      %add3A_309 = arith.constant 2 : i32
      %add3A_310 = arith.addi %mul3A_105, %add3A_309 : i32
      %dma_start3A_311 = arith.constant 256 : i32
      %dma_start3A_312 = arith.constant 0 : i32
      %dma_start3A_313 = tpu.memref_slice %arg9[%dma_start3A_311, %dma_start3A_312] : memref<1024x16xf32, #tpu.memory_space<vmem>> -> memref<128x16xf32, #tpu.memory_space<vmem>>
      %dma_start3A_314 = arith.constant 0 : i32
      %dma_start3A_315 = tpu.memref_slice %arg8[%add3A_310, %dma_start3A_314] : memref<80x128xi32, #tpu.memory_space<vmem>> -> memref<1x128xi32, #tpu.memory_space<vmem>>
      %dma_start3A_316 = tpu.memref_squeeze %dma_start3A_315 : memref<1x128xi32, #tpu.memory_space<vmem>> -> memref<128xi32, #tpu.memory_space<vmem>>
      %dma_start3A_317 = arith.constant 0 : i32
      %dma_start3A_318 = arith.constant 0 : i32
      %dma_start3A_319 = tpu.memref_slice %arg12[%dma_start3A_317, %dma_start3A_318] : memref<10240x16xf32, #tpu.memory_space<vmem_shared>> -> memref<10240x16xf32, #tpu.memory_space<vmem_shared>>
      tpu.enqueue_indirect_dma source(%dma_start3A_313 : memref<128x16xf32, #tpu.memory_space<vmem>>) target(%dma_start3A_319 : memref<10240x16xf32, #tpu.memory_space<vmem_shared>>) offsets(%dma_start3A_316 : memref<128xi32, #tpu.memory_space<vmem>>) semaphore(%arg15 : memref<!tpu.dma_semaphore, #tpu.memory_space<semaphore_mem>>) {add = true}
      %add3A_320 = arith.constant 3 : i32
      %add3A_321 = arith.addi %mul3A_105, %add3A_320 : i32
      %dma_start3A_322 = arith.constant 384 : i32
      %dma_start3A_323 = arith.constant 0 : i32
      %dma_start3A_324 = tpu.memref_slice %arg9[%dma_start3A_322, %dma_start3A_323] : memref<1024x16xf32, #tpu.memory_space<vmem>> -> memref<128x16xf32, #tpu.memory_space<vmem>>
      %dma_start3A_325 = arith.constant 0 : i32
      %dma_start3A_326 = tpu.memref_slice %arg8[%add3A_321, %dma_start3A_325] : memref<80x128xi32, #tpu.memory_space<vmem>> -> memref<1x128xi32, #tpu.memory_space<vmem>>
      %dma_start3A_327 = tpu.memref_squeeze %dma_start3A_326 : memref<1x128xi32, #tpu.memory_space<vmem>> -> memref<128xi32, #tpu.memory_space<vmem>>
      %dma_start3A_328 = arith.constant 0 : i32
      %dma_start3A_329 = arith.constant 0 : i32
      %dma_start3A_330 = tpu.memref_slice %arg12[%dma_start3A_328, %dma_start3A_329] : memref<10240x16xf32, #tpu.memory_space<vmem_shared>> -> memref<10240x16xf32, #tpu.memory_space<vmem_shared>>
      tpu.enqueue_indirect_dma source(%dma_start3A_324 : memref<128x16xf32, #tpu.memory_space<vmem>>) target(%dma_start3A_330 : memref<10240x16xf32, #tpu.memory_space<vmem_shared>>) offsets(%dma_start3A_327 : memref<128xi32, #tpu.memory_space<vmem>>) semaphore(%arg15 : memref<!tpu.dma_semaphore, #tpu.memory_space<semaphore_mem>>) {add = true}
      %add3A_331 = arith.constant 4 : i32
      %add3A_332 = arith.addi %mul3A_105, %add3A_331 : i32
      %dma_start3A_333 = arith.constant 512 : i32
      %dma_start3A_334 = arith.constant 0 : i32
      %dma_start3A_335 = tpu.memref_slice %arg9[%dma_start3A_333, %dma_start3A_334] : memref<1024x16xf32, #tpu.memory_space<vmem>> -> memref<128x16xf32, #tpu.memory_space<vmem>>
      %dma_start3A_336 = arith.constant 0 : i32
      %dma_start3A_337 = tpu.memref_slice %arg8[%add3A_332, %dma_start3A_336] : memref<80x128xi32, #tpu.memory_space<vmem>> -> memref<1x128xi32, #tpu.memory_space<vmem>>
      %dma_start3A_338 = tpu.memref_squeeze %dma_start3A_337 : memref<1x128xi32, #tpu.memory_space<vmem>> -> memref<128xi32, #tpu.memory_space<vmem>>
      %dma_start3A_339 = arith.constant 0 : i32
      %dma_start3A_340 = arith.constant 0 : i32
      %dma_start3A_341 = tpu.memref_slice %arg12[%dma_start3A_339, %dma_start3A_340] : memref<10240x16xf32, #tpu.memory_space<vmem_shared>> -> memref<10240x16xf32, #tpu.memory_space<vmem_shared>>
      tpu.enqueue_indirect_dma source(%dma_start3A_335 : memref<128x16xf32, #tpu.memory_space<vmem>>) target(%dma_start3A_341 : memref<10240x16xf32, #tpu.memory_space<vmem_shared>>) offsets(%dma_start3A_338 : memref<128xi32, #tpu.memory_space<vmem>>) semaphore(%arg15 : memref<!tpu.dma_semaphore, #tpu.memory_space<semaphore_mem>>) {add = true}
      %add3A_342 = arith.constant 5 : i32
      %add3A_343 = arith.addi %mul3A_105, %add3A_342 : i32
      %dma_start3A_344 = arith.constant 640 : i32
      %dma_start3A_345 = arith.constant 0 : i32
      %dma_start3A_346 = tpu.memref_slice %arg9[%dma_start3A_344, %dma_start3A_345] : memref<1024x16xf32, #tpu.memory_space<vmem>> -> memref<128x16xf32, #tpu.memory_space<vmem>>
      %dma_start3A_347 = arith.constant 0 : i32
      %dma_start3A_348 = tpu.memref_slice %arg8[%add3A_343, %dma_start3A_347] : memref<80x128xi32, #tpu.memory_space<vmem>> -> memref<1x128xi32, #tpu.memory_space<vmem>>
      %dma_start3A_349 = tpu.memref_squeeze %dma_start3A_348 : memref<1x128xi32, #tpu.memory_space<vmem>> -> memref<128xi32, #tpu.memory_space<vmem>>
      %dma_start3A_350 = arith.constant 0 : i32
      %dma_start3A_351 = arith.constant 0 : i32
      %dma_start3A_352 = tpu.memref_slice %arg12[%dma_start3A_350, %dma_start3A_351] : memref<10240x16xf32, #tpu.memory_space<vmem_shared>> -> memref<10240x16xf32, #tpu.memory_space<vmem_shared>>
      tpu.enqueue_indirect_dma source(%dma_start3A_346 : memref<128x16xf32, #tpu.memory_space<vmem>>) target(%dma_start3A_352 : memref<10240x16xf32, #tpu.memory_space<vmem_shared>>) offsets(%dma_start3A_349 : memref<128xi32, #tpu.memory_space<vmem>>) semaphore(%arg15 : memref<!tpu.dma_semaphore, #tpu.memory_space<semaphore_mem>>) {add = true}
      %add3A_353 = arith.constant 6 : i32
      %add3A_354 = arith.addi %mul3A_105, %add3A_353 : i32
      %dma_start3A_355 = arith.constant 768 : i32
      %dma_start3A_356 = arith.constant 0 : i32
      %dma_start3A_357 = tpu.memref_slice %arg9[%dma_start3A_355, %dma_start3A_356] : memref<1024x16xf32, #tpu.memory_space<vmem>> -> memref<128x16xf32, #tpu.memory_space<vmem>>
      %dma_start3A_358 = arith.constant 0 : i32
      %dma_start3A_359 = tpu.memref_slice %arg8[%add3A_354, %dma_start3A_358] : memref<80x128xi32, #tpu.memory_space<vmem>> -> memref<1x128xi32, #tpu.memory_space<vmem>>
      %dma_start3A_360 = tpu.memref_squeeze %dma_start3A_359 : memref<1x128xi32, #tpu.memory_space<vmem>> -> memref<128xi32, #tpu.memory_space<vmem>>
      %dma_start3A_361 = arith.constant 0 : i32
      %dma_start3A_362 = arith.constant 0 : i32
      %dma_start3A_363 = tpu.memref_slice %arg12[%dma_start3A_361, %dma_start3A_362] : memref<10240x16xf32, #tpu.memory_space<vmem_shared>> -> memref<10240x16xf32, #tpu.memory_space<vmem_shared>>
      tpu.enqueue_indirect_dma source(%dma_start3A_357 : memref<128x16xf32, #tpu.memory_space<vmem>>) target(%dma_start3A_363 : memref<10240x16xf32, #tpu.memory_space<vmem_shared>>) offsets(%dma_start3A_360 : memref<128xi32, #tpu.memory_space<vmem>>) semaphore(%arg15 : memref<!tpu.dma_semaphore, #tpu.memory_space<semaphore_mem>>) {add = true}
      %add3A_364 = arith.constant 7 : i32
      %add3A_365 = arith.addi %mul3A_105, %add3A_364 : i32
      %dma_start3A_366 = arith.constant 896 : i32
      %dma_start3A_367 = arith.constant 0 : i32
      %dma_start3A_368 = tpu.memref_slice %arg9[%dma_start3A_366, %dma_start3A_367] : memref<1024x16xf32, #tpu.memory_space<vmem>> -> memref<128x16xf32, #tpu.memory_space<vmem>>
      %dma_start3A_369 = arith.constant 0 : i32
      %dma_start3A_370 = tpu.memref_slice %arg8[%add3A_365, %dma_start3A_369] : memref<80x128xi32, #tpu.memory_space<vmem>> -> memref<1x128xi32, #tpu.memory_space<vmem>>
      %dma_start3A_371 = tpu.memref_squeeze %dma_start3A_370 : memref<1x128xi32, #tpu.memory_space<vmem>> -> memref<128xi32, #tpu.memory_space<vmem>>
      %dma_start3A_372 = arith.constant 0 : i32
      %dma_start3A_373 = arith.constant 0 : i32
      %dma_start3A_374 = tpu.memref_slice %arg12[%dma_start3A_372, %dma_start3A_373] : memref<10240x16xf32, #tpu.memory_space<vmem_shared>> -> memref<10240x16xf32, #tpu.memory_space<vmem_shared>>
      tpu.enqueue_indirect_dma source(%dma_start3A_368 : memref<128x16xf32, #tpu.memory_space<vmem>>) target(%dma_start3A_374 : memref<10240x16xf32, #tpu.memory_space<vmem_shared>>) offsets(%dma_start3A_371 : memref<128xi32, #tpu.memory_space<vmem>>) semaphore(%arg15 : memref<!tpu.dma_semaphore, #tpu.memory_space<semaphore_mem>>) {add = true}
      %dma_wait3A_375 = arith.constant 0 : i32
      %dma_wait3A_376 = arith.constant 0 : i32
      %dma_wait3A_377 = tpu.memref_slice %arg9[%dma_wait3A_375, %dma_wait3A_376] : memref<1024x16xf32, #tpu.memory_space<vmem>> -> memref<128x16xf32, #tpu.memory_space<vmem>>
      %dma_wait3A_378 = arith.constant 0 : i32
      %dma_wait3A_379 = tpu.memref_slice %arg8[%add3A_288, %dma_wait3A_378] : memref<80x128xi32, #tpu.memory_space<vmem>> -> memref<1x128xi32, #tpu.memory_space<vmem>>
      %dma_wait3A_380 = tpu.memref_squeeze %dma_wait3A_379 : memref<1x128xi32, #tpu.memory_space<vmem>> -> memref<128xi32, #tpu.memory_space<vmem>>
      %dma_wait3A_381 = arith.constant 0 : i32
      %dma_wait3A_382 = arith.constant 0 : i32
      %dma_wait3A_383 = tpu.memref_slice %arg12[%dma_wait3A_381, %dma_wait3A_382] : memref<10240x16xf32, #tpu.memory_space<vmem_shared>> -> memref<10240x16xf32, #tpu.memory_space<vmem_shared>>
      tpu.wait_indirect_dma semaphore(%arg15 : memref<!tpu.dma_semaphore, #tpu.memory_space<semaphore_mem>>) src(%dma_wait3A_377 : memref<128x16xf32, #tpu.memory_space<vmem>>) dst(%dma_wait3A_383 : memref<10240x16xf32, #tpu.memory_space<vmem_shared>>)
      %dma_wait3A_384 = arith.constant 128 : i32
      %dma_wait3A_385 = arith.constant 0 : i32
      %dma_wait3A_386 = tpu.memref_slice %arg9[%dma_wait3A_384, %dma_wait3A_385] : memref<1024x16xf32, #tpu.memory_space<vmem>> -> memref<128x16xf32, #tpu.memory_space<vmem>>
      %dma_wait3A_387 = arith.constant 0 : i32
      %dma_wait3A_388 = tpu.memref_slice %arg8[%add3A_299, %dma_wait3A_387] : memref<80x128xi32, #tpu.memory_space<vmem>> -> memref<1x128xi32, #tpu.memory_space<vmem>>
      %dma_wait3A_389 = tpu.memref_squeeze %dma_wait3A_388 : memref<1x128xi32, #tpu.memory_space<vmem>> -> memref<128xi32, #tpu.memory_space<vmem>>
      %dma_wait3A_390 = arith.constant 0 : i32
      %dma_wait3A_391 = arith.constant 0 : i32
      %dma_wait3A_392 = tpu.memref_slice %arg12[%dma_wait3A_390, %dma_wait3A_391] : memref<10240x16xf32, #tpu.memory_space<vmem_shared>> -> memref<10240x16xf32, #tpu.memory_space<vmem_shared>>
      tpu.wait_indirect_dma semaphore(%arg15 : memref<!tpu.dma_semaphore, #tpu.memory_space<semaphore_mem>>) src(%dma_wait3A_386 : memref<128x16xf32, #tpu.memory_space<vmem>>) dst(%dma_wait3A_392 : memref<10240x16xf32, #tpu.memory_space<vmem_shared>>)
      %dma_wait3A_393 = arith.constant 256 : i32
      %dma_wait3A_394 = arith.constant 0 : i32
      %dma_wait3A_395 = tpu.memref_slice %arg9[%dma_wait3A_393, %dma_wait3A_394] : memref<1024x16xf32, #tpu.memory_space<vmem>> -> memref<128x16xf32, #tpu.memory_space<vmem>>
      %dma_wait3A_396 = arith.constant 0 : i32
      %dma_wait3A_397 = tpu.memref_slice %arg8[%add3A_310, %dma_wait3A_396] : memref<80x128xi32, #tpu.memory_space<vmem>> -> memref<1x128xi32, #tpu.memory_space<vmem>>
      %dma_wait3A_398 = tpu.memref_squeeze %dma_wait3A_397 : memref<1x128xi32, #tpu.memory_space<vmem>> -> memref<128xi32, #tpu.memory_space<vmem>>
      %dma_wait3A_399 = arith.constant 0 : i32
      %dma_wait3A_400 = arith.constant 0 : i32
      %dma_wait3A_401 = tpu.memref_slice %arg12[%dma_wait3A_399, %dma_wait3A_400] : memref<10240x16xf32, #tpu.memory_space<vmem_shared>> -> memref<10240x16xf32, #tpu.memory_space<vmem_shared>>
      tpu.wait_indirect_dma semaphore(%arg15 : memref<!tpu.dma_semaphore, #tpu.memory_space<semaphore_mem>>) src(%dma_wait3A_395 : memref<128x16xf32, #tpu.memory_space<vmem>>) dst(%dma_wait3A_401 : memref<10240x16xf32, #tpu.memory_space<vmem_shared>>)
      %dma_wait3A_402 = arith.constant 384 : i32
      %dma_wait3A_403 = arith.constant 0 : i32
      %dma_wait3A_404 = tpu.memref_slice %arg9[%dma_wait3A_402, %dma_wait3A_403] : memref<1024x16xf32, #tpu.memory_space<vmem>> -> memref<128x16xf32, #tpu.memory_space<vmem>>
      %dma_wait3A_405 = arith.constant 0 : i32
      %dma_wait3A_406 = tpu.memref_slice %arg8[%add3A_321, %dma_wait3A_405] : memref<80x128xi32, #tpu.memory_space<vmem>> -> memref<1x128xi32, #tpu.memory_space<vmem>>
      %dma_wait3A_407 = tpu.memref_squeeze %dma_wait3A_406 : memref<1x128xi32, #tpu.memory_space<vmem>> -> memref<128xi32, #tpu.memory_space<vmem>>
      %dma_wait3A_408 = arith.constant 0 : i32
      %dma_wait3A_409 = arith.constant 0 : i32
      %dma_wait3A_410 = tpu.memref_slice %arg12[%dma_wait3A_408, %dma_wait3A_409] : memref<10240x16xf32, #tpu.memory_space<vmem_shared>> -> memref<10240x16xf32, #tpu.memory_space<vmem_shared>>
      tpu.wait_indirect_dma semaphore(%arg15 : memref<!tpu.dma_semaphore, #tpu.memory_space<semaphore_mem>>) src(%dma_wait3A_404 : memref<128x16xf32, #tpu.memory_space<vmem>>) dst(%dma_wait3A_410 : memref<10240x16xf32, #tpu.memory_space<vmem_shared>>)
      %dma_wait3A_411 = arith.constant 512 : i32
      %dma_wait3A_412 = arith.constant 0 : i32
      %dma_wait3A_413 = tpu.memref_slice %arg9[%dma_wait3A_411, %dma_wait3A_412] : memref<1024x16xf32, #tpu.memory_space<vmem>> -> memref<128x16xf32, #tpu.memory_space<vmem>>
      %dma_wait3A_414 = arith.constant 0 : i32
      %dma_wait3A_415 = tpu.memref_slice %arg8[%add3A_332, %dma_wait3A_414] : memref<80x128xi32, #tpu.memory_space<vmem>> -> memref<1x128xi32, #tpu.memory_space<vmem>>
      %dma_wait3A_416 = tpu.memref_squeeze %dma_wait3A_415 : memref<1x128xi32, #tpu.memory_space<vmem>> -> memref<128xi32, #tpu.memory_space<vmem>>
      %dma_wait3A_417 = arith.constant 0 : i32
      %dma_wait3A_418 = arith.constant 0 : i32
      %dma_wait3A_419 = tpu.memref_slice %arg12[%dma_wait3A_417, %dma_wait3A_418] : memref<10240x16xf32, #tpu.memory_space<vmem_shared>> -> memref<10240x16xf32, #tpu.memory_space<vmem_shared>>
      tpu.wait_indirect_dma semaphore(%arg15 : memref<!tpu.dma_semaphore, #tpu.memory_space<semaphore_mem>>) src(%dma_wait3A_413 : memref<128x16xf32, #tpu.memory_space<vmem>>) dst(%dma_wait3A_419 : memref<10240x16xf32, #tpu.memory_space<vmem_shared>>)
      %dma_wait3A_420 = arith.constant 640 : i32
      %dma_wait3A_421 = arith.constant 0 : i32
      %dma_wait3A_422 = tpu.memref_slice %arg9[%dma_wait3A_420, %dma_wait3A_421] : memref<1024x16xf32, #tpu.memory_space<vmem>> -> memref<128x16xf32, #tpu.memory_space<vmem>>
      %dma_wait3A_423 = arith.constant 0 : i32
      %dma_wait3A_424 = tpu.memref_slice %arg8[%add3A_343, %dma_wait3A_423] : memref<80x128xi32, #tpu.memory_space<vmem>> -> memref<1x128xi32, #tpu.memory_space<vmem>>
      %dma_wait3A_425 = tpu.memref_squeeze %dma_wait3A_424 : memref<1x128xi32, #tpu.memory_space<vmem>> -> memref<128xi32, #tpu.memory_space<vmem>>
      %dma_wait3A_426 = arith.constant 0 : i32
      %dma_wait3A_427 = arith.constant 0 : i32
      %dma_wait3A_428 = tpu.memref_slice %arg12[%dma_wait3A_426, %dma_wait3A_427] : memref<10240x16xf32, #tpu.memory_space<vmem_shared>> -> memref<10240x16xf32, #tpu.memory_space<vmem_shared>>
      tpu.wait_indirect_dma semaphore(%arg15 : memref<!tpu.dma_semaphore, #tpu.memory_space<semaphore_mem>>) src(%dma_wait3A_422 : memref<128x16xf32, #tpu.memory_space<vmem>>) dst(%dma_wait3A_428 : memref<10240x16xf32, #tpu.memory_space<vmem_shared>>)
      %dma_wait3A_429 = arith.constant 768 : i32
      %dma_wait3A_430 = arith.constant 0 : i32
      %dma_wait3A_431 = tpu.memref_slice %arg9[%dma_wait3A_429, %dma_wait3A_430] : memref<1024x16xf32, #tpu.memory_space<vmem>> -> memref<128x16xf32, #tpu.memory_space<vmem>>
      %dma_wait3A_432 = arith.constant 0 : i32
      %dma_wait3A_433 = tpu.memref_slice %arg8[%add3A_354, %dma_wait3A_432] : memref<80x128xi32, #tpu.memory_space<vmem>> -> memref<1x128xi32, #tpu.memory_space<vmem>>
      %dma_wait3A_434 = tpu.memref_squeeze %dma_wait3A_433 : memref<1x128xi32, #tpu.memory_space<vmem>> -> memref<128xi32, #tpu.memory_space<vmem>>
      %dma_wait3A_435 = arith.constant 0 : i32
      %dma_wait3A_436 = arith.constant 0 : i32
      %dma_wait3A_437 = tpu.memref_slice %arg12[%dma_wait3A_435, %dma_wait3A_436] : memref<10240x16xf32, #tpu.memory_space<vmem_shared>> -> memref<10240x16xf32, #tpu.memory_space<vmem_shared>>
      tpu.wait_indirect_dma semaphore(%arg15 : memref<!tpu.dma_semaphore, #tpu.memory_space<semaphore_mem>>) src(%dma_wait3A_431 : memref<128x16xf32, #tpu.memory_space<vmem>>) dst(%dma_wait3A_437 : memref<10240x16xf32, #tpu.memory_space<vmem_shared>>)
      %dma_wait3A_438 = arith.constant 896 : i32
      %dma_wait3A_439 = arith.constant 0 : i32
      %dma_wait3A_440 = tpu.memref_slice %arg9[%dma_wait3A_438, %dma_wait3A_439] : memref<1024x16xf32, #tpu.memory_space<vmem>> -> memref<128x16xf32, #tpu.memory_space<vmem>>
      %dma_wait3A_441 = arith.constant 0 : i32
      %dma_wait3A_442 = tpu.memref_slice %arg8[%add3A_365, %dma_wait3A_441] : memref<80x128xi32, #tpu.memory_space<vmem>> -> memref<1x128xi32, #tpu.memory_space<vmem>>
      %dma_wait3A_443 = tpu.memref_squeeze %dma_wait3A_442 : memref<1x128xi32, #tpu.memory_space<vmem>> -> memref<128xi32, #tpu.memory_space<vmem>>
      %dma_wait3A_444 = arith.constant 0 : i32
      %dma_wait3A_445 = arith.constant 0 : i32
      %dma_wait3A_446 = tpu.memref_slice %arg12[%dma_wait3A_444, %dma_wait3A_445] : memref<10240x16xf32, #tpu.memory_space<vmem_shared>> -> memref<10240x16xf32, #tpu.memory_space<vmem_shared>>
      tpu.wait_indirect_dma semaphore(%arg15 : memref<!tpu.dma_semaphore, #tpu.memory_space<semaphore_mem>>) src(%dma_wait3A_440 : memref<128x16xf32, #tpu.memory_space<vmem>>) dst(%dma_wait3A_446 : memref<10240x16xf32, #tpu.memory_space<vmem_shared>>)
      %mul3A_447 = arith.constant 2 : i32
      %mul3A_448 = arith.muli %mul3A_447, %scan3A_101 : i32
      %add3A_449 = arith.constant 2 : i32
      %add3A_450 = arith.addi %mul3A_448, %add3A_449 : i32
      %lt3A_451 = arith.constant 10 : i32
      %lt3A_452 = arith.cmpi slt, %add3A_450, %lt3A_451 : i32
      %convert_element_type3A_453 = arith.extui %lt3A_452 : i1 to i32
      %cond3A_454 = arith.constant 0 : i32
      %cond3A_455 = arith.cmpi ne, %convert_element_type3A_453, %cond3A_454 : i32
      scf.if %cond3A_455 {
        %add3A_688 = arith.constant 16 : i32
        %add3A_689 = arith.addi %mul3A_105, %add3A_688 : i32
        %add3A_690 = arith.constant 0 : i32
        %add3A_691 = arith.addi %add3A_689, %add3A_690 : i32
        %dma_start3A_692 = arith.constant 0 : i32
        %dma_start3A_693 = arith.constant 0 : i32
        %dma_start3A_694 = tpu.memref_slice %arg9[%dma_start3A_692, %dma_start3A_693] : memref<1024x16xf32, #tpu.memory_space<vmem>> -> memref<128x16xf32, #tpu.memory_space<vmem>>
        %dma_start3A_695 = arith.constant 0 : i32
        %dma_start3A_696 = tpu.memref_slice %arg7[%add3A_691, %dma_start3A_695] : memref<80x128xi32, #tpu.memory_space<vmem>> -> memref<1x128xi32, #tpu.memory_space<vmem>>
        %dma_start3A_697 = tpu.memref_squeeze %dma_start3A_696 : memref<1x128xi32, #tpu.memory_space<vmem>> -> memref<128xi32, #tpu.memory_space<vmem>>
        %dma_start3A_698 = arith.constant 0 : i32
        %dma_start3A_699 = arith.constant 0 : i32
        %dma_start3A_700 = tpu.memref_slice %arg2[%dma_start3A_698, %dma_start3A_699] : memref<10240x16xf32, #tpu.memory_space<hbm>> -> memref<10240x16xf32, #tpu.memory_space<hbm>>
        tpu.enqueue_indirect_dma source(%dma_start3A_700 : memref<10240x16xf32, #tpu.memory_space<hbm>>) target(%dma_start3A_694 : memref<128x16xf32, #tpu.memory_space<vmem>>) offsets(%dma_start3A_697 : memref<128xi32, #tpu.memory_space<vmem>>) semaphore(%arg13 : memref<!tpu.dma_semaphore, #tpu.memory_space<semaphore_mem>>)
        %add3A_701 = arith.constant 1 : i32
        %add3A_702 = arith.addi %add3A_689, %add3A_701 : i32
        %dma_start3A_703 = arith.constant 128 : i32
        %dma_start3A_704 = arith.constant 0 : i32
        %dma_start3A_705 = tpu.memref_slice %arg9[%dma_start3A_703, %dma_start3A_704] : memref<1024x16xf32, #tpu.memory_space<vmem>> -> memref<128x16xf32, #tpu.memory_space<vmem>>
        %dma_start3A_706 = arith.constant 0 : i32
        %dma_start3A_707 = tpu.memref_slice %arg7[%add3A_702, %dma_start3A_706] : memref<80x128xi32, #tpu.memory_space<vmem>> -> memref<1x128xi32, #tpu.memory_space<vmem>>
        %dma_start3A_708 = tpu.memref_squeeze %dma_start3A_707 : memref<1x128xi32, #tpu.memory_space<vmem>> -> memref<128xi32, #tpu.memory_space<vmem>>
        %dma_start3A_709 = arith.constant 0 : i32
        %dma_start3A_710 = arith.constant 0 : i32
        %dma_start3A_711 = tpu.memref_slice %arg2[%dma_start3A_709, %dma_start3A_710] : memref<10240x16xf32, #tpu.memory_space<hbm>> -> memref<10240x16xf32, #tpu.memory_space<hbm>>
        tpu.enqueue_indirect_dma source(%dma_start3A_711 : memref<10240x16xf32, #tpu.memory_space<hbm>>) target(%dma_start3A_705 : memref<128x16xf32, #tpu.memory_space<vmem>>) offsets(%dma_start3A_708 : memref<128xi32, #tpu.memory_space<vmem>>) semaphore(%arg13 : memref<!tpu.dma_semaphore, #tpu.memory_space<semaphore_mem>>)
        %add3A_712 = arith.constant 2 : i32
        %add3A_713 = arith.addi %add3A_689, %add3A_712 : i32
        %dma_start3A_714 = arith.constant 256 : i32
        %dma_start3A_715 = arith.constant 0 : i32
        %dma_start3A_716 = tpu.memref_slice %arg9[%dma_start3A_714, %dma_start3A_715] : memref<1024x16xf32, #tpu.memory_space<vmem>> -> memref<128x16xf32, #tpu.memory_space<vmem>>
        %dma_start3A_717 = arith.constant 0 : i32
        %dma_start3A_718 = tpu.memref_slice %arg7[%add3A_713, %dma_start3A_717] : memref<80x128xi32, #tpu.memory_space<vmem>> -> memref<1x128xi32, #tpu.memory_space<vmem>>
        %dma_start3A_719 = tpu.memref_squeeze %dma_start3A_718 : memref<1x128xi32, #tpu.memory_space<vmem>> -> memref<128xi32, #tpu.memory_space<vmem>>
        %dma_start3A_720 = arith.constant 0 : i32
        %dma_start3A_721 = arith.constant 0 : i32
        %dma_start3A_722 = tpu.memref_slice %arg2[%dma_start3A_720, %dma_start3A_721] : memref<10240x16xf32, #tpu.memory_space<hbm>> -> memref<10240x16xf32, #tpu.memory_space<hbm>>
        tpu.enqueue_indirect_dma source(%dma_start3A_722 : memref<10240x16xf32, #tpu.memory_space<hbm>>) target(%dma_start3A_716 : memref<128x16xf32, #tpu.memory_space<vmem>>) offsets(%dma_start3A_719 : memref<128xi32, #tpu.memory_space<vmem>>) semaphore(%arg13 : memref<!tpu.dma_semaphore, #tpu.memory_space<semaphore_mem>>)
        %add3A_723 = arith.constant 3 : i32
        %add3A_724 = arith.addi %add3A_689, %add3A_723 : i32
        %dma_start3A_725 = arith.constant 384 : i32
        %dma_start3A_726 = arith.constant 0 : i32
        %dma_start3A_727 = tpu.memref_slice %arg9[%dma_start3A_725, %dma_start3A_726] : memref<1024x16xf32, #tpu.memory_space<vmem>> -> memref<128x16xf32, #tpu.memory_space<vmem>>
        %dma_start3A_728 = arith.constant 0 : i32
        %dma_start3A_729 = tpu.memref_slice %arg7[%add3A_724, %dma_start3A_728] : memref<80x128xi32, #tpu.memory_space<vmem>> -> memref<1x128xi32, #tpu.memory_space<vmem>>
        %dma_start3A_730 = tpu.memref_squeeze %dma_start3A_729 : memref<1x128xi32, #tpu.memory_space<vmem>> -> memref<128xi32, #tpu.memory_space<vmem>>
        %dma_start3A_731 = arith.constant 0 : i32
        %dma_start3A_732 = arith.constant 0 : i32
        %dma_start3A_733 = tpu.memref_slice %arg2[%dma_start3A_731, %dma_start3A_732] : memref<10240x16xf32, #tpu.memory_space<hbm>> -> memref<10240x16xf32, #tpu.memory_space<hbm>>
        tpu.enqueue_indirect_dma source(%dma_start3A_733 : memref<10240x16xf32, #tpu.memory_space<hbm>>) target(%dma_start3A_727 : memref<128x16xf32, #tpu.memory_space<vmem>>) offsets(%dma_start3A_730 : memref<128xi32, #tpu.memory_space<vmem>>) semaphore(%arg13 : memref<!tpu.dma_semaphore, #tpu.memory_space<semaphore_mem>>)
        %add3A_734 = arith.constant 4 : i32
        %add3A_735 = arith.addi %add3A_689, %add3A_734 : i32
        %dma_start3A_736 = arith.constant 512 : i32
        %dma_start3A_737 = arith.constant 0 : i32
        %dma_start3A_738 = tpu.memref_slice %arg9[%dma_start3A_736, %dma_start3A_737] : memref<1024x16xf32, #tpu.memory_space<vmem>> -> memref<128x16xf32, #tpu.memory_space<vmem>>
        %dma_start3A_739 = arith.constant 0 : i32
        %dma_start3A_740 = tpu.memref_slice %arg7[%add3A_735, %dma_start3A_739] : memref<80x128xi32, #tpu.memory_space<vmem>> -> memref<1x128xi32, #tpu.memory_space<vmem>>
        %dma_start3A_741 = tpu.memref_squeeze %dma_start3A_740 : memref<1x128xi32, #tpu.memory_space<vmem>> -> memref<128xi32, #tpu.memory_space<vmem>>
        %dma_start3A_742 = arith.constant 0 : i32
        %dma_start3A_743 = arith.constant 0 : i32
        %dma_start3A_744 = tpu.memref_slice %arg2[%dma_start3A_742, %dma_start3A_743] : memref<10240x16xf32, #tpu.memory_space<hbm>> -> memref<10240x16xf32, #tpu.memory_space<hbm>>
        tpu.enqueue_indirect_dma source(%dma_start3A_744 : memref<10240x16xf32, #tpu.memory_space<hbm>>) target(%dma_start3A_738 : memref<128x16xf32, #tpu.memory_space<vmem>>) offsets(%dma_start3A_741 : memref<128xi32, #tpu.memory_space<vmem>>) semaphore(%arg13 : memref<!tpu.dma_semaphore, #tpu.memory_space<semaphore_mem>>)
        %add3A_745 = arith.constant 5 : i32
        %add3A_746 = arith.addi %add3A_689, %add3A_745 : i32
        %dma_start3A_747 = arith.constant 640 : i32
        %dma_start3A_748 = arith.constant 0 : i32
        %dma_start3A_749 = tpu.memref_slice %arg9[%dma_start3A_747, %dma_start3A_748] : memref<1024x16xf32, #tpu.memory_space<vmem>> -> memref<128x16xf32, #tpu.memory_space<vmem>>
        %dma_start3A_750 = arith.constant 0 : i32
        %dma_start3A_751 = tpu.memref_slice %arg7[%add3A_746, %dma_start3A_750] : memref<80x128xi32, #tpu.memory_space<vmem>> -> memref<1x128xi32, #tpu.memory_space<vmem>>
        %dma_start3A_752 = tpu.memref_squeeze %dma_start3A_751 : memref<1x128xi32, #tpu.memory_space<vmem>> -> memref<128xi32, #tpu.memory_space<vmem>>
        %dma_start3A_753 = arith.constant 0 : i32
        %dma_start3A_754 = arith.constant 0 : i32
        %dma_start3A_755 = tpu.memref_slice %arg2[%dma_start3A_753, %dma_start3A_754] : memref<10240x16xf32, #tpu.memory_space<hbm>> -> memref<10240x16xf32, #tpu.memory_space<hbm>>
        tpu.enqueue_indirect_dma source(%dma_start3A_755 : memref<10240x16xf32, #tpu.memory_space<hbm>>) target(%dma_start3A_749 : memref<128x16xf32, #tpu.memory_space<vmem>>) offsets(%dma_start3A_752 : memref<128xi32, #tpu.memory_space<vmem>>) semaphore(%arg13 : memref<!tpu.dma_semaphore, #tpu.memory_space<semaphore_mem>>)
        %add3A_756 = arith.constant 6 : i32
        %add3A_757 = arith.addi %add3A_689, %add3A_756 : i32
        %dma_start3A_758 = arith.constant 768 : i32
        %dma_start3A_759 = arith.constant 0 : i32
        %dma_start3A_760 = tpu.memref_slice %arg9[%dma_start3A_758, %dma_start3A_759] : memref<1024x16xf32, #tpu.memory_space<vmem>> -> memref<128x16xf32, #tpu.memory_space<vmem>>
        %dma_start3A_761 = arith.constant 0 : i32
        %dma_start3A_762 = tpu.memref_slice %arg7[%add3A_757, %dma_start3A_761] : memref<80x128xi32, #tpu.memory_space<vmem>> -> memref<1x128xi32, #tpu.memory_space<vmem>>
        %dma_start3A_763 = tpu.memref_squeeze %dma_start3A_762 : memref<1x128xi32, #tpu.memory_space<vmem>> -> memref<128xi32, #tpu.memory_space<vmem>>
        %dma_start3A_764 = arith.constant 0 : i32
        %dma_start3A_765 = arith.constant 0 : i32
        %dma_start3A_766 = tpu.memref_slice %arg2[%dma_start3A_764, %dma_start3A_765] : memref<10240x16xf32, #tpu.memory_space<hbm>> -> memref<10240x16xf32, #tpu.memory_space<hbm>>
        tpu.enqueue_indirect_dma source(%dma_start3A_766 : memref<10240x16xf32, #tpu.memory_space<hbm>>) target(%dma_start3A_760 : memref<128x16xf32, #tpu.memory_space<vmem>>) offsets(%dma_start3A_763 : memref<128xi32, #tpu.memory_space<vmem>>) semaphore(%arg13 : memref<!tpu.dma_semaphore, #tpu.memory_space<semaphore_mem>>)
        %add3A_767 = arith.constant 7 : i32
        %add3A_768 = arith.addi %add3A_689, %add3A_767 : i32
        %dma_start3A_769 = arith.constant 896 : i32
        %dma_start3A_770 = arith.constant 0 : i32
        %dma_start3A_771 = tpu.memref_slice %arg9[%dma_start3A_769, %dma_start3A_770] : memref<1024x16xf32, #tpu.memory_space<vmem>> -> memref<128x16xf32, #tpu.memory_space<vmem>>
        %dma_start3A_772 = arith.constant 0 : i32
        %dma_start3A_773 = tpu.memref_slice %arg7[%add3A_768, %dma_start3A_772] : memref<80x128xi32, #tpu.memory_space<vmem>> -> memref<1x128xi32, #tpu.memory_space<vmem>>
        %dma_start3A_774 = tpu.memref_squeeze %dma_start3A_773 : memref<1x128xi32, #tpu.memory_space<vmem>> -> memref<128xi32, #tpu.memory_space<vmem>>
        %dma_start3A_775 = arith.constant 0 : i32
        %dma_start3A_776 = arith.constant 0 : i32
        %dma_start3A_777 = tpu.memref_slice %arg2[%dma_start3A_775, %dma_start3A_776] : memref<10240x16xf32, #tpu.memory_space<hbm>> -> memref<10240x16xf32, #tpu.memory_space<hbm>>
        tpu.enqueue_indirect_dma source(%dma_start3A_777 : memref<10240x16xf32, #tpu.memory_space<hbm>>) target(%dma_start3A_771 : memref<128x16xf32, #tpu.memory_space<vmem>>) offsets(%dma_start3A_774 : memref<128xi32, #tpu.memory_space<vmem>>) semaphore(%arg13 : memref<!tpu.dma_semaphore, #tpu.memory_space<semaphore_mem>>)
      } else {
      }
      %dma_wait3A_456 = arith.constant 0 : i32
      %dma_wait3A_457 = arith.constant 0 : i32
      %dma_wait3A_458 = tpu.memref_slice %arg10[%dma_wait3A_456, %dma_wait3A_457] : memref<1024x16xf32, #tpu.memory_space<vmem>> -> memref<128x16xf32, #tpu.memory_space<vmem>>
      %dma_wait3A_459 = arith.constant 0 : i32
      %dma_wait3A_460 = tpu.memref_slice %arg7[%add3A_113, %dma_wait3A_459] : memref<80x128xi32, #tpu.memory_space<vmem>> -> memref<1x128xi32, #tpu.memory_space<vmem>>
      %dma_wait3A_461 = tpu.memref_squeeze %dma_wait3A_460 : memref<1x128xi32, #tpu.memory_space<vmem>> -> memref<128xi32, #tpu.memory_space<vmem>>
      %dma_wait3A_462 = arith.constant 0 : i32
      %dma_wait3A_463 = arith.constant 0 : i32
      %dma_wait3A_464 = tpu.memref_slice %arg2[%dma_wait3A_462, %dma_wait3A_463] : memref<10240x16xf32, #tpu.memory_space<hbm>> -> memref<10240x16xf32, #tpu.memory_space<hbm>>
      tpu.wait_indirect_dma semaphore(%arg14 : memref<!tpu.dma_semaphore, #tpu.memory_space<semaphore_mem>>) src(%dma_wait3A_464 : memref<10240x16xf32, #tpu.memory_space<hbm>>) dst(%dma_wait3A_458 : memref<128x16xf32, #tpu.memory_space<vmem>>)
      %dma_wait3A_465 = arith.constant 128 : i32
      %dma_wait3A_466 = arith.constant 0 : i32
      %dma_wait3A_467 = tpu.memref_slice %arg10[%dma_wait3A_465, %dma_wait3A_466] : memref<1024x16xf32, #tpu.memory_space<vmem>> -> memref<128x16xf32, #tpu.memory_space<vmem>>
      %dma_wait3A_468 = arith.constant 0 : i32
      %dma_wait3A_469 = tpu.memref_slice %arg7[%add3A_124, %dma_wait3A_468] : memref<80x128xi32, #tpu.memory_space<vmem>> -> memref<1x128xi32, #tpu.memory_space<vmem>>
      %dma_wait3A_470 = tpu.memref_squeeze %dma_wait3A_469 : memref<1x128xi32, #tpu.memory_space<vmem>> -> memref<128xi32, #tpu.memory_space<vmem>>
      %dma_wait3A_471 = arith.constant 0 : i32
      %dma_wait3A_472 = arith.constant 0 : i32
      %dma_wait3A_473 = tpu.memref_slice %arg2[%dma_wait3A_471, %dma_wait3A_472] : memref<10240x16xf32, #tpu.memory_space<hbm>> -> memref<10240x16xf32, #tpu.memory_space<hbm>>
      tpu.wait_indirect_dma semaphore(%arg14 : memref<!tpu.dma_semaphore, #tpu.memory_space<semaphore_mem>>) src(%dma_wait3A_473 : memref<10240x16xf32, #tpu.memory_space<hbm>>) dst(%dma_wait3A_467 : memref<128x16xf32, #tpu.memory_space<vmem>>)
      %dma_wait3A_474 = arith.constant 256 : i32
      %dma_wait3A_475 = arith.constant 0 : i32
      %dma_wait3A_476 = tpu.memref_slice %arg10[%dma_wait3A_474, %dma_wait3A_475] : memref<1024x16xf32, #tpu.memory_space<vmem>> -> memref<128x16xf32, #tpu.memory_space<vmem>>
      %dma_wait3A_477 = arith.constant 0 : i32
      %dma_wait3A_478 = tpu.memref_slice %arg7[%add3A_135, %dma_wait3A_477] : memref<80x128xi32, #tpu.memory_space<vmem>> -> memref<1x128xi32, #tpu.memory_space<vmem>>
      %dma_wait3A_479 = tpu.memref_squeeze %dma_wait3A_478 : memref<1x128xi32, #tpu.memory_space<vmem>> -> memref<128xi32, #tpu.memory_space<vmem>>
      %dma_wait3A_480 = arith.constant 0 : i32
      %dma_wait3A_481 = arith.constant 0 : i32
      %dma_wait3A_482 = tpu.memref_slice %arg2[%dma_wait3A_480, %dma_wait3A_481] : memref<10240x16xf32, #tpu.memory_space<hbm>> -> memref<10240x16xf32, #tpu.memory_space<hbm>>
      tpu.wait_indirect_dma semaphore(%arg14 : memref<!tpu.dma_semaphore, #tpu.memory_space<semaphore_mem>>) src(%dma_wait3A_482 : memref<10240x16xf32, #tpu.memory_space<hbm>>) dst(%dma_wait3A_476 : memref<128x16xf32, #tpu.memory_space<vmem>>)
      %dma_wait3A_483 = arith.constant 384 : i32
      %dma_wait3A_484 = arith.constant 0 : i32
      %dma_wait3A_485 = tpu.memref_slice %arg10[%dma_wait3A_483, %dma_wait3A_484] : memref<1024x16xf32, #tpu.memory_space<vmem>> -> memref<128x16xf32, #tpu.memory_space<vmem>>
      %dma_wait3A_486 = arith.constant 0 : i32
      %dma_wait3A_487 = tpu.memref_slice %arg7[%add3A_146, %dma_wait3A_486] : memref<80x128xi32, #tpu.memory_space<vmem>> -> memref<1x128xi32, #tpu.memory_space<vmem>>
      %dma_wait3A_488 = tpu.memref_squeeze %dma_wait3A_487 : memref<1x128xi32, #tpu.memory_space<vmem>> -> memref<128xi32, #tpu.memory_space<vmem>>
      %dma_wait3A_489 = arith.constant 0 : i32
      %dma_wait3A_490 = arith.constant 0 : i32
      %dma_wait3A_491 = tpu.memref_slice %arg2[%dma_wait3A_489, %dma_wait3A_490] : memref<10240x16xf32, #tpu.memory_space<hbm>> -> memref<10240x16xf32, #tpu.memory_space<hbm>>
      tpu.wait_indirect_dma semaphore(%arg14 : memref<!tpu.dma_semaphore, #tpu.memory_space<semaphore_mem>>) src(%dma_wait3A_491 : memref<10240x16xf32, #tpu.memory_space<hbm>>) dst(%dma_wait3A_485 : memref<128x16xf32, #tpu.memory_space<vmem>>)
      %dma_wait3A_492 = arith.constant 512 : i32
      %dma_wait3A_493 = arith.constant 0 : i32
      %dma_wait3A_494 = tpu.memref_slice %arg10[%dma_wait3A_492, %dma_wait3A_493] : memref<1024x16xf32, #tpu.memory_space<vmem>> -> memref<128x16xf32, #tpu.memory_space<vmem>>
      %dma_wait3A_495 = arith.constant 0 : i32
      %dma_wait3A_496 = tpu.memref_slice %arg7[%add3A_157, %dma_wait3A_495] : memref<80x128xi32, #tpu.memory_space<vmem>> -> memref<1x128xi32, #tpu.memory_space<vmem>>
      %dma_wait3A_497 = tpu.memref_squeeze %dma_wait3A_496 : memref<1x128xi32, #tpu.memory_space<vmem>> -> memref<128xi32, #tpu.memory_space<vmem>>
      %dma_wait3A_498 = arith.constant 0 : i32
      %dma_wait3A_499 = arith.constant 0 : i32
      %dma_wait3A_500 = tpu.memref_slice %arg2[%dma_wait3A_498, %dma_wait3A_499] : memref<10240x16xf32, #tpu.memory_space<hbm>> -> memref<10240x16xf32, #tpu.memory_space<hbm>>
      tpu.wait_indirect_dma semaphore(%arg14 : memref<!tpu.dma_semaphore, #tpu.memory_space<semaphore_mem>>) src(%dma_wait3A_500 : memref<10240x16xf32, #tpu.memory_space<hbm>>) dst(%dma_wait3A_494 : memref<128x16xf32, #tpu.memory_space<vmem>>)
      %dma_wait3A_501 = arith.constant 640 : i32
      %dma_wait3A_502 = arith.constant 0 : i32
      %dma_wait3A_503 = tpu.memref_slice %arg10[%dma_wait3A_501, %dma_wait3A_502] : memref<1024x16xf32, #tpu.memory_space<vmem>> -> memref<128x16xf32, #tpu.memory_space<vmem>>
      %dma_wait3A_504 = arith.constant 0 : i32
      %dma_wait3A_505 = tpu.memref_slice %arg7[%add3A_168, %dma_wait3A_504] : memref<80x128xi32, #tpu.memory_space<vmem>> -> memref<1x128xi32, #tpu.memory_space<vmem>>
      %dma_wait3A_506 = tpu.memref_squeeze %dma_wait3A_505 : memref<1x128xi32, #tpu.memory_space<vmem>> -> memref<128xi32, #tpu.memory_space<vmem>>
      %dma_wait3A_507 = arith.constant 0 : i32
      %dma_wait3A_508 = arith.constant 0 : i32
      %dma_wait3A_509 = tpu.memref_slice %arg2[%dma_wait3A_507, %dma_wait3A_508] : memref<10240x16xf32, #tpu.memory_space<hbm>> -> memref<10240x16xf32, #tpu.memory_space<hbm>>
      tpu.wait_indirect_dma semaphore(%arg14 : memref<!tpu.dma_semaphore, #tpu.memory_space<semaphore_mem>>) src(%dma_wait3A_509 : memref<10240x16xf32, #tpu.memory_space<hbm>>) dst(%dma_wait3A_503 : memref<128x16xf32, #tpu.memory_space<vmem>>)
      %dma_wait3A_510 = arith.constant 768 : i32
      %dma_wait3A_511 = arith.constant 0 : i32
      %dma_wait3A_512 = tpu.memref_slice %arg10[%dma_wait3A_510, %dma_wait3A_511] : memref<1024x16xf32, #tpu.memory_space<vmem>> -> memref<128x16xf32, #tpu.memory_space<vmem>>
      %dma_wait3A_513 = arith.constant 0 : i32
      %dma_wait3A_514 = tpu.memref_slice %arg7[%add3A_179, %dma_wait3A_513] : memref<80x128xi32, #tpu.memory_space<vmem>> -> memref<1x128xi32, #tpu.memory_space<vmem>>
      %dma_wait3A_515 = tpu.memref_squeeze %dma_wait3A_514 : memref<1x128xi32, #tpu.memory_space<vmem>> -> memref<128xi32, #tpu.memory_space<vmem>>
      %dma_wait3A_516 = arith.constant 0 : i32
      %dma_wait3A_517 = arith.constant 0 : i32
      %dma_wait3A_518 = tpu.memref_slice %arg2[%dma_wait3A_516, %dma_wait3A_517] : memref<10240x16xf32, #tpu.memory_space<hbm>> -> memref<10240x16xf32, #tpu.memory_space<hbm>>
      tpu.wait_indirect_dma semaphore(%arg14 : memref<!tpu.dma_semaphore, #tpu.memory_space<semaphore_mem>>) src(%dma_wait3A_518 : memref<10240x16xf32, #tpu.memory_space<hbm>>) dst(%dma_wait3A_512 : memref<128x16xf32, #tpu.memory_space<vmem>>)
      %dma_wait3A_519 = arith.constant 896 : i32
      %dma_wait3A_520 = arith.constant 0 : i32
      %dma_wait3A_521 = tpu.memref_slice %arg10[%dma_wait3A_519, %dma_wait3A_520] : memref<1024x16xf32, #tpu.memory_space<vmem>> -> memref<128x16xf32, #tpu.memory_space<vmem>>
      %dma_wait3A_522 = arith.constant 0 : i32
      %dma_wait3A_523 = tpu.memref_slice %arg7[%add3A_190, %dma_wait3A_522] : memref<80x128xi32, #tpu.memory_space<vmem>> -> memref<1x128xi32, #tpu.memory_space<vmem>>
      %dma_wait3A_524 = tpu.memref_squeeze %dma_wait3A_523 : memref<1x128xi32, #tpu.memory_space<vmem>> -> memref<128xi32, #tpu.memory_space<vmem>>
      %dma_wait3A_525 = arith.constant 0 : i32
      %dma_wait3A_526 = arith.constant 0 : i32
      %dma_wait3A_527 = tpu.memref_slice %arg2[%dma_wait3A_525, %dma_wait3A_526] : memref<10240x16xf32, #tpu.memory_space<hbm>> -> memref<10240x16xf32, #tpu.memory_space<hbm>>
      tpu.wait_indirect_dma semaphore(%arg14 : memref<!tpu.dma_semaphore, #tpu.memory_space<semaphore_mem>>) src(%dma_wait3A_527 : memref<10240x16xf32, #tpu.memory_space<hbm>>) dst(%dma_wait3A_521 : memref<128x16xf32, #tpu.memory_space<vmem>>)
      %add3A_528 = arith.constant 0 : i32
      %add3A_529 = arith.addi %mul3A_111, %add3A_528 : i32
      %dma_start3A_530 = arith.constant 0 : i32
      %dma_start3A_531 = arith.constant 0 : i32
      %dma_start3A_532 = tpu.memref_slice %arg10[%dma_start3A_530, %dma_start3A_531] : memref<1024x16xf32, #tpu.memory_space<vmem>> -> memref<128x16xf32, #tpu.memory_space<vmem>>
      %dma_start3A_533 = arith.constant 0 : i32
      %dma_start3A_534 = tpu.memref_slice %arg8[%add3A_529, %dma_start3A_533] : memref<80x128xi32, #tpu.memory_space<vmem>> -> memref<1x128xi32, #tpu.memory_space<vmem>>
      %dma_start3A_535 = tpu.memref_squeeze %dma_start3A_534 : memref<1x128xi32, #tpu.memory_space<vmem>> -> memref<128xi32, #tpu.memory_space<vmem>>
      %dma_start3A_536 = arith.constant 0 : i32
      %dma_start3A_537 = arith.constant 0 : i32
      %dma_start3A_538 = tpu.memref_slice %arg12[%dma_start3A_536, %dma_start3A_537] : memref<10240x16xf32, #tpu.memory_space<vmem_shared>> -> memref<10240x16xf32, #tpu.memory_space<vmem_shared>>
      tpu.enqueue_indirect_dma source(%dma_start3A_532 : memref<128x16xf32, #tpu.memory_space<vmem>>) target(%dma_start3A_538 : memref<10240x16xf32, #tpu.memory_space<vmem_shared>>) offsets(%dma_start3A_535 : memref<128xi32, #tpu.memory_space<vmem>>) semaphore(%arg15 : memref<!tpu.dma_semaphore, #tpu.memory_space<semaphore_mem>>) {add = true}
      %add3A_539 = arith.constant 1 : i32
      %add3A_540 = arith.addi %mul3A_111, %add3A_539 : i32
      %dma_start3A_541 = arith.constant 128 : i32
      %dma_start3A_542 = arith.constant 0 : i32
      %dma_start3A_543 = tpu.memref_slice %arg10[%dma_start3A_541, %dma_start3A_542] : memref<1024x16xf32, #tpu.memory_space<vmem>> -> memref<128x16xf32, #tpu.memory_space<vmem>>
      %dma_start3A_544 = arith.constant 0 : i32
      %dma_start3A_545 = tpu.memref_slice %arg8[%add3A_540, %dma_start3A_544] : memref<80x128xi32, #tpu.memory_space<vmem>> -> memref<1x128xi32, #tpu.memory_space<vmem>>
      %dma_start3A_546 = tpu.memref_squeeze %dma_start3A_545 : memref<1x128xi32, #tpu.memory_space<vmem>> -> memref<128xi32, #tpu.memory_space<vmem>>
      %dma_start3A_547 = arith.constant 0 : i32
      %dma_start3A_548 = arith.constant 0 : i32
      %dma_start3A_549 = tpu.memref_slice %arg12[%dma_start3A_547, %dma_start3A_548] : memref<10240x16xf32, #tpu.memory_space<vmem_shared>> -> memref<10240x16xf32, #tpu.memory_space<vmem_shared>>
      tpu.enqueue_indirect_dma source(%dma_start3A_543 : memref<128x16xf32, #tpu.memory_space<vmem>>) target(%dma_start3A_549 : memref<10240x16xf32, #tpu.memory_space<vmem_shared>>) offsets(%dma_start3A_546 : memref<128xi32, #tpu.memory_space<vmem>>) semaphore(%arg15 : memref<!tpu.dma_semaphore, #tpu.memory_space<semaphore_mem>>) {add = true}
      %add3A_550 = arith.constant 2 : i32
      %add3A_551 = arith.addi %mul3A_111, %add3A_550 : i32
      %dma_start3A_552 = arith.constant 256 : i32
      %dma_start3A_553 = arith.constant 0 : i32
      %dma_start3A_554 = tpu.memref_slice %arg10[%dma_start3A_552, %dma_start3A_553] : memref<1024x16xf32, #tpu.memory_space<vmem>> -> memref<128x16xf32, #tpu.memory_space<vmem>>
      %dma_start3A_555 = arith.constant 0 : i32
      %dma_start3A_556 = tpu.memref_slice %arg8[%add3A_551, %dma_start3A_555] : memref<80x128xi32, #tpu.memory_space<vmem>> -> memref<1x128xi32, #tpu.memory_space<vmem>>
      %dma_start3A_557 = tpu.memref_squeeze %dma_start3A_556 : memref<1x128xi32, #tpu.memory_space<vmem>> -> memref<128xi32, #tpu.memory_space<vmem>>
      %dma_start3A_558 = arith.constant 0 : i32
      %dma_start3A_559 = arith.constant 0 : i32
      %dma_start3A_560 = tpu.memref_slice %arg12[%dma_start3A_558, %dma_start3A_559] : memref<10240x16xf32, #tpu.memory_space<vmem_shared>> -> memref<10240x16xf32, #tpu.memory_space<vmem_shared>>
      tpu.enqueue_indirect_dma source(%dma_start3A_554 : memref<128x16xf32, #tpu.memory_space<vmem>>) target(%dma_start3A_560 : memref<10240x16xf32, #tpu.memory_space<vmem_shared>>) offsets(%dma_start3A_557 : memref<128xi32, #tpu.memory_space<vmem>>) semaphore(%arg15 : memref<!tpu.dma_semaphore, #tpu.memory_space<semaphore_mem>>) {add = true}
      %add3A_561 = arith.constant 3 : i32
      %add3A_562 = arith.addi %mul3A_111, %add3A_561 : i32
      %dma_start3A_563 = arith.constant 384 : i32
      %dma_start3A_564 = arith.constant 0 : i32
      %dma_start3A_565 = tpu.memref_slice %arg10[%dma_start3A_563, %dma_start3A_564] : memref<1024x16xf32, #tpu.memory_space<vmem>> -> memref<128x16xf32, #tpu.memory_space<vmem>>
      %dma_start3A_566 = arith.constant 0 : i32
      %dma_start3A_567 = tpu.memref_slice %arg8[%add3A_562, %dma_start3A_566] : memref<80x128xi32, #tpu.memory_space<vmem>> -> memref<1x128xi32, #tpu.memory_space<vmem>>
      %dma_start3A_568 = tpu.memref_squeeze %dma_start3A_567 : memref<1x128xi32, #tpu.memory_space<vmem>> -> memref<128xi32, #tpu.memory_space<vmem>>
      %dma_start3A_569 = arith.constant 0 : i32
      %dma_start3A_570 = arith.constant 0 : i32
      %dma_start3A_571 = tpu.memref_slice %arg12[%dma_start3A_569, %dma_start3A_570] : memref<10240x16xf32, #tpu.memory_space<vmem_shared>> -> memref<10240x16xf32, #tpu.memory_space<vmem_shared>>
      tpu.enqueue_indirect_dma source(%dma_start3A_565 : memref<128x16xf32, #tpu.memory_space<vmem>>) target(%dma_start3A_571 : memref<10240x16xf32, #tpu.memory_space<vmem_shared>>) offsets(%dma_start3A_568 : memref<128xi32, #tpu.memory_space<vmem>>) semaphore(%arg15 : memref<!tpu.dma_semaphore, #tpu.memory_space<semaphore_mem>>) {add = true}
      %add3A_572 = arith.constant 4 : i32
      %add3A_573 = arith.addi %mul3A_111, %add3A_572 : i32
      %dma_start3A_574 = arith.constant 512 : i32
      %dma_start3A_575 = arith.constant 0 : i32
      %dma_start3A_576 = tpu.memref_slice %arg10[%dma_start3A_574, %dma_start3A_575] : memref<1024x16xf32, #tpu.memory_space<vmem>> -> memref<128x16xf32, #tpu.memory_space<vmem>>
      %dma_start3A_577 = arith.constant 0 : i32
      %dma_start3A_578 = tpu.memref_slice %arg8[%add3A_573, %dma_start3A_577] : memref<80x128xi32, #tpu.memory_space<vmem>> -> memref<1x128xi32, #tpu.memory_space<vmem>>
      %dma_start3A_579 = tpu.memref_squeeze %dma_start3A_578 : memref<1x128xi32, #tpu.memory_space<vmem>> -> memref<128xi32, #tpu.memory_space<vmem>>
      %dma_start3A_580 = arith.constant 0 : i32
      %dma_start3A_581 = arith.constant 0 : i32
      %dma_start3A_582 = tpu.memref_slice %arg12[%dma_start3A_580, %dma_start3A_581] : memref<10240x16xf32, #tpu.memory_space<vmem_shared>> -> memref<10240x16xf32, #tpu.memory_space<vmem_shared>>
      tpu.enqueue_indirect_dma source(%dma_start3A_576 : memref<128x16xf32, #tpu.memory_space<vmem>>) target(%dma_start3A_582 : memref<10240x16xf32, #tpu.memory_space<vmem_shared>>) offsets(%dma_start3A_579 : memref<128xi32, #tpu.memory_space<vmem>>) semaphore(%arg15 : memref<!tpu.dma_semaphore, #tpu.memory_space<semaphore_mem>>) {add = true}
      %add3A_583 = arith.constant 5 : i32
      %add3A_584 = arith.addi %mul3A_111, %add3A_583 : i32
      %dma_start3A_585 = arith.constant 640 : i32
      %dma_start3A_586 = arith.constant 0 : i32
      %dma_start3A_587 = tpu.memref_slice %arg10[%dma_start3A_585, %dma_start3A_586] : memref<1024x16xf32, #tpu.memory_space<vmem>> -> memref<128x16xf32, #tpu.memory_space<vmem>>
      %dma_start3A_588 = arith.constant 0 : i32
      %dma_start3A_589 = tpu.memref_slice %arg8[%add3A_584, %dma_start3A_588] : memref<80x128xi32, #tpu.memory_space<vmem>> -> memref<1x128xi32, #tpu.memory_space<vmem>>
      %dma_start3A_590 = tpu.memref_squeeze %dma_start3A_589 : memref<1x128xi32, #tpu.memory_space<vmem>> -> memref<128xi32, #tpu.memory_space<vmem>>
      %dma_start3A_591 = arith.constant 0 : i32
      %dma_start3A_592 = arith.constant 0 : i32
      %dma_start3A_593 = tpu.memref_slice %arg12[%dma_start3A_591, %dma_start3A_592] : memref<10240x16xf32, #tpu.memory_space<vmem_shared>> -> memref<10240x16xf32, #tpu.memory_space<vmem_shared>>
      tpu.enqueue_indirect_dma source(%dma_start3A_587 : memref<128x16xf32, #tpu.memory_space<vmem>>) target(%dma_start3A_593 : memref<10240x16xf32, #tpu.memory_space<vmem_shared>>) offsets(%dma_start3A_590 : memref<128xi32, #tpu.memory_space<vmem>>) semaphore(%arg15 : memref<!tpu.dma_semaphore, #tpu.memory_space<semaphore_mem>>) {add = true}
      %add3A_594 = arith.constant 6 : i32
      %add3A_595 = arith.addi %mul3A_111, %add3A_594 : i32
      %dma_start3A_596 = arith.constant 768 : i32
      %dma_start3A_597 = arith.constant 0 : i32
      %dma_start3A_598 = tpu.memref_slice %arg10[%dma_start3A_596, %dma_start3A_597] : memref<1024x16xf32, #tpu.memory_space<vmem>> -> memref<128x16xf32, #tpu.memory_space<vmem>>
      %dma_start3A_599 = arith.constant 0 : i32
      %dma_start3A_600 = tpu.memref_slice %arg8[%add3A_595, %dma_start3A_599] : memref<80x128xi32, #tpu.memory_space<vmem>> -> memref<1x128xi32, #tpu.memory_space<vmem>>
      %dma_start3A_601 = tpu.memref_squeeze %dma_start3A_600 : memref<1x128xi32, #tpu.memory_space<vmem>> -> memref<128xi32, #tpu.memory_space<vmem>>
      %dma_start3A_602 = arith.constant 0 : i32
      %dma_start3A_603 = arith.constant 0 : i32
      %dma_start3A_604 = tpu.memref_slice %arg12[%dma_start3A_602, %dma_start3A_603] : memref<10240x16xf32, #tpu.memory_space<vmem_shared>> -> memref<10240x16xf32, #tpu.memory_space<vmem_shared>>
      tpu.enqueue_indirect_dma source(%dma_start3A_598 : memref<128x16xf32, #tpu.memory_space<vmem>>) target(%dma_start3A_604 : memref<10240x16xf32, #tpu.memory_space<vmem_shared>>) offsets(%dma_start3A_601 : memref<128xi32, #tpu.memory_space<vmem>>) semaphore(%arg15 : memref<!tpu.dma_semaphore, #tpu.memory_space<semaphore_mem>>) {add = true}
      %add3A_605 = arith.constant 7 : i32
      %add3A_606 = arith.addi %mul3A_111, %add3A_605 : i32
      %dma_start3A_607 = arith.constant 896 : i32
      %dma_start3A_608 = arith.constant 0 : i32
      %dma_start3A_609 = tpu.memref_slice %arg10[%dma_start3A_607, %dma_start3A_608] : memref<1024x16xf32, #tpu.memory_space<vmem>> -> memref<128x16xf32, #tpu.memory_space<vmem>>
      %dma_start3A_610 = arith.constant 0 : i32
      %dma_start3A_611 = tpu.memref_slice %arg8[%add3A_606, %dma_start3A_610] : memref<80x128xi32, #tpu.memory_space<vmem>> -> memref<1x128xi32, #tpu.memory_space<vmem>>
      %dma_start3A_612 = tpu.memref_squeeze %dma_start3A_611 : memref<1x128xi32, #tpu.memory_space<vmem>> -> memref<128xi32, #tpu.memory_space<vmem>>
      %dma_start3A_613 = arith.constant 0 : i32
      %dma_start3A_614 = arith.constant 0 : i32
      %dma_start3A_615 = tpu.memref_slice %arg12[%dma_start3A_613, %dma_start3A_614] : memref<10240x16xf32, #tpu.memory_space<vmem_shared>> -> memref<10240x16xf32, #tpu.memory_space<vmem_shared>>
      tpu.enqueue_indirect_dma source(%dma_start3A_609 : memref<128x16xf32, #tpu.memory_space<vmem>>) target(%dma_start3A_615 : memref<10240x16xf32, #tpu.memory_space<vmem_shared>>) offsets(%dma_start3A_612 : memref<128xi32, #tpu.memory_space<vmem>>) semaphore(%arg15 : memref<!tpu.dma_semaphore, #tpu.memory_space<semaphore_mem>>) {add = true}
      %dma_wait3A_616 = arith.constant 0 : i32
      %dma_wait3A_617 = arith.constant 0 : i32
      %dma_wait3A_618 = tpu.memref_slice %arg10[%dma_wait3A_616, %dma_wait3A_617] : memref<1024x16xf32, #tpu.memory_space<vmem>> -> memref<128x16xf32, #tpu.memory_space<vmem>>
      %dma_wait3A_619 = arith.constant 0 : i32
      %dma_wait3A_620 = tpu.memref_slice %arg8[%add3A_529, %dma_wait3A_619] : memref<80x128xi32, #tpu.memory_space<vmem>> -> memref<1x128xi32, #tpu.memory_space<vmem>>
      %dma_wait3A_621 = tpu.memref_squeeze %dma_wait3A_620 : memref<1x128xi32, #tpu.memory_space<vmem>> -> memref<128xi32, #tpu.memory_space<vmem>>
      %dma_wait3A_622 = arith.constant 0 : i32
      %dma_wait3A_623 = arith.constant 0 : i32
      %dma_wait3A_624 = tpu.memref_slice %arg12[%dma_wait3A_622, %dma_wait3A_623] : memref<10240x16xf32, #tpu.memory_space<vmem_shared>> -> memref<10240x16xf32, #tpu.memory_space<vmem_shared>>
      tpu.wait_indirect_dma semaphore(%arg15 : memref<!tpu.dma_semaphore, #tpu.memory_space<semaphore_mem>>) src(%dma_wait3A_618 : memref<128x16xf32, #tpu.memory_space<vmem>>) dst(%dma_wait3A_624 : memref<10240x16xf32, #tpu.memory_space<vmem_shared>>)
      %dma_wait3A_625 = arith.constant 128 : i32
      %dma_wait3A_626 = arith.constant 0 : i32
      %dma_wait3A_627 = tpu.memref_slice %arg10[%dma_wait3A_625, %dma_wait3A_626] : memref<1024x16xf32, #tpu.memory_space<vmem>> -> memref<128x16xf32, #tpu.memory_space<vmem>>
      %dma_wait3A_628 = arith.constant 0 : i32
      %dma_wait3A_629 = tpu.memref_slice %arg8[%add3A_540, %dma_wait3A_628] : memref<80x128xi32, #tpu.memory_space<vmem>> -> memref<1x128xi32, #tpu.memory_space<vmem>>
      %dma_wait3A_630 = tpu.memref_squeeze %dma_wait3A_629 : memref<1x128xi32, #tpu.memory_space<vmem>> -> memref<128xi32, #tpu.memory_space<vmem>>
      %dma_wait3A_631 = arith.constant 0 : i32
      %dma_wait3A_632 = arith.constant 0 : i32
      %dma_wait3A_633 = tpu.memref_slice %arg12[%dma_wait3A_631, %dma_wait3A_632] : memref<10240x16xf32, #tpu.memory_space<vmem_shared>> -> memref<10240x16xf32, #tpu.memory_space<vmem_shared>>
      tpu.wait_indirect_dma semaphore(%arg15 : memref<!tpu.dma_semaphore, #tpu.memory_space<semaphore_mem>>) src(%dma_wait3A_627 : memref<128x16xf32, #tpu.memory_space<vmem>>) dst(%dma_wait3A_633 : memref<10240x16xf32, #tpu.memory_space<vmem_shared>>)
      %dma_wait3A_634 = arith.constant 256 : i32
      %dma_wait3A_635 = arith.constant 0 : i32
      %dma_wait3A_636 = tpu.memref_slice %arg10[%dma_wait3A_634, %dma_wait3A_635] : memref<1024x16xf32, #tpu.memory_space<vmem>> -> memref<128x16xf32, #tpu.memory_space<vmem>>
      %dma_wait3A_637 = arith.constant 0 : i32
      %dma_wait3A_638 = tpu.memref_slice %arg8[%add3A_551, %dma_wait3A_637] : memref<80x128xi32, #tpu.memory_space<vmem>> -> memref<1x128xi32, #tpu.memory_space<vmem>>
      %dma_wait3A_639 = tpu.memref_squeeze %dma_wait3A_638 : memref<1x128xi32, #tpu.memory_space<vmem>> -> memref<128xi32, #tpu.memory_space<vmem>>
      %dma_wait3A_640 = arith.constant 0 : i32
      %dma_wait3A_641 = arith.constant 0 : i32
      %dma_wait3A_642 = tpu.memref_slice %arg12[%dma_wait3A_640, %dma_wait3A_641] : memref<10240x16xf32, #tpu.memory_space<vmem_shared>> -> memref<10240x16xf32, #tpu.memory_space<vmem_shared>>
      tpu.wait_indirect_dma semaphore(%arg15 : memref<!tpu.dma_semaphore, #tpu.memory_space<semaphore_mem>>) src(%dma_wait3A_636 : memref<128x16xf32, #tpu.memory_space<vmem>>) dst(%dma_wait3A_642 : memref<10240x16xf32, #tpu.memory_space<vmem_shared>>)
      %dma_wait3A_643 = arith.constant 384 : i32
      %dma_wait3A_644 = arith.constant 0 : i32
      %dma_wait3A_645 = tpu.memref_slice %arg10[%dma_wait3A_643, %dma_wait3A_644] : memref<1024x16xf32, #tpu.memory_space<vmem>> -> memref<128x16xf32, #tpu.memory_space<vmem>>
      %dma_wait3A_646 = arith.constant 0 : i32
      %dma_wait3A_647 = tpu.memref_slice %arg8[%add3A_562, %dma_wait3A_646] : memref<80x128xi32, #tpu.memory_space<vmem>> -> memref<1x128xi32, #tpu.memory_space<vmem>>
      %dma_wait3A_648 = tpu.memref_squeeze %dma_wait3A_647 : memref<1x128xi32, #tpu.memory_space<vmem>> -> memref<128xi32, #tpu.memory_space<vmem>>
      %dma_wait3A_649 = arith.constant 0 : i32
      %dma_wait3A_650 = arith.constant 0 : i32
      %dma_wait3A_651 = tpu.memref_slice %arg12[%dma_wait3A_649, %dma_wait3A_650] : memref<10240x16xf32, #tpu.memory_space<vmem_shared>> -> memref<10240x16xf32, #tpu.memory_space<vmem_shared>>
      tpu.wait_indirect_dma semaphore(%arg15 : memref<!tpu.dma_semaphore, #tpu.memory_space<semaphore_mem>>) src(%dma_wait3A_645 : memref<128x16xf32, #tpu.memory_space<vmem>>) dst(%dma_wait3A_651 : memref<10240x16xf32, #tpu.memory_space<vmem_shared>>)
      %dma_wait3A_652 = arith.constant 512 : i32
      %dma_wait3A_653 = arith.constant 0 : i32
      %dma_wait3A_654 = tpu.memref_slice %arg10[%dma_wait3A_652, %dma_wait3A_653] : memref<1024x16xf32, #tpu.memory_space<vmem>> -> memref<128x16xf32, #tpu.memory_space<vmem>>
      %dma_wait3A_655 = arith.constant 0 : i32
      %dma_wait3A_656 = tpu.memref_slice %arg8[%add3A_573, %dma_wait3A_655] : memref<80x128xi32, #tpu.memory_space<vmem>> -> memref<1x128xi32, #tpu.memory_space<vmem>>
      %dma_wait3A_657 = tpu.memref_squeeze %dma_wait3A_656 : memref<1x128xi32, #tpu.memory_space<vmem>> -> memref<128xi32, #tpu.memory_space<vmem>>
      %dma_wait3A_658 = arith.constant 0 : i32
      %dma_wait3A_659 = arith.constant 0 : i32
      %dma_wait3A_660 = tpu.memref_slice %arg12[%dma_wait3A_658, %dma_wait3A_659] : memref<10240x16xf32, #tpu.memory_space<vmem_shared>> -> memref<10240x16xf32, #tpu.memory_space<vmem_shared>>
      tpu.wait_indirect_dma semaphore(%arg15 : memref<!tpu.dma_semaphore, #tpu.memory_space<semaphore_mem>>) src(%dma_wait3A_654 : memref<128x16xf32, #tpu.memory_space<vmem>>) dst(%dma_wait3A_660 : memref<10240x16xf32, #tpu.memory_space<vmem_shared>>)
      %dma_wait3A_661 = arith.constant 640 : i32
      %dma_wait3A_662 = arith.constant 0 : i32
      %dma_wait3A_663 = tpu.memref_slice %arg10[%dma_wait3A_661, %dma_wait3A_662] : memref<1024x16xf32, #tpu.memory_space<vmem>> -> memref<128x16xf32, #tpu.memory_space<vmem>>
      %dma_wait3A_664 = arith.constant 0 : i32
      %dma_wait3A_665 = tpu.memref_slice %arg8[%add3A_584, %dma_wait3A_664] : memref<80x128xi32, #tpu.memory_space<vmem>> -> memref<1x128xi32, #tpu.memory_space<vmem>>
      %dma_wait3A_666 = tpu.memref_squeeze %dma_wait3A_665 : memref<1x128xi32, #tpu.memory_space<vmem>> -> memref<128xi32, #tpu.memory_space<vmem>>
      %dma_wait3A_667 = arith.constant 0 : i32
      %dma_wait3A_668 = arith.constant 0 : i32
      %dma_wait3A_669 = tpu.memref_slice %arg12[%dma_wait3A_667, %dma_wait3A_668] : memref<10240x16xf32, #tpu.memory_space<vmem_shared>> -> memref<10240x16xf32, #tpu.memory_space<vmem_shared>>
      tpu.wait_indirect_dma semaphore(%arg15 : memref<!tpu.dma_semaphore, #tpu.memory_space<semaphore_mem>>) src(%dma_wait3A_663 : memref<128x16xf32, #tpu.memory_space<vmem>>) dst(%dma_wait3A_669 : memref<10240x16xf32, #tpu.memory_space<vmem_shared>>)
      %dma_wait3A_670 = arith.constant 768 : i32
      %dma_wait3A_671 = arith.constant 0 : i32
      %dma_wait3A_672 = tpu.memref_slice %arg10[%dma_wait3A_670, %dma_wait3A_671] : memref<1024x16xf32, #tpu.memory_space<vmem>> -> memref<128x16xf32, #tpu.memory_space<vmem>>
      %dma_wait3A_673 = arith.constant 0 : i32
      %dma_wait3A_674 = tpu.memref_slice %arg8[%add3A_595, %dma_wait3A_673] : memref<80x128xi32, #tpu.memory_space<vmem>> -> memref<1x128xi32, #tpu.memory_space<vmem>>
      %dma_wait3A_675 = tpu.memref_squeeze %dma_wait3A_674 : memref<1x128xi32, #tpu.memory_space<vmem>> -> memref<128xi32, #tpu.memory_space<vmem>>
      %dma_wait3A_676 = arith.constant 0 : i32
      %dma_wait3A_677 = arith.constant 0 : i32
      %dma_wait3A_678 = tpu.memref_slice %arg12[%dma_wait3A_676, %dma_wait3A_677] : memref<10240x16xf32, #tpu.memory_space<vmem_shared>> -> memref<10240x16xf32, #tpu.memory_space<vmem_shared>>
      tpu.wait_indirect_dma semaphore(%arg15 : memref<!tpu.dma_semaphore, #tpu.memory_space<semaphore_mem>>) src(%dma_wait3A_672 : memref<128x16xf32, #tpu.memory_space<vmem>>) dst(%dma_wait3A_678 : memref<10240x16xf32, #tpu.memory_space<vmem_shared>>)
      %dma_wait3A_679 = arith.constant 896 : i32
      %dma_wait3A_680 = arith.constant 0 : i32
      %dma_wait3A_681 = tpu.memref_slice %arg10[%dma_wait3A_679, %dma_wait3A_680] : memref<1024x16xf32, #tpu.memory_space<vmem>> -> memref<128x16xf32, #tpu.memory_space<vmem>>
      %dma_wait3A_682 = arith.constant 0 : i32
      %dma_wait3A_683 = tpu.memref_slice %arg8[%add3A_606, %dma_wait3A_682] : memref<80x128xi32, #tpu.memory_space<vmem>> -> memref<1x128xi32, #tpu.memory_space<vmem>>
      %dma_wait3A_684 = tpu.memref_squeeze %dma_wait3A_683 : memref<1x128xi32, #tpu.memory_space<vmem>> -> memref<128xi32, #tpu.memory_space<vmem>>
      %dma_wait3A_685 = arith.constant 0 : i32
      %dma_wait3A_686 = arith.constant 0 : i32
      %dma_wait3A_687 = tpu.memref_slice %arg12[%dma_wait3A_685, %dma_wait3A_686] : memref<10240x16xf32, #tpu.memory_space<vmem_shared>> -> memref<10240x16xf32, #tpu.memory_space<vmem_shared>>
      tpu.wait_indirect_dma semaphore(%arg15 : memref<!tpu.dma_semaphore, #tpu.memory_space<semaphore_mem>>) src(%dma_wait3A_681 : memref<128x16xf32, #tpu.memory_space<vmem>>) dst(%dma_wait3A_687 : memref<10240x16xf32, #tpu.memory_space<vmem_shared>>)
    }
    %scan3A_92 = arith.constant 5 : i32
    %barrier3A_93 = arith.constant 0 : index
    tpu.barrier barrier_id(%barrier3A_93)
    %mul3A_94 = arith.constant 640 : i32
    %mul3A_95 = arith.muli %arg1, %mul3A_94 : i32
    "tpu.region"() ({
      %run_scoped3A = tpu.sem_alloc : memref<!tpu.dma_semaphore, #tpu.memory_space<semaphore_mem>>
      %dma_start3A_101 = arith.constant 0 : i32
      %dma_start3A_102 = tpu.memref_slice %arg12[%mul3A_95, %dma_start3A_101] : memref<10240x16xf32, #tpu.memory_space<vmem_shared>> -> memref<640x16xf32, #tpu.memory_space<vmem_shared>>
      %dma_start3A_103 = arith.constant 0 : i32
      %dma_start3A_104 = tpu.memref_slice %arg12[%mul3A_95, %dma_start3A_103] : memref<10240x16xf32, #tpu.memory_space<vmem_shared>> -> memref<640x16xf32, #tpu.memory_space<vmem_shared>>
      tpu.enqueue_dma source(%dma_start3A_104 : memref<640x16xf32, #tpu.memory_space<vmem_shared>>) target(%arg11 : memref<640x16xf32, #tpu.memory_space<vmem>>) target_semaphore(%run_scoped3A : memref<!tpu.dma_semaphore, #tpu.memory_space<semaphore_mem>>)
      %dma_wait3A = arith.constant 0 : i32
      %dma_wait3A_105 = tpu.memref_slice %arg12[%mul3A_95, %dma_wait3A] : memref<10240x16xf32, #tpu.memory_space<vmem_shared>> -> memref<640x16xf32, #tpu.memory_space<vmem_shared>>
      %dma_wait3A_106 = arith.constant 0 : i32
      %dma_wait3A_107 = tpu.memref_slice %arg12[%mul3A_95, %dma_wait3A_106] : memref<10240x16xf32, #tpu.memory_space<vmem_shared>> -> memref<640x16xf32, #tpu.memory_space<vmem_shared>>
      tpu.wait_dma2 semaphore(%run_scoped3A : memref<!tpu.dma_semaphore, #tpu.memory_space<semaphore_mem>>) src(%dma_wait3A_107 : memref<640x16xf32, #tpu.memory_space<vmem_shared>>) dst(%arg11 : memref<640x16xf32, #tpu.memory_space<vmem>>)
      tpu.yield
    }) : () -> ()
    %mul3A_96 = arith.constant 10240 : i32
    %mul3A_97 = arith.muli %arg0, %mul3A_96 : i32
    %mul3A_98 = arith.constant 640 : i32
    %mul3A_99 = arith.muli %arg1, %mul3A_98 : i32
    %add3A_100 = arith.addi %mul3A_97, %mul3A_99 : i32
    "tpu.region"() ({
      %run_scoped3A = tpu.sem_alloc : memref<!tpu.dma_semaphore, #tpu.memory_space<semaphore_mem>>
      %dma_start3A_101 = arith.constant 0 : i32
      %dma_start3A_102 = tpu.memref_slice %arg6[%add3A_100, %dma_start3A_101] : memref<20480x16xf32, #tpu.memory_space<hbm>> -> memref<640x16xf32, #tpu.memory_space<hbm>>
      %dma_start3A_103 = arith.constant 0 : i32
      %dma_start3A_104 = tpu.memref_slice %arg6[%add3A_100, %dma_start3A_103] : memref<20480x16xf32, #tpu.memory_space<hbm>> -> memref<640x16xf32, #tpu.memory_space<hbm>>
      tpu.enqueue_dma source(%arg11 : memref<640x16xf32, #tpu.memory_space<vmem>>) target(%dma_start3A_104 : memref<640x16xf32, #tpu.memory_space<hbm>>) target_semaphore(%run_scoped3A : memref<!tpu.dma_semaphore, #tpu.memory_space<semaphore_mem>>)
      %dma_wait3A = arith.constant 0 : i32
      %dma_wait3A_105 = tpu.memref_slice %arg6[%add3A_100, %dma_wait3A] : memref<20480x16xf32, #tpu.memory_space<hbm>> -> memref<640x16xf32, #tpu.memory_space<hbm>>
      %dma_wait3A_106 = arith.constant 0 : i32
      %dma_wait3A_107 = tpu.memref_slice %arg6[%add3A_100, %dma_wait3A_106] : memref<20480x16xf32, #tpu.memory_space<hbm>> -> memref<640x16xf32, #tpu.memory_space<hbm>>
      tpu.wait_dma2 semaphore(%run_scoped3A : memref<!tpu.dma_semaphore, #tpu.memory_space<semaphore_mem>>) src(%arg11 : memref<640x16xf32, #tpu.memory_space<vmem>>) dst(%dma_wait3A_107 : memref<640x16xf32, #tpu.memory_space<hbm>>)
      tpu.yield
    }) : () -> ()
    return
  }
}

#map = affine_map<(d0, d1) -> (0, 0, 0)>
#map1 = affine_map<(d0, d1) -> (0, 0)>
#map2 = affine_map<(d0, d1) -> (0)>
module attributes {stable_mosaic.version = 14 : i64} {
  func.func @deg(%arg0: i32, %arg1: i32, %arg2: memref<2500x2x128xi32, #tpu.memory_space<hbm>>, %arg3: memref<60x128xi32, #tpu.memory_space<hbm>>, %arg4: memref<128xf32, #tpu.memory_space<hbm>>, %arg5: memref<640xf32, #tpu.memory_space<hbm>>, %arg6: memref<20480xf32, #tpu.memory_space<hbm>>, %arg7: memref<80x128xi32, #tpu.memory_space<vmem>>, %arg8: memref<128xf32, #tpu.memory_space<vmem>>, %arg9: memref<640xf32, #tpu.memory_space<vmem>>, %arg10: memref<10240xf32, #tpu.memory_space<vmem_shared>>, %arg11: memref<!tpu.dma_semaphore, #tpu.memory_space<semaphore_mem>>) attributes {dimension_semantics = [#tpu.dimension_semantics<core_parallel>, #tpu.dimension_semantics<subcore_parallel>], iteration_bounds = array<i64: 2, 16>, scalar_prefetch = 0 : i64, scratch_operands = 5 : i64, tpu.core_type = #tpu.core_type<sc_vector_subcore>, window_params = [{transform_indices = #map}, {transform_indices = #map1}, {transform_indices = #map2}, {transform_indices = #map2}, {transform_indices = #map2}]} {
    %mul3A = arith.constant 16 : i32
    %mul3A_0 = arith.muli %arg0, %mul3A : i32
    %add3A = arith.addi %mul3A_0, %arg1 : i32
    "tpu.region"() ({
      %run_scoped3A = tpu.sem_alloc : memref<!tpu.dma_semaphore, #tpu.memory_space<semaphore_mem>>
      tpu.enqueue_dma source(%arg5 : memref<640xf32, #tpu.memory_space<hbm>>) target(%arg9 : memref<640xf32, #tpu.memory_space<vmem>>) target_semaphore(%run_scoped3A : memref<!tpu.dma_semaphore, #tpu.memory_space<semaphore_mem>>)
      tpu.wait_dma2 semaphore(%run_scoped3A : memref<!tpu.dma_semaphore, #tpu.memory_space<semaphore_mem>>) src(%arg5 : memref<640xf32, #tpu.memory_space<hbm>>) dst(%arg9 : memref<640xf32, #tpu.memory_space<vmem>>)
      tpu.yield
    }) : () -> ()
    %mul3A_1 = arith.constant 640 : i32
    %mul3A_2 = arith.muli %arg1, %mul3A_1 : i32
    "tpu.region"() ({
      %run_scoped3A = tpu.sem_alloc : memref<!tpu.dma_semaphore, #tpu.memory_space<semaphore_mem>>
      %dma_start3A = tpu.memref_slice %arg10[%mul3A_2] : memref<10240xf32, #tpu.memory_space<vmem_shared>> -> memref<640xf32, #tpu.memory_space<vmem_shared>>
      %dma_start3A_28 = tpu.memref_slice %arg10[%mul3A_2] : memref<10240xf32, #tpu.memory_space<vmem_shared>> -> memref<640xf32, #tpu.memory_space<vmem_shared>>
      tpu.enqueue_dma source(%arg9 : memref<640xf32, #tpu.memory_space<vmem>>) target(%dma_start3A_28 : memref<640xf32, #tpu.memory_space<vmem_shared>>) target_semaphore(%run_scoped3A : memref<!tpu.dma_semaphore, #tpu.memory_space<semaphore_mem>>)
      %dma_wait3A = tpu.memref_slice %arg10[%mul3A_2] : memref<10240xf32, #tpu.memory_space<vmem_shared>> -> memref<640xf32, #tpu.memory_space<vmem_shared>>
      %dma_wait3A_29 = tpu.memref_slice %arg10[%mul3A_2] : memref<10240xf32, #tpu.memory_space<vmem_shared>> -> memref<640xf32, #tpu.memory_space<vmem_shared>>
      tpu.wait_dma2 semaphore(%run_scoped3A : memref<!tpu.dma_semaphore, #tpu.memory_space<semaphore_mem>>) src(%arg9 : memref<640xf32, #tpu.memory_space<vmem>>) dst(%dma_wait3A_29 : memref<640xf32, #tpu.memory_space<vmem_shared>>)
      tpu.yield
    }) : () -> ()
    %barrier3A = arith.constant 0 : index
    tpu.barrier barrier_id(%barrier3A)
    "tpu.region"() ({
      %run_scoped3A = tpu.sem_alloc : memref<!tpu.dma_semaphore, #tpu.memory_space<semaphore_mem>>
      tpu.enqueue_dma source(%arg4 : memref<128xf32, #tpu.memory_space<hbm>>) target(%arg8 : memref<128xf32, #tpu.memory_space<vmem>>) target_semaphore(%run_scoped3A : memref<!tpu.dma_semaphore, #tpu.memory_space<semaphore_mem>>)
      tpu.wait_dma2 semaphore(%run_scoped3A : memref<!tpu.dma_semaphore, #tpu.memory_space<semaphore_mem>>) src(%arg4 : memref<128xf32, #tpu.memory_space<hbm>>) dst(%arg8 : memref<128xf32, #tpu.memory_space<vmem>>)
      tpu.yield
    }) : () -> ()
    %lt3A = arith.constant 31 : i32
    %lt3A_3 = arith.cmpi slt, %add3A, %lt3A : i32
    %convert_element_type3A = arith.extui %lt3A_3 : i1 to i32
    %cond3A = arith.constant 0 : i32
    %cond3A_4 = arith.cmpi ne, %convert_element_type3A, %cond3A : i32
    scf.if %cond3A_4 {
      %mul3A_28 = arith.constant 80 : i32
      %mul3A_29 = arith.muli %add3A, %mul3A_28 : i32
      %run_scoped3A = arith.constant 1 : i32
      "tpu.region"() ({
        %run_scoped3A_30 = tpu.sem_alloc : memref<!tpu.dma_semaphore, #tpu.memory_space<semaphore_mem>>
        %dma_start3A = arith.constant 0 : i32
        %dma_start3A_31 = tpu.memref_slice %arg2[%mul3A_29, %run_scoped3A, %dma_start3A] : memref<2500x2x128xi32, #tpu.memory_space<hbm>> -> memref<80x1x128xi32, #tpu.memory_space<hbm>>
        %dma_start3A_32 = tpu.memref_squeeze %dma_start3A_31 : memref<80x1x128xi32, #tpu.memory_space<hbm>> -> memref<80x128xi32, #tpu.memory_space<hbm>>
        %dma_start3A_33 = arith.constant 0 : i32
        %dma_start3A_34 = tpu.memref_slice %arg2[%mul3A_29, %run_scoped3A, %dma_start3A_33] : memref<2500x2x128xi32, #tpu.memory_space<hbm>> -> memref<80x1x128xi32, #tpu.memory_space<hbm>>
        %dma_start3A_35 = tpu.memref_squeeze %dma_start3A_34 : memref<80x1x128xi32, #tpu.memory_space<hbm>> -> memref<80x128xi32, #tpu.memory_space<hbm>>
        tpu.enqueue_dma source(%dma_start3A_35 : memref<80x128xi32, #tpu.memory_space<hbm>>) target(%arg7 : memref<80x128xi32, #tpu.memory_space<vmem>>) target_semaphore(%run_scoped3A_30 : memref<!tpu.dma_semaphore, #tpu.memory_space<semaphore_mem>>)
        %dma_wait3A = arith.constant 0 : i32
        %dma_wait3A_36 = tpu.memref_slice %arg2[%mul3A_29, %run_scoped3A, %dma_wait3A] : memref<2500x2x128xi32, #tpu.memory_space<hbm>> -> memref<80x1x128xi32, #tpu.memory_space<hbm>>
        %dma_wait3A_37 = tpu.memref_squeeze %dma_wait3A_36 : memref<80x1x128xi32, #tpu.memory_space<hbm>> -> memref<80x128xi32, #tpu.memory_space<hbm>>
        %dma_wait3A_38 = arith.constant 0 : i32
        %dma_wait3A_39 = tpu.memref_slice %arg2[%mul3A_29, %run_scoped3A, %dma_wait3A_38] : memref<2500x2x128xi32, #tpu.memory_space<hbm>> -> memref<80x1x128xi32, #tpu.memory_space<hbm>>
        %dma_wait3A_40 = tpu.memref_squeeze %dma_wait3A_39 : memref<80x1x128xi32, #tpu.memory_space<hbm>> -> memref<80x128xi32, #tpu.memory_space<hbm>>
        tpu.wait_dma2 semaphore(%run_scoped3A_30 : memref<!tpu.dma_semaphore, #tpu.memory_space<semaphore_mem>>) src(%dma_wait3A_40 : memref<80x128xi32, #tpu.memory_space<hbm>>) dst(%arg7 : memref<80x128xi32, #tpu.memory_space<vmem>>)
        tpu.yield
      }) : () -> ()
    } else {
    }
    %eq3A = arith.constant 31 : i32
    %eq3A_5 = arith.cmpi eq, %add3A, %eq3A : i32
    %convert_element_type3A_6 = arith.extui %eq3A_5 : i1 to i32
    %cond3A_7 = arith.constant 0 : i32
    %cond3A_8 = arith.cmpi ne, %convert_element_type3A_6, %cond3A_7 : i32
    scf.if %cond3A_8 {
      %run_scoped3A = arith.constant 1 : i32
      "tpu.region"() ({
        %run_scoped3A_28 = tpu.sem_alloc : memref<!tpu.dma_semaphore, #tpu.memory_space<semaphore_mem>>
        %dma_start3A = arith.constant 0 : i32
        %dma_start3A_29 = arith.constant 0 : i32
        %dma_start3A_30 = tpu.memref_slice %arg7[%dma_start3A, %dma_start3A_29] : memref<80x128xi32, #tpu.memory_space<vmem>> -> memref<20x128xi32, #tpu.memory_space<vmem>>
        %dma_start3A_31 = arith.constant 2480 : i32
        %dma_start3A_32 = arith.constant 0 : i32
        %dma_start3A_33 = tpu.memref_slice %arg2[%dma_start3A_31, %run_scoped3A, %dma_start3A_32] : memref<2500x2x128xi32, #tpu.memory_space<hbm>> -> memref<20x1x128xi32, #tpu.memory_space<hbm>>
        %dma_start3A_34 = tpu.memref_squeeze %dma_start3A_33 : memref<20x1x128xi32, #tpu.memory_space<hbm>> -> memref<20x128xi32, #tpu.memory_space<hbm>>
        %dma_start3A_35 = arith.constant 0 : i32
        %dma_start3A_36 = arith.constant 0 : i32
        %dma_start3A_37 = tpu.memref_slice %arg7[%dma_start3A_35, %dma_start3A_36] : memref<80x128xi32, #tpu.memory_space<vmem>> -> memref<20x128xi32, #tpu.memory_space<vmem>>
        %dma_start3A_38 = arith.constant 2480 : i32
        %dma_start3A_39 = arith.constant 0 : i32
        %dma_start3A_40 = tpu.memref_slice %arg2[%dma_start3A_38, %run_scoped3A, %dma_start3A_39] : memref<2500x2x128xi32, #tpu.memory_space<hbm>> -> memref<20x1x128xi32, #tpu.memory_space<hbm>>
        %dma_start3A_41 = tpu.memref_squeeze %dma_start3A_40 : memref<20x1x128xi32, #tpu.memory_space<hbm>> -> memref<20x128xi32, #tpu.memory_space<hbm>>
        tpu.enqueue_dma source(%dma_start3A_41 : memref<20x128xi32, #tpu.memory_space<hbm>>) target(%dma_start3A_37 : memref<20x128xi32, #tpu.memory_space<vmem>>) target_semaphore(%run_scoped3A_28 : memref<!tpu.dma_semaphore, #tpu.memory_space<semaphore_mem>>)
        %dma_wait3A = arith.constant 0 : i32
        %dma_wait3A_42 = arith.constant 0 : i32
        %dma_wait3A_43 = tpu.memref_slice %arg7[%dma_wait3A, %dma_wait3A_42] : memref<80x128xi32, #tpu.memory_space<vmem>> -> memref<20x128xi32, #tpu.memory_space<vmem>>
        %dma_wait3A_44 = arith.constant 2480 : i32
        %dma_wait3A_45 = arith.constant 0 : i32
        %dma_wait3A_46 = tpu.memref_slice %arg2[%dma_wait3A_44, %run_scoped3A, %dma_wait3A_45] : memref<2500x2x128xi32, #tpu.memory_space<hbm>> -> memref<20x1x128xi32, #tpu.memory_space<hbm>>
        %dma_wait3A_47 = tpu.memref_squeeze %dma_wait3A_46 : memref<20x1x128xi32, #tpu.memory_space<hbm>> -> memref<20x128xi32, #tpu.memory_space<hbm>>
        %dma_wait3A_48 = arith.constant 0 : i32
        %dma_wait3A_49 = arith.constant 0 : i32
        %dma_wait3A_50 = tpu.memref_slice %arg7[%dma_wait3A_48, %dma_wait3A_49] : memref<80x128xi32, #tpu.memory_space<vmem>> -> memref<20x128xi32, #tpu.memory_space<vmem>>
        %dma_wait3A_51 = arith.constant 2480 : i32
        %dma_wait3A_52 = arith.constant 0 : i32
        %dma_wait3A_53 = tpu.memref_slice %arg2[%dma_wait3A_51, %run_scoped3A, %dma_wait3A_52] : memref<2500x2x128xi32, #tpu.memory_space<hbm>> -> memref<20x1x128xi32, #tpu.memory_space<hbm>>
        %dma_wait3A_54 = tpu.memref_squeeze %dma_wait3A_53 : memref<20x1x128xi32, #tpu.memory_space<hbm>> -> memref<20x128xi32, #tpu.memory_space<hbm>>
        tpu.wait_dma2 semaphore(%run_scoped3A_28 : memref<!tpu.dma_semaphore, #tpu.memory_space<semaphore_mem>>) src(%dma_wait3A_54 : memref<20x128xi32, #tpu.memory_space<hbm>>) dst(%dma_wait3A_50 : memref<20x128xi32, #tpu.memory_space<vmem>>)
        tpu.yield
      }) : () -> ()
      "tpu.region"() ({
        %run_scoped3A_28 = tpu.sem_alloc : memref<!tpu.dma_semaphore, #tpu.memory_space<semaphore_mem>>
        %dma_start3A = arith.constant 20 : i32
        %dma_start3A_29 = arith.constant 0 : i32
        %dma_start3A_30 = tpu.memref_slice %arg7[%dma_start3A, %dma_start3A_29] : memref<80x128xi32, #tpu.memory_space<vmem>> -> memref<60x128xi32, #tpu.memory_space<vmem>>
        %dma_start3A_31 = arith.constant 20 : i32
        %dma_start3A_32 = arith.constant 0 : i32
        %dma_start3A_33 = tpu.memref_slice %arg7[%dma_start3A_31, %dma_start3A_32] : memref<80x128xi32, #tpu.memory_space<vmem>> -> memref<60x128xi32, #tpu.memory_space<vmem>>
        tpu.enqueue_dma source(%arg3 : memref<60x128xi32, #tpu.memory_space<hbm>>) target(%dma_start3A_33 : memref<60x128xi32, #tpu.memory_space<vmem>>) target_semaphore(%run_scoped3A_28 : memref<!tpu.dma_semaphore, #tpu.memory_space<semaphore_mem>>)
        %dma_wait3A = arith.constant 20 : i32
        %dma_wait3A_34 = arith.constant 0 : i32
        %dma_wait3A_35 = tpu.memref_slice %arg7[%dma_wait3A, %dma_wait3A_34] : memref<80x128xi32, #tpu.memory_space<vmem>> -> memref<60x128xi32, #tpu.memory_space<vmem>>
        %dma_wait3A_36 = arith.constant 20 : i32
        %dma_wait3A_37 = arith.constant 0 : i32
        %dma_wait3A_38 = tpu.memref_slice %arg7[%dma_wait3A_36, %dma_wait3A_37] : memref<80x128xi32, #tpu.memory_space<vmem>> -> memref<60x128xi32, #tpu.memory_space<vmem>>
        tpu.wait_dma2 semaphore(%run_scoped3A_28 : memref<!tpu.dma_semaphore, #tpu.memory_space<semaphore_mem>>) src(%arg3 : memref<60x128xi32, #tpu.memory_space<hbm>>) dst(%dma_wait3A_38 : memref<60x128xi32, #tpu.memory_space<vmem>>)
        tpu.yield
      }) : () -> ()
    } else {
    }
    %scan3A = arith.constant 0 : i32
    %scan3A_9 = arith.constant 0 : i32
    %scan3A_10 = arith.constant 10 : i32
    %scan3A_11 = arith.addi %scan3A_9, %scan3A_10 : i32
    %scan3A_12 = arith.constant 1 : i32
    scf.for %scan3A_28 = %scan3A_9 to %scan3A_11 step %scan3A_12  : i32 {
      %mul3A_29 = arith.constant 8 : i32
      %mul3A_30 = arith.muli %scan3A_28, %mul3A_29 : i32
      %add3A_31 = arith.constant 0 : i32
      %add3A_32 = arith.addi %mul3A_30, %add3A_31 : i32
      %dma_start3A = arith.constant 0 : i32
      %dma_start3A_33 = tpu.memref_slice %arg7[%add3A_32, %dma_start3A] : memref<80x128xi32, #tpu.memory_space<vmem>> -> memref<1x128xi32, #tpu.memory_space<vmem>>
      %dma_start3A_34 = tpu.memref_squeeze %dma_start3A_33 : memref<1x128xi32, #tpu.memory_space<vmem>> -> memref<128xi32, #tpu.memory_space<vmem>>
      %dma_start3A_35 = arith.constant 0 : i32
      %dma_start3A_36 = tpu.memref_slice %arg10[%dma_start3A_35] : memref<10240xf32, #tpu.memory_space<vmem_shared>> -> memref<10240xf32, #tpu.memory_space<vmem_shared>>
      tpu.enqueue_indirect_dma source(%arg8 : memref<128xf32, #tpu.memory_space<vmem>>) target(%dma_start3A_36 : memref<10240xf32, #tpu.memory_space<vmem_shared>>) offsets(%dma_start3A_34 : memref<128xi32, #tpu.memory_space<vmem>>) semaphore(%arg11 : memref<!tpu.dma_semaphore, #tpu.memory_space<semaphore_mem>>) {add = true}
      %add3A_37 = arith.constant 1 : i32
      %add3A_38 = arith.addi %mul3A_30, %add3A_37 : i32
      %dma_start3A_39 = arith.constant 0 : i32
      %dma_start3A_40 = tpu.memref_slice %arg7[%add3A_38, %dma_start3A_39] : memref<80x128xi32, #tpu.memory_space<vmem>> -> memref<1x128xi32, #tpu.memory_space<vmem>>
      %dma_start3A_41 = tpu.memref_squeeze %dma_start3A_40 : memref<1x128xi32, #tpu.memory_space<vmem>> -> memref<128xi32, #tpu.memory_space<vmem>>
      %dma_start3A_42 = arith.constant 0 : i32
      %dma_start3A_43 = tpu.memref_slice %arg10[%dma_start3A_42] : memref<10240xf32, #tpu.memory_space<vmem_shared>> -> memref<10240xf32, #tpu.memory_space<vmem_shared>>
      tpu.enqueue_indirect_dma source(%arg8 : memref<128xf32, #tpu.memory_space<vmem>>) target(%dma_start3A_43 : memref<10240xf32, #tpu.memory_space<vmem_shared>>) offsets(%dma_start3A_41 : memref<128xi32, #tpu.memory_space<vmem>>) semaphore(%arg11 : memref<!tpu.dma_semaphore, #tpu.memory_space<semaphore_mem>>) {add = true}
      %add3A_44 = arith.constant 2 : i32
      %add3A_45 = arith.addi %mul3A_30, %add3A_44 : i32
      %dma_start3A_46 = arith.constant 0 : i32
      %dma_start3A_47 = tpu.memref_slice %arg7[%add3A_45, %dma_start3A_46] : memref<80x128xi32, #tpu.memory_space<vmem>> -> memref<1x128xi32, #tpu.memory_space<vmem>>
      %dma_start3A_48 = tpu.memref_squeeze %dma_start3A_47 : memref<1x128xi32, #tpu.memory_space<vmem>> -> memref<128xi32, #tpu.memory_space<vmem>>
      %dma_start3A_49 = arith.constant 0 : i32
      %dma_start3A_50 = tpu.memref_slice %arg10[%dma_start3A_49] : memref<10240xf32, #tpu.memory_space<vmem_shared>> -> memref<10240xf32, #tpu.memory_space<vmem_shared>>
      tpu.enqueue_indirect_dma source(%arg8 : memref<128xf32, #tpu.memory_space<vmem>>) target(%dma_start3A_50 : memref<10240xf32, #tpu.memory_space<vmem_shared>>) offsets(%dma_start3A_48 : memref<128xi32, #tpu.memory_space<vmem>>) semaphore(%arg11 : memref<!tpu.dma_semaphore, #tpu.memory_space<semaphore_mem>>) {add = true}
      %add3A_51 = arith.constant 3 : i32
      %add3A_52 = arith.addi %mul3A_30, %add3A_51 : i32
      %dma_start3A_53 = arith.constant 0 : i32
      %dma_start3A_54 = tpu.memref_slice %arg7[%add3A_52, %dma_start3A_53] : memref<80x128xi32, #tpu.memory_space<vmem>> -> memref<1x128xi32, #tpu.memory_space<vmem>>
      %dma_start3A_55 = tpu.memref_squeeze %dma_start3A_54 : memref<1x128xi32, #tpu.memory_space<vmem>> -> memref<128xi32, #tpu.memory_space<vmem>>
      %dma_start3A_56 = arith.constant 0 : i32
      %dma_start3A_57 = tpu.memref_slice %arg10[%dma_start3A_56] : memref<10240xf32, #tpu.memory_space<vmem_shared>> -> memref<10240xf32, #tpu.memory_space<vmem_shared>>
      tpu.enqueue_indirect_dma source(%arg8 : memref<128xf32, #tpu.memory_space<vmem>>) target(%dma_start3A_57 : memref<10240xf32, #tpu.memory_space<vmem_shared>>) offsets(%dma_start3A_55 : memref<128xi32, #tpu.memory_space<vmem>>) semaphore(%arg11 : memref<!tpu.dma_semaphore, #tpu.memory_space<semaphore_mem>>) {add = true}
      %add3A_58 = arith.constant 4 : i32
      %add3A_59 = arith.addi %mul3A_30, %add3A_58 : i32
      %dma_start3A_60 = arith.constant 0 : i32
      %dma_start3A_61 = tpu.memref_slice %arg7[%add3A_59, %dma_start3A_60] : memref<80x128xi32, #tpu.memory_space<vmem>> -> memref<1x128xi32, #tpu.memory_space<vmem>>
      %dma_start3A_62 = tpu.memref_squeeze %dma_start3A_61 : memref<1x128xi32, #tpu.memory_space<vmem>> -> memref<128xi32, #tpu.memory_space<vmem>>
      %dma_start3A_63 = arith.constant 0 : i32
      %dma_start3A_64 = tpu.memref_slice %arg10[%dma_start3A_63] : memref<10240xf32, #tpu.memory_space<vmem_shared>> -> memref<10240xf32, #tpu.memory_space<vmem_shared>>
      tpu.enqueue_indirect_dma source(%arg8 : memref<128xf32, #tpu.memory_space<vmem>>) target(%dma_start3A_64 : memref<10240xf32, #tpu.memory_space<vmem_shared>>) offsets(%dma_start3A_62 : memref<128xi32, #tpu.memory_space<vmem>>) semaphore(%arg11 : memref<!tpu.dma_semaphore, #tpu.memory_space<semaphore_mem>>) {add = true}
      %add3A_65 = arith.constant 5 : i32
      %add3A_66 = arith.addi %mul3A_30, %add3A_65 : i32
      %dma_start3A_67 = arith.constant 0 : i32
      %dma_start3A_68 = tpu.memref_slice %arg7[%add3A_66, %dma_start3A_67] : memref<80x128xi32, #tpu.memory_space<vmem>> -> memref<1x128xi32, #tpu.memory_space<vmem>>
      %dma_start3A_69 = tpu.memref_squeeze %dma_start3A_68 : memref<1x128xi32, #tpu.memory_space<vmem>> -> memref<128xi32, #tpu.memory_space<vmem>>
      %dma_start3A_70 = arith.constant 0 : i32
      %dma_start3A_71 = tpu.memref_slice %arg10[%dma_start3A_70] : memref<10240xf32, #tpu.memory_space<vmem_shared>> -> memref<10240xf32, #tpu.memory_space<vmem_shared>>
      tpu.enqueue_indirect_dma source(%arg8 : memref<128xf32, #tpu.memory_space<vmem>>) target(%dma_start3A_71 : memref<10240xf32, #tpu.memory_space<vmem_shared>>) offsets(%dma_start3A_69 : memref<128xi32, #tpu.memory_space<vmem>>) semaphore(%arg11 : memref<!tpu.dma_semaphore, #tpu.memory_space<semaphore_mem>>) {add = true}
      %add3A_72 = arith.constant 6 : i32
      %add3A_73 = arith.addi %mul3A_30, %add3A_72 : i32
      %dma_start3A_74 = arith.constant 0 : i32
      %dma_start3A_75 = tpu.memref_slice %arg7[%add3A_73, %dma_start3A_74] : memref<80x128xi32, #tpu.memory_space<vmem>> -> memref<1x128xi32, #tpu.memory_space<vmem>>
      %dma_start3A_76 = tpu.memref_squeeze %dma_start3A_75 : memref<1x128xi32, #tpu.memory_space<vmem>> -> memref<128xi32, #tpu.memory_space<vmem>>
      %dma_start3A_77 = arith.constant 0 : i32
      %dma_start3A_78 = tpu.memref_slice %arg10[%dma_start3A_77] : memref<10240xf32, #tpu.memory_space<vmem_shared>> -> memref<10240xf32, #tpu.memory_space<vmem_shared>>
      tpu.enqueue_indirect_dma source(%arg8 : memref<128xf32, #tpu.memory_space<vmem>>) target(%dma_start3A_78 : memref<10240xf32, #tpu.memory_space<vmem_shared>>) offsets(%dma_start3A_76 : memref<128xi32, #tpu.memory_space<vmem>>) semaphore(%arg11 : memref<!tpu.dma_semaphore, #tpu.memory_space<semaphore_mem>>) {add = true}
      %add3A_79 = arith.constant 7 : i32
      %add3A_80 = arith.addi %mul3A_30, %add3A_79 : i32
      %dma_start3A_81 = arith.constant 0 : i32
      %dma_start3A_82 = tpu.memref_slice %arg7[%add3A_80, %dma_start3A_81] : memref<80x128xi32, #tpu.memory_space<vmem>> -> memref<1x128xi32, #tpu.memory_space<vmem>>
      %dma_start3A_83 = tpu.memref_squeeze %dma_start3A_82 : memref<1x128xi32, #tpu.memory_space<vmem>> -> memref<128xi32, #tpu.memory_space<vmem>>
      %dma_start3A_84 = arith.constant 0 : i32
      %dma_start3A_85 = tpu.memref_slice %arg10[%dma_start3A_84] : memref<10240xf32, #tpu.memory_space<vmem_shared>> -> memref<10240xf32, #tpu.memory_space<vmem_shared>>
      tpu.enqueue_indirect_dma source(%arg8 : memref<128xf32, #tpu.memory_space<vmem>>) target(%dma_start3A_85 : memref<10240xf32, #tpu.memory_space<vmem_shared>>) offsets(%dma_start3A_83 : memref<128xi32, #tpu.memory_space<vmem>>) semaphore(%arg11 : memref<!tpu.dma_semaphore, #tpu.memory_space<semaphore_mem>>) {add = true}
    }
    %scan3A_13 = arith.constant 10 : i32
    %scan3A_14 = arith.constant 0 : i32
    %scan3A_15 = arith.constant 0 : i32
    %scan3A_16 = arith.constant 10 : i32
    %scan3A_17 = arith.addi %scan3A_15, %scan3A_16 : i32
    %scan3A_18 = arith.constant 1 : i32
    scf.for %scan3A_28 = %scan3A_15 to %scan3A_17 step %scan3A_18  : i32 {
      %mul3A_29 = arith.constant 8 : i32
      %mul3A_30 = arith.muli %scan3A_28, %mul3A_29 : i32
      %add3A_31 = arith.constant 0 : i32
      %add3A_32 = arith.addi %mul3A_30, %add3A_31 : i32
      %dma_wait3A = arith.constant 0 : i32
      %dma_wait3A_33 = tpu.memref_slice %arg7[%add3A_32, %dma_wait3A] : memref<80x128xi32, #tpu.memory_space<vmem>> -> memref<1x128xi32, #tpu.memory_space<vmem>>
      %dma_wait3A_34 = tpu.memref_squeeze %dma_wait3A_33 : memref<1x128xi32, #tpu.memory_space<vmem>> -> memref<128xi32, #tpu.memory_space<vmem>>
      %dma_wait3A_35 = arith.constant 0 : i32
      %dma_wait3A_36 = tpu.memref_slice %arg10[%dma_wait3A_35] : memref<10240xf32, #tpu.memory_space<vmem_shared>> -> memref<10240xf32, #tpu.memory_space<vmem_shared>>
      tpu.wait_indirect_dma semaphore(%arg11 : memref<!tpu.dma_semaphore, #tpu.memory_space<semaphore_mem>>) src(%arg8 : memref<128xf32, #tpu.memory_space<vmem>>) dst(%dma_wait3A_36 : memref<10240xf32, #tpu.memory_space<vmem_shared>>)
      %add3A_37 = arith.constant 1 : i32
      %add3A_38 = arith.addi %mul3A_30, %add3A_37 : i32
      %dma_wait3A_39 = arith.constant 0 : i32
      %dma_wait3A_40 = tpu.memref_slice %arg7[%add3A_38, %dma_wait3A_39] : memref<80x128xi32, #tpu.memory_space<vmem>> -> memref<1x128xi32, #tpu.memory_space<vmem>>
      %dma_wait3A_41 = tpu.memref_squeeze %dma_wait3A_40 : memref<1x128xi32, #tpu.memory_space<vmem>> -> memref<128xi32, #tpu.memory_space<vmem>>
      %dma_wait3A_42 = arith.constant 0 : i32
      %dma_wait3A_43 = tpu.memref_slice %arg10[%dma_wait3A_42] : memref<10240xf32, #tpu.memory_space<vmem_shared>> -> memref<10240xf32, #tpu.memory_space<vmem_shared>>
      tpu.wait_indirect_dma semaphore(%arg11 : memref<!tpu.dma_semaphore, #tpu.memory_space<semaphore_mem>>) src(%arg8 : memref<128xf32, #tpu.memory_space<vmem>>) dst(%dma_wait3A_43 : memref<10240xf32, #tpu.memory_space<vmem_shared>>)
      %add3A_44 = arith.constant 2 : i32
      %add3A_45 = arith.addi %mul3A_30, %add3A_44 : i32
      %dma_wait3A_46 = arith.constant 0 : i32
      %dma_wait3A_47 = tpu.memref_slice %arg7[%add3A_45, %dma_wait3A_46] : memref<80x128xi32, #tpu.memory_space<vmem>> -> memref<1x128xi32, #tpu.memory_space<vmem>>
      %dma_wait3A_48 = tpu.memref_squeeze %dma_wait3A_47 : memref<1x128xi32, #tpu.memory_space<vmem>> -> memref<128xi32, #tpu.memory_space<vmem>>
      %dma_wait3A_49 = arith.constant 0 : i32
      %dma_wait3A_50 = tpu.memref_slice %arg10[%dma_wait3A_49] : memref<10240xf32, #tpu.memory_space<vmem_shared>> -> memref<10240xf32, #tpu.memory_space<vmem_shared>>
      tpu.wait_indirect_dma semaphore(%arg11 : memref<!tpu.dma_semaphore, #tpu.memory_space<semaphore_mem>>) src(%arg8 : memref<128xf32, #tpu.memory_space<vmem>>) dst(%dma_wait3A_50 : memref<10240xf32, #tpu.memory_space<vmem_shared>>)
      %add3A_51 = arith.constant 3 : i32
      %add3A_52 = arith.addi %mul3A_30, %add3A_51 : i32
      %dma_wait3A_53 = arith.constant 0 : i32
      %dma_wait3A_54 = tpu.memref_slice %arg7[%add3A_52, %dma_wait3A_53] : memref<80x128xi32, #tpu.memory_space<vmem>> -> memref<1x128xi32, #tpu.memory_space<vmem>>
      %dma_wait3A_55 = tpu.memref_squeeze %dma_wait3A_54 : memref<1x128xi32, #tpu.memory_space<vmem>> -> memref<128xi32, #tpu.memory_space<vmem>>
      %dma_wait3A_56 = arith.constant 0 : i32
      %dma_wait3A_57 = tpu.memref_slice %arg10[%dma_wait3A_56] : memref<10240xf32, #tpu.memory_space<vmem_shared>> -> memref<10240xf32, #tpu.memory_space<vmem_shared>>
      tpu.wait_indirect_dma semaphore(%arg11 : memref<!tpu.dma_semaphore, #tpu.memory_space<semaphore_mem>>) src(%arg8 : memref<128xf32, #tpu.memory_space<vmem>>) dst(%dma_wait3A_57 : memref<10240xf32, #tpu.memory_space<vmem_shared>>)
      %add3A_58 = arith.constant 4 : i32
      %add3A_59 = arith.addi %mul3A_30, %add3A_58 : i32
      %dma_wait3A_60 = arith.constant 0 : i32
      %dma_wait3A_61 = tpu.memref_slice %arg7[%add3A_59, %dma_wait3A_60] : memref<80x128xi32, #tpu.memory_space<vmem>> -> memref<1x128xi32, #tpu.memory_space<vmem>>
      %dma_wait3A_62 = tpu.memref_squeeze %dma_wait3A_61 : memref<1x128xi32, #tpu.memory_space<vmem>> -> memref<128xi32, #tpu.memory_space<vmem>>
      %dma_wait3A_63 = arith.constant 0 : i32
      %dma_wait3A_64 = tpu.memref_slice %arg10[%dma_wait3A_63] : memref<10240xf32, #tpu.memory_space<vmem_shared>> -> memref<10240xf32, #tpu.memory_space<vmem_shared>>
      tpu.wait_indirect_dma semaphore(%arg11 : memref<!tpu.dma_semaphore, #tpu.memory_space<semaphore_mem>>) src(%arg8 : memref<128xf32, #tpu.memory_space<vmem>>) dst(%dma_wait3A_64 : memref<10240xf32, #tpu.memory_space<vmem_shared>>)
      %add3A_65 = arith.constant 5 : i32
      %add3A_66 = arith.addi %mul3A_30, %add3A_65 : i32
      %dma_wait3A_67 = arith.constant 0 : i32
      %dma_wait3A_68 = tpu.memref_slice %arg7[%add3A_66, %dma_wait3A_67] : memref<80x128xi32, #tpu.memory_space<vmem>> -> memref<1x128xi32, #tpu.memory_space<vmem>>
      %dma_wait3A_69 = tpu.memref_squeeze %dma_wait3A_68 : memref<1x128xi32, #tpu.memory_space<vmem>> -> memref<128xi32, #tpu.memory_space<vmem>>
      %dma_wait3A_70 = arith.constant 0 : i32
      %dma_wait3A_71 = tpu.memref_slice %arg10[%dma_wait3A_70] : memref<10240xf32, #tpu.memory_space<vmem_shared>> -> memref<10240xf32, #tpu.memory_space<vmem_shared>>
      tpu.wait_indirect_dma semaphore(%arg11 : memref<!tpu.dma_semaphore, #tpu.memory_space<semaphore_mem>>) src(%arg8 : memref<128xf32, #tpu.memory_space<vmem>>) dst(%dma_wait3A_71 : memref<10240xf32, #tpu.memory_space<vmem_shared>>)
      %add3A_72 = arith.constant 6 : i32
      %add3A_73 = arith.addi %mul3A_30, %add3A_72 : i32
      %dma_wait3A_74 = arith.constant 0 : i32
      %dma_wait3A_75 = tpu.memref_slice %arg7[%add3A_73, %dma_wait3A_74] : memref<80x128xi32, #tpu.memory_space<vmem>> -> memref<1x128xi32, #tpu.memory_space<vmem>>
      %dma_wait3A_76 = tpu.memref_squeeze %dma_wait3A_75 : memref<1x128xi32, #tpu.memory_space<vmem>> -> memref<128xi32, #tpu.memory_space<vmem>>
      %dma_wait3A_77 = arith.constant 0 : i32
      %dma_wait3A_78 = tpu.memref_slice %arg10[%dma_wait3A_77] : memref<10240xf32, #tpu.memory_space<vmem_shared>> -> memref<10240xf32, #tpu.memory_space<vmem_shared>>
      tpu.wait_indirect_dma semaphore(%arg11 : memref<!tpu.dma_semaphore, #tpu.memory_space<semaphore_mem>>) src(%arg8 : memref<128xf32, #tpu.memory_space<vmem>>) dst(%dma_wait3A_78 : memref<10240xf32, #tpu.memory_space<vmem_shared>>)
      %add3A_79 = arith.constant 7 : i32
      %add3A_80 = arith.addi %mul3A_30, %add3A_79 : i32
      %dma_wait3A_81 = arith.constant 0 : i32
      %dma_wait3A_82 = tpu.memref_slice %arg7[%add3A_80, %dma_wait3A_81] : memref<80x128xi32, #tpu.memory_space<vmem>> -> memref<1x128xi32, #tpu.memory_space<vmem>>
      %dma_wait3A_83 = tpu.memref_squeeze %dma_wait3A_82 : memref<1x128xi32, #tpu.memory_space<vmem>> -> memref<128xi32, #tpu.memory_space<vmem>>
      %dma_wait3A_84 = arith.constant 0 : i32
      %dma_wait3A_85 = tpu.memref_slice %arg10[%dma_wait3A_84] : memref<10240xf32, #tpu.memory_space<vmem_shared>> -> memref<10240xf32, #tpu.memory_space<vmem_shared>>
      tpu.wait_indirect_dma semaphore(%arg11 : memref<!tpu.dma_semaphore, #tpu.memory_space<semaphore_mem>>) src(%arg8 : memref<128xf32, #tpu.memory_space<vmem>>) dst(%dma_wait3A_85 : memref<10240xf32, #tpu.memory_space<vmem_shared>>)
    }
    %scan3A_19 = arith.constant 10 : i32
    %barrier3A_20 = arith.constant 0 : index
    tpu.barrier barrier_id(%barrier3A_20)
    %mul3A_21 = arith.constant 640 : i32
    %mul3A_22 = arith.muli %arg1, %mul3A_21 : i32
    "tpu.region"() ({
      %run_scoped3A = tpu.sem_alloc : memref<!tpu.dma_semaphore, #tpu.memory_space<semaphore_mem>>
      %dma_start3A = tpu.memref_slice %arg10[%mul3A_22] : memref<10240xf32, #tpu.memory_space<vmem_shared>> -> memref<640xf32, #tpu.memory_space<vmem_shared>>
      %dma_start3A_28 = tpu.memref_slice %arg10[%mul3A_22] : memref<10240xf32, #tpu.memory_space<vmem_shared>> -> memref<640xf32, #tpu.memory_space<vmem_shared>>
      tpu.enqueue_dma source(%dma_start3A_28 : memref<640xf32, #tpu.memory_space<vmem_shared>>) target(%arg9 : memref<640xf32, #tpu.memory_space<vmem>>) target_semaphore(%run_scoped3A : memref<!tpu.dma_semaphore, #tpu.memory_space<semaphore_mem>>)
      %dma_wait3A = tpu.memref_slice %arg10[%mul3A_22] : memref<10240xf32, #tpu.memory_space<vmem_shared>> -> memref<640xf32, #tpu.memory_space<vmem_shared>>
      %dma_wait3A_29 = tpu.memref_slice %arg10[%mul3A_22] : memref<10240xf32, #tpu.memory_space<vmem_shared>> -> memref<640xf32, #tpu.memory_space<vmem_shared>>
      tpu.wait_dma2 semaphore(%run_scoped3A : memref<!tpu.dma_semaphore, #tpu.memory_space<semaphore_mem>>) src(%dma_wait3A_29 : memref<640xf32, #tpu.memory_space<vmem_shared>>) dst(%arg9 : memref<640xf32, #tpu.memory_space<vmem>>)
      tpu.yield
    }) : () -> ()
    %mul3A_23 = arith.constant 10240 : i32
    %mul3A_24 = arith.muli %arg0, %mul3A_23 : i32
    %mul3A_25 = arith.constant 640 : i32
    %mul3A_26 = arith.muli %arg1, %mul3A_25 : i32
    %add3A_27 = arith.addi %mul3A_24, %mul3A_26 : i32
    "tpu.region"() ({
      %run_scoped3A = tpu.sem_alloc : memref<!tpu.dma_semaphore, #tpu.memory_space<semaphore_mem>>
      %dma_start3A = tpu.memref_slice %arg6[%add3A_27] : memref<20480xf32, #tpu.memory_space<hbm>> -> memref<640xf32, #tpu.memory_space<hbm>>
      %dma_start3A_28 = tpu.memref_slice %arg6[%add3A_27] : memref<20480xf32, #tpu.memory_space<hbm>> -> memref<640xf32, #tpu.memory_space<hbm>>
      tpu.enqueue_dma source(%arg9 : memref<640xf32, #tpu.memory_space<vmem>>) target(%dma_start3A_28 : memref<640xf32, #tpu.memory_space<hbm>>) target_semaphore(%run_scoped3A : memref<!tpu.dma_semaphore, #tpu.memory_space<semaphore_mem>>)
      %dma_wait3A = tpu.memref_slice %arg6[%add3A_27] : memref<20480xf32, #tpu.memory_space<hbm>> -> memref<640xf32, #tpu.memory_space<hbm>>
      %dma_wait3A_29 = tpu.memref_slice %arg6[%add3A_27] : memref<20480xf32, #tpu.memory_space<hbm>> -> memref<640xf32, #tpu.memory_space<hbm>>
      tpu.wait_dma2 semaphore(%run_scoped3A : memref<!tpu.dma_semaphore, #tpu.memory_space<semaphore_mem>>) src(%arg9 : memref<640xf32, #tpu.memory_space<vmem>>) dst(%dma_wait3A_29 : memref<640xf32, #tpu.memory_space<hbm>>)
      tpu.yield
    }) : () -> ()
    return
  }
}

#map = affine_map<(d0, d1) -> (0, 0)>
#map1 = affine_map<(d0, d1) -> (0, 0, 0)>
module attributes {stable_mosaic.version = 14 : i64} {
  func.func @agg(%arg0: i32, %arg1: i32, %arg2: memref<10240x16xf32, #tpu.memory_space<hbm>>, %arg3: memref<2500x2x128xi32, #tpu.memory_space<hbm>>, %arg4: memref<60x128xi32, #tpu.memory_space<hbm>>, %arg5: memref<640x16xf32, #tpu.memory_space<hbm>>, %arg6: memref<20480x16xf32, #tpu.memory_space<hbm>>, %arg7: memref<80x128xi32, #tpu.memory_space<vmem>>, %arg8: memref<80x128xi32, #tpu.memory_space<vmem>>, %arg9: memref<1024x16xf32, #tpu.memory_space<vmem>>, %arg10: memref<1024x16xf32, #tpu.memory_space<vmem>>, %arg11: memref<640x16xf32, #tpu.memory_space<vmem>>, %arg12: memref<10240x16xf32, #tpu.memory_space<vmem_shared>>, %arg13: memref<!tpu.dma_semaphore, #tpu.memory_space<semaphore_mem>>, %arg14: memref<!tpu.dma_semaphore, #tpu.memory_space<semaphore_mem>>, %arg15: memref<!tpu.dma_semaphore, #tpu.memory_space<semaphore_mem>>) attributes {dimension_semantics = [#tpu.dimension_semantics<core_parallel>, #tpu.dimension_semantics<subcore_parallel>], iteration_bounds = array<i64: 2, 16>, scalar_prefetch = 0 : i64, scratch_operands = 9 : i64, tpu.core_type = #tpu.core_type<sc_vector_subcore>, window_params = [{transform_indices = #map}, {transform_indices = #map1}, {transform_indices = #map}, {transform_indices = #map}, {transform_indices = #map}]} {
    %mul3A = arith.constant 16 : i32
    %mul3A_0 = arith.muli %arg0, %mul3A : i32
    %add3A = arith.addi %mul3A_0, %arg1 : i32
    "tpu.region"() ({
      %run_scoped3A = tpu.sem_alloc : memref<!tpu.dma_semaphore, #tpu.memory_space<semaphore_mem>>
      tpu.enqueue_dma source(%arg5 : memref<640x16xf32, #tpu.memory_space<hbm>>) target(%arg11 : memref<640x16xf32, #tpu.memory_space<vmem>>) target_semaphore(%run_scoped3A : memref<!tpu.dma_semaphore, #tpu.memory_space<semaphore_mem>>)
      tpu.wait_dma2 semaphore(%run_scoped3A : memref<!tpu.dma_semaphore, #tpu.memory_space<semaphore_mem>>) src(%arg5 : memref<640x16xf32, #tpu.memory_space<hbm>>) dst(%arg11 : memref<640x16xf32, #tpu.memory_space<vmem>>)
      tpu.yield
    }) : () -> ()
    %mul3A_1 = arith.constant 640 : i32
    %mul3A_2 = arith.muli %arg1, %mul3A_1 : i32
    "tpu.region"() ({
      %run_scoped3A = tpu.sem_alloc : memref<!tpu.dma_semaphore, #tpu.memory_space<semaphore_mem>>
      %dma_start3A_101 = arith.constant 0 : i32
      %dma_start3A_102 = tpu.memref_slice %arg12[%mul3A_2, %dma_start3A_101] : memref<10240x16xf32, #tpu.memory_space<vmem_shared>> -> memref<640x16xf32, #tpu.memory_space<vmem_shared>>
      %dma_start3A_103 = arith.constant 0 : i32
      %dma_start3A_104 = tpu.memref_slice %arg12[%mul3A_2, %dma_start3A_103] : memref<10240x16xf32, #tpu.memory_space<vmem_shared>> -> memref<640x16xf32, #tpu.memory_space<vmem_shared>>
      tpu.enqueue_dma source(%arg11 : memref<640x16xf32, #tpu.memory_space<vmem>>) target(%dma_start3A_104 : memref<640x16xf32, #tpu.memory_space<vmem_shared>>) target_semaphore(%run_scoped3A : memref<!tpu.dma_semaphore, #tpu.memory_space<semaphore_mem>>)
      %dma_wait3A = arith.constant 0 : i32
      %dma_wait3A_105 = tpu.memref_slice %arg12[%mul3A_2, %dma_wait3A] : memref<10240x16xf32, #tpu.memory_space<vmem_shared>> -> memref<640x16xf32, #tpu.memory_space<vmem_shared>>
      %dma_wait3A_106 = arith.constant 0 : i32
      %dma_wait3A_107 = tpu.memref_slice %arg12[%mul3A_2, %dma_wait3A_106] : memref<10240x16xf32, #tpu.memory_space<vmem_shared>> -> memref<640x16xf32, #tpu.memory_space<vmem_shared>>
      tpu.wait_dma2 semaphore(%run_scoped3A : memref<!tpu.dma_semaphore, #tpu.memory_space<semaphore_mem>>) src(%arg11 : memref<640x16xf32, #tpu.memory_space<vmem>>) dst(%dma_wait3A_107 : memref<640x16xf32, #tpu.memory_space<vmem_shared>>)
      tpu.yield
    }) : () -> ()
    %barrier3A = arith.constant 0 : index
    tpu.barrier barrier_id(%barrier3A)
    %lt3A = arith.constant 31 : i32
    %lt3A_3 = arith.cmpi slt, %add3A, %lt3A : i32
    %convert_element_type3A = arith.extui %lt3A_3 : i1 to i32
    %cond3A = arith.constant 0 : i32
    %cond3A_4 = arith.cmpi ne, %convert_element_type3A, %cond3A : i32
    scf.if %cond3A_4 {
      %mul3A_101 = arith.constant 80 : i32
      %mul3A_102 = arith.muli %add3A, %mul3A_101 : i32
      %run_scoped3A = arith.constant 0 : i32
      "tpu.region"() ({
        %run_scoped3A_106 = tpu.sem_alloc : memref<!tpu.dma_semaphore, #tpu.memory_space<semaphore_mem>>
        %dma_start3A_107 = arith.constant 0 : i32
        %dma_start3A_108 = tpu.memref_slice %arg3[%mul3A_102, %run_scoped3A, %dma_start3A_107] : memref<2500x2x128xi32, #tpu.memory_space<hbm>> -> memref<80x1x128xi32, #tpu.memory_space<hbm>>
        %dma_start3A_109 = tpu.memref_squeeze %dma_start3A_108 : memref<80x1x128xi32, #tpu.memory_space<hbm>> -> memref<80x128xi32, #tpu.memory_space<hbm>>
        %dma_start3A_110 = arith.constant 0 : i32
        %dma_start3A_111 = tpu.memref_slice %arg3[%mul3A_102, %run_scoped3A, %dma_start3A_110] : memref<2500x2x128xi32, #tpu.memory_space<hbm>> -> memref<80x1x128xi32, #tpu.memory_space<hbm>>
        %dma_start3A_112 = tpu.memref_squeeze %dma_start3A_111 : memref<80x1x128xi32, #tpu.memory_space<hbm>> -> memref<80x128xi32, #tpu.memory_space<hbm>>
        tpu.enqueue_dma source(%dma_start3A_112 : memref<80x128xi32, #tpu.memory_space<hbm>>) target(%arg7 : memref<80x128xi32, #tpu.memory_space<vmem>>) target_semaphore(%run_scoped3A_106 : memref<!tpu.dma_semaphore, #tpu.memory_space<semaphore_mem>>)
        %dma_wait3A = arith.constant 0 : i32
        %dma_wait3A_113 = tpu.memref_slice %arg3[%mul3A_102, %run_scoped3A, %dma_wait3A] : memref<2500x2x128xi32, #tpu.memory_space<hbm>> -> memref<80x1x128xi32, #tpu.memory_space<hbm>>
        %dma_wait3A_114 = tpu.memref_squeeze %dma_wait3A_113 : memref<80x1x128xi32, #tpu.memory_space<hbm>> -> memref<80x128xi32, #tpu.memory_space<hbm>>
        %dma_wait3A_115 = arith.constant 0 : i32
        %dma_wait3A_116 = tpu.memref_slice %arg3[%mul3A_102, %run_scoped3A, %dma_wait3A_115] : memref<2500x2x128xi32, #tpu.memory_space<hbm>> -> memref<80x1x128xi32, #tpu.memory_space<hbm>>
        %dma_wait3A_117 = tpu.memref_squeeze %dma_wait3A_116 : memref<80x1x128xi32, #tpu.memory_space<hbm>> -> memref<80x128xi32, #tpu.memory_space<hbm>>
        tpu.wait_dma2 semaphore(%run_scoped3A_106 : memref<!tpu.dma_semaphore, #tpu.memory_space<semaphore_mem>>) src(%dma_wait3A_117 : memref<80x128xi32, #tpu.memory_space<hbm>>) dst(%arg7 : memref<80x128xi32, #tpu.memory_space<vmem>>)
        tpu.yield
      }) : () -> ()
      %mul3A_103 = arith.constant 80 : i32
      %mul3A_104 = arith.muli %add3A, %mul3A_103 : i32
      %run_scoped3A_105 = arith.constant 1 : i32
      "tpu.region"() ({
        %run_scoped3A_106 = tpu.sem_alloc : memref<!tpu.dma_semaphore, #tpu.memory_space<semaphore_mem>>
        %dma_start3A_107 = arith.constant 0 : i32
        %dma_start3A_108 = tpu.memref_slice %arg3[%mul3A_104, %run_scoped3A_105, %dma_start3A_107] : memref<2500x2x128xi32, #tpu.memory_space<hbm>> -> memref<80x1x128xi32, #tpu.memory_space<hbm>>
        %dma_start3A_109 = tpu.memref_squeeze %dma_start3A_108 : memref<80x1x128xi32, #tpu.memory_space<hbm>> -> memref<80x128xi32, #tpu.memory_space<hbm>>
        %dma_start3A_110 = arith.constant 0 : i32
        %dma_start3A_111 = tpu.memref_slice %arg3[%mul3A_104, %run_scoped3A_105, %dma_start3A_110] : memref<2500x2x128xi32, #tpu.memory_space<hbm>> -> memref<80x1x128xi32, #tpu.memory_space<hbm>>
        %dma_start3A_112 = tpu.memref_squeeze %dma_start3A_111 : memref<80x1x128xi32, #tpu.memory_space<hbm>> -> memref<80x128xi32, #tpu.memory_space<hbm>>
        tpu.enqueue_dma source(%dma_start3A_112 : memref<80x128xi32, #tpu.memory_space<hbm>>) target(%arg8 : memref<80x128xi32, #tpu.memory_space<vmem>>) target_semaphore(%run_scoped3A_106 : memref<!tpu.dma_semaphore, #tpu.memory_space<semaphore_mem>>)
        %dma_wait3A = arith.constant 0 : i32
        %dma_wait3A_113 = tpu.memref_slice %arg3[%mul3A_104, %run_scoped3A_105, %dma_wait3A] : memref<2500x2x128xi32, #tpu.memory_space<hbm>> -> memref<80x1x128xi32, #tpu.memory_space<hbm>>
        %dma_wait3A_114 = tpu.memref_squeeze %dma_wait3A_113 : memref<80x1x128xi32, #tpu.memory_space<hbm>> -> memref<80x128xi32, #tpu.memory_space<hbm>>
        %dma_wait3A_115 = arith.constant 0 : i32
        %dma_wait3A_116 = tpu.memref_slice %arg3[%mul3A_104, %run_scoped3A_105, %dma_wait3A_115] : memref<2500x2x128xi32, #tpu.memory_space<hbm>> -> memref<80x1x128xi32, #tpu.memory_space<hbm>>
        %dma_wait3A_117 = tpu.memref_squeeze %dma_wait3A_116 : memref<80x1x128xi32, #tpu.memory_space<hbm>> -> memref<80x128xi32, #tpu.memory_space<hbm>>
        tpu.wait_dma2 semaphore(%run_scoped3A_106 : memref<!tpu.dma_semaphore, #tpu.memory_space<semaphore_mem>>) src(%dma_wait3A_117 : memref<80x128xi32, #tpu.memory_space<hbm>>) dst(%arg8 : memref<80x128xi32, #tpu.memory_space<vmem>>)
        tpu.yield
      }) : () -> ()
    } else {
    }
    %eq3A = arith.constant 31 : i32
    %eq3A_5 = arith.cmpi eq, %add3A, %eq3A : i32
    %convert_element_type3A_6 = arith.extui %eq3A_5 : i1 to i32
    %cond3A_7 = arith.constant 0 : i32
    %cond3A_8 = arith.cmpi ne, %convert_element_type3A_6, %cond3A_7 : i32
    scf.if %cond3A_8 {
      %run_scoped3A = arith.constant 0 : i32
      "tpu.region"() ({
        %run_scoped3A_102 = tpu.sem_alloc : memref<!tpu.dma_semaphore, #tpu.memory_space<semaphore_mem>>
        %dma_start3A_103 = arith.constant 0 : i32
        %dma_start3A_104 = arith.constant 0 : i32
        %dma_start3A_105 = tpu.memref_slice %arg7[%dma_start3A_103, %dma_start3A_104] : memref<80x128xi32, #tpu.memory_space<vmem>> -> memref<20x128xi32, #tpu.memory_space<vmem>>
        %dma_start3A_106 = arith.constant 2480 : i32
        %dma_start3A_107 = arith.constant 0 : i32
        %dma_start3A_108 = tpu.memref_slice %arg3[%dma_start3A_106, %run_scoped3A, %dma_start3A_107] : memref<2500x2x128xi32, #tpu.memory_space<hbm>> -> memref<20x1x128xi32, #tpu.memory_space<hbm>>
        %dma_start3A_109 = tpu.memref_squeeze %dma_start3A_108 : memref<20x1x128xi32, #tpu.memory_space<hbm>> -> memref<20x128xi32, #tpu.memory_space<hbm>>
        %dma_start3A_110 = arith.constant 0 : i32
        %dma_start3A_111 = arith.constant 0 : i32
        %dma_start3A_112 = tpu.memref_slice %arg7[%dma_start3A_110, %dma_start3A_111] : memref<80x128xi32, #tpu.memory_space<vmem>> -> memref<20x128xi32, #tpu.memory_space<vmem>>
        %dma_start3A_113 = arith.constant 2480 : i32
        %dma_start3A_114 = arith.constant 0 : i32
        %dma_start3A_115 = tpu.memref_slice %arg3[%dma_start3A_113, %run_scoped3A, %dma_start3A_114] : memref<2500x2x128xi32, #tpu.memory_space<hbm>> -> memref<20x1x128xi32, #tpu.memory_space<hbm>>
        %dma_start3A_116 = tpu.memref_squeeze %dma_start3A_115 : memref<20x1x128xi32, #tpu.memory_space<hbm>> -> memref<20x128xi32, #tpu.memory_space<hbm>>
        tpu.enqueue_dma source(%dma_start3A_116 : memref<20x128xi32, #tpu.memory_space<hbm>>) target(%dma_start3A_112 : memref<20x128xi32, #tpu.memory_space<vmem>>) target_semaphore(%run_scoped3A_102 : memref<!tpu.dma_semaphore, #tpu.memory_space<semaphore_mem>>)
        %dma_wait3A = arith.constant 0 : i32
        %dma_wait3A_117 = arith.constant 0 : i32
        %dma_wait3A_118 = tpu.memref_slice %arg7[%dma_wait3A, %dma_wait3A_117] : memref<80x128xi32, #tpu.memory_space<vmem>> -> memref<20x128xi32, #tpu.memory_space<vmem>>
        %dma_wait3A_119 = arith.constant 2480 : i32
        %dma_wait3A_120 = arith.constant 0 : i32
        %dma_wait3A_121 = tpu.memref_slice %arg3[%dma_wait3A_119, %run_scoped3A, %dma_wait3A_120] : memref<2500x2x128xi32, #tpu.memory_space<hbm>> -> memref<20x1x128xi32, #tpu.memory_space<hbm>>
        %dma_wait3A_122 = tpu.memref_squeeze %dma_wait3A_121 : memref<20x1x128xi32, #tpu.memory_space<hbm>> -> memref<20x128xi32, #tpu.memory_space<hbm>>
        %dma_wait3A_123 = arith.constant 0 : i32
        %dma_wait3A_124 = arith.constant 0 : i32
        %dma_wait3A_125 = tpu.memref_slice %arg7[%dma_wait3A_123, %dma_wait3A_124] : memref<80x128xi32, #tpu.memory_space<vmem>> -> memref<20x128xi32, #tpu.memory_space<vmem>>
        %dma_wait3A_126 = arith.constant 2480 : i32
        %dma_wait3A_127 = arith.constant 0 : i32
        %dma_wait3A_128 = tpu.memref_slice %arg3[%dma_wait3A_126, %run_scoped3A, %dma_wait3A_127] : memref<2500x2x128xi32, #tpu.memory_space<hbm>> -> memref<20x1x128xi32, #tpu.memory_space<hbm>>
        %dma_wait3A_129 = tpu.memref_squeeze %dma_wait3A_128 : memref<20x1x128xi32, #tpu.memory_space<hbm>> -> memref<20x128xi32, #tpu.memory_space<hbm>>
        tpu.wait_dma2 semaphore(%run_scoped3A_102 : memref<!tpu.dma_semaphore, #tpu.memory_space<semaphore_mem>>) src(%dma_wait3A_129 : memref<20x128xi32, #tpu.memory_space<hbm>>) dst(%dma_wait3A_125 : memref<20x128xi32, #tpu.memory_space<vmem>>)
        tpu.yield
      }) : () -> ()
      %run_scoped3A_101 = arith.constant 1 : i32
      "tpu.region"() ({
        %run_scoped3A_102 = tpu.sem_alloc : memref<!tpu.dma_semaphore, #tpu.memory_space<semaphore_mem>>
        %dma_start3A_103 = arith.constant 0 : i32
        %dma_start3A_104 = arith.constant 0 : i32
        %dma_start3A_105 = tpu.memref_slice %arg8[%dma_start3A_103, %dma_start3A_104] : memref<80x128xi32, #tpu.memory_space<vmem>> -> memref<20x128xi32, #tpu.memory_space<vmem>>
        %dma_start3A_106 = arith.constant 2480 : i32
        %dma_start3A_107 = arith.constant 0 : i32
        %dma_start3A_108 = tpu.memref_slice %arg3[%dma_start3A_106, %run_scoped3A_101, %dma_start3A_107] : memref<2500x2x128xi32, #tpu.memory_space<hbm>> -> memref<20x1x128xi32, #tpu.memory_space<hbm>>
        %dma_start3A_109 = tpu.memref_squeeze %dma_start3A_108 : memref<20x1x128xi32, #tpu.memory_space<hbm>> -> memref<20x128xi32, #tpu.memory_space<hbm>>
        %dma_start3A_110 = arith.constant 0 : i32
        %dma_start3A_111 = arith.constant 0 : i32
        %dma_start3A_112 = tpu.memref_slice %arg8[%dma_start3A_110, %dma_start3A_111] : memref<80x128xi32, #tpu.memory_space<vmem>> -> memref<20x128xi32, #tpu.memory_space<vmem>>
        %dma_start3A_113 = arith.constant 2480 : i32
        %dma_start3A_114 = arith.constant 0 : i32
        %dma_start3A_115 = tpu.memref_slice %arg3[%dma_start3A_113, %run_scoped3A_101, %dma_start3A_114] : memref<2500x2x128xi32, #tpu.memory_space<hbm>> -> memref<20x1x128xi32, #tpu.memory_space<hbm>>
        %dma_start3A_116 = tpu.memref_squeeze %dma_start3A_115 : memref<20x1x128xi32, #tpu.memory_space<hbm>> -> memref<20x128xi32, #tpu.memory_space<hbm>>
        tpu.enqueue_dma source(%dma_start3A_116 : memref<20x128xi32, #tpu.memory_space<hbm>>) target(%dma_start3A_112 : memref<20x128xi32, #tpu.memory_space<vmem>>) target_semaphore(%run_scoped3A_102 : memref<!tpu.dma_semaphore, #tpu.memory_space<semaphore_mem>>)
        %dma_wait3A = arith.constant 0 : i32
        %dma_wait3A_117 = arith.constant 0 : i32
        %dma_wait3A_118 = tpu.memref_slice %arg8[%dma_wait3A, %dma_wait3A_117] : memref<80x128xi32, #tpu.memory_space<vmem>> -> memref<20x128xi32, #tpu.memory_space<vmem>>
        %dma_wait3A_119 = arith.constant 2480 : i32
        %dma_wait3A_120 = arith.constant 0 : i32
        %dma_wait3A_121 = tpu.memref_slice %arg3[%dma_wait3A_119, %run_scoped3A_101, %dma_wait3A_120] : memref<2500x2x128xi32, #tpu.memory_space<hbm>> -> memref<20x1x128xi32, #tpu.memory_space<hbm>>
        %dma_wait3A_122 = tpu.memref_squeeze %dma_wait3A_121 : memref<20x1x128xi32, #tpu.memory_space<hbm>> -> memref<20x128xi32, #tpu.memory_space<hbm>>
        %dma_wait3A_123 = arith.constant 0 : i32
        %dma_wait3A_124 = arith.constant 0 : i32
        %dma_wait3A_125 = tpu.memref_slice %arg8[%dma_wait3A_123, %dma_wait3A_124] : memref<80x128xi32, #tpu.memory_space<vmem>> -> memref<20x128xi32, #tpu.memory_space<vmem>>
        %dma_wait3A_126 = arith.constant 2480 : i32
        %dma_wait3A_127 = arith.constant 0 : i32
        %dma_wait3A_128 = tpu.memref_slice %arg3[%dma_wait3A_126, %run_scoped3A_101, %dma_wait3A_127] : memref<2500x2x128xi32, #tpu.memory_space<hbm>> -> memref<20x1x128xi32, #tpu.memory_space<hbm>>
        %dma_wait3A_129 = tpu.memref_squeeze %dma_wait3A_128 : memref<20x1x128xi32, #tpu.memory_space<hbm>> -> memref<20x128xi32, #tpu.memory_space<hbm>>
        tpu.wait_dma2 semaphore(%run_scoped3A_102 : memref<!tpu.dma_semaphore, #tpu.memory_space<semaphore_mem>>) src(%dma_wait3A_129 : memref<20x128xi32, #tpu.memory_space<hbm>>) dst(%dma_wait3A_125 : memref<20x128xi32, #tpu.memory_space<vmem>>)
        tpu.yield
      }) : () -> ()
      "tpu.region"() ({
        %run_scoped3A_102 = tpu.sem_alloc : memref<!tpu.dma_semaphore, #tpu.memory_space<semaphore_mem>>
        %dma_start3A_103 = arith.constant 20 : i32
        %dma_start3A_104 = arith.constant 0 : i32
        %dma_start3A_105 = tpu.memref_slice %arg7[%dma_start3A_103, %dma_start3A_104] : memref<80x128xi32, #tpu.memory_space<vmem>> -> memref<60x128xi32, #tpu.memory_space<vmem>>
        %dma_start3A_106 = arith.constant 20 : i32
        %dma_start3A_107 = arith.constant 0 : i32
        %dma_start3A_108 = tpu.memref_slice %arg7[%dma_start3A_106, %dma_start3A_107] : memref<80x128xi32, #tpu.memory_space<vmem>> -> memref<60x128xi32, #tpu.memory_space<vmem>>
        tpu.enqueue_dma source(%arg4 : memref<60x128xi32, #tpu.memory_space<hbm>>) target(%dma_start3A_108 : memref<60x128xi32, #tpu.memory_space<vmem>>) target_semaphore(%run_scoped3A_102 : memref<!tpu.dma_semaphore, #tpu.memory_space<semaphore_mem>>)
        %dma_wait3A = arith.constant 20 : i32
        %dma_wait3A_109 = arith.constant 0 : i32
        %dma_wait3A_110 = tpu.memref_slice %arg7[%dma_wait3A, %dma_wait3A_109] : memref<80x128xi32, #tpu.memory_space<vmem>> -> memref<60x128xi32, #tpu.memory_space<vmem>>
        %dma_wait3A_111 = arith.constant 20 : i32
        %dma_wait3A_112 = arith.constant 0 : i32
        %dma_wait3A_113 = tpu.memref_slice %arg7[%dma_wait3A_111, %dma_wait3A_112] : memref<80x128xi32, #tpu.memory_space<vmem>> -> memref<60x128xi32, #tpu.memory_space<vmem>>
        tpu.wait_dma2 semaphore(%run_scoped3A_102 : memref<!tpu.dma_semaphore, #tpu.memory_space<semaphore_mem>>) src(%arg4 : memref<60x128xi32, #tpu.memory_space<hbm>>) dst(%dma_wait3A_113 : memref<60x128xi32, #tpu.memory_space<vmem>>)
        tpu.yield
      }) : () -> ()
      "tpu.region"() ({
        %run_scoped3A_102 = tpu.sem_alloc : memref<!tpu.dma_semaphore, #tpu.memory_space<semaphore_mem>>
        %dma_start3A_103 = arith.constant 20 : i32
        %dma_start3A_104 = arith.constant 0 : i32
        %dma_start3A_105 = tpu.memref_slice %arg8[%dma_start3A_103, %dma_start3A_104] : memref<80x128xi32, #tpu.memory_space<vmem>> -> memref<60x128xi32, #tpu.memory_space<vmem>>
        %dma_start3A_106 = arith.constant 20 : i32
        %dma_start3A_107 = arith.constant 0 : i32
        %dma_start3A_108 = tpu.memref_slice %arg8[%dma_start3A_106, %dma_start3A_107] : memref<80x128xi32, #tpu.memory_space<vmem>> -> memref<60x128xi32, #tpu.memory_space<vmem>>
        tpu.enqueue_dma source(%arg4 : memref<60x128xi32, #tpu.memory_space<hbm>>) target(%dma_start3A_108 : memref<60x128xi32, #tpu.memory_space<vmem>>) target_semaphore(%run_scoped3A_102 : memref<!tpu.dma_semaphore, #tpu.memory_space<semaphore_mem>>)
        %dma_wait3A = arith.constant 20 : i32
        %dma_wait3A_109 = arith.constant 0 : i32
        %dma_wait3A_110 = tpu.memref_slice %arg8[%dma_wait3A, %dma_wait3A_109] : memref<80x128xi32, #tpu.memory_space<vmem>> -> memref<60x128xi32, #tpu.memory_space<vmem>>
        %dma_wait3A_111 = arith.constant 20 : i32
        %dma_wait3A_112 = arith.constant 0 : i32
        %dma_wait3A_113 = tpu.memref_slice %arg8[%dma_wait3A_111, %dma_wait3A_112] : memref<80x128xi32, #tpu.memory_space<vmem>> -> memref<60x128xi32, #tpu.memory_space<vmem>>
        tpu.wait_dma2 semaphore(%run_scoped3A_102 : memref<!tpu.dma_semaphore, #tpu.memory_space<semaphore_mem>>) src(%arg4 : memref<60x128xi32, #tpu.memory_space<hbm>>) dst(%dma_wait3A_113 : memref<60x128xi32, #tpu.memory_space<vmem>>)
        tpu.yield
      }) : () -> ()
    } else {
    }
    %dma_start3A = arith.constant 0 : i32
    %dma_start3A_9 = arith.constant 0 : i32
    %dma_start3A_10 = arith.constant 0 : i32
    %dma_start3A_11 = tpu.memref_slice %arg9[%dma_start3A_9, %dma_start3A_10] : memref<1024x16xf32, #tpu.memory_space<vmem>> -> memref<128x16xf32, #tpu.memory_space<vmem>>
    %dma_start3A_12 = arith.constant 0 : i32
    %dma_start3A_13 = tpu.memref_slice %arg7[%dma_start3A, %dma_start3A_12] : memref<80x128xi32, #tpu.memory_space<vmem>> -> memref<1x128xi32, #tpu.memory_space<vmem>>
    %dma_start3A_14 = tpu.memref_squeeze %dma_start3A_13 : memref<1x128xi32, #tpu.memory_space<vmem>> -> memref<128xi32, #tpu.memory_space<vmem>>
    %dma_start3A_15 = arith.constant 0 : i32
    %dma_start3A_16 = arith.constant 0 : i32
    %dma_start3A_17 = tpu.memref_slice %arg2[%dma_start3A_15, %dma_start3A_16] : memref<10240x16xf32, #tpu.memory_space<hbm>> -> memref<10240x16xf32, #tpu.memory_space<hbm>>
    tpu.enqueue_indirect_dma source(%dma_start3A_17 : memref<10240x16xf32, #tpu.memory_space<hbm>>) target(%dma_start3A_11 : memref<128x16xf32, #tpu.memory_space<vmem>>) offsets(%dma_start3A_14 : memref<128xi32, #tpu.memory_space<vmem>>) semaphore(%arg13 : memref<!tpu.dma_semaphore, #tpu.memory_space<semaphore_mem>>)
    %dma_start3A_18 = arith.constant 1 : i32
    %dma_start3A_19 = arith.constant 128 : i32
    %dma_start3A_20 = arith.constant 0 : i32
    %dma_start3A_21 = tpu.memref_slice %arg9[%dma_start3A_19, %dma_start3A_20] : memref<1024x16xf32, #tpu.memory_space<vmem>> -> memref<128x16xf32, #tpu.memory_space<vmem>>
    %dma_start3A_22 = arith.constant 0 : i32
    %dma_start3A_23 = tpu.memref_slice %arg7[%dma_start3A_18, %dma_start3A_22] : memref<80x128xi32, #tpu.memory_space<vmem>> -> memref<1x128xi32, #tpu.memory_space<vmem>>
    %dma_start3A_24 = tpu.memref_squeeze %dma_start3A_23 : memref<1x128xi32, #tpu.memory_space<vmem>> -> memref<128xi32, #tpu.memory_space<vmem>>
    %dma_start3A_25 = arith.constant 0 : i32
    %dma_start3A_26 = arith.constant 0 : i32
    %dma_start3A_27 = tpu.memref_slice %arg2[%dma_start3A_25, %dma_start3A_26] : memref<10240x16xf32, #tpu.memory_space<hbm>> -> memref<10240x16xf32, #tpu.memory_space<hbm>>
    tpu.enqueue_indirect_dma source(%dma_start3A_27 : memref<10240x16xf32, #tpu.memory_space<hbm>>) target(%dma_start3A_21 : memref<128x16xf32, #tpu.memory_space<vmem>>) offsets(%dma_start3A_24 : memref<128xi32, #tpu.memory_space<vmem>>) semaphore(%arg13 : memref<!tpu.dma_semaphore, #tpu.memory_space<semaphore_mem>>)
    %dma_start3A_28 = arith.constant 2 : i32
    %dma_start3A_29 = arith.constant 256 : i32
    %dma_start3A_30 = arith.constant 0 : i32
    %dma_start3A_31 = tpu.memref_slice %arg9[%dma_start3A_29, %dma_start3A_30] : memref<1024x16xf32, #tpu.memory_space<vmem>> -> memref<128x16xf32, #tpu.memory_space<vmem>>
    %dma_start3A_32 = arith.constant 0 : i32
    %dma_start3A_33 = tpu.memref_slice %arg7[%dma_start3A_28, %dma_start3A_32] : memref<80x128xi32, #tpu.memory_space<vmem>> -> memref<1x128xi32, #tpu.memory_space<vmem>>
    %dma_start3A_34 = tpu.memref_squeeze %dma_start3A_33 : memref<1x128xi32, #tpu.memory_space<vmem>> -> memref<128xi32, #tpu.memory_space<vmem>>
    %dma_start3A_35 = arith.constant 0 : i32
    %dma_start3A_36 = arith.constant 0 : i32
    %dma_start3A_37 = tpu.memref_slice %arg2[%dma_start3A_35, %dma_start3A_36] : memref<10240x16xf32, #tpu.memory_space<hbm>> -> memref<10240x16xf32, #tpu.memory_space<hbm>>
    tpu.enqueue_indirect_dma source(%dma_start3A_37 : memref<10240x16xf32, #tpu.memory_space<hbm>>) target(%dma_start3A_31 : memref<128x16xf32, #tpu.memory_space<vmem>>) offsets(%dma_start3A_34 : memref<128xi32, #tpu.memory_space<vmem>>) semaphore(%arg13 : memref<!tpu.dma_semaphore, #tpu.memory_space<semaphore_mem>>)
    %dma_start3A_38 = arith.constant 3 : i32
    %dma_start3A_39 = arith.constant 384 : i32
    %dma_start3A_40 = arith.constant 0 : i32
    %dma_start3A_41 = tpu.memref_slice %arg9[%dma_start3A_39, %dma_start3A_40] : memref<1024x16xf32, #tpu.memory_space<vmem>> -> memref<128x16xf32, #tpu.memory_space<vmem>>
    %dma_start3A_42 = arith.constant 0 : i32
    %dma_start3A_43 = tpu.memref_slice %arg7[%dma_start3A_38, %dma_start3A_42] : memref<80x128xi32, #tpu.memory_space<vmem>> -> memref<1x128xi32, #tpu.memory_space<vmem>>
    %dma_start3A_44 = tpu.memref_squeeze %dma_start3A_43 : memref<1x128xi32, #tpu.memory_space<vmem>> -> memref<128xi32, #tpu.memory_space<vmem>>
    %dma_start3A_45 = arith.constant 0 : i32
    %dma_start3A_46 = arith.constant 0 : i32
    %dma_start3A_47 = tpu.memref_slice %arg2[%dma_start3A_45, %dma_start3A_46] : memref<10240x16xf32, #tpu.memory_space<hbm>> -> memref<10240x16xf32, #tpu.memory_space<hbm>>
    tpu.enqueue_indirect_dma source(%dma_start3A_47 : memref<10240x16xf32, #tpu.memory_space<hbm>>) target(%dma_start3A_41 : memref<128x16xf32, #tpu.memory_space<vmem>>) offsets(%dma_start3A_44 : memref<128xi32, #tpu.memory_space<vmem>>) semaphore(%arg13 : memref<!tpu.dma_semaphore, #tpu.memory_space<semaphore_mem>>)
    %dma_start3A_48 = arith.constant 4 : i32
    %dma_start3A_49 = arith.constant 512 : i32
    %dma_start3A_50 = arith.constant 0 : i32
    %dma_start3A_51 = tpu.memref_slice %arg9[%dma_start3A_49, %dma_start3A_50] : memref<1024x16xf32, #tpu.memory_space<vmem>> -> memref<128x16xf32, #tpu.memory_space<vmem>>
    %dma_start3A_52 = arith.constant 0 : i32
    %dma_start3A_53 = tpu.memref_slice %arg7[%dma_start3A_48, %dma_start3A_52] : memref<80x128xi32, #tpu.memory_space<vmem>> -> memref<1x128xi32, #tpu.memory_space<vmem>>
    %dma_start3A_54 = tpu.memref_squeeze %dma_start3A_53 : memref<1x128xi32, #tpu.memory_space<vmem>> -> memref<128xi32, #tpu.memory_space<vmem>>
    %dma_start3A_55 = arith.constant 0 : i32
    %dma_start3A_56 = arith.constant 0 : i32
    %dma_start3A_57 = tpu.memref_slice %arg2[%dma_start3A_55, %dma_start3A_56] : memref<10240x16xf32, #tpu.memory_space<hbm>> -> memref<10240x16xf32, #tpu.memory_space<hbm>>
    tpu.enqueue_indirect_dma source(%dma_start3A_57 : memref<10240x16xf32, #tpu.memory_space<hbm>>) target(%dma_start3A_51 : memref<128x16xf32, #tpu.memory_space<vmem>>) offsets(%dma_start3A_54 : memref<128xi32, #tpu.memory_space<vmem>>) semaphore(%arg13 : memref<!tpu.dma_semaphore, #tpu.memory_space<semaphore_mem>>)
    %dma_start3A_58 = arith.constant 5 : i32
    %dma_start3A_59 = arith.constant 640 : i32
    %dma_start3A_60 = arith.constant 0 : i32
    %dma_start3A_61 = tpu.memref_slice %arg9[%dma_start3A_59, %dma_start3A_60] : memref<1024x16xf32, #tpu.memory_space<vmem>> -> memref<128x16xf32, #tpu.memory_space<vmem>>
    %dma_start3A_62 = arith.constant 0 : i32
    %dma_start3A_63 = tpu.memref_slice %arg7[%dma_start3A_58, %dma_start3A_62] : memref<80x128xi32, #tpu.memory_space<vmem>> -> memref<1x128xi32, #tpu.memory_space<vmem>>
    %dma_start3A_64 = tpu.memref_squeeze %dma_start3A_63 : memref<1x128xi32, #tpu.memory_space<vmem>> -> memref<128xi32, #tpu.memory_space<vmem>>
    %dma_start3A_65 = arith.constant 0 : i32
    %dma_start3A_66 = arith.constant 0 : i32
    %dma_start3A_67 = tpu.memref_slice %arg2[%dma_start3A_65, %dma_start3A_66] : memref<10240x16xf32, #tpu.memory_space<hbm>> -> memref<10240x16xf32, #tpu.memory_space<hbm>>
    tpu.enqueue_indirect_dma source(%dma_start3A_67 : memref<10240x16xf32, #tpu.memory_space<hbm>>) target(%dma_start3A_61 : memref<128x16xf32, #tpu.memory_space<vmem>>) offsets(%dma_start3A_64 : memref<128xi32, #tpu.memory_space<vmem>>) semaphore(%arg13 : memref<!tpu.dma_semaphore, #tpu.memory_space<semaphore_mem>>)
    %dma_start3A_68 = arith.constant 6 : i32
    %dma_start3A_69 = arith.constant 768 : i32
    %dma_start3A_70 = arith.constant 0 : i32
    %dma_start3A_71 = tpu.memref_slice %arg9[%dma_start3A_69, %dma_start3A_70] : memref<1024x16xf32, #tpu.memory_space<vmem>> -> memref<128x16xf32, #tpu.memory_space<vmem>>
    %dma_start3A_72 = arith.constant 0 : i32
    %dma_start3A_73 = tpu.memref_slice %arg7[%dma_start3A_68, %dma_start3A_72] : memref<80x128xi32, #tpu.memory_space<vmem>> -> memref<1x128xi32, #tpu.memory_space<vmem>>
    %dma_start3A_74 = tpu.memref_squeeze %dma_start3A_73 : memref<1x128xi32, #tpu.memory_space<vmem>> -> memref<128xi32, #tpu.memory_space<vmem>>
    %dma_start3A_75 = arith.constant 0 : i32
    %dma_start3A_76 = arith.constant 0 : i32
    %dma_start3A_77 = tpu.memref_slice %arg2[%dma_start3A_75, %dma_start3A_76] : memref<10240x16xf32, #tpu.memory_space<hbm>> -> memref<10240x16xf32, #tpu.memory_space<hbm>>
    tpu.enqueue_indirect_dma source(%dma_start3A_77 : memref<10240x16xf32, #tpu.memory_space<hbm>>) target(%dma_start3A_71 : memref<128x16xf32, #tpu.memory_space<vmem>>) offsets(%dma_start3A_74 : memref<128xi32, #tpu.memory_space<vmem>>) semaphore(%arg13 : memref<!tpu.dma_semaphore, #tpu.memory_space<semaphore_mem>>)
    %dma_start3A_78 = arith.constant 7 : i32
    %dma_start3A_79 = arith.constant 896 : i32
    %dma_start3A_80 = arith.constant 0 : i32
    %dma_start3A_81 = tpu.memref_slice %arg9[%dma_start3A_79, %dma_start3A_80] : memref<1024x16xf32, #tpu.memory_space<vmem>> -> memref<128x16xf32, #tpu.memory_space<vmem>>
    %dma_start3A_82 = arith.constant 0 : i32
    %dma_start3A_83 = tpu.memref_slice %arg7[%dma_start3A_78, %dma_start3A_82] : memref<80x128xi32, #tpu.memory_space<vmem>> -> memref<1x128xi32, #tpu.memory_space<vmem>>
    %dma_start3A_84 = tpu.memref_squeeze %dma_start3A_83 : memref<1x128xi32, #tpu.memory_space<vmem>> -> memref<128xi32, #tpu.memory_space<vmem>>
    %dma_start3A_85 = arith.constant 0 : i32
    %dma_start3A_86 = arith.constant 0 : i32
    %dma_start3A_87 = tpu.memref_slice %arg2[%dma_start3A_85, %dma_start3A_86] : memref<10240x16xf32, #tpu.memory_space<hbm>> -> memref<10240x16xf32, #tpu.memory_space<hbm>>
    tpu.enqueue_indirect_dma source(%dma_start3A_87 : memref<10240x16xf32, #tpu.memory_space<hbm>>) target(%dma_start3A_81 : memref<128x16xf32, #tpu.memory_space<vmem>>) offsets(%dma_start3A_84 : memref<128xi32, #tpu.memory_space<vmem>>) semaphore(%arg13 : memref<!tpu.dma_semaphore, #tpu.memory_space<semaphore_mem>>)
    %scan3A = arith.constant 0 : i32
    %scan3A_88 = arith.constant 0 : i32
    %scan3A_89 = arith.constant 5 : i32
    %scan3A_90 = arith.addi %scan3A_88, %scan3A_89 : i32
    %scan3A_91 = arith.constant 1 : i32
    scf.for %scan3A_101 = %scan3A_88 to %scan3A_90 step %scan3A_91  : i32 {
      %mul3A_102 = arith.constant 2 : i32
      %mul3A_103 = arith.muli %mul3A_102, %scan3A_101 : i32
      %mul3A_104 = arith.constant 8 : i32
      %mul3A_105 = arith.muli %mul3A_103, %mul3A_104 : i32
      %mul3A_106 = arith.constant 2 : i32
      %mul3A_107 = arith.muli %mul3A_106, %scan3A_101 : i32
      %add3A_108 = arith.constant 1 : i32
      %add3A_109 = arith.addi %mul3A_107, %add3A_108 : i32
      %mul3A_110 = arith.constant 8 : i32
      %mul3A_111 = arith.muli %add3A_109, %mul3A_110 : i32
      %add3A_112 = arith.constant 0 : i32
      %add3A_113 = arith.addi %mul3A_111, %add3A_112 : i32
      %dma_start3A_114 = arith.constant 0 : i32
      %dma_start3A_115 = arith.constant 0 : i32
      %dma_start3A_116 = tpu.memref_slice %arg10[%dma_start3A_114, %dma_start3A_115] : memref<1024x16xf32, #tpu.memory_space<vmem>> -> memref<128x16xf32, #tpu.memory_space<vmem>>
      %dma_start3A_117 = arith.constant 0 : i32
      %dma_start3A_118 = tpu.memref_slice %arg7[%add3A_113, %dma_start3A_117] : memref<80x128xi32, #tpu.memory_space<vmem>> -> memref<1x128xi32, #tpu.memory_space<vmem>>
      %dma_start3A_119 = tpu.memref_squeeze %dma_start3A_118 : memref<1x128xi32, #tpu.memory_space<vmem>> -> memref<128xi32, #tpu.memory_space<vmem>>
      %dma_start3A_120 = arith.constant 0 : i32
      %dma_start3A_121 = arith.constant 0 : i32
      %dma_start3A_122 = tpu.memref_slice %arg2[%dma_start3A_120, %dma_start3A_121] : memref<10240x16xf32, #tpu.memory_space<hbm>> -> memref<10240x16xf32, #tpu.memory_space<hbm>>
      tpu.enqueue_indirect_dma source(%dma_start3A_122 : memref<10240x16xf32, #tpu.memory_space<hbm>>) target(%dma_start3A_116 : memref<128x16xf32, #tpu.memory_space<vmem>>) offsets(%dma_start3A_119 : memref<128xi32, #tpu.memory_space<vmem>>) semaphore(%arg14 : memref<!tpu.dma_semaphore, #tpu.memory_space<semaphore_mem>>)
      %add3A_123 = arith.constant 1 : i32
      %add3A_124 = arith.addi %mul3A_111, %add3A_123 : i32
      %dma_start3A_125 = arith.constant 128 : i32
      %dma_start3A_126 = arith.constant 0 : i32
      %dma_start3A_127 = tpu.memref_slice %arg10[%dma_start3A_125, %dma_start3A_126] : memref<1024x16xf32, #tpu.memory_space<vmem>> -> memref<128x16xf32, #tpu.memory_space<vmem>>
      %dma_start3A_128 = arith.constant 0 : i32
      %dma_start3A_129 = tpu.memref_slice %arg7[%add3A_124, %dma_start3A_128] : memref<80x128xi32, #tpu.memory_space<vmem>> -> memref<1x128xi32, #tpu.memory_space<vmem>>
      %dma_start3A_130 = tpu.memref_squeeze %dma_start3A_129 : memref<1x128xi32, #tpu.memory_space<vmem>> -> memref<128xi32, #tpu.memory_space<vmem>>
      %dma_start3A_131 = arith.constant 0 : i32
      %dma_start3A_132 = arith.constant 0 : i32
      %dma_start3A_133 = tpu.memref_slice %arg2[%dma_start3A_131, %dma_start3A_132] : memref<10240x16xf32, #tpu.memory_space<hbm>> -> memref<10240x16xf32, #tpu.memory_space<hbm>>
      tpu.enqueue_indirect_dma source(%dma_start3A_133 : memref<10240x16xf32, #tpu.memory_space<hbm>>) target(%dma_start3A_127 : memref<128x16xf32, #tpu.memory_space<vmem>>) offsets(%dma_start3A_130 : memref<128xi32, #tpu.memory_space<vmem>>) semaphore(%arg14 : memref<!tpu.dma_semaphore, #tpu.memory_space<semaphore_mem>>)
      %add3A_134 = arith.constant 2 : i32
      %add3A_135 = arith.addi %mul3A_111, %add3A_134 : i32
      %dma_start3A_136 = arith.constant 256 : i32
      %dma_start3A_137 = arith.constant 0 : i32
      %dma_start3A_138 = tpu.memref_slice %arg10[%dma_start3A_136, %dma_start3A_137] : memref<1024x16xf32, #tpu.memory_space<vmem>> -> memref<128x16xf32, #tpu.memory_space<vmem>>
      %dma_start3A_139 = arith.constant 0 : i32
      %dma_start3A_140 = tpu.memref_slice %arg7[%add3A_135, %dma_start3A_139] : memref<80x128xi32, #tpu.memory_space<vmem>> -> memref<1x128xi32, #tpu.memory_space<vmem>>
      %dma_start3A_141 = tpu.memref_squeeze %dma_start3A_140 : memref<1x128xi32, #tpu.memory_space<vmem>> -> memref<128xi32, #tpu.memory_space<vmem>>
      %dma_start3A_142 = arith.constant 0 : i32
      %dma_start3A_143 = arith.constant 0 : i32
      %dma_start3A_144 = tpu.memref_slice %arg2[%dma_start3A_142, %dma_start3A_143] : memref<10240x16xf32, #tpu.memory_space<hbm>> -> memref<10240x16xf32, #tpu.memory_space<hbm>>
      tpu.enqueue_indirect_dma source(%dma_start3A_144 : memref<10240x16xf32, #tpu.memory_space<hbm>>) target(%dma_start3A_138 : memref<128x16xf32, #tpu.memory_space<vmem>>) offsets(%dma_start3A_141 : memref<128xi32, #tpu.memory_space<vmem>>) semaphore(%arg14 : memref<!tpu.dma_semaphore, #tpu.memory_space<semaphore_mem>>)
      %add3A_145 = arith.constant 3 : i32
      %add3A_146 = arith.addi %mul3A_111, %add3A_145 : i32
      %dma_start3A_147 = arith.constant 384 : i32
      %dma_start3A_148 = arith.constant 0 : i32
      %dma_start3A_149 = tpu.memref_slice %arg10[%dma_start3A_147, %dma_start3A_148] : memref<1024x16xf32, #tpu.memory_space<vmem>> -> memref<128x16xf32, #tpu.memory_space<vmem>>
      %dma_start3A_150 = arith.constant 0 : i32
      %dma_start3A_151 = tpu.memref_slice %arg7[%add3A_146, %dma_start3A_150] : memref<80x128xi32, #tpu.memory_space<vmem>> -> memref<1x128xi32, #tpu.memory_space<vmem>>
      %dma_start3A_152 = tpu.memref_squeeze %dma_start3A_151 : memref<1x128xi32, #tpu.memory_space<vmem>> -> memref<128xi32, #tpu.memory_space<vmem>>
      %dma_start3A_153 = arith.constant 0 : i32
      %dma_start3A_154 = arith.constant 0 : i32
      %dma_start3A_155 = tpu.memref_slice %arg2[%dma_start3A_153, %dma_start3A_154] : memref<10240x16xf32, #tpu.memory_space<hbm>> -> memref<10240x16xf32, #tpu.memory_space<hbm>>
      tpu.enqueue_indirect_dma source(%dma_start3A_155 : memref<10240x16xf32, #tpu.memory_space<hbm>>) target(%dma_start3A_149 : memref<128x16xf32, #tpu.memory_space<vmem>>) offsets(%dma_start3A_152 : memref<128xi32, #tpu.memory_space<vmem>>) semaphore(%arg14 : memref<!tpu.dma_semaphore, #tpu.memory_space<semaphore_mem>>)
      %add3A_156 = arith.constant 4 : i32
      %add3A_157 = arith.addi %mul3A_111, %add3A_156 : i32
      %dma_start3A_158 = arith.constant 512 : i32
      %dma_start3A_159 = arith.constant 0 : i32
      %dma_start3A_160 = tpu.memref_slice %arg10[%dma_start3A_158, %dma_start3A_159] : memref<1024x16xf32, #tpu.memory_space<vmem>> -> memref<128x16xf32, #tpu.memory_space<vmem>>
      %dma_start3A_161 = arith.constant 0 : i32
      %dma_start3A_162 = tpu.memref_slice %arg7[%add3A_157, %dma_start3A_161] : memref<80x128xi32, #tpu.memory_space<vmem>> -> memref<1x128xi32, #tpu.memory_space<vmem>>
      %dma_start3A_163 = tpu.memref_squeeze %dma_start3A_162 : memref<1x128xi32, #tpu.memory_space<vmem>> -> memref<128xi32, #tpu.memory_space<vmem>>
      %dma_start3A_164 = arith.constant 0 : i32
      %dma_start3A_165 = arith.constant 0 : i32
      %dma_start3A_166 = tpu.memref_slice %arg2[%dma_start3A_164, %dma_start3A_165] : memref<10240x16xf32, #tpu.memory_space<hbm>> -> memref<10240x16xf32, #tpu.memory_space<hbm>>
      tpu.enqueue_indirect_dma source(%dma_start3A_166 : memref<10240x16xf32, #tpu.memory_space<hbm>>) target(%dma_start3A_160 : memref<128x16xf32, #tpu.memory_space<vmem>>) offsets(%dma_start3A_163 : memref<128xi32, #tpu.memory_space<vmem>>) semaphore(%arg14 : memref<!tpu.dma_semaphore, #tpu.memory_space<semaphore_mem>>)
      %add3A_167 = arith.constant 5 : i32
      %add3A_168 = arith.addi %mul3A_111, %add3A_167 : i32
      %dma_start3A_169 = arith.constant 640 : i32
      %dma_start3A_170 = arith.constant 0 : i32
      %dma_start3A_171 = tpu.memref_slice %arg10[%dma_start3A_169, %dma_start3A_170] : memref<1024x16xf32, #tpu.memory_space<vmem>> -> memref<128x16xf32, #tpu.memory_space<vmem>>
      %dma_start3A_172 = arith.constant 0 : i32
      %dma_start3A_173 = tpu.memref_slice %arg7[%add3A_168, %dma_start3A_172] : memref<80x128xi32, #tpu.memory_space<vmem>> -> memref<1x128xi32, #tpu.memory_space<vmem>>
      %dma_start3A_174 = tpu.memref_squeeze %dma_start3A_173 : memref<1x128xi32, #tpu.memory_space<vmem>> -> memref<128xi32, #tpu.memory_space<vmem>>
      %dma_start3A_175 = arith.constant 0 : i32
      %dma_start3A_176 = arith.constant 0 : i32
      %dma_start3A_177 = tpu.memref_slice %arg2[%dma_start3A_175, %dma_start3A_176] : memref<10240x16xf32, #tpu.memory_space<hbm>> -> memref<10240x16xf32, #tpu.memory_space<hbm>>
      tpu.enqueue_indirect_dma source(%dma_start3A_177 : memref<10240x16xf32, #tpu.memory_space<hbm>>) target(%dma_start3A_171 : memref<128x16xf32, #tpu.memory_space<vmem>>) offsets(%dma_start3A_174 : memref<128xi32, #tpu.memory_space<vmem>>) semaphore(%arg14 : memref<!tpu.dma_semaphore, #tpu.memory_space<semaphore_mem>>)
      %add3A_178 = arith.constant 6 : i32
      %add3A_179 = arith.addi %mul3A_111, %add3A_178 : i32
      %dma_start3A_180 = arith.constant 768 : i32
      %dma_start3A_181 = arith.constant 0 : i32
      %dma_start3A_182 = tpu.memref_slice %arg10[%dma_start3A_180, %dma_start3A_181] : memref<1024x16xf32, #tpu.memory_space<vmem>> -> memref<128x16xf32, #tpu.memory_space<vmem>>
      %dma_start3A_183 = arith.constant 0 : i32
      %dma_start3A_184 = tpu.memref_slice %arg7[%add3A_179, %dma_start3A_183] : memref<80x128xi32, #tpu.memory_space<vmem>> -> memref<1x128xi32, #tpu.memory_space<vmem>>
      %dma_start3A_185 = tpu.memref_squeeze %dma_start3A_184 : memref<1x128xi32, #tpu.memory_space<vmem>> -> memref<128xi32, #tpu.memory_space<vmem>>
      %dma_start3A_186 = arith.constant 0 : i32
      %dma_start3A_187 = arith.constant 0 : i32
      %dma_start3A_188 = tpu.memref_slice %arg2[%dma_start3A_186, %dma_start3A_187] : memref<10240x16xf32, #tpu.memory_space<hbm>> -> memref<10240x16xf32, #tpu.memory_space<hbm>>
      tpu.enqueue_indirect_dma source(%dma_start3A_188 : memref<10240x16xf32, #tpu.memory_space<hbm>>) target(%dma_start3A_182 : memref<128x16xf32, #tpu.memory_space<vmem>>) offsets(%dma_start3A_185 : memref<128xi32, #tpu.memory_space<vmem>>) semaphore(%arg14 : memref<!tpu.dma_semaphore, #tpu.memory_space<semaphore_mem>>)
      %add3A_189 = arith.constant 7 : i32
      %add3A_190 = arith.addi %mul3A_111, %add3A_189 : i32
      %dma_start3A_191 = arith.constant 896 : i32
      %dma_start3A_192 = arith.constant 0 : i32
      %dma_start3A_193 = tpu.memref_slice %arg10[%dma_start3A_191, %dma_start3A_192] : memref<1024x16xf32, #tpu.memory_space<vmem>> -> memref<128x16xf32, #tpu.memory_space<vmem>>
      %dma_start3A_194 = arith.constant 0 : i32
      %dma_start3A_195 = tpu.memref_slice %arg7[%add3A_190, %dma_start3A_194] : memref<80x128xi32, #tpu.memory_space<vmem>> -> memref<1x128xi32, #tpu.memory_space<vmem>>
      %dma_start3A_196 = tpu.memref_squeeze %dma_start3A_195 : memref<1x128xi32, #tpu.memory_space<vmem>> -> memref<128xi32, #tpu.memory_space<vmem>>
      %dma_start3A_197 = arith.constant 0 : i32
      %dma_start3A_198 = arith.constant 0 : i32
      %dma_start3A_199 = tpu.memref_slice %arg2[%dma_start3A_197, %dma_start3A_198] : memref<10240x16xf32, #tpu.memory_space<hbm>> -> memref<10240x16xf32, #tpu.memory_space<hbm>>
      tpu.enqueue_indirect_dma source(%dma_start3A_199 : memref<10240x16xf32, #tpu.memory_space<hbm>>) target(%dma_start3A_193 : memref<128x16xf32, #tpu.memory_space<vmem>>) offsets(%dma_start3A_196 : memref<128xi32, #tpu.memory_space<vmem>>) semaphore(%arg14 : memref<!tpu.dma_semaphore, #tpu.memory_space<semaphore_mem>>)
      %add3A_200 = arith.constant 0 : i32
      %add3A_201 = arith.addi %mul3A_105, %add3A_200 : i32
      %dma_wait3A = arith.constant 0 : i32
      %dma_wait3A_202 = arith.constant 0 : i32
      %dma_wait3A_203 = tpu.memref_slice %arg9[%dma_wait3A, %dma_wait3A_202] : memref<1024x16xf32, #tpu.memory_space<vmem>> -> memref<128x16xf32, #tpu.memory_space<vmem>>
      %dma_wait3A_204 = arith.constant 0 : i32
      %dma_wait3A_205 = tpu.memref_slice %arg7[%add3A_201, %dma_wait3A_204] : memref<80x128xi32, #tpu.memory_space<vmem>> -> memref<1x128xi32, #tpu.memory_space<vmem>>
      %dma_wait3A_206 = tpu.memref_squeeze %dma_wait3A_205 : memref<1x128xi32, #tpu.memory_space<vmem>> -> memref<128xi32, #tpu.memory_space<vmem>>
      %dma_wait3A_207 = arith.constant 0 : i32
      %dma_wait3A_208 = arith.constant 0 : i32
      %dma_wait3A_209 = tpu.memref_slice %arg2[%dma_wait3A_207, %dma_wait3A_208] : memref<10240x16xf32, #tpu.memory_space<hbm>> -> memref<10240x16xf32, #tpu.memory_space<hbm>>
      tpu.wait_indirect_dma semaphore(%arg13 : memref<!tpu.dma_semaphore, #tpu.memory_space<semaphore_mem>>) src(%dma_wait3A_209 : memref<10240x16xf32, #tpu.memory_space<hbm>>) dst(%dma_wait3A_203 : memref<128x16xf32, #tpu.memory_space<vmem>>)
      %add3A_210 = arith.constant 1 : i32
      %add3A_211 = arith.addi %mul3A_105, %add3A_210 : i32
      %dma_wait3A_212 = arith.constant 128 : i32
      %dma_wait3A_213 = arith.constant 0 : i32
      %dma_wait3A_214 = tpu.memref_slice %arg9[%dma_wait3A_212, %dma_wait3A_213] : memref<1024x16xf32, #tpu.memory_space<vmem>> -> memref<128x16xf32, #tpu.memory_space<vmem>>
      %dma_wait3A_215 = arith.constant 0 : i32
      %dma_wait3A_216 = tpu.memref_slice %arg7[%add3A_211, %dma_wait3A_215] : memref<80x128xi32, #tpu.memory_space<vmem>> -> memref<1x128xi32, #tpu.memory_space<vmem>>
      %dma_wait3A_217 = tpu.memref_squeeze %dma_wait3A_216 : memref<1x128xi32, #tpu.memory_space<vmem>> -> memref<128xi32, #tpu.memory_space<vmem>>
      %dma_wait3A_218 = arith.constant 0 : i32
      %dma_wait3A_219 = arith.constant 0 : i32
      %dma_wait3A_220 = tpu.memref_slice %arg2[%dma_wait3A_218, %dma_wait3A_219] : memref<10240x16xf32, #tpu.memory_space<hbm>> -> memref<10240x16xf32, #tpu.memory_space<hbm>>
      tpu.wait_indirect_dma semaphore(%arg13 : memref<!tpu.dma_semaphore, #tpu.memory_space<semaphore_mem>>) src(%dma_wait3A_220 : memref<10240x16xf32, #tpu.memory_space<hbm>>) dst(%dma_wait3A_214 : memref<128x16xf32, #tpu.memory_space<vmem>>)
      %add3A_221 = arith.constant 2 : i32
      %add3A_222 = arith.addi %mul3A_105, %add3A_221 : i32
      %dma_wait3A_223 = arith.constant 256 : i32
      %dma_wait3A_224 = arith.constant 0 : i32
      %dma_wait3A_225 = tpu.memref_slice %arg9[%dma_wait3A_223, %dma_wait3A_224] : memref<1024x16xf32, #tpu.memory_space<vmem>> -> memref<128x16xf32, #tpu.memory_space<vmem>>
      %dma_wait3A_226 = arith.constant 0 : i32
      %dma_wait3A_227 = tpu.memref_slice %arg7[%add3A_222, %dma_wait3A_226] : memref<80x128xi32, #tpu.memory_space<vmem>> -> memref<1x128xi32, #tpu.memory_space<vmem>>
      %dma_wait3A_228 = tpu.memref_squeeze %dma_wait3A_227 : memref<1x128xi32, #tpu.memory_space<vmem>> -> memref<128xi32, #tpu.memory_space<vmem>>
      %dma_wait3A_229 = arith.constant 0 : i32
      %dma_wait3A_230 = arith.constant 0 : i32
      %dma_wait3A_231 = tpu.memref_slice %arg2[%dma_wait3A_229, %dma_wait3A_230] : memref<10240x16xf32, #tpu.memory_space<hbm>> -> memref<10240x16xf32, #tpu.memory_space<hbm>>
      tpu.wait_indirect_dma semaphore(%arg13 : memref<!tpu.dma_semaphore, #tpu.memory_space<semaphore_mem>>) src(%dma_wait3A_231 : memref<10240x16xf32, #tpu.memory_space<hbm>>) dst(%dma_wait3A_225 : memref<128x16xf32, #tpu.memory_space<vmem>>)
      %add3A_232 = arith.constant 3 : i32
      %add3A_233 = arith.addi %mul3A_105, %add3A_232 : i32
      %dma_wait3A_234 = arith.constant 384 : i32
      %dma_wait3A_235 = arith.constant 0 : i32
      %dma_wait3A_236 = tpu.memref_slice %arg9[%dma_wait3A_234, %dma_wait3A_235] : memref<1024x16xf32, #tpu.memory_space<vmem>> -> memref<128x16xf32, #tpu.memory_space<vmem>>
      %dma_wait3A_237 = arith.constant 0 : i32
      %dma_wait3A_238 = tpu.memref_slice %arg7[%add3A_233, %dma_wait3A_237] : memref<80x128xi32, #tpu.memory_space<vmem>> -> memref<1x128xi32, #tpu.memory_space<vmem>>
      %dma_wait3A_239 = tpu.memref_squeeze %dma_wait3A_238 : memref<1x128xi32, #tpu.memory_space<vmem>> -> memref<128xi32, #tpu.memory_space<vmem>>
      %dma_wait3A_240 = arith.constant 0 : i32
      %dma_wait3A_241 = arith.constant 0 : i32
      %dma_wait3A_242 = tpu.memref_slice %arg2[%dma_wait3A_240, %dma_wait3A_241] : memref<10240x16xf32, #tpu.memory_space<hbm>> -> memref<10240x16xf32, #tpu.memory_space<hbm>>
      tpu.wait_indirect_dma semaphore(%arg13 : memref<!tpu.dma_semaphore, #tpu.memory_space<semaphore_mem>>) src(%dma_wait3A_242 : memref<10240x16xf32, #tpu.memory_space<hbm>>) dst(%dma_wait3A_236 : memref<128x16xf32, #tpu.memory_space<vmem>>)
      %add3A_243 = arith.constant 4 : i32
      %add3A_244 = arith.addi %mul3A_105, %add3A_243 : i32
      %dma_wait3A_245 = arith.constant 512 : i32
      %dma_wait3A_246 = arith.constant 0 : i32
      %dma_wait3A_247 = tpu.memref_slice %arg9[%dma_wait3A_245, %dma_wait3A_246] : memref<1024x16xf32, #tpu.memory_space<vmem>> -> memref<128x16xf32, #tpu.memory_space<vmem>>
      %dma_wait3A_248 = arith.constant 0 : i32
      %dma_wait3A_249 = tpu.memref_slice %arg7[%add3A_244, %dma_wait3A_248] : memref<80x128xi32, #tpu.memory_space<vmem>> -> memref<1x128xi32, #tpu.memory_space<vmem>>
      %dma_wait3A_250 = tpu.memref_squeeze %dma_wait3A_249 : memref<1x128xi32, #tpu.memory_space<vmem>> -> memref<128xi32, #tpu.memory_space<vmem>>
      %dma_wait3A_251 = arith.constant 0 : i32
      %dma_wait3A_252 = arith.constant 0 : i32
      %dma_wait3A_253 = tpu.memref_slice %arg2[%dma_wait3A_251, %dma_wait3A_252] : memref<10240x16xf32, #tpu.memory_space<hbm>> -> memref<10240x16xf32, #tpu.memory_space<hbm>>
      tpu.wait_indirect_dma semaphore(%arg13 : memref<!tpu.dma_semaphore, #tpu.memory_space<semaphore_mem>>) src(%dma_wait3A_253 : memref<10240x16xf32, #tpu.memory_space<hbm>>) dst(%dma_wait3A_247 : memref<128x16xf32, #tpu.memory_space<vmem>>)
      %add3A_254 = arith.constant 5 : i32
      %add3A_255 = arith.addi %mul3A_105, %add3A_254 : i32
      %dma_wait3A_256 = arith.constant 640 : i32
      %dma_wait3A_257 = arith.constant 0 : i32
      %dma_wait3A_258 = tpu.memref_slice %arg9[%dma_wait3A_256, %dma_wait3A_257] : memref<1024x16xf32, #tpu.memory_space<vmem>> -> memref<128x16xf32, #tpu.memory_space<vmem>>
      %dma_wait3A_259 = arith.constant 0 : i32
      %dma_wait3A_260 = tpu.memref_slice %arg7[%add3A_255, %dma_wait3A_259] : memref<80x128xi32, #tpu.memory_space<vmem>> -> memref<1x128xi32, #tpu.memory_space<vmem>>
      %dma_wait3A_261 = tpu.memref_squeeze %dma_wait3A_260 : memref<1x128xi32, #tpu.memory_space<vmem>> -> memref<128xi32, #tpu.memory_space<vmem>>
      %dma_wait3A_262 = arith.constant 0 : i32
      %dma_wait3A_263 = arith.constant 0 : i32
      %dma_wait3A_264 = tpu.memref_slice %arg2[%dma_wait3A_262, %dma_wait3A_263] : memref<10240x16xf32, #tpu.memory_space<hbm>> -> memref<10240x16xf32, #tpu.memory_space<hbm>>
      tpu.wait_indirect_dma semaphore(%arg13 : memref<!tpu.dma_semaphore, #tpu.memory_space<semaphore_mem>>) src(%dma_wait3A_264 : memref<10240x16xf32, #tpu.memory_space<hbm>>) dst(%dma_wait3A_258 : memref<128x16xf32, #tpu.memory_space<vmem>>)
      %add3A_265 = arith.constant 6 : i32
      %add3A_266 = arith.addi %mul3A_105, %add3A_265 : i32
      %dma_wait3A_267 = arith.constant 768 : i32
      %dma_wait3A_268 = arith.constant 0 : i32
      %dma_wait3A_269 = tpu.memref_slice %arg9[%dma_wait3A_267, %dma_wait3A_268] : memref<1024x16xf32, #tpu.memory_space<vmem>> -> memref<128x16xf32, #tpu.memory_space<vmem>>
      %dma_wait3A_270 = arith.constant 0 : i32
      %dma_wait3A_271 = tpu.memref_slice %arg7[%add3A_266, %dma_wait3A_270] : memref<80x128xi32, #tpu.memory_space<vmem>> -> memref<1x128xi32, #tpu.memory_space<vmem>>
      %dma_wait3A_272 = tpu.memref_squeeze %dma_wait3A_271 : memref<1x128xi32, #tpu.memory_space<vmem>> -> memref<128xi32, #tpu.memory_space<vmem>>
      %dma_wait3A_273 = arith.constant 0 : i32
      %dma_wait3A_274 = arith.constant 0 : i32
      %dma_wait3A_275 = tpu.memref_slice %arg2[%dma_wait3A_273, %dma_wait3A_274] : memref<10240x16xf32, #tpu.memory_space<hbm>> -> memref<10240x16xf32, #tpu.memory_space<hbm>>
      tpu.wait_indirect_dma semaphore(%arg13 : memref<!tpu.dma_semaphore, #tpu.memory_space<semaphore_mem>>) src(%dma_wait3A_275 : memref<10240x16xf32, #tpu.memory_space<hbm>>) dst(%dma_wait3A_269 : memref<128x16xf32, #tpu.memory_space<vmem>>)
      %add3A_276 = arith.constant 7 : i32
      %add3A_277 = arith.addi %mul3A_105, %add3A_276 : i32
      %dma_wait3A_278 = arith.constant 896 : i32
      %dma_wait3A_279 = arith.constant 0 : i32
      %dma_wait3A_280 = tpu.memref_slice %arg9[%dma_wait3A_278, %dma_wait3A_279] : memref<1024x16xf32, #tpu.memory_space<vmem>> -> memref<128x16xf32, #tpu.memory_space<vmem>>
      %dma_wait3A_281 = arith.constant 0 : i32
      %dma_wait3A_282 = tpu.memref_slice %arg7[%add3A_277, %dma_wait3A_281] : memref<80x128xi32, #tpu.memory_space<vmem>> -> memref<1x128xi32, #tpu.memory_space<vmem>>
      %dma_wait3A_283 = tpu.memref_squeeze %dma_wait3A_282 : memref<1x128xi32, #tpu.memory_space<vmem>> -> memref<128xi32, #tpu.memory_space<vmem>>
      %dma_wait3A_284 = arith.constant 0 : i32
      %dma_wait3A_285 = arith.constant 0 : i32
      %dma_wait3A_286 = tpu.memref_slice %arg2[%dma_wait3A_284, %dma_wait3A_285] : memref<10240x16xf32, #tpu.memory_space<hbm>> -> memref<10240x16xf32, #tpu.memory_space<hbm>>
      tpu.wait_indirect_dma semaphore(%arg13 : memref<!tpu.dma_semaphore, #tpu.memory_space<semaphore_mem>>) src(%dma_wait3A_286 : memref<10240x16xf32, #tpu.memory_space<hbm>>) dst(%dma_wait3A_280 : memref<128x16xf32, #tpu.memory_space<vmem>>)
      %add3A_287 = arith.constant 0 : i32
      %add3A_288 = arith.addi %mul3A_105, %add3A_287 : i32
      %dma_start3A_289 = arith.constant 0 : i32
      %dma_start3A_290 = arith.constant 0 : i32
      %dma_start3A_291 = tpu.memref_slice %arg9[%dma_start3A_289, %dma_start3A_290] : memref<1024x16xf32, #tpu.memory_space<vmem>> -> memref<128x16xf32, #tpu.memory_space<vmem>>
      %dma_start3A_292 = arith.constant 0 : i32
      %dma_start3A_293 = tpu.memref_slice %arg8[%add3A_288, %dma_start3A_292] : memref<80x128xi32, #tpu.memory_space<vmem>> -> memref<1x128xi32, #tpu.memory_space<vmem>>
      %dma_start3A_294 = tpu.memref_squeeze %dma_start3A_293 : memref<1x128xi32, #tpu.memory_space<vmem>> -> memref<128xi32, #tpu.memory_space<vmem>>
      %dma_start3A_295 = arith.constant 0 : i32
      %dma_start3A_296 = arith.constant 0 : i32
      %dma_start3A_297 = tpu.memref_slice %arg12[%dma_start3A_295, %dma_start3A_296] : memref<10240x16xf32, #tpu.memory_space<vmem_shared>> -> memref<10240x16xf32, #tpu.memory_space<vmem_shared>>
      tpu.enqueue_indirect_dma source(%dma_start3A_291 : memref<128x16xf32, #tpu.memory_space<vmem>>) target(%dma_start3A_297 : memref<10240x16xf32, #tpu.memory_space<vmem_shared>>) offsets(%dma_start3A_294 : memref<128xi32, #tpu.memory_space<vmem>>) semaphore(%arg15 : memref<!tpu.dma_semaphore, #tpu.memory_space<semaphore_mem>>) {add = true}
      %add3A_298 = arith.constant 1 : i32
      %add3A_299 = arith.addi %mul3A_105, %add3A_298 : i32
      %dma_start3A_300 = arith.constant 128 : i32
      %dma_start3A_301 = arith.constant 0 : i32
      %dma_start3A_302 = tpu.memref_slice %arg9[%dma_start3A_300, %dma_start3A_301] : memref<1024x16xf32, #tpu.memory_space<vmem>> -> memref<128x16xf32, #tpu.memory_space<vmem>>
      %dma_start3A_303 = arith.constant 0 : i32
      %dma_start3A_304 = tpu.memref_slice %arg8[%add3A_299, %dma_start3A_303] : memref<80x128xi32, #tpu.memory_space<vmem>> -> memref<1x128xi32, #tpu.memory_space<vmem>>
      %dma_start3A_305 = tpu.memref_squeeze %dma_start3A_304 : memref<1x128xi32, #tpu.memory_space<vmem>> -> memref<128xi32, #tpu.memory_space<vmem>>
      %dma_start3A_306 = arith.constant 0 : i32
      %dma_start3A_307 = arith.constant 0 : i32
      %dma_start3A_308 = tpu.memref_slice %arg12[%dma_start3A_306, %dma_start3A_307] : memref<10240x16xf32, #tpu.memory_space<vmem_shared>> -> memref<10240x16xf32, #tpu.memory_space<vmem_shared>>
      tpu.enqueue_indirect_dma source(%dma_start3A_302 : memref<128x16xf32, #tpu.memory_space<vmem>>) target(%dma_start3A_308 : memref<10240x16xf32, #tpu.memory_space<vmem_shared>>) offsets(%dma_start3A_305 : memref<128xi32, #tpu.memory_space<vmem>>) semaphore(%arg15 : memref<!tpu.dma_semaphore, #tpu.memory_space<semaphore_mem>>) {add = true}
      %add3A_309 = arith.constant 2 : i32
      %add3A_310 = arith.addi %mul3A_105, %add3A_309 : i32
      %dma_start3A_311 = arith.constant 256 : i32
      %dma_start3A_312 = arith.constant 0 : i32
      %dma_start3A_313 = tpu.memref_slice %arg9[%dma_start3A_311, %dma_start3A_312] : memref<1024x16xf32, #tpu.memory_space<vmem>> -> memref<128x16xf32, #tpu.memory_space<vmem>>
      %dma_start3A_314 = arith.constant 0 : i32
      %dma_start3A_315 = tpu.memref_slice %arg8[%add3A_310, %dma_start3A_314] : memref<80x128xi32, #tpu.memory_space<vmem>> -> memref<1x128xi32, #tpu.memory_space<vmem>>
      %dma_start3A_316 = tpu.memref_squeeze %dma_start3A_315 : memref<1x128xi32, #tpu.memory_space<vmem>> -> memref<128xi32, #tpu.memory_space<vmem>>
      %dma_start3A_317 = arith.constant 0 : i32
      %dma_start3A_318 = arith.constant 0 : i32
      %dma_start3A_319 = tpu.memref_slice %arg12[%dma_start3A_317, %dma_start3A_318] : memref<10240x16xf32, #tpu.memory_space<vmem_shared>> -> memref<10240x16xf32, #tpu.memory_space<vmem_shared>>
      tpu.enqueue_indirect_dma source(%dma_start3A_313 : memref<128x16xf32, #tpu.memory_space<vmem>>) target(%dma_start3A_319 : memref<10240x16xf32, #tpu.memory_space<vmem_shared>>) offsets(%dma_start3A_316 : memref<128xi32, #tpu.memory_space<vmem>>) semaphore(%arg15 : memref<!tpu.dma_semaphore, #tpu.memory_space<semaphore_mem>>) {add = true}
      %add3A_320 = arith.constant 3 : i32
      %add3A_321 = arith.addi %mul3A_105, %add3A_320 : i32
      %dma_start3A_322 = arith.constant 384 : i32
      %dma_start3A_323 = arith.constant 0 : i32
      %dma_start3A_324 = tpu.memref_slice %arg9[%dma_start3A_322, %dma_start3A_323] : memref<1024x16xf32, #tpu.memory_space<vmem>> -> memref<128x16xf32, #tpu.memory_space<vmem>>
      %dma_start3A_325 = arith.constant 0 : i32
      %dma_start3A_326 = tpu.memref_slice %arg8[%add3A_321, %dma_start3A_325] : memref<80x128xi32, #tpu.memory_space<vmem>> -> memref<1x128xi32, #tpu.memory_space<vmem>>
      %dma_start3A_327 = tpu.memref_squeeze %dma_start3A_326 : memref<1x128xi32, #tpu.memory_space<vmem>> -> memref<128xi32, #tpu.memory_space<vmem>>
      %dma_start3A_328 = arith.constant 0 : i32
      %dma_start3A_329 = arith.constant 0 : i32
      %dma_start3A_330 = tpu.memref_slice %arg12[%dma_start3A_328, %dma_start3A_329] : memref<10240x16xf32, #tpu.memory_space<vmem_shared>> -> memref<10240x16xf32, #tpu.memory_space<vmem_shared>>
      tpu.enqueue_indirect_dma source(%dma_start3A_324 : memref<128x16xf32, #tpu.memory_space<vmem>>) target(%dma_start3A_330 : memref<10240x16xf32, #tpu.memory_space<vmem_shared>>) offsets(%dma_start3A_327 : memref<128xi32, #tpu.memory_space<vmem>>) semaphore(%arg15 : memref<!tpu.dma_semaphore, #tpu.memory_space<semaphore_mem>>) {add = true}
      %add3A_331 = arith.constant 4 : i32
      %add3A_332 = arith.addi %mul3A_105, %add3A_331 : i32
      %dma_start3A_333 = arith.constant 512 : i32
      %dma_start3A_334 = arith.constant 0 : i32
      %dma_start3A_335 = tpu.memref_slice %arg9[%dma_start3A_333, %dma_start3A_334] : memref<1024x16xf32, #tpu.memory_space<vmem>> -> memref<128x16xf32, #tpu.memory_space<vmem>>
      %dma_start3A_336 = arith.constant 0 : i32
      %dma_start3A_337 = tpu.memref_slice %arg8[%add3A_332, %dma_start3A_336] : memref<80x128xi32, #tpu.memory_space<vmem>> -> memref<1x128xi32, #tpu.memory_space<vmem>>
      %dma_start3A_338 = tpu.memref_squeeze %dma_start3A_337 : memref<1x128xi32, #tpu.memory_space<vmem>> -> memref<128xi32, #tpu.memory_space<vmem>>
      %dma_start3A_339 = arith.constant 0 : i32
      %dma_start3A_340 = arith.constant 0 : i32
      %dma_start3A_341 = tpu.memref_slice %arg12[%dma_start3A_339, %dma_start3A_340] : memref<10240x16xf32, #tpu.memory_space<vmem_shared>> -> memref<10240x16xf32, #tpu.memory_space<vmem_shared>>
      tpu.enqueue_indirect_dma source(%dma_start3A_335 : memref<128x16xf32, #tpu.memory_space<vmem>>) target(%dma_start3A_341 : memref<10240x16xf32, #tpu.memory_space<vmem_shared>>) offsets(%dma_start3A_338 : memref<128xi32, #tpu.memory_space<vmem>>) semaphore(%arg15 : memref<!tpu.dma_semaphore, #tpu.memory_space<semaphore_mem>>) {add = true}
      %add3A_342 = arith.constant 5 : i32
      %add3A_343 = arith.addi %mul3A_105, %add3A_342 : i32
      %dma_start3A_344 = arith.constant 640 : i32
      %dma_start3A_345 = arith.constant 0 : i32
      %dma_start3A_346 = tpu.memref_slice %arg9[%dma_start3A_344, %dma_start3A_345] : memref<1024x16xf32, #tpu.memory_space<vmem>> -> memref<128x16xf32, #tpu.memory_space<vmem>>
      %dma_start3A_347 = arith.constant 0 : i32
      %dma_start3A_348 = tpu.memref_slice %arg8[%add3A_343, %dma_start3A_347] : memref<80x128xi32, #tpu.memory_space<vmem>> -> memref<1x128xi32, #tpu.memory_space<vmem>>
      %dma_start3A_349 = tpu.memref_squeeze %dma_start3A_348 : memref<1x128xi32, #tpu.memory_space<vmem>> -> memref<128xi32, #tpu.memory_space<vmem>>
      %dma_start3A_350 = arith.constant 0 : i32
      %dma_start3A_351 = arith.constant 0 : i32
      %dma_start3A_352 = tpu.memref_slice %arg12[%dma_start3A_350, %dma_start3A_351] : memref<10240x16xf32, #tpu.memory_space<vmem_shared>> -> memref<10240x16xf32, #tpu.memory_space<vmem_shared>>
      tpu.enqueue_indirect_dma source(%dma_start3A_346 : memref<128x16xf32, #tpu.memory_space<vmem>>) target(%dma_start3A_352 : memref<10240x16xf32, #tpu.memory_space<vmem_shared>>) offsets(%dma_start3A_349 : memref<128xi32, #tpu.memory_space<vmem>>) semaphore(%arg15 : memref<!tpu.dma_semaphore, #tpu.memory_space<semaphore_mem>>) {add = true}
      %add3A_353 = arith.constant 6 : i32
      %add3A_354 = arith.addi %mul3A_105, %add3A_353 : i32
      %dma_start3A_355 = arith.constant 768 : i32
      %dma_start3A_356 = arith.constant 0 : i32
      %dma_start3A_357 = tpu.memref_slice %arg9[%dma_start3A_355, %dma_start3A_356] : memref<1024x16xf32, #tpu.memory_space<vmem>> -> memref<128x16xf32, #tpu.memory_space<vmem>>
      %dma_start3A_358 = arith.constant 0 : i32
      %dma_start3A_359 = tpu.memref_slice %arg8[%add3A_354, %dma_start3A_358] : memref<80x128xi32, #tpu.memory_space<vmem>> -> memref<1x128xi32, #tpu.memory_space<vmem>>
      %dma_start3A_360 = tpu.memref_squeeze %dma_start3A_359 : memref<1x128xi32, #tpu.memory_space<vmem>> -> memref<128xi32, #tpu.memory_space<vmem>>
      %dma_start3A_361 = arith.constant 0 : i32
      %dma_start3A_362 = arith.constant 0 : i32
      %dma_start3A_363 = tpu.memref_slice %arg12[%dma_start3A_361, %dma_start3A_362] : memref<10240x16xf32, #tpu.memory_space<vmem_shared>> -> memref<10240x16xf32, #tpu.memory_space<vmem_shared>>
      tpu.enqueue_indirect_dma source(%dma_start3A_357 : memref<128x16xf32, #tpu.memory_space<vmem>>) target(%dma_start3A_363 : memref<10240x16xf32, #tpu.memory_space<vmem_shared>>) offsets(%dma_start3A_360 : memref<128xi32, #tpu.memory_space<vmem>>) semaphore(%arg15 : memref<!tpu.dma_semaphore, #tpu.memory_space<semaphore_mem>>) {add = true}
      %add3A_364 = arith.constant 7 : i32
      %add3A_365 = arith.addi %mul3A_105, %add3A_364 : i32
      %dma_start3A_366 = arith.constant 896 : i32
      %dma_start3A_367 = arith.constant 0 : i32
      %dma_start3A_368 = tpu.memref_slice %arg9[%dma_start3A_366, %dma_start3A_367] : memref<1024x16xf32, #tpu.memory_space<vmem>> -> memref<128x16xf32, #tpu.memory_space<vmem>>
      %dma_start3A_369 = arith.constant 0 : i32
      %dma_start3A_370 = tpu.memref_slice %arg8[%add3A_365, %dma_start3A_369] : memref<80x128xi32, #tpu.memory_space<vmem>> -> memref<1x128xi32, #tpu.memory_space<vmem>>
      %dma_start3A_371 = tpu.memref_squeeze %dma_start3A_370 : memref<1x128xi32, #tpu.memory_space<vmem>> -> memref<128xi32, #tpu.memory_space<vmem>>
      %dma_start3A_372 = arith.constant 0 : i32
      %dma_start3A_373 = arith.constant 0 : i32
      %dma_start3A_374 = tpu.memref_slice %arg12[%dma_start3A_372, %dma_start3A_373] : memref<10240x16xf32, #tpu.memory_space<vmem_shared>> -> memref<10240x16xf32, #tpu.memory_space<vmem_shared>>
      tpu.enqueue_indirect_dma source(%dma_start3A_368 : memref<128x16xf32, #tpu.memory_space<vmem>>) target(%dma_start3A_374 : memref<10240x16xf32, #tpu.memory_space<vmem_shared>>) offsets(%dma_start3A_371 : memref<128xi32, #tpu.memory_space<vmem>>) semaphore(%arg15 : memref<!tpu.dma_semaphore, #tpu.memory_space<semaphore_mem>>) {add = true}
      %dma_wait3A_375 = arith.constant 0 : i32
      %dma_wait3A_376 = arith.constant 0 : i32
      %dma_wait3A_377 = tpu.memref_slice %arg9[%dma_wait3A_375, %dma_wait3A_376] : memref<1024x16xf32, #tpu.memory_space<vmem>> -> memref<128x16xf32, #tpu.memory_space<vmem>>
      %dma_wait3A_378 = arith.constant 0 : i32
      %dma_wait3A_379 = tpu.memref_slice %arg8[%add3A_288, %dma_wait3A_378] : memref<80x128xi32, #tpu.memory_space<vmem>> -> memref<1x128xi32, #tpu.memory_space<vmem>>
      %dma_wait3A_380 = tpu.memref_squeeze %dma_wait3A_379 : memref<1x128xi32, #tpu.memory_space<vmem>> -> memref<128xi32, #tpu.memory_space<vmem>>
      %dma_wait3A_381 = arith.constant 0 : i32
      %dma_wait3A_382 = arith.constant 0 : i32
      %dma_wait3A_383 = tpu.memref_slice %arg12[%dma_wait3A_381, %dma_wait3A_382] : memref<10240x16xf32, #tpu.memory_space<vmem_shared>> -> memref<10240x16xf32, #tpu.memory_space<vmem_shared>>
      tpu.wait_indirect_dma semaphore(%arg15 : memref<!tpu.dma_semaphore, #tpu.memory_space<semaphore_mem>>) src(%dma_wait3A_377 : memref<128x16xf32, #tpu.memory_space<vmem>>) dst(%dma_wait3A_383 : memref<10240x16xf32, #tpu.memory_space<vmem_shared>>)
      %dma_wait3A_384 = arith.constant 128 : i32
      %dma_wait3A_385 = arith.constant 0 : i32
      %dma_wait3A_386 = tpu.memref_slice %arg9[%dma_wait3A_384, %dma_wait3A_385] : memref<1024x16xf32, #tpu.memory_space<vmem>> -> memref<128x16xf32, #tpu.memory_space<vmem>>
      %dma_wait3A_387 = arith.constant 0 : i32
      %dma_wait3A_388 = tpu.memref_slice %arg8[%add3A_299, %dma_wait3A_387] : memref<80x128xi32, #tpu.memory_space<vmem>> -> memref<1x128xi32, #tpu.memory_space<vmem>>
      %dma_wait3A_389 = tpu.memref_squeeze %dma_wait3A_388 : memref<1x128xi32, #tpu.memory_space<vmem>> -> memref<128xi32, #tpu.memory_space<vmem>>
      %dma_wait3A_390 = arith.constant 0 : i32
      %dma_wait3A_391 = arith.constant 0 : i32
      %dma_wait3A_392 = tpu.memref_slice %arg12[%dma_wait3A_390, %dma_wait3A_391] : memref<10240x16xf32, #tpu.memory_space<vmem_shared>> -> memref<10240x16xf32, #tpu.memory_space<vmem_shared>>
      tpu.wait_indirect_dma semaphore(%arg15 : memref<!tpu.dma_semaphore, #tpu.memory_space<semaphore_mem>>) src(%dma_wait3A_386 : memref<128x16xf32, #tpu.memory_space<vmem>>) dst(%dma_wait3A_392 : memref<10240x16xf32, #tpu.memory_space<vmem_shared>>)
      %dma_wait3A_393 = arith.constant 256 : i32
      %dma_wait3A_394 = arith.constant 0 : i32
      %dma_wait3A_395 = tpu.memref_slice %arg9[%dma_wait3A_393, %dma_wait3A_394] : memref<1024x16xf32, #tpu.memory_space<vmem>> -> memref<128x16xf32, #tpu.memory_space<vmem>>
      %dma_wait3A_396 = arith.constant 0 : i32
      %dma_wait3A_397 = tpu.memref_slice %arg8[%add3A_310, %dma_wait3A_396] : memref<80x128xi32, #tpu.memory_space<vmem>> -> memref<1x128xi32, #tpu.memory_space<vmem>>
      %dma_wait3A_398 = tpu.memref_squeeze %dma_wait3A_397 : memref<1x128xi32, #tpu.memory_space<vmem>> -> memref<128xi32, #tpu.memory_space<vmem>>
      %dma_wait3A_399 = arith.constant 0 : i32
      %dma_wait3A_400 = arith.constant 0 : i32
      %dma_wait3A_401 = tpu.memref_slice %arg12[%dma_wait3A_399, %dma_wait3A_400] : memref<10240x16xf32, #tpu.memory_space<vmem_shared>> -> memref<10240x16xf32, #tpu.memory_space<vmem_shared>>
      tpu.wait_indirect_dma semaphore(%arg15 : memref<!tpu.dma_semaphore, #tpu.memory_space<semaphore_mem>>) src(%dma_wait3A_395 : memref<128x16xf32, #tpu.memory_space<vmem>>) dst(%dma_wait3A_401 : memref<10240x16xf32, #tpu.memory_space<vmem_shared>>)
      %dma_wait3A_402 = arith.constant 384 : i32
      %dma_wait3A_403 = arith.constant 0 : i32
      %dma_wait3A_404 = tpu.memref_slice %arg9[%dma_wait3A_402, %dma_wait3A_403] : memref<1024x16xf32, #tpu.memory_space<vmem>> -> memref<128x16xf32, #tpu.memory_space<vmem>>
      %dma_wait3A_405 = arith.constant 0 : i32
      %dma_wait3A_406 = tpu.memref_slice %arg8[%add3A_321, %dma_wait3A_405] : memref<80x128xi32, #tpu.memory_space<vmem>> -> memref<1x128xi32, #tpu.memory_space<vmem>>
      %dma_wait3A_407 = tpu.memref_squeeze %dma_wait3A_406 : memref<1x128xi32, #tpu.memory_space<vmem>> -> memref<128xi32, #tpu.memory_space<vmem>>
      %dma_wait3A_408 = arith.constant 0 : i32
      %dma_wait3A_409 = arith.constant 0 : i32
      %dma_wait3A_410 = tpu.memref_slice %arg12[%dma_wait3A_408, %dma_wait3A_409] : memref<10240x16xf32, #tpu.memory_space<vmem_shared>> -> memref<10240x16xf32, #tpu.memory_space<vmem_shared>>
      tpu.wait_indirect_dma semaphore(%arg15 : memref<!tpu.dma_semaphore, #tpu.memory_space<semaphore_mem>>) src(%dma_wait3A_404 : memref<128x16xf32, #tpu.memory_space<vmem>>) dst(%dma_wait3A_410 : memref<10240x16xf32, #tpu.memory_space<vmem_shared>>)
      %dma_wait3A_411 = arith.constant 512 : i32
      %dma_wait3A_412 = arith.constant 0 : i32
      %dma_wait3A_413 = tpu.memref_slice %arg9[%dma_wait3A_411, %dma_wait3A_412] : memref<1024x16xf32, #tpu.memory_space<vmem>> -> memref<128x16xf32, #tpu.memory_space<vmem>>
      %dma_wait3A_414 = arith.constant 0 : i32
      %dma_wait3A_415 = tpu.memref_slice %arg8[%add3A_332, %dma_wait3A_414] : memref<80x128xi32, #tpu.memory_space<vmem>> -> memref<1x128xi32, #tpu.memory_space<vmem>>
      %dma_wait3A_416 = tpu.memref_squeeze %dma_wait3A_415 : memref<1x128xi32, #tpu.memory_space<vmem>> -> memref<128xi32, #tpu.memory_space<vmem>>
      %dma_wait3A_417 = arith.constant 0 : i32
      %dma_wait3A_418 = arith.constant 0 : i32
      %dma_wait3A_419 = tpu.memref_slice %arg12[%dma_wait3A_417, %dma_wait3A_418] : memref<10240x16xf32, #tpu.memory_space<vmem_shared>> -> memref<10240x16xf32, #tpu.memory_space<vmem_shared>>
      tpu.wait_indirect_dma semaphore(%arg15 : memref<!tpu.dma_semaphore, #tpu.memory_space<semaphore_mem>>) src(%dma_wait3A_413 : memref<128x16xf32, #tpu.memory_space<vmem>>) dst(%dma_wait3A_419 : memref<10240x16xf32, #tpu.memory_space<vmem_shared>>)
      %dma_wait3A_420 = arith.constant 640 : i32
      %dma_wait3A_421 = arith.constant 0 : i32
      %dma_wait3A_422 = tpu.memref_slice %arg9[%dma_wait3A_420, %dma_wait3A_421] : memref<1024x16xf32, #tpu.memory_space<vmem>> -> memref<128x16xf32, #tpu.memory_space<vmem>>
      %dma_wait3A_423 = arith.constant 0 : i32
      %dma_wait3A_424 = tpu.memref_slice %arg8[%add3A_343, %dma_wait3A_423] : memref<80x128xi32, #tpu.memory_space<vmem>> -> memref<1x128xi32, #tpu.memory_space<vmem>>
      %dma_wait3A_425 = tpu.memref_squeeze %dma_wait3A_424 : memref<1x128xi32, #tpu.memory_space<vmem>> -> memref<128xi32, #tpu.memory_space<vmem>>
      %dma_wait3A_426 = arith.constant 0 : i32
      %dma_wait3A_427 = arith.constant 0 : i32
      %dma_wait3A_428 = tpu.memref_slice %arg12[%dma_wait3A_426, %dma_wait3A_427] : memref<10240x16xf32, #tpu.memory_space<vmem_shared>> -> memref<10240x16xf32, #tpu.memory_space<vmem_shared>>
      tpu.wait_indirect_dma semaphore(%arg15 : memref<!tpu.dma_semaphore, #tpu.memory_space<semaphore_mem>>) src(%dma_wait3A_422 : memref<128x16xf32, #tpu.memory_space<vmem>>) dst(%dma_wait3A_428 : memref<10240x16xf32, #tpu.memory_space<vmem_shared>>)
      %dma_wait3A_429 = arith.constant 768 : i32
      %dma_wait3A_430 = arith.constant 0 : i32
      %dma_wait3A_431 = tpu.memref_slice %arg9[%dma_wait3A_429, %dma_wait3A_430] : memref<1024x16xf32, #tpu.memory_space<vmem>> -> memref<128x16xf32, #tpu.memory_space<vmem>>
      %dma_wait3A_432 = arith.constant 0 : i32
      %dma_wait3A_433 = tpu.memref_slice %arg8[%add3A_354, %dma_wait3A_432] : memref<80x128xi32, #tpu.memory_space<vmem>> -> memref<1x128xi32, #tpu.memory_space<vmem>>
      %dma_wait3A_434 = tpu.memref_squeeze %dma_wait3A_433 : memref<1x128xi32, #tpu.memory_space<vmem>> -> memref<128xi32, #tpu.memory_space<vmem>>
      %dma_wait3A_435 = arith.constant 0 : i32
      %dma_wait3A_436 = arith.constant 0 : i32
      %dma_wait3A_437 = tpu.memref_slice %arg12[%dma_wait3A_435, %dma_wait3A_436] : memref<10240x16xf32, #tpu.memory_space<vmem_shared>> -> memref<10240x16xf32, #tpu.memory_space<vmem_shared>>
      tpu.wait_indirect_dma semaphore(%arg15 : memref<!tpu.dma_semaphore, #tpu.memory_space<semaphore_mem>>) src(%dma_wait3A_431 : memref<128x16xf32, #tpu.memory_space<vmem>>) dst(%dma_wait3A_437 : memref<10240x16xf32, #tpu.memory_space<vmem_shared>>)
      %dma_wait3A_438 = arith.constant 896 : i32
      %dma_wait3A_439 = arith.constant 0 : i32
      %dma_wait3A_440 = tpu.memref_slice %arg9[%dma_wait3A_438, %dma_wait3A_439] : memref<1024x16xf32, #tpu.memory_space<vmem>> -> memref<128x16xf32, #tpu.memory_space<vmem>>
      %dma_wait3A_441 = arith.constant 0 : i32
      %dma_wait3A_442 = tpu.memref_slice %arg8[%add3A_365, %dma_wait3A_441] : memref<80x128xi32, #tpu.memory_space<vmem>> -> memref<1x128xi32, #tpu.memory_space<vmem>>
      %dma_wait3A_443 = tpu.memref_squeeze %dma_wait3A_442 : memref<1x128xi32, #tpu.memory_space<vmem>> -> memref<128xi32, #tpu.memory_space<vmem>>
      %dma_wait3A_444 = arith.constant 0 : i32
      %dma_wait3A_445 = arith.constant 0 : i32
      %dma_wait3A_446 = tpu.memref_slice %arg12[%dma_wait3A_444, %dma_wait3A_445] : memref<10240x16xf32, #tpu.memory_space<vmem_shared>> -> memref<10240x16xf32, #tpu.memory_space<vmem_shared>>
      tpu.wait_indirect_dma semaphore(%arg15 : memref<!tpu.dma_semaphore, #tpu.memory_space<semaphore_mem>>) src(%dma_wait3A_440 : memref<128x16xf32, #tpu.memory_space<vmem>>) dst(%dma_wait3A_446 : memref<10240x16xf32, #tpu.memory_space<vmem_shared>>)
      %mul3A_447 = arith.constant 2 : i32
      %mul3A_448 = arith.muli %mul3A_447, %scan3A_101 : i32
      %add3A_449 = arith.constant 2 : i32
      %add3A_450 = arith.addi %mul3A_448, %add3A_449 : i32
      %lt3A_451 = arith.constant 10 : i32
      %lt3A_452 = arith.cmpi slt, %add3A_450, %lt3A_451 : i32
      %convert_element_type3A_453 = arith.extui %lt3A_452 : i1 to i32
      %cond3A_454 = arith.constant 0 : i32
      %cond3A_455 = arith.cmpi ne, %convert_element_type3A_453, %cond3A_454 : i32
      scf.if %cond3A_455 {
        %add3A_688 = arith.constant 16 : i32
        %add3A_689 = arith.addi %mul3A_105, %add3A_688 : i32
        %add3A_690 = arith.constant 0 : i32
        %add3A_691 = arith.addi %add3A_689, %add3A_690 : i32
        %dma_start3A_692 = arith.constant 0 : i32
        %dma_start3A_693 = arith.constant 0 : i32
        %dma_start3A_694 = tpu.memref_slice %arg9[%dma_start3A_692, %dma_start3A_693] : memref<1024x16xf32, #tpu.memory_space<vmem>> -> memref<128x16xf32, #tpu.memory_space<vmem>>
        %dma_start3A_695 = arith.constant 0 : i32
        %dma_start3A_696 = tpu.memref_slice %arg7[%add3A_691, %dma_start3A_695] : memref<80x128xi32, #tpu.memory_space<vmem>> -> memref<1x128xi32, #tpu.memory_space<vmem>>
        %dma_start3A_697 = tpu.memref_squeeze %dma_start3A_696 : memref<1x128xi32, #tpu.memory_space<vmem>> -> memref<128xi32, #tpu.memory_space<vmem>>
        %dma_start3A_698 = arith.constant 0 : i32
        %dma_start3A_699 = arith.constant 0 : i32
        %dma_start3A_700 = tpu.memref_slice %arg2[%dma_start3A_698, %dma_start3A_699] : memref<10240x16xf32, #tpu.memory_space<hbm>> -> memref<10240x16xf32, #tpu.memory_space<hbm>>
        tpu.enqueue_indirect_dma source(%dma_start3A_700 : memref<10240x16xf32, #tpu.memory_space<hbm>>) target(%dma_start3A_694 : memref<128x16xf32, #tpu.memory_space<vmem>>) offsets(%dma_start3A_697 : memref<128xi32, #tpu.memory_space<vmem>>) semaphore(%arg13 : memref<!tpu.dma_semaphore, #tpu.memory_space<semaphore_mem>>)
        %add3A_701 = arith.constant 1 : i32
        %add3A_702 = arith.addi %add3A_689, %add3A_701 : i32
        %dma_start3A_703 = arith.constant 128 : i32
        %dma_start3A_704 = arith.constant 0 : i32
        %dma_start3A_705 = tpu.memref_slice %arg9[%dma_start3A_703, %dma_start3A_704] : memref<1024x16xf32, #tpu.memory_space<vmem>> -> memref<128x16xf32, #tpu.memory_space<vmem>>
        %dma_start3A_706 = arith.constant 0 : i32
        %dma_start3A_707 = tpu.memref_slice %arg7[%add3A_702, %dma_start3A_706] : memref<80x128xi32, #tpu.memory_space<vmem>> -> memref<1x128xi32, #tpu.memory_space<vmem>>
        %dma_start3A_708 = tpu.memref_squeeze %dma_start3A_707 : memref<1x128xi32, #tpu.memory_space<vmem>> -> memref<128xi32, #tpu.memory_space<vmem>>
        %dma_start3A_709 = arith.constant 0 : i32
        %dma_start3A_710 = arith.constant 0 : i32
        %dma_start3A_711 = tpu.memref_slice %arg2[%dma_start3A_709, %dma_start3A_710] : memref<10240x16xf32, #tpu.memory_space<hbm>> -> memref<10240x16xf32, #tpu.memory_space<hbm>>
        tpu.enqueue_indirect_dma source(%dma_start3A_711 : memref<10240x16xf32, #tpu.memory_space<hbm>>) target(%dma_start3A_705 : memref<128x16xf32, #tpu.memory_space<vmem>>) offsets(%dma_start3A_708 : memref<128xi32, #tpu.memory_space<vmem>>) semaphore(%arg13 : memref<!tpu.dma_semaphore, #tpu.memory_space<semaphore_mem>>)
        %add3A_712 = arith.constant 2 : i32
        %add3A_713 = arith.addi %add3A_689, %add3A_712 : i32
        %dma_start3A_714 = arith.constant 256 : i32
        %dma_start3A_715 = arith.constant 0 : i32
        %dma_start3A_716 = tpu.memref_slice %arg9[%dma_start3A_714, %dma_start3A_715] : memref<1024x16xf32, #tpu.memory_space<vmem>> -> memref<128x16xf32, #tpu.memory_space<vmem>>
        %dma_start3A_717 = arith.constant 0 : i32
        %dma_start3A_718 = tpu.memref_slice %arg7[%add3A_713, %dma_start3A_717] : memref<80x128xi32, #tpu.memory_space<vmem>> -> memref<1x128xi32, #tpu.memory_space<vmem>>
        %dma_start3A_719 = tpu.memref_squeeze %dma_start3A_718 : memref<1x128xi32, #tpu.memory_space<vmem>> -> memref<128xi32, #tpu.memory_space<vmem>>
        %dma_start3A_720 = arith.constant 0 : i32
        %dma_start3A_721 = arith.constant 0 : i32
        %dma_start3A_722 = tpu.memref_slice %arg2[%dma_start3A_720, %dma_start3A_721] : memref<10240x16xf32, #tpu.memory_space<hbm>> -> memref<10240x16xf32, #tpu.memory_space<hbm>>
        tpu.enqueue_indirect_dma source(%dma_start3A_722 : memref<10240x16xf32, #tpu.memory_space<hbm>>) target(%dma_start3A_716 : memref<128x16xf32, #tpu.memory_space<vmem>>) offsets(%dma_start3A_719 : memref<128xi32, #tpu.memory_space<vmem>>) semaphore(%arg13 : memref<!tpu.dma_semaphore, #tpu.memory_space<semaphore_mem>>)
        %add3A_723 = arith.constant 3 : i32
        %add3A_724 = arith.addi %add3A_689, %add3A_723 : i32
        %dma_start3A_725 = arith.constant 384 : i32
        %dma_start3A_726 = arith.constant 0 : i32
        %dma_start3A_727 = tpu.memref_slice %arg9[%dma_start3A_725, %dma_start3A_726] : memref<1024x16xf32, #tpu.memory_space<vmem>> -> memref<128x16xf32, #tpu.memory_space<vmem>>
        %dma_start3A_728 = arith.constant 0 : i32
        %dma_start3A_729 = tpu.memref_slice %arg7[%add3A_724, %dma_start3A_728] : memref<80x128xi32, #tpu.memory_space<vmem>> -> memref<1x128xi32, #tpu.memory_space<vmem>>
        %dma_start3A_730 = tpu.memref_squeeze %dma_start3A_729 : memref<1x128xi32, #tpu.memory_space<vmem>> -> memref<128xi32, #tpu.memory_space<vmem>>
        %dma_start3A_731 = arith.constant 0 : i32
        %dma_start3A_732 = arith.constant 0 : i32
        %dma_start3A_733 = tpu.memref_slice %arg2[%dma_start3A_731, %dma_start3A_732] : memref<10240x16xf32, #tpu.memory_space<hbm>> -> memref<10240x16xf32, #tpu.memory_space<hbm>>
        tpu.enqueue_indirect_dma source(%dma_start3A_733 : memref<10240x16xf32, #tpu.memory_space<hbm>>) target(%dma_start3A_727 : memref<128x16xf32, #tpu.memory_space<vmem>>) offsets(%dma_start3A_730 : memref<128xi32, #tpu.memory_space<vmem>>) semaphore(%arg13 : memref<!tpu.dma_semaphore, #tpu.memory_space<semaphore_mem>>)
        %add3A_734 = arith.constant 4 : i32
        %add3A_735 = arith.addi %add3A_689, %add3A_734 : i32
        %dma_start3A_736 = arith.constant 512 : i32
        %dma_start3A_737 = arith.constant 0 : i32
        %dma_start3A_738 = tpu.memref_slice %arg9[%dma_start3A_736, %dma_start3A_737] : memref<1024x16xf32, #tpu.memory_space<vmem>> -> memref<128x16xf32, #tpu.memory_space<vmem>>
        %dma_start3A_739 = arith.constant 0 : i32
        %dma_start3A_740 = tpu.memref_slice %arg7[%add3A_735, %dma_start3A_739] : memref<80x128xi32, #tpu.memory_space<vmem>> -> memref<1x128xi32, #tpu.memory_space<vmem>>
        %dma_start3A_741 = tpu.memref_squeeze %dma_start3A_740 : memref<1x128xi32, #tpu.memory_space<vmem>> -> memref<128xi32, #tpu.memory_space<vmem>>
        %dma_start3A_742 = arith.constant 0 : i32
        %dma_start3A_743 = arith.constant 0 : i32
        %dma_start3A_744 = tpu.memref_slice %arg2[%dma_start3A_742, %dma_start3A_743] : memref<10240x16xf32, #tpu.memory_space<hbm>> -> memref<10240x16xf32, #tpu.memory_space<hbm>>
        tpu.enqueue_indirect_dma source(%dma_start3A_744 : memref<10240x16xf32, #tpu.memory_space<hbm>>) target(%dma_start3A_738 : memref<128x16xf32, #tpu.memory_space<vmem>>) offsets(%dma_start3A_741 : memref<128xi32, #tpu.memory_space<vmem>>) semaphore(%arg13 : memref<!tpu.dma_semaphore, #tpu.memory_space<semaphore_mem>>)
        %add3A_745 = arith.constant 5 : i32
        %add3A_746 = arith.addi %add3A_689, %add3A_745 : i32
        %dma_start3A_747 = arith.constant 640 : i32
        %dma_start3A_748 = arith.constant 0 : i32
        %dma_start3A_749 = tpu.memref_slice %arg9[%dma_start3A_747, %dma_start3A_748] : memref<1024x16xf32, #tpu.memory_space<vmem>> -> memref<128x16xf32, #tpu.memory_space<vmem>>
        %dma_start3A_750 = arith.constant 0 : i32
        %dma_start3A_751 = tpu.memref_slice %arg7[%add3A_746, %dma_start3A_750] : memref<80x128xi32, #tpu.memory_space<vmem>> -> memref<1x128xi32, #tpu.memory_space<vmem>>
        %dma_start3A_752 = tpu.memref_squeeze %dma_start3A_751 : memref<1x128xi32, #tpu.memory_space<vmem>> -> memref<128xi32, #tpu.memory_space<vmem>>
        %dma_start3A_753 = arith.constant 0 : i32
        %dma_start3A_754 = arith.constant 0 : i32
        %dma_start3A_755 = tpu.memref_slice %arg2[%dma_start3A_753, %dma_start3A_754] : memref<10240x16xf32, #tpu.memory_space<hbm>> -> memref<10240x16xf32, #tpu.memory_space<hbm>>
        tpu.enqueue_indirect_dma source(%dma_start3A_755 : memref<10240x16xf32, #tpu.memory_space<hbm>>) target(%dma_start3A_749 : memref<128x16xf32, #tpu.memory_space<vmem>>) offsets(%dma_start3A_752 : memref<128xi32, #tpu.memory_space<vmem>>) semaphore(%arg13 : memref<!tpu.dma_semaphore, #tpu.memory_space<semaphore_mem>>)
        %add3A_756 = arith.constant 6 : i32
        %add3A_757 = arith.addi %add3A_689, %add3A_756 : i32
        %dma_start3A_758 = arith.constant 768 : i32
        %dma_start3A_759 = arith.constant 0 : i32
        %dma_start3A_760 = tpu.memref_slice %arg9[%dma_start3A_758, %dma_start3A_759] : memref<1024x16xf32, #tpu.memory_space<vmem>> -> memref<128x16xf32, #tpu.memory_space<vmem>>
        %dma_start3A_761 = arith.constant 0 : i32
        %dma_start3A_762 = tpu.memref_slice %arg7[%add3A_757, %dma_start3A_761] : memref<80x128xi32, #tpu.memory_space<vmem>> -> memref<1x128xi32, #tpu.memory_space<vmem>>
        %dma_start3A_763 = tpu.memref_squeeze %dma_start3A_762 : memref<1x128xi32, #tpu.memory_space<vmem>> -> memref<128xi32, #tpu.memory_space<vmem>>
        %dma_start3A_764 = arith.constant 0 : i32
        %dma_start3A_765 = arith.constant 0 : i32
        %dma_start3A_766 = tpu.memref_slice %arg2[%dma_start3A_764, %dma_start3A_765] : memref<10240x16xf32, #tpu.memory_space<hbm>> -> memref<10240x16xf32, #tpu.memory_space<hbm>>
        tpu.enqueue_indirect_dma source(%dma_start3A_766 : memref<10240x16xf32, #tpu.memory_space<hbm>>) target(%dma_start3A_760 : memref<128x16xf32, #tpu.memory_space<vmem>>) offsets(%dma_start3A_763 : memref<128xi32, #tpu.memory_space<vmem>>) semaphore(%arg13 : memref<!tpu.dma_semaphore, #tpu.memory_space<semaphore_mem>>)
        %add3A_767 = arith.constant 7 : i32
        %add3A_768 = arith.addi %add3A_689, %add3A_767 : i32
        %dma_start3A_769 = arith.constant 896 : i32
        %dma_start3A_770 = arith.constant 0 : i32
        %dma_start3A_771 = tpu.memref_slice %arg9[%dma_start3A_769, %dma_start3A_770] : memref<1024x16xf32, #tpu.memory_space<vmem>> -> memref<128x16xf32, #tpu.memory_space<vmem>>
        %dma_start3A_772 = arith.constant 0 : i32
        %dma_start3A_773 = tpu.memref_slice %arg7[%add3A_768, %dma_start3A_772] : memref<80x128xi32, #tpu.memory_space<vmem>> -> memref<1x128xi32, #tpu.memory_space<vmem>>
        %dma_start3A_774 = tpu.memref_squeeze %dma_start3A_773 : memref<1x128xi32, #tpu.memory_space<vmem>> -> memref<128xi32, #tpu.memory_space<vmem>>
        %dma_start3A_775 = arith.constant 0 : i32
        %dma_start3A_776 = arith.constant 0 : i32
        %dma_start3A_777 = tpu.memref_slice %arg2[%dma_start3A_775, %dma_start3A_776] : memref<10240x16xf32, #tpu.memory_space<hbm>> -> memref<10240x16xf32, #tpu.memory_space<hbm>>
        tpu.enqueue_indirect_dma source(%dma_start3A_777 : memref<10240x16xf32, #tpu.memory_space<hbm>>) target(%dma_start3A_771 : memref<128x16xf32, #tpu.memory_space<vmem>>) offsets(%dma_start3A_774 : memref<128xi32, #tpu.memory_space<vmem>>) semaphore(%arg13 : memref<!tpu.dma_semaphore, #tpu.memory_space<semaphore_mem>>)
      } else {
      }
      %dma_wait3A_456 = arith.constant 0 : i32
      %dma_wait3A_457 = arith.constant 0 : i32
      %dma_wait3A_458 = tpu.memref_slice %arg10[%dma_wait3A_456, %dma_wait3A_457] : memref<1024x16xf32, #tpu.memory_space<vmem>> -> memref<128x16xf32, #tpu.memory_space<vmem>>
      %dma_wait3A_459 = arith.constant 0 : i32
      %dma_wait3A_460 = tpu.memref_slice %arg7[%add3A_113, %dma_wait3A_459] : memref<80x128xi32, #tpu.memory_space<vmem>> -> memref<1x128xi32, #tpu.memory_space<vmem>>
      %dma_wait3A_461 = tpu.memref_squeeze %dma_wait3A_460 : memref<1x128xi32, #tpu.memory_space<vmem>> -> memref<128xi32, #tpu.memory_space<vmem>>
      %dma_wait3A_462 = arith.constant 0 : i32
      %dma_wait3A_463 = arith.constant 0 : i32
      %dma_wait3A_464 = tpu.memref_slice %arg2[%dma_wait3A_462, %dma_wait3A_463] : memref<10240x16xf32, #tpu.memory_space<hbm>> -> memref<10240x16xf32, #tpu.memory_space<hbm>>
      tpu.wait_indirect_dma semaphore(%arg14 : memref<!tpu.dma_semaphore, #tpu.memory_space<semaphore_mem>>) src(%dma_wait3A_464 : memref<10240x16xf32, #tpu.memory_space<hbm>>) dst(%dma_wait3A_458 : memref<128x16xf32, #tpu.memory_space<vmem>>)
      %dma_wait3A_465 = arith.constant 128 : i32
      %dma_wait3A_466 = arith.constant 0 : i32
      %dma_wait3A_467 = tpu.memref_slice %arg10[%dma_wait3A_465, %dma_wait3A_466] : memref<1024x16xf32, #tpu.memory_space<vmem>> -> memref<128x16xf32, #tpu.memory_space<vmem>>
      %dma_wait3A_468 = arith.constant 0 : i32
      %dma_wait3A_469 = tpu.memref_slice %arg7[%add3A_124, %dma_wait3A_468] : memref<80x128xi32, #tpu.memory_space<vmem>> -> memref<1x128xi32, #tpu.memory_space<vmem>>
      %dma_wait3A_470 = tpu.memref_squeeze %dma_wait3A_469 : memref<1x128xi32, #tpu.memory_space<vmem>> -> memref<128xi32, #tpu.memory_space<vmem>>
      %dma_wait3A_471 = arith.constant 0 : i32
      %dma_wait3A_472 = arith.constant 0 : i32
      %dma_wait3A_473 = tpu.memref_slice %arg2[%dma_wait3A_471, %dma_wait3A_472] : memref<10240x16xf32, #tpu.memory_space<hbm>> -> memref<10240x16xf32, #tpu.memory_space<hbm>>
      tpu.wait_indirect_dma semaphore(%arg14 : memref<!tpu.dma_semaphore, #tpu.memory_space<semaphore_mem>>) src(%dma_wait3A_473 : memref<10240x16xf32, #tpu.memory_space<hbm>>) dst(%dma_wait3A_467 : memref<128x16xf32, #tpu.memory_space<vmem>>)
      %dma_wait3A_474 = arith.constant 256 : i32
      %dma_wait3A_475 = arith.constant 0 : i32
      %dma_wait3A_476 = tpu.memref_slice %arg10[%dma_wait3A_474, %dma_wait3A_475] : memref<1024x16xf32, #tpu.memory_space<vmem>> -> memref<128x16xf32, #tpu.memory_space<vmem>>
      %dma_wait3A_477 = arith.constant 0 : i32
      %dma_wait3A_478 = tpu.memref_slice %arg7[%add3A_135, %dma_wait3A_477] : memref<80x128xi32, #tpu.memory_space<vmem>> -> memref<1x128xi32, #tpu.memory_space<vmem>>
      %dma_wait3A_479 = tpu.memref_squeeze %dma_wait3A_478 : memref<1x128xi32, #tpu.memory_space<vmem>> -> memref<128xi32, #tpu.memory_space<vmem>>
      %dma_wait3A_480 = arith.constant 0 : i32
      %dma_wait3A_481 = arith.constant 0 : i32
      %dma_wait3A_482 = tpu.memref_slice %arg2[%dma_wait3A_480, %dma_wait3A_481] : memref<10240x16xf32, #tpu.memory_space<hbm>> -> memref<10240x16xf32, #tpu.memory_space<hbm>>
      tpu.wait_indirect_dma semaphore(%arg14 : memref<!tpu.dma_semaphore, #tpu.memory_space<semaphore_mem>>) src(%dma_wait3A_482 : memref<10240x16xf32, #tpu.memory_space<hbm>>) dst(%dma_wait3A_476 : memref<128x16xf32, #tpu.memory_space<vmem>>)
      %dma_wait3A_483 = arith.constant 384 : i32
      %dma_wait3A_484 = arith.constant 0 : i32
      %dma_wait3A_485 = tpu.memref_slice %arg10[%dma_wait3A_483, %dma_wait3A_484] : memref<1024x16xf32, #tpu.memory_space<vmem>> -> memref<128x16xf32, #tpu.memory_space<vmem>>
      %dma_wait3A_486 = arith.constant 0 : i32
      %dma_wait3A_487 = tpu.memref_slice %arg7[%add3A_146, %dma_wait3A_486] : memref<80x128xi32, #tpu.memory_space<vmem>> -> memref<1x128xi32, #tpu.memory_space<vmem>>
      %dma_wait3A_488 = tpu.memref_squeeze %dma_wait3A_487 : memref<1x128xi32, #tpu.memory_space<vmem>> -> memref<128xi32, #tpu.memory_space<vmem>>
      %dma_wait3A_489 = arith.constant 0 : i32
      %dma_wait3A_490 = arith.constant 0 : i32
      %dma_wait3A_491 = tpu.memref_slice %arg2[%dma_wait3A_489, %dma_wait3A_490] : memref<10240x16xf32, #tpu.memory_space<hbm>> -> memref<10240x16xf32, #tpu.memory_space<hbm>>
      tpu.wait_indirect_dma semaphore(%arg14 : memref<!tpu.dma_semaphore, #tpu.memory_space<semaphore_mem>>) src(%dma_wait3A_491 : memref<10240x16xf32, #tpu.memory_space<hbm>>) dst(%dma_wait3A_485 : memref<128x16xf32, #tpu.memory_space<vmem>>)
      %dma_wait3A_492 = arith.constant 512 : i32
      %dma_wait3A_493 = arith.constant 0 : i32
      %dma_wait3A_494 = tpu.memref_slice %arg10[%dma_wait3A_492, %dma_wait3A_493] : memref<1024x16xf32, #tpu.memory_space<vmem>> -> memref<128x16xf32, #tpu.memory_space<vmem>>
      %dma_wait3A_495 = arith.constant 0 : i32
      %dma_wait3A_496 = tpu.memref_slice %arg7[%add3A_157, %dma_wait3A_495] : memref<80x128xi32, #tpu.memory_space<vmem>> -> memref<1x128xi32, #tpu.memory_space<vmem>>
      %dma_wait3A_497 = tpu.memref_squeeze %dma_wait3A_496 : memref<1x128xi32, #tpu.memory_space<vmem>> -> memref<128xi32, #tpu.memory_space<vmem>>
      %dma_wait3A_498 = arith.constant 0 : i32
      %dma_wait3A_499 = arith.constant 0 : i32
      %dma_wait3A_500 = tpu.memref_slice %arg2[%dma_wait3A_498, %dma_wait3A_499] : memref<10240x16xf32, #tpu.memory_space<hbm>> -> memref<10240x16xf32, #tpu.memory_space<hbm>>
      tpu.wait_indirect_dma semaphore(%arg14 : memref<!tpu.dma_semaphore, #tpu.memory_space<semaphore_mem>>) src(%dma_wait3A_500 : memref<10240x16xf32, #tpu.memory_space<hbm>>) dst(%dma_wait3A_494 : memref<128x16xf32, #tpu.memory_space<vmem>>)
      %dma_wait3A_501 = arith.constant 640 : i32
      %dma_wait3A_502 = arith.constant 0 : i32
      %dma_wait3A_503 = tpu.memref_slice %arg10[%dma_wait3A_501, %dma_wait3A_502] : memref<1024x16xf32, #tpu.memory_space<vmem>> -> memref<128x16xf32, #tpu.memory_space<vmem>>
      %dma_wait3A_504 = arith.constant 0 : i32
      %dma_wait3A_505 = tpu.memref_slice %arg7[%add3A_168, %dma_wait3A_504] : memref<80x128xi32, #tpu.memory_space<vmem>> -> memref<1x128xi32, #tpu.memory_space<vmem>>
      %dma_wait3A_506 = tpu.memref_squeeze %dma_wait3A_505 : memref<1x128xi32, #tpu.memory_space<vmem>> -> memref<128xi32, #tpu.memory_space<vmem>>
      %dma_wait3A_507 = arith.constant 0 : i32
      %dma_wait3A_508 = arith.constant 0 : i32
      %dma_wait3A_509 = tpu.memref_slice %arg2[%dma_wait3A_507, %dma_wait3A_508] : memref<10240x16xf32, #tpu.memory_space<hbm>> -> memref<10240x16xf32, #tpu.memory_space<hbm>>
      tpu.wait_indirect_dma semaphore(%arg14 : memref<!tpu.dma_semaphore, #tpu.memory_space<semaphore_mem>>) src(%dma_wait3A_509 : memref<10240x16xf32, #tpu.memory_space<hbm>>) dst(%dma_wait3A_503 : memref<128x16xf32, #tpu.memory_space<vmem>>)
      %dma_wait3A_510 = arith.constant 768 : i32
      %dma_wait3A_511 = arith.constant 0 : i32
      %dma_wait3A_512 = tpu.memref_slice %arg10[%dma_wait3A_510, %dma_wait3A_511] : memref<1024x16xf32, #tpu.memory_space<vmem>> -> memref<128x16xf32, #tpu.memory_space<vmem>>
      %dma_wait3A_513 = arith.constant 0 : i32
      %dma_wait3A_514 = tpu.memref_slice %arg7[%add3A_179, %dma_wait3A_513] : memref<80x128xi32, #tpu.memory_space<vmem>> -> memref<1x128xi32, #tpu.memory_space<vmem>>
      %dma_wait3A_515 = tpu.memref_squeeze %dma_wait3A_514 : memref<1x128xi32, #tpu.memory_space<vmem>> -> memref<128xi32, #tpu.memory_space<vmem>>
      %dma_wait3A_516 = arith.constant 0 : i32
      %dma_wait3A_517 = arith.constant 0 : i32
      %dma_wait3A_518 = tpu.memref_slice %arg2[%dma_wait3A_516, %dma_wait3A_517] : memref<10240x16xf32, #tpu.memory_space<hbm>> -> memref<10240x16xf32, #tpu.memory_space<hbm>>
      tpu.wait_indirect_dma semaphore(%arg14 : memref<!tpu.dma_semaphore, #tpu.memory_space<semaphore_mem>>) src(%dma_wait3A_518 : memref<10240x16xf32, #tpu.memory_space<hbm>>) dst(%dma_wait3A_512 : memref<128x16xf32, #tpu.memory_space<vmem>>)
      %dma_wait3A_519 = arith.constant 896 : i32
      %dma_wait3A_520 = arith.constant 0 : i32
      %dma_wait3A_521 = tpu.memref_slice %arg10[%dma_wait3A_519, %dma_wait3A_520] : memref<1024x16xf32, #tpu.memory_space<vmem>> -> memref<128x16xf32, #tpu.memory_space<vmem>>
      %dma_wait3A_522 = arith.constant 0 : i32
      %dma_wait3A_523 = tpu.memref_slice %arg7[%add3A_190, %dma_wait3A_522] : memref<80x128xi32, #tpu.memory_space<vmem>> -> memref<1x128xi32, #tpu.memory_space<vmem>>
      %dma_wait3A_524 = tpu.memref_squeeze %dma_wait3A_523 : memref<1x128xi32, #tpu.memory_space<vmem>> -> memref<128xi32, #tpu.memory_space<vmem>>
      %dma_wait3A_525 = arith.constant 0 : i32
      %dma_wait3A_526 = arith.constant 0 : i32
      %dma_wait3A_527 = tpu.memref_slice %arg2[%dma_wait3A_525, %dma_wait3A_526] : memref<10240x16xf32, #tpu.memory_space<hbm>> -> memref<10240x16xf32, #tpu.memory_space<hbm>>
      tpu.wait_indirect_dma semaphore(%arg14 : memref<!tpu.dma_semaphore, #tpu.memory_space<semaphore_mem>>) src(%dma_wait3A_527 : memref<10240x16xf32, #tpu.memory_space<hbm>>) dst(%dma_wait3A_521 : memref<128x16xf32, #tpu.memory_space<vmem>>)
      %add3A_528 = arith.constant 0 : i32
      %add3A_529 = arith.addi %mul3A_111, %add3A_528 : i32
      %dma_start3A_530 = arith.constant 0 : i32
      %dma_start3A_531 = arith.constant 0 : i32
      %dma_start3A_532 = tpu.memref_slice %arg10[%dma_start3A_530, %dma_start3A_531] : memref<1024x16xf32, #tpu.memory_space<vmem>> -> memref<128x16xf32, #tpu.memory_space<vmem>>
      %dma_start3A_533 = arith.constant 0 : i32
      %dma_start3A_534 = tpu.memref_slice %arg8[%add3A_529, %dma_start3A_533] : memref<80x128xi32, #tpu.memory_space<vmem>> -> memref<1x128xi32, #tpu.memory_space<vmem>>
      %dma_start3A_535 = tpu.memref_squeeze %dma_start3A_534 : memref<1x128xi32, #tpu.memory_space<vmem>> -> memref<128xi32, #tpu.memory_space<vmem>>
      %dma_start3A_536 = arith.constant 0 : i32
      %dma_start3A_537 = arith.constant 0 : i32
      %dma_start3A_538 = tpu.memref_slice %arg12[%dma_start3A_536, %dma_start3A_537] : memref<10240x16xf32, #tpu.memory_space<vmem_shared>> -> memref<10240x16xf32, #tpu.memory_space<vmem_shared>>
      tpu.enqueue_indirect_dma source(%dma_start3A_532 : memref<128x16xf32, #tpu.memory_space<vmem>>) target(%dma_start3A_538 : memref<10240x16xf32, #tpu.memory_space<vmem_shared>>) offsets(%dma_start3A_535 : memref<128xi32, #tpu.memory_space<vmem>>) semaphore(%arg15 : memref<!tpu.dma_semaphore, #tpu.memory_space<semaphore_mem>>) {add = true}
      %add3A_539 = arith.constant 1 : i32
      %add3A_540 = arith.addi %mul3A_111, %add3A_539 : i32
      %dma_start3A_541 = arith.constant 128 : i32
      %dma_start3A_542 = arith.constant 0 : i32
      %dma_start3A_543 = tpu.memref_slice %arg10[%dma_start3A_541, %dma_start3A_542] : memref<1024x16xf32, #tpu.memory_space<vmem>> -> memref<128x16xf32, #tpu.memory_space<vmem>>
      %dma_start3A_544 = arith.constant 0 : i32
      %dma_start3A_545 = tpu.memref_slice %arg8[%add3A_540, %dma_start3A_544] : memref<80x128xi32, #tpu.memory_space<vmem>> -> memref<1x128xi32, #tpu.memory_space<vmem>>
      %dma_start3A_546 = tpu.memref_squeeze %dma_start3A_545 : memref<1x128xi32, #tpu.memory_space<vmem>> -> memref<128xi32, #tpu.memory_space<vmem>>
      %dma_start3A_547 = arith.constant 0 : i32
      %dma_start3A_548 = arith.constant 0 : i32
      %dma_start3A_549 = tpu.memref_slice %arg12[%dma_start3A_547, %dma_start3A_548] : memref<10240x16xf32, #tpu.memory_space<vmem_shared>> -> memref<10240x16xf32, #tpu.memory_space<vmem_shared>>
      tpu.enqueue_indirect_dma source(%dma_start3A_543 : memref<128x16xf32, #tpu.memory_space<vmem>>) target(%dma_start3A_549 : memref<10240x16xf32, #tpu.memory_space<vmem_shared>>) offsets(%dma_start3A_546 : memref<128xi32, #tpu.memory_space<vmem>>) semaphore(%arg15 : memref<!tpu.dma_semaphore, #tpu.memory_space<semaphore_mem>>) {add = true}
      %add3A_550 = arith.constant 2 : i32
      %add3A_551 = arith.addi %mul3A_111, %add3A_550 : i32
      %dma_start3A_552 = arith.constant 256 : i32
      %dma_start3A_553 = arith.constant 0 : i32
      %dma_start3A_554 = tpu.memref_slice %arg10[%dma_start3A_552, %dma_start3A_553] : memref<1024x16xf32, #tpu.memory_space<vmem>> -> memref<128x16xf32, #tpu.memory_space<vmem>>
      %dma_start3A_555 = arith.constant 0 : i32
      %dma_start3A_556 = tpu.memref_slice %arg8[%add3A_551, %dma_start3A_555] : memref<80x128xi32, #tpu.memory_space<vmem>> -> memref<1x128xi32, #tpu.memory_space<vmem>>
      %dma_start3A_557 = tpu.memref_squeeze %dma_start3A_556 : memref<1x128xi32, #tpu.memory_space<vmem>> -> memref<128xi32, #tpu.memory_space<vmem>>
      %dma_start3A_558 = arith.constant 0 : i32
      %dma_start3A_559 = arith.constant 0 : i32
      %dma_start3A_560 = tpu.memref_slice %arg12[%dma_start3A_558, %dma_start3A_559] : memref<10240x16xf32, #tpu.memory_space<vmem_shared>> -> memref<10240x16xf32, #tpu.memory_space<vmem_shared>>
      tpu.enqueue_indirect_dma source(%dma_start3A_554 : memref<128x16xf32, #tpu.memory_space<vmem>>) target(%dma_start3A_560 : memref<10240x16xf32, #tpu.memory_space<vmem_shared>>) offsets(%dma_start3A_557 : memref<128xi32, #tpu.memory_space<vmem>>) semaphore(%arg15 : memref<!tpu.dma_semaphore, #tpu.memory_space<semaphore_mem>>) {add = true}
      %add3A_561 = arith.constant 3 : i32
      %add3A_562 = arith.addi %mul3A_111, %add3A_561 : i32
      %dma_start3A_563 = arith.constant 384 : i32
      %dma_start3A_564 = arith.constant 0 : i32
      %dma_start3A_565 = tpu.memref_slice %arg10[%dma_start3A_563, %dma_start3A_564] : memref<1024x16xf32, #tpu.memory_space<vmem>> -> memref<128x16xf32, #tpu.memory_space<vmem>>
      %dma_start3A_566 = arith.constant 0 : i32
      %dma_start3A_567 = tpu.memref_slice %arg8[%add3A_562, %dma_start3A_566] : memref<80x128xi32, #tpu.memory_space<vmem>> -> memref<1x128xi32, #tpu.memory_space<vmem>>
      %dma_start3A_568 = tpu.memref_squeeze %dma_start3A_567 : memref<1x128xi32, #tpu.memory_space<vmem>> -> memref<128xi32, #tpu.memory_space<vmem>>
      %dma_start3A_569 = arith.constant 0 : i32
      %dma_start3A_570 = arith.constant 0 : i32
      %dma_start3A_571 = tpu.memref_slice %arg12[%dma_start3A_569, %dma_start3A_570] : memref<10240x16xf32, #tpu.memory_space<vmem_shared>> -> memref<10240x16xf32, #tpu.memory_space<vmem_shared>>
      tpu.enqueue_indirect_dma source(%dma_start3A_565 : memref<128x16xf32, #tpu.memory_space<vmem>>) target(%dma_start3A_571 : memref<10240x16xf32, #tpu.memory_space<vmem_shared>>) offsets(%dma_start3A_568 : memref<128xi32, #tpu.memory_space<vmem>>) semaphore(%arg15 : memref<!tpu.dma_semaphore, #tpu.memory_space<semaphore_mem>>) {add = true}
      %add3A_572 = arith.constant 4 : i32
      %add3A_573 = arith.addi %mul3A_111, %add3A_572 : i32
      %dma_start3A_574 = arith.constant 512 : i32
      %dma_start3A_575 = arith.constant 0 : i32
      %dma_start3A_576 = tpu.memref_slice %arg10[%dma_start3A_574, %dma_start3A_575] : memref<1024x16xf32, #tpu.memory_space<vmem>> -> memref<128x16xf32, #tpu.memory_space<vmem>>
      %dma_start3A_577 = arith.constant 0 : i32
      %dma_start3A_578 = tpu.memref_slice %arg8[%add3A_573, %dma_start3A_577] : memref<80x128xi32, #tpu.memory_space<vmem>> -> memref<1x128xi32, #tpu.memory_space<vmem>>
      %dma_start3A_579 = tpu.memref_squeeze %dma_start3A_578 : memref<1x128xi32, #tpu.memory_space<vmem>> -> memref<128xi32, #tpu.memory_space<vmem>>
      %dma_start3A_580 = arith.constant 0 : i32
      %dma_start3A_581 = arith.constant 0 : i32
      %dma_start3A_582 = tpu.memref_slice %arg12[%dma_start3A_580, %dma_start3A_581] : memref<10240x16xf32, #tpu.memory_space<vmem_shared>> -> memref<10240x16xf32, #tpu.memory_space<vmem_shared>>
      tpu.enqueue_indirect_dma source(%dma_start3A_576 : memref<128x16xf32, #tpu.memory_space<vmem>>) target(%dma_start3A_582 : memref<10240x16xf32, #tpu.memory_space<vmem_shared>>) offsets(%dma_start3A_579 : memref<128xi32, #tpu.memory_space<vmem>>) semaphore(%arg15 : memref<!tpu.dma_semaphore, #tpu.memory_space<semaphore_mem>>) {add = true}
      %add3A_583 = arith.constant 5 : i32
      %add3A_584 = arith.addi %mul3A_111, %add3A_583 : i32
      %dma_start3A_585 = arith.constant 640 : i32
      %dma_start3A_586 = arith.constant 0 : i32
      %dma_start3A_587 = tpu.memref_slice %arg10[%dma_start3A_585, %dma_start3A_586] : memref<1024x16xf32, #tpu.memory_space<vmem>> -> memref<128x16xf32, #tpu.memory_space<vmem>>
      %dma_start3A_588 = arith.constant 0 : i32
      %dma_start3A_589 = tpu.memref_slice %arg8[%add3A_584, %dma_start3A_588] : memref<80x128xi32, #tpu.memory_space<vmem>> -> memref<1x128xi32, #tpu.memory_space<vmem>>
      %dma_start3A_590 = tpu.memref_squeeze %dma_start3A_589 : memref<1x128xi32, #tpu.memory_space<vmem>> -> memref<128xi32, #tpu.memory_space<vmem>>
      %dma_start3A_591 = arith.constant 0 : i32
      %dma_start3A_592 = arith.constant 0 : i32
      %dma_start3A_593 = tpu.memref_slice %arg12[%dma_start3A_591, %dma_start3A_592] : memref<10240x16xf32, #tpu.memory_space<vmem_shared>> -> memref<10240x16xf32, #tpu.memory_space<vmem_shared>>
      tpu.enqueue_indirect_dma source(%dma_start3A_587 : memref<128x16xf32, #tpu.memory_space<vmem>>) target(%dma_start3A_593 : memref<10240x16xf32, #tpu.memory_space<vmem_shared>>) offsets(%dma_start3A_590 : memref<128xi32, #tpu.memory_space<vmem>>) semaphore(%arg15 : memref<!tpu.dma_semaphore, #tpu.memory_space<semaphore_mem>>) {add = true}
      %add3A_594 = arith.constant 6 : i32
      %add3A_595 = arith.addi %mul3A_111, %add3A_594 : i32
      %dma_start3A_596 = arith.constant 768 : i32
      %dma_start3A_597 = arith.constant 0 : i32
      %dma_start3A_598 = tpu.memref_slice %arg10[%dma_start3A_596, %dma_start3A_597] : memref<1024x16xf32, #tpu.memory_space<vmem>> -> memref<128x16xf32, #tpu.memory_space<vmem>>
      %dma_start3A_599 = arith.constant 0 : i32
      %dma_start3A_600 = tpu.memref_slice %arg8[%add3A_595, %dma_start3A_599] : memref<80x128xi32, #tpu.memory_space<vmem>> -> memref<1x128xi32, #tpu.memory_space<vmem>>
      %dma_start3A_601 = tpu.memref_squeeze %dma_start3A_600 : memref<1x128xi32, #tpu.memory_space<vmem>> -> memref<128xi32, #tpu.memory_space<vmem>>
      %dma_start3A_602 = arith.constant 0 : i32
      %dma_start3A_603 = arith.constant 0 : i32
      %dma_start3A_604 = tpu.memref_slice %arg12[%dma_start3A_602, %dma_start3A_603] : memref<10240x16xf32, #tpu.memory_space<vmem_shared>> -> memref<10240x16xf32, #tpu.memory_space<vmem_shared>>
      tpu.enqueue_indirect_dma source(%dma_start3A_598 : memref<128x16xf32, #tpu.memory_space<vmem>>) target(%dma_start3A_604 : memref<10240x16xf32, #tpu.memory_space<vmem_shared>>) offsets(%dma_start3A_601 : memref<128xi32, #tpu.memory_space<vmem>>) semaphore(%arg15 : memref<!tpu.dma_semaphore, #tpu.memory_space<semaphore_mem>>) {add = true}
      %add3A_605 = arith.constant 7 : i32
      %add3A_606 = arith.addi %mul3A_111, %add3A_605 : i32
      %dma_start3A_607 = arith.constant 896 : i32
      %dma_start3A_608 = arith.constant 0 : i32
      %dma_start3A_609 = tpu.memref_slice %arg10[%dma_start3A_607, %dma_start3A_608] : memref<1024x16xf32, #tpu.memory_space<vmem>> -> memref<128x16xf32, #tpu.memory_space<vmem>>
      %dma_start3A_610 = arith.constant 0 : i32
      %dma_start3A_611 = tpu.memref_slice %arg8[%add3A_606, %dma_start3A_610] : memref<80x128xi32, #tpu.memory_space<vmem>> -> memref<1x128xi32, #tpu.memory_space<vmem>>
      %dma_start3A_612 = tpu.memref_squeeze %dma_start3A_611 : memref<1x128xi32, #tpu.memory_space<vmem>> -> memref<128xi32, #tpu.memory_space<vmem>>
      %dma_start3A_613 = arith.constant 0 : i32
      %dma_start3A_614 = arith.constant 0 : i32
      %dma_start3A_615 = tpu.memref_slice %arg12[%dma_start3A_613, %dma_start3A_614] : memref<10240x16xf32, #tpu.memory_space<vmem_shared>> -> memref<10240x16xf32, #tpu.memory_space<vmem_shared>>
      tpu.enqueue_indirect_dma source(%dma_start3A_609 : memref<128x16xf32, #tpu.memory_space<vmem>>) target(%dma_start3A_615 : memref<10240x16xf32, #tpu.memory_space<vmem_shared>>) offsets(%dma_start3A_612 : memref<128xi32, #tpu.memory_space<vmem>>) semaphore(%arg15 : memref<!tpu.dma_semaphore, #tpu.memory_space<semaphore_mem>>) {add = true}
      %dma_wait3A_616 = arith.constant 0 : i32
      %dma_wait3A_617 = arith.constant 0 : i32
      %dma_wait3A_618 = tpu.memref_slice %arg10[%dma_wait3A_616, %dma_wait3A_617] : memref<1024x16xf32, #tpu.memory_space<vmem>> -> memref<128x16xf32, #tpu.memory_space<vmem>>
      %dma_wait3A_619 = arith.constant 0 : i32
      %dma_wait3A_620 = tpu.memref_slice %arg8[%add3A_529, %dma_wait3A_619] : memref<80x128xi32, #tpu.memory_space<vmem>> -> memref<1x128xi32, #tpu.memory_space<vmem>>
      %dma_wait3A_621 = tpu.memref_squeeze %dma_wait3A_620 : memref<1x128xi32, #tpu.memory_space<vmem>> -> memref<128xi32, #tpu.memory_space<vmem>>
      %dma_wait3A_622 = arith.constant 0 : i32
      %dma_wait3A_623 = arith.constant 0 : i32
      %dma_wait3A_624 = tpu.memref_slice %arg12[%dma_wait3A_622, %dma_wait3A_623] : memref<10240x16xf32, #tpu.memory_space<vmem_shared>> -> memref<10240x16xf32, #tpu.memory_space<vmem_shared>>
      tpu.wait_indirect_dma semaphore(%arg15 : memref<!tpu.dma_semaphore, #tpu.memory_space<semaphore_mem>>) src(%dma_wait3A_618 : memref<128x16xf32, #tpu.memory_space<vmem>>) dst(%dma_wait3A_624 : memref<10240x16xf32, #tpu.memory_space<vmem_shared>>)
      %dma_wait3A_625 = arith.constant 128 : i32
      %dma_wait3A_626 = arith.constant 0 : i32
      %dma_wait3A_627 = tpu.memref_slice %arg10[%dma_wait3A_625, %dma_wait3A_626] : memref<1024x16xf32, #tpu.memory_space<vmem>> -> memref<128x16xf32, #tpu.memory_space<vmem>>
      %dma_wait3A_628 = arith.constant 0 : i32
      %dma_wait3A_629 = tpu.memref_slice %arg8[%add3A_540, %dma_wait3A_628] : memref<80x128xi32, #tpu.memory_space<vmem>> -> memref<1x128xi32, #tpu.memory_space<vmem>>
      %dma_wait3A_630 = tpu.memref_squeeze %dma_wait3A_629 : memref<1x128xi32, #tpu.memory_space<vmem>> -> memref<128xi32, #tpu.memory_space<vmem>>
      %dma_wait3A_631 = arith.constant 0 : i32
      %dma_wait3A_632 = arith.constant 0 : i32
      %dma_wait3A_633 = tpu.memref_slice %arg12[%dma_wait3A_631, %dma_wait3A_632] : memref<10240x16xf32, #tpu.memory_space<vmem_shared>> -> memref<10240x16xf32, #tpu.memory_space<vmem_shared>>
      tpu.wait_indirect_dma semaphore(%arg15 : memref<!tpu.dma_semaphore, #tpu.memory_space<semaphore_mem>>) src(%dma_wait3A_627 : memref<128x16xf32, #tpu.memory_space<vmem>>) dst(%dma_wait3A_633 : memref<10240x16xf32, #tpu.memory_space<vmem_shared>>)
      %dma_wait3A_634 = arith.constant 256 : i32
      %dma_wait3A_635 = arith.constant 0 : i32
      %dma_wait3A_636 = tpu.memref_slice %arg10[%dma_wait3A_634, %dma_wait3A_635] : memref<1024x16xf32, #tpu.memory_space<vmem>> -> memref<128x16xf32, #tpu.memory_space<vmem>>
      %dma_wait3A_637 = arith.constant 0 : i32
      %dma_wait3A_638 = tpu.memref_slice %arg8[%add3A_551, %dma_wait3A_637] : memref<80x128xi32, #tpu.memory_space<vmem>> -> memref<1x128xi32, #tpu.memory_space<vmem>>
      %dma_wait3A_639 = tpu.memref_squeeze %dma_wait3A_638 : memref<1x128xi32, #tpu.memory_space<vmem>> -> memref<128xi32, #tpu.memory_space<vmem>>
      %dma_wait3A_640 = arith.constant 0 : i32
      %dma_wait3A_641 = arith.constant 0 : i32
      %dma_wait3A_642 = tpu.memref_slice %arg12[%dma_wait3A_640, %dma_wait3A_641] : memref<10240x16xf32, #tpu.memory_space<vmem_shared>> -> memref<10240x16xf32, #tpu.memory_space<vmem_shared>>
      tpu.wait_indirect_dma semaphore(%arg15 : memref<!tpu.dma_semaphore, #tpu.memory_space<semaphore_mem>>) src(%dma_wait3A_636 : memref<128x16xf32, #tpu.memory_space<vmem>>) dst(%dma_wait3A_642 : memref<10240x16xf32, #tpu.memory_space<vmem_shared>>)
      %dma_wait3A_643 = arith.constant 384 : i32
      %dma_wait3A_644 = arith.constant 0 : i32
      %dma_wait3A_645 = tpu.memref_slice %arg10[%dma_wait3A_643, %dma_wait3A_644] : memref<1024x16xf32, #tpu.memory_space<vmem>> -> memref<128x16xf32, #tpu.memory_space<vmem>>
      %dma_wait3A_646 = arith.constant 0 : i32
      %dma_wait3A_647 = tpu.memref_slice %arg8[%add3A_562, %dma_wait3A_646] : memref<80x128xi32, #tpu.memory_space<vmem>> -> memref<1x128xi32, #tpu.memory_space<vmem>>
      %dma_wait3A_648 = tpu.memref_squeeze %dma_wait3A_647 : memref<1x128xi32, #tpu.memory_space<vmem>> -> memref<128xi32, #tpu.memory_space<vmem>>
      %dma_wait3A_649 = arith.constant 0 : i32
      %dma_wait3A_650 = arith.constant 0 : i32
      %dma_wait3A_651 = tpu.memref_slice %arg12[%dma_wait3A_649, %dma_wait3A_650] : memref<10240x16xf32, #tpu.memory_space<vmem_shared>> -> memref<10240x16xf32, #tpu.memory_space<vmem_shared>>
      tpu.wait_indirect_dma semaphore(%arg15 : memref<!tpu.dma_semaphore, #tpu.memory_space<semaphore_mem>>) src(%dma_wait3A_645 : memref<128x16xf32, #tpu.memory_space<vmem>>) dst(%dma_wait3A_651 : memref<10240x16xf32, #tpu.memory_space<vmem_shared>>)
      %dma_wait3A_652 = arith.constant 512 : i32
      %dma_wait3A_653 = arith.constant 0 : i32
      %dma_wait3A_654 = tpu.memref_slice %arg10[%dma_wait3A_652, %dma_wait3A_653] : memref<1024x16xf32, #tpu.memory_space<vmem>> -> memref<128x16xf32, #tpu.memory_space<vmem>>
      %dma_wait3A_655 = arith.constant 0 : i32
      %dma_wait3A_656 = tpu.memref_slice %arg8[%add3A_573, %dma_wait3A_655] : memref<80x128xi32, #tpu.memory_space<vmem>> -> memref<1x128xi32, #tpu.memory_space<vmem>>
      %dma_wait3A_657 = tpu.memref_squeeze %dma_wait3A_656 : memref<1x128xi32, #tpu.memory_space<vmem>> -> memref<128xi32, #tpu.memory_space<vmem>>
      %dma_wait3A_658 = arith.constant 0 : i32
      %dma_wait3A_659 = arith.constant 0 : i32
      %dma_wait3A_660 = tpu.memref_slice %arg12[%dma_wait3A_658, %dma_wait3A_659] : memref<10240x16xf32, #tpu.memory_space<vmem_shared>> -> memref<10240x16xf32, #tpu.memory_space<vmem_shared>>
      tpu.wait_indirect_dma semaphore(%arg15 : memref<!tpu.dma_semaphore, #tpu.memory_space<semaphore_mem>>) src(%dma_wait3A_654 : memref<128x16xf32, #tpu.memory_space<vmem>>) dst(%dma_wait3A_660 : memref<10240x16xf32, #tpu.memory_space<vmem_shared>>)
      %dma_wait3A_661 = arith.constant 640 : i32
      %dma_wait3A_662 = arith.constant 0 : i32
      %dma_wait3A_663 = tpu.memref_slice %arg10[%dma_wait3A_661, %dma_wait3A_662] : memref<1024x16xf32, #tpu.memory_space<vmem>> -> memref<128x16xf32, #tpu.memory_space<vmem>>
      %dma_wait3A_664 = arith.constant 0 : i32
      %dma_wait3A_665 = tpu.memref_slice %arg8[%add3A_584, %dma_wait3A_664] : memref<80x128xi32, #tpu.memory_space<vmem>> -> memref<1x128xi32, #tpu.memory_space<vmem>>
      %dma_wait3A_666 = tpu.memref_squeeze %dma_wait3A_665 : memref<1x128xi32, #tpu.memory_space<vmem>> -> memref<128xi32, #tpu.memory_space<vmem>>
      %dma_wait3A_667 = arith.constant 0 : i32
      %dma_wait3A_668 = arith.constant 0 : i32
      %dma_wait3A_669 = tpu.memref_slice %arg12[%dma_wait3A_667, %dma_wait3A_668] : memref<10240x16xf32, #tpu.memory_space<vmem_shared>> -> memref<10240x16xf32, #tpu.memory_space<vmem_shared>>
      tpu.wait_indirect_dma semaphore(%arg15 : memref<!tpu.dma_semaphore, #tpu.memory_space<semaphore_mem>>) src(%dma_wait3A_663 : memref<128x16xf32, #tpu.memory_space<vmem>>) dst(%dma_wait3A_669 : memref<10240x16xf32, #tpu.memory_space<vmem_shared>>)
      %dma_wait3A_670 = arith.constant 768 : i32
      %dma_wait3A_671 = arith.constant 0 : i32
      %dma_wait3A_672 = tpu.memref_slice %arg10[%dma_wait3A_670, %dma_wait3A_671] : memref<1024x16xf32, #tpu.memory_space<vmem>> -> memref<128x16xf32, #tpu.memory_space<vmem>>
      %dma_wait3A_673 = arith.constant 0 : i32
      %dma_wait3A_674 = tpu.memref_slice %arg8[%add3A_595, %dma_wait3A_673] : memref<80x128xi32, #tpu.memory_space<vmem>> -> memref<1x128xi32, #tpu.memory_space<vmem>>
      %dma_wait3A_675 = tpu.memref_squeeze %dma_wait3A_674 : memref<1x128xi32, #tpu.memory_space<vmem>> -> memref<128xi32, #tpu.memory_space<vmem>>
      %dma_wait3A_676 = arith.constant 0 : i32
      %dma_wait3A_677 = arith.constant 0 : i32
      %dma_wait3A_678 = tpu.memref_slice %arg12[%dma_wait3A_676, %dma_wait3A_677] : memref<10240x16xf32, #tpu.memory_space<vmem_shared>> -> memref<10240x16xf32, #tpu.memory_space<vmem_shared>>
      tpu.wait_indirect_dma semaphore(%arg15 : memref<!tpu.dma_semaphore, #tpu.memory_space<semaphore_mem>>) src(%dma_wait3A_672 : memref<128x16xf32, #tpu.memory_space<vmem>>) dst(%dma_wait3A_678 : memref<10240x16xf32, #tpu.memory_space<vmem_shared>>)
      %dma_wait3A_679 = arith.constant 896 : i32
      %dma_wait3A_680 = arith.constant 0 : i32
      %dma_wait3A_681 = tpu.memref_slice %arg10[%dma_wait3A_679, %dma_wait3A_680] : memref<1024x16xf32, #tpu.memory_space<vmem>> -> memref<128x16xf32, #tpu.memory_space<vmem>>
      %dma_wait3A_682 = arith.constant 0 : i32
      %dma_wait3A_683 = tpu.memref_slice %arg8[%add3A_606, %dma_wait3A_682] : memref<80x128xi32, #tpu.memory_space<vmem>> -> memref<1x128xi32, #tpu.memory_space<vmem>>
      %dma_wait3A_684 = tpu.memref_squeeze %dma_wait3A_683 : memref<1x128xi32, #tpu.memory_space<vmem>> -> memref<128xi32, #tpu.memory_space<vmem>>
      %dma_wait3A_685 = arith.constant 0 : i32
      %dma_wait3A_686 = arith.constant 0 : i32
      %dma_wait3A_687 = tpu.memref_slice %arg12[%dma_wait3A_685, %dma_wait3A_686] : memref<10240x16xf32, #tpu.memory_space<vmem_shared>> -> memref<10240x16xf32, #tpu.memory_space<vmem_shared>>
      tpu.wait_indirect_dma semaphore(%arg15 : memref<!tpu.dma_semaphore, #tpu.memory_space<semaphore_mem>>) src(%dma_wait3A_681 : memref<128x16xf32, #tpu.memory_space<vmem>>) dst(%dma_wait3A_687 : memref<10240x16xf32, #tpu.memory_space<vmem_shared>>)
    }
    %scan3A_92 = arith.constant 5 : i32
    %barrier3A_93 = arith.constant 0 : index
    tpu.barrier barrier_id(%barrier3A_93)
    %mul3A_94 = arith.constant 640 : i32
    %mul3A_95 = arith.muli %arg1, %mul3A_94 : i32
    "tpu.region"() ({
      %run_scoped3A = tpu.sem_alloc : memref<!tpu.dma_semaphore, #tpu.memory_space<semaphore_mem>>
      %dma_start3A_101 = arith.constant 0 : i32
      %dma_start3A_102 = tpu.memref_slice %arg12[%mul3A_95, %dma_start3A_101] : memref<10240x16xf32, #tpu.memory_space<vmem_shared>> -> memref<640x16xf32, #tpu.memory_space<vmem_shared>>
      %dma_start3A_103 = arith.constant 0 : i32
      %dma_start3A_104 = tpu.memref_slice %arg12[%mul3A_95, %dma_start3A_103] : memref<10240x16xf32, #tpu.memory_space<vmem_shared>> -> memref<640x16xf32, #tpu.memory_space<vmem_shared>>
      tpu.enqueue_dma source(%dma_start3A_104 : memref<640x16xf32, #tpu.memory_space<vmem_shared>>) target(%arg11 : memref<640x16xf32, #tpu.memory_space<vmem>>) target_semaphore(%run_scoped3A : memref<!tpu.dma_semaphore, #tpu.memory_space<semaphore_mem>>)
      %dma_wait3A = arith.constant 0 : i32
      %dma_wait3A_105 = tpu.memref_slice %arg12[%mul3A_95, %dma_wait3A] : memref<10240x16xf32, #tpu.memory_space<vmem_shared>> -> memref<640x16xf32, #tpu.memory_space<vmem_shared>>
      %dma_wait3A_106 = arith.constant 0 : i32
      %dma_wait3A_107 = tpu.memref_slice %arg12[%mul3A_95, %dma_wait3A_106] : memref<10240x16xf32, #tpu.memory_space<vmem_shared>> -> memref<640x16xf32, #tpu.memory_space<vmem_shared>>
      tpu.wait_dma2 semaphore(%run_scoped3A : memref<!tpu.dma_semaphore, #tpu.memory_space<semaphore_mem>>) src(%dma_wait3A_107 : memref<640x16xf32, #tpu.memory_space<vmem_shared>>) dst(%arg11 : memref<640x16xf32, #tpu.memory_space<vmem>>)
      tpu.yield
    }) : () -> ()
    %mul3A_96 = arith.constant 10240 : i32
    %mul3A_97 = arith.muli %arg0, %mul3A_96 : i32
    %mul3A_98 = arith.constant 640 : i32
    %mul3A_99 = arith.muli %arg1, %mul3A_98 : i32
    %add3A_100 = arith.addi %mul3A_97, %mul3A_99 : i32
    "tpu.region"() ({
      %run_scoped3A = tpu.sem_alloc : memref<!tpu.dma_semaphore, #tpu.memory_space<semaphore_mem>>
      %dma_start3A_101 = arith.constant 0 : i32
      %dma_start3A_102 = tpu.memref_slice %arg6[%add3A_100, %dma_start3A_101] : memref<20480x16xf32, #tpu.memory_space<hbm>> -> memref<640x16xf32, #tpu.memory_space<hbm>>
      %dma_start3A_103 = arith.constant 0 : i32
      %dma_start3A_104 = tpu.memref_slice %arg6[%add3A_100, %dma_start3A_103] : memref<20480x16xf32, #tpu.memory_space<hbm>> -> memref<640x16xf32, #tpu.memory_space<hbm>>
      tpu.enqueue_dma source(%arg11 : memref<640x16xf32, #tpu.memory_space<vmem>>) target(%dma_start3A_104 : memref<640x16xf32, #tpu.memory_space<hbm>>) target_semaphore(%run_scoped3A : memref<!tpu.dma_semaphore, #tpu.memory_space<semaphore_mem>>)
      %dma_wait3A = arith.constant 0 : i32
      %dma_wait3A_105 = tpu.memref_slice %arg6[%add3A_100, %dma_wait3A] : memref<20480x16xf32, #tpu.memory_space<hbm>> -> memref<640x16xf32, #tpu.memory_space<hbm>>
      %dma_wait3A_106 = arith.constant 0 : i32
      %dma_wait3A_107 = tpu.memref_slice %arg6[%add3A_100, %dma_wait3A_106] : memref<20480x16xf32, #tpu.memory_space<hbm>> -> memref<640x16xf32, #tpu.memory_space<hbm>>
      tpu.wait_dma2 semaphore(%run_scoped3A : memref<!tpu.dma_semaphore, #tpu.memory_space<semaphore_mem>>) src(%arg11 : memref<640x16xf32, #tpu.memory_space<vmem>>) dst(%dma_wait3A_107 : memref<640x16xf32, #tpu.memory_space<hbm>>)
      tpu.yield
    }) : () -> ()
    return
  }
}

module attributes {stable_mosaic.version = 14 : i64} {
  func.func @body(%arg0: i32, %arg1: memref<256x1024xf32, #tpu.memory_space<vmem>>, %arg2: memref<1024x128xf32, #tpu.memory_space<vmem>>, %arg3: memref<256x8xf32, #tpu.memory_space<vmem>>, %arg4: memref<256x8xf32, #tpu.memory_space<vmem>>, %arg5: memref<8x128xf32, #tpu.memory_space<vmem>>, %arg6: memref<256x128xf32, #tpu.memory_space<vmem>>, %arg7: memref<256x128xf32, #tpu.memory_space<vmem>>) attributes {dimension_semantics = [#tpu.dimension_semantics<arbitrary>], iteration_bounds = array<i64: 5>, scalar_prefetch = 0 : i64, scratch_operands = 0 : i64, tpu.core_type = #tpu.core_type<tc>, window_params = [{transform_indices = @transform_0, window_bounds = array<i64: 256, 1024>}, {pipeline_mode = #tpu.pipeline_mode<synchronous>, transform_indices = @transform_1, window_bounds = array<i64: 1024, 128>}, {transform_indices = @transform_2, window_bounds = array<i64: 256, 8>}, {transform_indices = @transform_3, window_bounds = array<i64: 256, 8>}, {pipeline_mode = #tpu.pipeline_mode<synchronous>, transform_indices = @transform_4, window_bounds = array<i64: 8, 128>}, {transform_indices = @transform_5, window_bounds = array<i64: 256, 128>}, {transform_indices = @transform_6, window_bounds = array<i64: 256, 128>}]} {
    %get3A = arith.constant 0 : index
    %get3A_0 = arith.constant 0 : index
    %get3A_1 = vector.load %arg3[%get3A, %get3A_0] : memref<256x8xf32, #tpu.memory_space<vmem>>, vector<256x8xf32>
    %get3A_2 = arith.constant 0 : index
    %get3A_3 = arith.constant 0 : index
    %get3A_4 = vector.load %arg4[%get3A_2, %get3A_3] : memref<256x8xf32, #tpu.memory_space<vmem>>, vector<256x8xf32>
    %add3A = arith.addf %get3A_1, %get3A_4 : vector<256x8xf32>
    %add3A_5 = arith.constant 1.000000e+00 : f32
    %add3A_6 = vector.broadcast %add3A_5 : f32 to vector<256x8xf32>
    %add3A_7 = arith.addf %add3A, %add3A_6 : vector<256x8xf32>
    %max3A = arith.constant 9.99999996E-13 : f32
    %max3A_8 = vector.broadcast %max3A : f32 to vector<256x8xf32>
    %max3A_9 = arith.maximumf %add3A_7, %max3A_8 : vector<256x8xf32>
    %rsqrt3A = math.rsqrt %max3A_9 : vector<256x8xf32>
    %get3A_10 = arith.constant 0 : index
    %get3A_11 = arith.constant 0 : index
    %get3A_12 = vector.load %arg5[%get3A_10, %get3A_11] : memref<8x128xf32, #tpu.memory_space<vmem>>, vector<8x128xf32>
    %dot_general3A = arith.constant dense<0.000000e+00> : vector<256x128xf32>
    %dot_general3A_13 = tpu.matmul %rsqrt3A, %get3A_12, %dot_general3A {dimension_numbers = #tpu.dot_dimension_numbers<[1], [0], [0], [1], [0, 0, 1, 1], [], []>, precision = #tpu.contract_precision<fp32>, transpose_lhs_hint = false} : vector<256x8xf32>, vector<8x128xf32>, vector<256x128xf32> -> vector<256x128xf32>
    %get3A_14 = arith.constant 0 : index
    %get3A_15 = arith.constant 0 : index
    %get3A_16 = vector.load %arg1[%get3A_14, %get3A_15] : memref<256x1024xf32, #tpu.memory_space<vmem>>, vector<256x1024xf32>
    %get3A_17 = arith.constant 0 : index
    %get3A_18 = arith.constant 0 : index
    %get3A_19 = vector.load %arg2[%get3A_17, %get3A_18] : memref<1024x128xf32, #tpu.memory_space<vmem>>, vector<1024x128xf32>
    %dot_general3A_20 = arith.constant dense<0.000000e+00> : vector<256x128xf32>
    %dot_general3A_21 = tpu.matmul %get3A_16, %get3A_19, %dot_general3A_20 {dimension_numbers = #tpu.dot_dimension_numbers<[1], [0], [0], [1], [0, 0, 1, 1], [], []>, transpose_lhs_hint = false} : vector<256x1024xf32>, vector<1024x128xf32>, vector<256x128xf32> -> vector<256x128xf32>
    %mul3A = arith.mulf %dot_general3A_21, %dot_general3A_13 : vector<256x128xf32>
    %swap3A = arith.constant 0 : index
    %swap3A_22 = arith.constant 0 : index
    %swap3A_23 = vector.load %arg6[%swap3A, %swap3A_22] : memref<256x128xf32, #tpu.memory_space<vmem>>, vector<256x128xf32>
    tpu.vector_store %arg6[%swap3A, %swap3A_22], %mul3A {strides = array<i32>} : memref<256x128xf32, #tpu.memory_space<vmem>>, vector<256x128xf32>,
    %swap3A_24 = arith.constant 0 : index
    %swap3A_25 = arith.constant 0 : index
    %swap3A_26 = vector.load %arg7[%swap3A_24, %swap3A_25] : memref<256x128xf32, #tpu.memory_space<vmem>>, vector<256x128xf32>
    tpu.vector_store %arg7[%swap3A_24, %swap3A_25], %dot_general3A_13 {strides = array<i32>} : memref<256x128xf32, #tpu.memory_space<vmem>>, vector<256x128xf32>,
    return
  }
  func.func @transform_0(%arg0: i32) -> (i32, i32) {
    %c0_i32 = arith.constant 0 : i32
    %c0_i32_0 = arith.constant 0 : i32
    return %arg0, %c0_i32 : i32, i32
  }
  func.func @transform_1(%arg0: i32) -> (i32, i32) {
    %c0_i32 = arith.constant 0 : i32
    %c0_i32_0 = arith.constant 0 : i32
    %c0_i32_1 = arith.constant 0 : i32
    return %c0_i32, %c0_i32_0 : i32, i32
  }
  func.func @transform_2(%arg0: i32) -> (i32, i32) {
    %c0_i32 = arith.constant 0 : i32
    %c0_i32_0 = arith.constant 0 : i32
    return %arg0, %c0_i32 : i32, i32
  }
  func.func @transform_3(%arg0: i32) -> (i32, i32) {
    %add3A = arith.constant 5 : i32
    %add3A_0 = arith.addi %arg0, %add3A : i32
    %c0_i32 = arith.constant 0 : i32
    %c0_i32_1 = arith.constant 0 : i32
    return %add3A_0, %c0_i32 : i32, i32
  }
  func.func @transform_4(%arg0: i32) -> (i32, i32) {
    %c0_i32 = arith.constant 0 : i32
    %c0_i32_0 = arith.constant 0 : i32
    %c0_i32_1 = arith.constant 0 : i32
    return %c0_i32, %c0_i32_0 : i32, i32
  }
  func.func @transform_5(%arg0: i32) -> (i32, i32) {
    %c0_i32 = arith.constant 0 : i32
    %c0_i32_0 = arith.constant 0 : i32
    return %arg0, %c0_i32 : i32, i32
  }
  func.func @transform_6(%arg0: i32) -> (i32, i32) {
    %c0_i32 = arith.constant 0 : i32
    %c0_i32_0 = arith.constant 0 : i32
    return %arg0, %c0_i32 : i32, i32
  }
}

module attributes {stable_mosaic.version = 14 : i64} {
  func.func @body(%arg0: i32, %arg1: memref<256x128xf32, #tpu.memory_space<vmem>>, %arg2: memref<256x128xf32, #tpu.memory_space<vmem>>, %arg3: memref<2x256x128xf32, #tpu.memory_space<vmem>>, %arg4: memref<1x128xf32, #tpu.memory_space<vmem>>, %arg5: memref<128x128xf32, #tpu.memory_space<vmem>>, %arg6: memref<256x128xf32, #tpu.memory_space<vmem>>) attributes {dimension_semantics = [#tpu.dimension_semantics<arbitrary>], iteration_bounds = array<i64: 5>, scalar_prefetch = 0 : i64, scratch_operands = 0 : i64, tpu.core_type = #tpu.core_type<tc>, window_params = [{transform_indices = @transform_0, window_bounds = array<i64: 256, 128>}, {transform_indices = @transform_1, window_bounds = array<i64: 256, 128>}, {transform_indices = @transform_2, window_bounds = array<i64: 2, 256, 128>}, {pipeline_mode = #tpu.pipeline_mode<synchronous>, transform_indices = @transform_3, window_bounds = array<i64: 1, 128>}, {pipeline_mode = #tpu.pipeline_mode<synchronous>, transform_indices = @transform_4, window_bounds = array<i64: 128, 128>}, {transform_indices = @transform_5, window_bounds = array<i64: 256, 128>}]} {
    %get3A = arith.constant 0 : index
    %get3A_0 = arith.constant 0 : index
    %get3A_1 = vector.load %arg1[%get3A, %get3A_0] : memref<256x128xf32, #tpu.memory_space<vmem>>, vector<256x128xf32>
    %get3A_2 = arith.constant 0 : index
    %get3A_3 = arith.constant 0 : index
    %get3A_4 = vector.load %arg2[%get3A_2, %get3A_3] : memref<256x128xf32, #tpu.memory_space<vmem>>, vector<256x128xf32>
    %get3A_5 = arith.constant 0 : index
    %get3A_6 = arith.constant 0 : index
    %get3A_7 = arith.constant 0 : index
    %get3A_8 = vector.load %arg3[%get3A_5, %get3A_6, %get3A_7] : memref<2x256x128xf32, #tpu.memory_space<vmem>>, vector<1x256x128xf32>
    %get3A_9 = vector.shape_cast %get3A_8 : vector<1x256x128xf32> to vector<256x128xf32>
    %add3A = arith.addf %get3A_4, %get3A_9 : vector<256x128xf32>
    %get3A_10 = arith.constant 1 : index
    %get3A_11 = arith.constant 0 : index
    %get3A_12 = arith.constant 0 : index
    %get3A_13 = vector.load %arg3[%get3A_10, %get3A_11, %get3A_12] : memref<2x256x128xf32, #tpu.memory_space<vmem>>, vector<1x256x128xf32>
    %get3A_14 = vector.shape_cast %get3A_13 : vector<1x256x128xf32> to vector<256x128xf32>
    %add3A_15 = arith.addf %add3A, %get3A_14 : vector<256x128xf32>
    %mul3A = arith.mulf %get3A_1, %add3A_15 : vector<256x128xf32>
    %get3A_16 = arith.constant 0 : index
    %get3A_17 = arith.constant 0 : index
    %get3A_18 = vector.load %arg4[%get3A_16, %get3A_17] : memref<1x128xf32, #tpu.memory_space<vmem>>, vector<1x128xf32>
    %add3A_19 = vector.broadcast %get3A_18 : vector<1x128xf32> to vector<256x128xf32>
    %add3A_20 = arith.addf %mul3A, %add3A_19 : vector<256x128xf32>
    %max3A = arith.constant 0.000000e+00 : f32
    %max3A_21 = vector.broadcast %max3A : f32 to vector<256x128xf32>
    %max3A_22 = arith.maximumf %add3A_20, %max3A_21 : vector<256x128xf32>
    %get3A_23 = arith.constant 0 : index
    %get3A_24 = arith.constant 0 : index
    %get3A_25 = vector.load %arg5[%get3A_23, %get3A_24] : memref<128x128xf32, #tpu.memory_space<vmem>>, vector<128x128xf32>
    %dot_general3A = arith.constant dense<0.000000e+00> : vector<256x128xf32>
    %dot_general3A_26 = tpu.matmul %max3A_22, %get3A_25, %dot_general3A {dimension_numbers = #tpu.dot_dimension_numbers<[1], [0], [0], [1], [0, 0, 1, 1], [], []>, precision = #tpu.contract_precision<fp32>, transpose_lhs_hint = false} : vector<256x128xf32>, vector<128x128xf32>, vector<256x128xf32> -> vector<256x128xf32>
    %mul3A_27 = arith.mulf %dot_general3A_26, %get3A_1 : vector<256x128xf32>
    %swap3A = arith.constant 0 : index
    %swap3A_28 = arith.constant 0 : index
    %swap3A_29 = vector.load %arg6[%swap3A, %swap3A_28] : memref<256x128xf32, #tpu.memory_space<vmem>>, vector<256x128xf32>
    tpu.vector_store %arg6[%swap3A, %swap3A_28], %mul3A_27 {strides = array<i32>} : memref<256x128xf32, #tpu.memory_space<vmem>>, vector<256x128xf32>,
    return
  }
  func.func @transform_0(%arg0: i32) -> (i32, i32) {
    %c0_i32 = arith.constant 0 : i32
    %c0_i32_0 = arith.constant 0 : i32
    return %arg0, %c0_i32 : i32, i32
  }
  func.func @transform_1(%arg0: i32) -> (i32, i32) {
    %c0_i32 = arith.constant 0 : i32
    %c0_i32_0 = arith.constant 0 : i32
    return %arg0, %c0_i32 : i32, i32
  }
  func.func @transform_2(%arg0: i32) -> (i32, i32, i32) {
    %c0_i32 = arith.constant 0 : i32
    %c0_i32_0 = arith.constant 0 : i32
    %c0_i32_1 = arith.constant 0 : i32
    return %c0_i32, %arg0, %c0_i32_0 : i32, i32, i32
  }
  func.func @transform_3(%arg0: i32) -> (i32, i32) {
    %c0_i32 = arith.constant 0 : i32
    %c0_i32_0 = arith.constant 0 : i32
    %c0_i32_1 = arith.constant 0 : i32
    return %c0_i32, %c0_i32_0 : i32, i32
  }
  func.func @transform_4(%arg0: i32) -> (i32, i32) {
    %c0_i32 = arith.constant 0 : i32
    %c0_i32_0 = arith.constant 0 : i32
    %c0_i32_1 = arith.constant 0 : i32
    return %c0_i32, %c0_i32_0 : i32, i32
  }
  func.func @transform_5(%arg0: i32) -> (i32, i32) {
    %c0_i32 = arith.constant 0 : i32
    %c0_i32_0 = arith.constant 0 : i32
    return %arg0, %c0_i32 : i32, i32
  }
}

module attributes {stable_mosaic.version = 14 : i64} {
  func.func @body(%arg0: i32, %arg1: memref<256x128xf32, #tpu.memory_space<vmem>>, %arg2: memref<256x128xf32, #tpu.memory_space<vmem>>, %arg3: memref<2x256x128xf32, #tpu.memory_space<vmem>>, %arg4: memref<1x128xf32, #tpu.memory_space<vmem>>, %arg5: memref<256x128xf32, #tpu.memory_space<vmem>>) attributes {dimension_semantics = [#tpu.dimension_semantics<arbitrary>], iteration_bounds = array<i64: 5>, scalar_prefetch = 0 : i64, scratch_operands = 0 : i64, tpu.core_type = #tpu.core_type<tc>, window_params = [{transform_indices = @transform_0, window_bounds = array<i64: 256, 128>}, {transform_indices = @transform_1, window_bounds = array<i64: 256, 128>}, {transform_indices = @transform_2, window_bounds = array<i64: 2, 256, 128>}, {pipeline_mode = #tpu.pipeline_mode<synchronous>, transform_indices = @transform_3, window_bounds = array<i64: 1, 128>}, {transform_indices = @transform_4, window_bounds = array<i64: 256, 128>}]} {
    %get3A = arith.constant 0 : index
    %get3A_0 = arith.constant 0 : index
    %get3A_1 = vector.load %arg2[%get3A, %get3A_0] : memref<256x128xf32, #tpu.memory_space<vmem>>, vector<256x128xf32>
    %get3A_2 = arith.constant 0 : index
    %get3A_3 = arith.constant 0 : index
    %get3A_4 = arith.constant 0 : index
    %get3A_5 = vector.load %arg3[%get3A_2, %get3A_3, %get3A_4] : memref<2x256x128xf32, #tpu.memory_space<vmem>>, vector<1x256x128xf32>
    %get3A_6 = vector.shape_cast %get3A_5 : vector<1x256x128xf32> to vector<256x128xf32>
    %add3A = arith.addf %get3A_1, %get3A_6 : vector<256x128xf32>
    %get3A_7 = arith.constant 1 : index
    %get3A_8 = arith.constant 0 : index
    %get3A_9 = arith.constant 0 : index
    %get3A_10 = vector.load %arg3[%get3A_7, %get3A_8, %get3A_9] : memref<2x256x128xf32, #tpu.memory_space<vmem>>, vector<1x256x128xf32>
    %get3A_11 = vector.shape_cast %get3A_10 : vector<1x256x128xf32> to vector<256x128xf32>
    %add3A_12 = arith.addf %add3A, %get3A_11 : vector<256x128xf32>
    %get3A_13 = arith.constant 0 : index
    %get3A_14 = arith.constant 0 : index
    %get3A_15 = vector.load %arg1[%get3A_13, %get3A_14] : memref<256x128xf32, #tpu.memory_space<vmem>>, vector<256x128xf32>
    %mul3A = arith.mulf %get3A_15, %add3A_12 : vector<256x128xf32>
    %get3A_16 = arith.constant 0 : index
    %get3A_17 = arith.constant 0 : index
    %get3A_18 = vector.load %arg4[%get3A_16, %get3A_17] : memref<1x128xf32, #tpu.memory_space<vmem>>, vector<1x128xf32>
    %add3A_19 = vector.broadcast %get3A_18 : vector<1x128xf32> to vector<256x128xf32>
    %add3A_20 = arith.addf %mul3A, %add3A_19 : vector<256x128xf32>
    %swap3A = arith.constant 0 : index
    %swap3A_21 = arith.constant 0 : index
    %swap3A_22 = vector.load %arg5[%swap3A, %swap3A_21] : memref<256x128xf32, #tpu.memory_space<vmem>>, vector<256x128xf32>
    tpu.vector_store %arg5[%swap3A, %swap3A_21], %add3A_20 {strides = array<i32>} : memref<256x128xf32, #tpu.memory_space<vmem>>, vector<256x128xf32>,
    return
  }
  func.func @transform_0(%arg0: i32) -> (i32, i32) {
    %c0_i32 = arith.constant 0 : i32
    %c0_i32_0 = arith.constant 0 : i32
    return %arg0, %c0_i32 : i32, i32
  }
  func.func @transform_1(%arg0: i32) -> (i32, i32) {
    %c0_i32 = arith.constant 0 : i32
    %c0_i32_0 = arith.constant 0 : i32
    return %arg0, %c0_i32 : i32, i32
  }
  func.func @transform_2(%arg0: i32) -> (i32, i32, i32) {
    %c0_i32 = arith.constant 0 : i32
    %c0_i32_0 = arith.constant 0 : i32
    %c0_i32_1 = arith.constant 0 : i32
    return %c0_i32, %arg0, %c0_i32_0 : i32, i32, i32
  }
  func.func @transform_3(%arg0: i32) -> (i32, i32) {
    %c0_i32 = arith.constant 0 : i32
    %c0_i32_0 = arith.constant 0 : i32
    %c0_i32_1 = arith.constant 0 : i32
    return %c0_i32, %c0_i32_0 : i32, i32
  }
  func.func @transform_4(%arg0: i32) -> (i32, i32) {
    %c0_i32 = arith.constant 0 : i32
    %c0_i32_0 = arith.constant 0 : i32
    return %arg0, %c0_i32 : i32, i32
  }
}

</mosaic_0001>

<sc_bundles>
// kernel: kernel.11.cloned.1.call-start
scs
__scs_entry_jumppad:
0x0: {  	(pc) =	sbr.rel $0x88, $3  }
0x1: {  	(tag) =	ssettag $0x0;
	lr =	simm.s32 $0x1  }
0x2: {  	[smem:$0x3F9B] =	sst lr;
	_ =	strace $0xD0000000  }
0x3: {  	_ = 	snop  }
0x4: {  	_ = 	snop  }
0x5: {  	_ = 	snop  }
0x6: {  	_ = 	snop  }
0x7: {  	_ = 	snop  }
__scs_overlays_trampoline_lowered:
0x8: {  	[smem:$0x3FAA] =	sst s0  }
0x9: {  	[smem:$0x3FAB] =	sst s1  }
0xa: {  	[smem:$0x3FAC] =	sst s2  }
0xb: {  	[smem:$0x3FAD] =	sst s3  }
0xc: {  	[smem:$0x3FAE] =	sst s4  }
0xd: {  	[smem:$0x3FAF] =	sst s5  }
0xe: {  	[smem:$0x3FB0] =	sst s6  }
0xf: {  	[smem:$0x3FB1] =	sst s7  }
0x10: {  	[smem:$0x3FB2] =	sst s8  }
0x11: {  	[smem:$0x3FB3] =	sst s9;
	s0 =	simm.s32 @!p0 $0x0  }
0x12: {  	s1 =	sld [smem:$0x3F99];
	s0 =	simm.s32 @p0 $0x1  }
0x13: {  	[smem:$0x3FB4] =	sst s0;
	s0 =	simm.s32 @!p1 $0x0  }
0x14: {  	s2 =	sld [smem:$0x3F98];
	s0 =	simm.s32 @p1 $0x1  }
0x15: {  	[smem:$0x3FB5] =	sst s0;
	s0 =	simm.s32 @!p2 $0x0  }
0x16: {  	s3 =	sld [smem:$0x3FDB];
	s0 =	simm.s32 @p2 $0x1  }
0x17: {  	s4 =	simm.s32 $0x1BF5;
	[smem:$0x3FB7] =	sst s0  }
0x18: {  	s0 =	sld [smem:$0x3F9A];
	_ =	swait.ge [sflag:s4], $0x0  }
0x19: {  	s7 =	sld [smem:$0x3F9B]  }
0x1a: {  	s8 =	sadd.s32 $0xFFFFE003, lr  }
0x1b: {  	s9 =	sadd.s32 $0xFFFFFEF7, lr;
	s5 =	simm.s32 $0xFFFFFFFF;
	p2 =	slt.u32 s8, $0xFFFFF086  }
0x1c: {  	p1 =	slt.u32 s9, $0xF7A;
	s5 =	simm.s32 @!p2 $0x0  }
0x1d: {  	s5 =	simm.s32 @p1 $0x1;
	p0 =	seq.s32 s7, s2  }
0x1e: {  	s7 =	smul.u32 @!p0 $0xF7A, s2;
	p2 =	seq.s32 @!p0 s5, $0x0  }
0x1f: {  	s9 =	smul.u32 $0xF7A, s1;
	s8 =	simm.s32 @!p0 $0x1BF5;
	p2 =	por !p2, p0  }
0x20: {  	[sflag:s8] =	ssyncset.s32 @!p0 $0xFFFFF086;
	s6 =	sadd.s32 @!p0 s3, s7;
	s7 =	simm.s32 @!p0 $0x108  }
0x21: {  	s3 =	sadd.s32 s3, s9;
	s6 =	sadd.s32 @!p0 $0x88, s6;
	s7 =	simm.s32 @p2 $0x1082  }
0x22: {  	[simem:s7], [sflag:s8] =	dma.local @!p0 [hbm:s6], $0xF7A  }
0x23: {  	s9 =	sor.u32 $0xD0000000, s2;
	s6 =	simm.s32 $0x108;
	_ =	swait.ge @!p0 [sflag:s8], $0x0  }
0x24: {  	s3 =	sadd.s32 $0x88, s3;
	s6 =	simm.s32 @!p1 $0x1082;
	[sflag:s4] =	ssyncset.s32 $0xFFFFF086  }
0x25: {  	[simem:s6], [sflag:s4] =	dma.local [hbm:s3], $0xF7A  }
0x26: {  	[smem:$0x3F9B] =	sst s1;
	(tag) =	ssettag s2;
	_ =	strace s9  }
0x27: {  	s1 =	sld [smem:$0x3FAB]  }
0x28: {  	s2 =	sld [smem:$0x3FAC]  }
0x29: {  	s4 =	sld [smem:$0x3FAE]  }
0x2a: {  	p0 =	seq.s32 s5, $0x0;
	s5 =	sld [smem:$0x3FAF]  }
0x2b: {  	s6 =	sld [smem:$0x3FB0]  }
0x2c: {  	s7 =	sld [smem:$0x3FB1]  }
0x2d: {  	s3 =	simm.s32 $0x108;
	s8 =	sld [smem:$0x3FB2]  }
0x2e: {  	s3 =	simm.s32 @!p0 $0x1082;
	s9 =	sld [smem:$0x3FB3]  }
0x2f: {  	lr =	sadd.s32 s0, s3;
	s0 =	sld [smem:$0x3FAA]  }
0x30: {  	s3 =	sld [smem:$0x3FAD]  }
0x31: {  	[smem:$0x3FB6] =	sst s10  }
0x32: {  	s10 =	sld [smem:$0x3FB4];
	_ =	sdelay $0x3  }
0x33: {  	p0 =	seq.s32 s10, $0x1;
	s10 =	sld [smem:$0x3FB6];
	_ =	sdelay $0x3  }
0x34: {  	[smem:$0x3FB6] =	sst s10  }
0x35: {  	s10 =	sld [smem:$0x3FB5];
	_ =	sdelay $0x3  }
0x36: {  	p1 =	seq.s32 s10, $0x1;
	s10 =	sld [smem:$0x3FB6];
	_ =	sdelay $0x3  }
0x37: {  	[smem:$0x3FB6] =	sst s10  }
0x38: {  	s10 =	sld [smem:$0x3FB7]  }
0x39: {  	_ = 	snop;
	(pc) =	sbr.ind lr, $3  }
0x3a: {  	_ = 	snop  }
0x3b: {  	_ = 	snop  }
0x3c: {  	p2 =	seq.s32 s10, $0x1;
	s10 =	sld [smem:$0x3FB6]  }
0x3d: {  	_ =	shalt  }
0x3e: {  	_ =	shalt  }
0x3f: {  	_ =	shalt  }
0x40: {  	_ =	shalt  }
0x41: {  	_ =	shalt  }
0x42: {  	_ =	shalt  }
0x43: {  	_ =	shalt  }
0x44: {  	_ =	shalt  }
0x45: {  	_ =	shalt  }
0x46: {  	_ =	shalt  }
0x47: {  	_ =	shalt  }
0x48: {  	_ =	shalt  }
0x49: {  	_ =	shalt  }
0x4a: {  	_ =	shalt  }
0x4b: {  	_ =	shalt  }
0x4c: {  	_ =	shalt  }
0x4d: {  	_ =	shalt  }
0x4e: {  	_ =	shalt  }
0x4f: {  	_ =	shalt  }
0x50: {  	_ =	shalt  }
0x51: {  	_ =	shalt  }
0x52: {  	_ =	shalt  }
0x53: {  	_ =	shalt  }
0x54: {  	_ =	shalt  }
0x55: {  	_ =	shalt  }
0x56: {  	_ =	shalt  }
0x57: {  	_ =	shalt  }
0x58: {  	_ =	shalt  }
0x59: {  	_ =	shalt  }
0x5a: {  	_ =	shalt  }
0x5b: {  	_ =	shalt  }
0x5c: {  	_ =	shalt  }
0x5d: {  	_ =	shalt  }
0x5e: {  	_ =	shalt  }
0x5f: {  	_ =	shalt  }
0x60: {  	_ =	shalt  }
0x61: {  	_ =	shalt  }
0x62: {  	_ =	shalt  }
0x63: {  	_ =	shalt  }
0x64: {  	_ =	shalt  }
0x65: {  	_ =	shalt  }
0x66: {  	_ =	shalt  }
0x67: {  	_ =	shalt  }
0x68: {  	_ =	shalt  }
0x69: {  	_ =	shalt  }
0x6a: {  	_ =	shalt  }
0x6b: {  	_ =	shalt  }
0x6c: {  	_ =	shalt  }
0x6d: {  	_ =	shalt  }
0x6e: {  	_ =	shalt  }
0x6f: {  	_ =	shalt  }
0x70: {  	_ =	shalt  }
0x71: {  	_ =	shalt  }
0x72: {  	_ =	shalt  }
0x73: {  	_ =	shalt  }
0x74: {  	_ =	shalt  }
0x75: {  	_ =	shalt  }
0x76: {  	_ =	shalt  }
0x77: {  	_ =	shalt  }
0x78: {  	_ =	shalt  }
0x79: {  	_ =	shalt  }
0x7a: {  	_ =	shalt  }
0x7b: {  	_ =	shalt  }
0x7c: {  	_ =	shalt  }
0x7d: {  	_ =	shalt  }
0x7e: {  	_ =	shalt  }
0x7f: {  	_ =	shalt  }
0x80: {  	_ =	shalt  }
0x81: {  	_ =	shalt  }
0x82: {  	_ =	shalt  }
0x83: {  	_ =	shalt  }
0x84: {  	_ =	shalt  }
0x85: {  	_ =	shalt  }
0x86: {  	_ =	shalt  }
0x87: {  	_ =	shalt  }
.Lfunc_end0:
.L_simem_size_0:
called_computation.1_lowered:
.L_overlay_start_0:
0x88: {  	s2 =	sld [smem:$0x3FD9]  }
0x89: {  	s3 =	sld [smem:$0x3FFE];
	_ =	sdelay $0x1  }
0x8a: {  	s1 =	srdreg.scid  }
0x8b: {  	s0 =	sand.u32 $0x1, s1  }
0x8c: {  	s17 =	sshll.u32 s0, $0xA;
	s2 =	sadd.s32 s3, s2  }
0x8d: {  	s2 =	sadd.s32 s2, s17  }
0x8e: {  	[smem:$0x3FC2] =	sst s2  }
0x8f: {  	_ = 	snop  }
0x90: {  	s2 =	sld [smem:$0x3FC8]  }
0x91: {  	s18 =	sld [smem:$0x3FD0];
	(tm) =	ssettm $0x1  }
0x92: {  	s4 =	sld [smem:$0x3FFB];
	_ =	sdelay $0x3  }
0x93: {  	_ =	strace s4  }
0x94: {  	s4 =	sld [smem:$0x3FFC];
	_ =	sdelay $0x3  }
0x95: {  	_ =	strace s4  }
0x96: {  	s4 =	sld [smem:$0x3FFD];
	_ =	sdelay $0x3  }
0x97: {  	_ =	strace s4  }
0x98: {  	_ =	strace $0x8FFFFFFF  }
0x99: {  	s19 =	sld [smem:$0x3FDB];
	_ =	sdelay $0x1  }
0x9a: {  	s5 =	simm.s32 $_scs_section_size  }
0x9b: {  	s6 =	simm.s32 $_size__tile_overlayer_lowered;
	s7 =	simm.s32 $_tile_overlayer_lowered  }
0x9c: {  	s22 =	simm.s32 $0x1BFF;
	s21 =	sshll.u32 s7, $0x1;
	s4 =	sadd.s32 s5, s19  }
0x9d: {  	s8 =	simm.s32 $0x0;
	s20 =	sshll.u32 s6, $0x1;
	s6 =	sadd.s32 s21, s4  }
0x9e: {  	[timem:s8], [sflag:s22] =	dma.local [hbm:s6], s20  }
0x9f: {  	_ =	swait.ge [sflag:s22], s20  }
0xa0: {  	s5 =	ssub.s32 $0x0, s20;
	[sflag:s22] =	ssyncset.done $0x0  }
0xa1: {  	[sflag:s22] =	ssyncadd.s32 s5;
	_ =	sdelay $0x1  }
0xa2: {  	s23 =	simm.s32 $0x1B8B  }
0xa3: {  	_ =	swait.ge [sflag:s23], $0x1  }
0xa4: {  	[sflag:s23] =	ssyncset.done $0x0  }
0xa5: {  	s25 =	simm.s32 $0x1B8E;
	s24 =	sld [smem:$0x3FFE];
	[sflag:s23] =	ssyncadd.s32 $0xFFFFFFFF  }
0xa6: {  	s26 =	simm.s32 $execute0_lowered;
	[smem:$0x3FD2] =	sst s25  }
0xa7: {  	s6 =	sshll.u32 s26, $0x1;
	_ =	strace $0x80000049;
	[dreg:$0x1] =	wrdreg $0xFFFFFFFF  }
0xa8: {  	s28 =	simm.s32 $_size_execute0_lowered;
	s4 =	sadd.s32 s4, s6;
	[dreg:$0x0] =	wrdreg $0x0  }
0xa9: {  	s6 =	sshll.u32 s28, $0x1;
	[dreg:$0x2] =	wrdreg s4  }
0xaa: {  	[dreg:$0x3] =	wrdreg s6  }
0xab: {  	[dreg:$0x4] =	wrdreg $0xC0  }
0xac: {  	_ =	task [dreg:s8], $0x5FFFF  }
0xad: {  	[dreg:$0x1] =	wrdreg $0xFFFFFFFF  }
0xae: {  	[dreg:$0x0] =	wrdreg $0x60  }
0xaf: {  	[dreg:$0x2] =	wrdreg s24  }
0xb0: {  	[dreg:$0x3] =	wrdreg s2  }
0xb1: {  	[dreg:$0x4] =	wrdreg s18  }
0xb2: {  	[dreg:$0x5] =	wrdreg $0xF8000  }
0xb3: {  	[dreg:$0x6] =	wrdreg $0x9  }
0xb4: {  	_ =	task.clear_ibuf [dreg:s8], $0x7FFFF;
	_ =	strace $0x90000049  }
0xb5: {  	s29 =	simm.s32 $0x9;
	_ =	strace $0x8000004B  }
0xb6: {  	_ =	swait.ge [sflag:s29], $0x1  }
0xb7: {  	[sflag:s29] =	ssyncadd.s32 $0xFFFFFFFF  }
0xb8: {  	_ =	strace $0x9000004B  }
0xb9: {  	_ =	sfence  }
0xba: {  	s30 =	sld [smem:$0x0];
	_ =	sdelay $0x2  }
0xbb: {  	s31 =	sshll.u32 s1, $0xD;
	s1 =	sshrl.u32 s1, $0x2  }
0xbc: {  	s3 =	sand.u32 $0x4000, s31;
	s1 =	sadd.s32 s1, s30  }
0xbd: {  	s0 =	sor.u32 s3, s0;
	s1 =	sshll.u32 s1, $0x11  }
0xbe: {  	s0 =	sor.u32 s1, s0  }
0xbf: {  	s0 =	sadd.s32 $0x8F2B, s0  }
0xc0: {  	[sflag:s0] =	ssyncadd.remote.s32 $0x1  }
0xc1: {  	_ =	sfence.sel $0xFFFF  }
0xc2: {  	[dreg:$0x0] =	wrdreg $0xFFFFFFFF;
	(pc) =	sbr.abs _section_cstart, $3  }
0xc3: {  	[dreg:$0x1] =	wrdreg $0xFFFFFFFF  }
0xc4: {  	_ =	task.clear_ibuf [dreg:s8], $0x2FFFF;
	_ =	strace $0x9FFFFFFF  }
0xc5: {  	(tm) =	ssettm $0x7FFFFFFF  }
tec
execute0_lowered:
.L_overlay_start_1:
0x0: {  	(tag) =	ssettag $0x1  }
0x1: {  	s0 =	rddreg [dreg:$0x0]  }
0x2: {  	s1 =	rddreg [dreg:$0x1]  }
0x3: {  	s3 =	rddreg [dreg:$0x3];
	s11 =	simm.s32 $0x0  }
0x4: {  	s2 =	srdreg.scid;
	s8 =	stileid.u32;
	s16 =	simm.s32 $0x80  }
0x5: {  	s19 =	simm.s32 $0xA800;
	s28 =	simm.s32 $0xC800;
	s30 =	simm.s32 $0x1  }
0x6: {  	s10 =	simm.s32 $0x2;
	s12 =	simm.s32 $0x0;
	s18 =	simm.s32 $0x5000  }
0x7: {  	s29 =	simm.s32 $0x7800;
	s31 =	simm.s32 $0x8000;
	[smem:$0x7FF] =	sst s11  }
0x8: {  	s2 =	sand.u32 $0x1, s2;
	s4 =	smul.u32 $0x500, s8;
	s5 =	sadd.s32 $0x2800, s0  }
0x9: {  	s20 =	sadd.s32 $0x2400, s0;
	s25 =	sadd.s32 $0x13600, s1;
	_ =	strace $0x8000004A  }
0xa: {  	s6 =	smul.u32 $0x5000, s2;
	s7 =	sshll.u32 s2, $0x4;
	[dreg:$0x5] =	wrdreg s20  }
0xb: {  	s2 =	ssub.s32 $0x2, s2;
	[dreg:$0x9] =	wrdreg s25;
	s25 =	simm.s32 $0xC000  }
0xc: {  	s20 =	simm.s32 $0x5800;
	s7 =	sor.u32 s8, s7;
	s8 =	smul.u32 $0xA000, s8  }
0xd: {  	s21 =	sshrl.u32 s2, $0x1;
	s4 =	sadd.s32 s4, s6;
	s9 =	smul.u32 $0xA00, s7  }
0xe: {  	s2 =	ssub.s32 s2, s21;
	p0 =	seq.s32 s7, $0x1F;
	s6 =	simm.s32 $0xD000  }
0xf: {  	s7 =	simm.s32 $0x4;
	s21 =	simm.s32 $0xB000;
	s0 =	sadd.s32 s4, s0  }
0x10: {  	s22 =	sshrl.u32 s8, $0x2;
	s26 =	smax.u32 s2, $0x1;
	s2 =	simm.s32 $0x9800  }
0x11: {  	s23 =	sadd.s32 s1, s9;
	s8 =	sadd.s32 s22, s3;
	[dreg:$0xc] =	wrdreg s26  }
0x12: {  	s1 =	sadd.s32 $0x13610, s1;
	s0 =	sadd.s32 $0x7800, s0;
	[dreg:$0x6] =	wrdreg s23  }
0x13: {  	s9 =	simm.s32 $0x3;
	s22 =	simm.s32 $0x6000;
	[dreg:$0xa] =	wrdreg s1  }
0x14: {  	s26 =	simm.s32 $0x7000;
	s24 =	sadd.s32 $0x10, s23;
	[dreg:$0xb] =	wrdreg s0  }
0x15: {  	s0 =	simm.s32 $0x9000;
	s1 =	simm.s32 $0xA000;
	[dreg:$0x7] =	wrdreg s8  }
0x16: {  	s23 =	simm.s32 $0xB800;
	[dreg:$0x8] =	wrdreg s24;
	s24 =	simm.s32 $0x6800  }
.LBB2_1:
0x17: {  	[dreg:$0xd] =	wrdreg s12  }
0x18: {  	s4 =	rddreg [dreg:$0x2]  }
0x19: {  	[tilespmem:s6], [sflag:$0x4] =	stream.linear.gather [hbm4b:s4+s11], $0x2800, $0x38;
	[tilespmem:$0x12000] =	vst v63  }
0x1a: {  	_ =	swait.ge [sflag:s7], $0x2800  }
0x1b: {  	[sflag:s7] =	ssyncset.done $0x0  }
0x1c: {  	[sflag:s7] =	ssyncadd.s32 $0xFFFFD800  }
0x1d: {  	[spmem:s8] =	stream.linear.scatter [tilespmem:s6], [sflag:$0x4], $0x2800, $0x38;
	[tilespmem:$0x12000] =	vst v63  }
0x1e: {  	_ =	swait.ge [sflag:s7], $0x2800  }
0x1f: {  	[sflag:s7] =	ssyncset.done $0x0  }
0x20: {  	[sflag:s7] =	ssyncadd.s32 $0xFFFFD800  }
0x21: {  	s12 =	simm.s32 @p0 $0x0;
	s13 =	simm.s32 @p0 $0x4;
	[bflag:$0x0] =	sbarrier.arrive $0xFFFF  }
0x22: {  	s4 =	simm.s32 @p0 $0x80;
	s7 =	simm.s32 @p0 $0x100;
	s6 =	rddreg [dreg:$0x9]  }
0x23: {  	[tilespmem:s12], [sflag:$0x4] =	stream.strided.gather @p0 [hbm4b:s6+s4], $0xA00, s7, s4, $0x38;
	[tilespmem:$0x12000] =	vst v63  }
0x24: {  	_ =	swait.ge @p0 [sflag:s13], $0xA00  }
0x25: {  	[sflag:s13] =	ssyncset.done @p0 $0x0  }
0x26: {  	s6 =	simm.s32 @p0 $0x2800;
	s8 =	rddreg [dreg:$0xa];
	[sflag:s13] =	ssyncadd.s32 @p0 $0xFFFFF600  }
0x27: {  	[tilespmem:s6], [sflag:$0x4] =	stream.strided.gather @p0 [hbm4b:s8+s4], $0xA00, s7, s4, $0x38;
	[tilespmem:$0x12000] =	vst v63  }
0x28: {  	_ =	swait.ge @p0 [sflag:s13], $0xA00  }
0x29: {  	[sflag:s13] =	ssyncset.done @p0 $0x0  }
0x2a: {  	s4 =	simm.s32 @p0 $0xA00;
	s6 =	rddreg [dreg:$0x5];
	[sflag:s13] =	ssyncadd.s32 @p0 $0xFFFFF600  }
0x2b: {  	[tilespmem:s4], [sflag:$0x4] =	stream.linear.gather @p0 [hbm4b:s6+s12], $0x1E00, $0x38;
	[tilespmem:$0x12000] =	vst v63  }
0x2c: {  	_ =	swait.ge @p0 [sflag:s13], $0x1E00  }
0x2d: {  	[sflag:s13] =	ssyncset.done @p0 $0x0  }
0x2e: {  	s4 =	simm.s32 @p0 $0x3200;
	[sflag:s13] =	ssyncadd.s32 @p0 $0xFFFFE200  }
0x2f: {  	[tilespmem:s4], [sflag:$0x4] =	stream.linear.gather @p0 [hbm4b:s6+s12], $0x1E00, $0x38;
	[tilespmem:$0x12000] =	vst v63  }
0x30: {  	_ =	swait.ge @p0 [sflag:s13], $0x1E00  }
0x31: {  	s7 =	simm.s32 @!p0 $0x0;
	s4 =	simm.s32 @!p0 $0x80;
	[sflag:s13] =	ssyncset.done @p0 $0x0  }
0x32: {  	s6 =	simm.s32 @!p0 $0x100;
	s8 =	rddreg [dreg:$0x6];
	[sflag:s13] =	ssyncadd.s32 @p0 $0xFFFFE200  }
0x33: {  	[tilespmem:s7], [sflag:$0x4] =	stream.strided.gather @!p0 [hbm4b:s8+s4], $0x2800, s6, s4, $0x38;
	[tilespmem:$0x12000] =	vst v63  }
0x34: {  	s7 =	simm.s32 @!p0 $0x4  }
0x35: {  	_ =	swait.ge @!p0 [sflag:s7], $0x2800  }
0x36: {  	[sflag:s7] =	ssyncset.done @!p0 $0x0  }
0x37: {  	s12 =	simm.s32 @!p0 $0x2800;
	s8 =	rddreg [dreg:$0x8];
	[sflag:s7] =	ssyncadd.s32 @!p0 $0xFFFFD800  }
0x38: {  	[tilespmem:s12], [sflag:$0x4] =	stream.strided.gather @!p0 [hbm4b:s8+s4], $0x2800, s6, s4, $0x38;
	[tilespmem:$0x12000] =	vst v63  }
0x39: {  	_ =	swait.ge @!p0 [sflag:s7], $0x2800  }
0x3a: {  	[sflag:s7] =	ssyncset.done @!p0 $0x0  }
0x3b: {  	s6 =	simm.s32 $0x5000;
	[sflag:s7] =	ssyncadd.s32 @!p0 $0xFFFFD800  }
0x3c: {  	[tilespmem:s6], [sflag:$0x1] =	stream.indirect.gather [hbm4b:s5+s16], $0x10, s11, s16, $0xb8;
	[tilespmem:$0x12000] =	vst v63  }
0x3d: {  	s7 =	simm.s32 $0x5800  }
0x3e: {  	[tilespmem:s7], [sflag:$0x1] =	stream.indirect.gather [hbm4b:s5+s16], $0x10, s16, s16, $0xb8;
	[tilespmem:$0x12000] =	vst v63  }
0x3f: {  	s8 =	simm.s32 $0x6000;
	s11 =	simm.s32 $0x100  }
0x40: {  	[tilespmem:s8], [sflag:$0x1] =	stream.indirect.gather [hbm4b:s5+s16], $0x10, s11, s16, $0xb8;
	[tilespmem:$0x12000] =	vst v63  }
0x41: {  	s12 =	simm.s32 $0x180;
	s11 =	simm.s32 $0x6800  }
0x42: {  	[tilespmem:s11], [sflag:$0x1] =	stream.indirect.gather [hbm4b:s5+s16], $0x10, s12, s16, $0xb8;
	[tilespmem:$0x12000] =	vst v63  }
0x43: {  	s13 =	simm.s32 $0x200;
	s12 =	simm.s32 $0x7000  }
0x44: {  	[tilespmem:s12], [sflag:$0x1] =	stream.indirect.gather [hbm4b:s5+s16], $0x10, s13, s16, $0xb8;
	[tilespmem:$0x12000] =	vst v63  }
0x45: {  	s14 =	simm.s32 $0x280;
	s13 =	simm.s32 $0x7800  }
0x46: {  	[tilespmem:s13], [sflag:$0x1] =	stream.indirect.gather [hbm4b:s5+s16], $0x10, s14, s16, $0xb8;
	[tilespmem:$0x12000] =	vst v63  }
0x47: {  	s15 =	simm.s32 $0x300;
	s14 =	simm.s32 $0x8000  }
0x48: {  	[tilespmem:s14], [sflag:$0x1] =	stream.indirect.gather [hbm4b:s5+s16], $0x10, s15, s16, $0xb8;
	[tilespmem:$0x12000] =	vst v63  }
0x49: {  	s17 =	simm.s32 $0x380;
	s15 =	simm.s32 $0x8800  }
0x4a: {  	[tilespmem:s15], [sflag:$0x1] =	stream.indirect.gather [hbm4b:s5+s16], $0x10, s17, s16, $0xb8;
	[tilespmem:$0x12000] =	vst v63  }
0x4b: {  	s17 =	simm.s32 $0x400  }
0x4c: {  	[tilespmem:s0], [sflag:$0x2] =	stream.indirect.gather [hbm4b:s5+s16], $0x10, s17, s16, $0xb8;
	[tilespmem:$0x12000] =	vst v63  }
0x4d: {  	s17 =	simm.s32 $0x480  }
0x4e: {  	[tilespmem:s2], [sflag:$0x2] =	stream.indirect.gather [hbm4b:s5+s16], $0x10, s17, s16, $0xb8;
	[tilespmem:$0x12000] =	vst v63  }
0x4f: {  	s17 =	simm.s32 $0x500  }
0x50: {  	[tilespmem:s1], [sflag:$0x2] =	stream.indirect.gather [hbm4b:s5+s16], $0x10, s17, s16, $0xb8;
	[tilespmem:$0x12000] =	vst v63  }
0x51: {  	s17 =	simm.s32 $0x580  }
0x52: {  	[tilespmem:s19], [sflag:$0x2] =	stream.indirect.gather [hbm4b:s5+s16], $0x10, s17, s16, $0xb8;
	[tilespmem:$0x12000] =	vst v63  }
0x53: {  	s17 =	simm.s32 $0x600  }
0x54: {  	[tilespmem:s21], [sflag:$0x2] =	stream.indirect.gather [hbm4b:s5+s16], $0x10, s17, s16, $0xb8;
	[tilespmem:$0x12000] =	vst v63  }
0x55: {  	s17 =	simm.s32 $0x680  }
0x56: {  	[tilespmem:s23], [sflag:$0x2] =	stream.indirect.gather [hbm4b:s5+s16], $0x10, s17, s16, $0xb8;
	[tilespmem:$0x12000] =	vst v63  }
0x57: {  	s17 =	simm.s32 $0x700  }
0x58: {  	[tilespmem:s25], [sflag:$0x2] =	stream.indirect.gather [hbm4b:s5+s16], $0x10, s17, s16, $0xb8;
	[tilespmem:$0x12000] =	vst v63  }
0x59: {  	s17 =	simm.s32 $0x780  }
0x5a: {  	[tilespmem:s28], [sflag:$0x2] =	stream.indirect.gather [hbm4b:s5+s16], $0x10, s17, s16, $0xb8;
	[tilespmem:$0x12000] =	vst v63  }
0x5b: {  	_ =	swait.ge [sflag:s30], $0x800  }
0x5c: {  	[sflag:s30] =	ssyncset.done $0x0  }
0x5d: {  	[sflag:s30] =	ssyncadd.s32 $0xFFFFF800  }
0x5e: {  	_ =	swait.ge [sflag:s30], $0x800  }
0x5f: {  	[sflag:s30] =	ssyncset.done $0x0  }
0x60: {  	[sflag:s30] =	ssyncadd.s32 $0xFFFFF800  }
0x61: {  	_ =	swait.ge [sflag:s30], $0x800  }
0x62: {  	[sflag:s30] =	ssyncset.done $0x0  }
0x63: {  	[sflag:s30] =	ssyncadd.s32 $0xFFFFF800  }
0x64: {  	_ =	swait.ge [sflag:s30], $0x800  }
0x65: {  	[sflag:s30] =	ssyncset.done $0x0  }
0x66: {  	[sflag:s30] =	ssyncadd.s32 $0xFFFFF800  }
0x67: {  	_ =	swait.ge [sflag:s30], $0x800  }
0x68: {  	[sflag:s30] =	ssyncset.done $0x0  }
0x69: {  	[sflag:s30] =	ssyncadd.s32 $0xFFFFF800  }
0x6a: {  	_ =	swait.ge [sflag:s30], $0x800  }
0x6b: {  	[sflag:s30] =	ssyncset.done $0x0  }
0x6c: {  	[sflag:s30] =	ssyncadd.s32 $0xFFFFF800  }
0x6d: {  	_ =	swait.ge [sflag:s30], $0x800  }
0x6e: {  	[sflag:s30] =	ssyncset.done $0x0  }
0x6f: {  	[sflag:s30] =	ssyncadd.s32 $0xFFFFF800  }
0x70: {  	_ =	swait.ge [sflag:s30], $0x800  }
0x71: {  	[sflag:s30] =	ssyncset.done $0x0  }
0x72: {  	s17 =	simm.s32 $0x2800;
	[sflag:s30] =	ssyncadd.s32 $0xFFFFF800  }
0x73: {  	[spmem:s3] =	stream.indirect.scatter.add.f32 [tilespmem:s6], [sflag:$0x3], $0x10, s17, s16, $0xb8;
	[tilespmem:$0x12000] =	vst v63  }
0x74: {  	s6 =	simm.s32 $0x2880  }
0x75: {  	[spmem:s3] =	stream.indirect.scatter.add.f32 [tilespmem:s7], [sflag:$0x3], $0x10, s6, s16, $0xb8;
	[tilespmem:$0x12000] =	vst v63  }
0x76: {  	s7 =	simm.s32 $0x2900  }
0x77: {  	[spmem:s3] =	stream.indirect.scatter.add.f32 [tilespmem:s8], [sflag:$0x3], $0x10, s7, s16, $0xb8;
	[tilespmem:$0x12000] =	vst v63  }
0x78: {  	s8 =	simm.s32 $0x2980  }
0x79: {  	[spmem:s3] =	stream.indirect.scatter.add.f32 [tilespmem:s11], [sflag:$0x3], $0x10, s8, s16, $0xb8;
	[tilespmem:$0x12000] =	vst v63  }
0x7a: {  	s11 =	simm.s32 $0x2A00  }
0x7b: {  	[spmem:s3] =	stream.indirect.scatter.add.f32 [tilespmem:s12], [sflag:$0x3], $0x10, s11, s16, $0xb8;
	[tilespmem:$0x12000] =	vst v63  }
0x7c: {  	s12 =	simm.s32 $0x2A80  }
0x7d: {  	[spmem:s3] =	stream.indirect.scatter.add.f32 [tilespmem:s13], [sflag:$0x3], $0x10, s12, s16, $0xb8;
	[tilespmem:$0x12000] =	vst v63  }
0x7e: {  	s17 =	simm.s32 $0x2B00  }
0x7f: {  	[spmem:s3] =	stream.indirect.scatter.add.f32 [tilespmem:s14], [sflag:$0x3], $0x10, s17, s16, $0xb8;
	[tilespmem:$0x12000] =	vst v63  }
0x80: {  	s6 =	simm.s32 $0x2B80  }
0x81: {  	[spmem:s3] =	stream.indirect.scatter.add.f32 [tilespmem:s15], [sflag:$0x3], $0x10, s6, s16, $0xb8;
	[tilespmem:$0x12000] =	vst v63  }
0x82: {  	_ =	swait.ge [sflag:s9], $0x800  }
0x83: {  	[sflag:s9] =	ssyncset.done $0x0  }
0x84: {  	[sflag:s9] =	ssyncadd.s32 $0xFFFFF800  }
0x85: {  	_ =	swait.ge [sflag:s9], $0x800  }
0x86: {  	[sflag:s9] =	ssyncset.done $0x0  }
0x87: {  	[sflag:s9] =	ssyncadd.s32 $0xFFFFF800  }
0x88: {  	_ =	swait.ge [sflag:s9], $0x800  }
0x89: {  	[sflag:s9] =	ssyncset.done $0x0  }
0x8a: {  	[sflag:s9] =	ssyncadd.s32 $0xFFFFF800  }
0x8b: {  	_ =	swait.ge [sflag:s9], $0x800  }
0x8c: {  	[sflag:s9] =	ssyncset.done $0x0  }
0x8d: {  	[sflag:s9] =	ssyncadd.s32 $0xFFFFF800  }
0x8e: {  	_ =	swait.ge [sflag:s9], $0x800  }
0x8f: {  	[sflag:s9] =	ssyncset.done $0x0  }
0x90: {  	[sflag:s9] =	ssyncadd.s32 $0xFFFFF800  }
0x91: {  	_ =	swait.ge [sflag:s9], $0x800  }
0x92: {  	[sflag:s9] =	ssyncset.done $0x0  }
0x93: {  	[sflag:s9] =	ssyncadd.s32 $0xFFFFF800  }
0x94: {  	_ =	swait.ge [sflag:s9], $0x800  }
0x95: {  	[sflag:s9] =	ssyncset.done $0x0  }
0x96: {  	[sflag:s9] =	ssyncadd.s32 $0xFFFFF800  }
0x97: {  	p1 =	por $0x0, $0x0;
	_ =	swait.ge [sflag:s9], $0x800  }
0x98: {  	s4 =	simm.s32 @!p1 $0x5000;
	[sflag:s9] =	ssyncset.done $0x0  }
0x99: {  	s7 =	simm.s32 @!p1 $0x80;
	s6 =	simm.s32 @!p1 $0x800;
	[sflag:s9] =	ssyncadd.s32 $0xFFFFF800  }
0x9a: {  	[tilespmem:s4], [sflag:$0x1] =	stream.indirect.gather @!p1 [hbm4b:s5+s7], $0x10, s6, s7, $0xb8;
	[tilespmem:$0x12000] =	vst v63  }
0x9b: {  	s4 =	simm.s32 @!p1 $0x880;
	s6 =	simm.s32 @!p1 $0x5800  }
0x9c: {  	[tilespmem:s6], [sflag:$0x1] =	stream.indirect.gather @!p1 [hbm4b:s5+s7], $0x10, s4, s7, $0xb8;
	[tilespmem:$0x12000] =	vst v63  }
0x9d: {  	s4 =	simm.s32 @!p1 $0x900;
	s6 =	simm.s32 @!p1 $0x6000  }
0x9e: {  	[tilespmem:s6], [sflag:$0x1] =	stream.indirect.gather @!p1 [hbm4b:s5+s7], $0x10, s4, s7, $0xb8;
	[tilespmem:$0x12000] =	vst v63  }
0x9f: {  	s4 =	simm.s32 @!p1 $0x980;
	s6 =	simm.s32 @!p1 $0x6800  }
0xa0: {  	[tilespmem:s6], [sflag:$0x1] =	stream.indirect.gather @!p1 [hbm4b:s5+s7], $0x10, s4, s7, $0xb8;
	[tilespmem:$0x12000] =	vst v63  }
0xa1: {  	s4 =	simm.s32 @!p1 $0xA00;
	s6 =	simm.s32 @!p1 $0x7000  }
0xa2: {  	[tilespmem:s6], [sflag:$0x1] =	stream.indirect.gather @!p1 [hbm4b:s5+s7], $0x10, s4, s7, $0xb8;
	[tilespmem:$0x12000] =	vst v63  }
0xa3: {  	s4 =	simm.s32 @!p1 $0xA80;
	s6 =	simm.s32 @!p1 $0x7800  }
0xa4: {  	[tilespmem:s6], [sflag:$0x1] =	stream.indirect.gather @!p1 [hbm4b:s5+s7], $0x10, s4, s7, $0xb8;
	[tilespmem:$0x12000] =	vst v63  }
0xa5: {  	s4 =	simm.s32 @!p1 $0xB00;
	s6 =	simm.s32 @!p1 $0x8000  }
0xa6: {  	[tilespmem:s6], [sflag:$0x1] =	stream.indirect.gather @!p1 [hbm4b:s5+s7], $0x10, s4, s7, $0xb8;
	[tilespmem:$0x12000] =	vst v63  }
0xa7: {  	s4 =	simm.s32 @!p1 $0xB80;
	s6 =	simm.s32 @!p1 $0x8800  }
0xa8: {  	[tilespmem:s6], [sflag:$0x1] =	stream.indirect.gather @!p1 [hbm4b:s5+s7], $0x10, s4, s7, $0xb8;
	[tilespmem:$0x12000] =	vst v63  }
0xa9: {  	_ =	swait.ge [sflag:s10], $0x800  }
0xaa: {  	[sflag:s10] =	ssyncset.done $0x0  }
0xab: {  	[sflag:s10] =	ssyncadd.s32 $0xFFFFF800  }
0xac: {  	_ =	swait.ge [sflag:s10], $0x800  }
0xad: {  	[sflag:s10] =	ssyncset.done $0x0  }
0xae: {  	[sflag:s10] =	ssyncadd.s32 $0xFFFFF800  }
0xaf: {  	_ =	swait.ge [sflag:s10], $0x800  }
0xb0: {  	[sflag:s10] =	ssyncset.done $0x0  }
0xb1: {  	[sflag:s10] =	ssyncadd.s32 $0xFFFFF800  }
0xb2: {  	_ =	swait.ge [sflag:s10], $0x800  }
0xb3: {  	[sflag:s10] =	ssyncset.done $0x0  }
0xb4: {  	[sflag:s10] =	ssyncadd.s32 $0xFFFFF800  }
0xb5: {  	_ =	swait.ge [sflag:s10], $0x800  }
0xb6: {  	[sflag:s10] =	ssyncset.done $0x0  }
0xb7: {  	[sflag:s10] =	ssyncadd.s32 $0xFFFFF800  }
0xb8: {  	_ =	swait.ge [sflag:s10], $0x800  }
0xb9: {  	[sflag:s10] =	ssyncset.done $0x0  }
0xba: {  	[sflag:s10] =	ssyncadd.s32 $0xFFFFF800  }
0xbb: {  	_ =	swait.ge [sflag:s10], $0x800  }
0xbc: {  	[sflag:s10] =	ssyncset.done $0x0  }
0xbd: {  	[sflag:s10] =	ssyncadd.s32 $0xFFFFF800  }
0xbe: {  	_ =	swait.ge [sflag:s10], $0x800  }
0xbf: {  	[sflag:s10] =	ssyncset.done $0x0  }
0xc0: {  	s7 =	simm.s32 $0x2C00;
	[sflag:s10] =	ssyncadd.s32 $0xFFFFF800  }
0xc1: {  	[spmem:s3] =	stream.indirect.scatter.add.f32 [tilespmem:s0], [sflag:$0x3], $0x10, s7, s16, $0xb8;
	[tilespmem:$0x12000] =	vst v63  }
0xc2: {  	s8 =	simm.s32 $0x2C80  }
0xc3: {  	[spmem:s3] =	stream.indirect.scatter.add.f32 [tilespmem:s2], [sflag:$0x3], $0x10, s8, s16, $0xb8;
	[tilespmem:$0x12000] =	vst v63  }
0xc4: {  	s11 =	simm.s32 $0x2D00  }
0xc5: {  	[spmem:s3] =	stream.indirect.scatter.add.f32 [tilespmem:s1], [sflag:$0x3], $0x10, s11, s16, $0xb8;
	[tilespmem:$0x12000] =	vst v63  }
0xc6: {  	s12 =	simm.s32 $0x2D80  }
0xc7: {  	[spmem:s3] =	stream.indirect.scatter.add.f32 [tilespmem:s19], [sflag:$0x3], $0x10, s12, s16, $0xb8;
	[tilespmem:$0x12000] =	vst v63  }
0xc8: {  	s13 =	simm.s32 $0x2E00  }
0xc9: {  	[spmem:s3] =	stream.indirect.scatter.add.f32 [tilespmem:s21], [sflag:$0x3], $0x10, s13, s16, $0xb8;
	[tilespmem:$0x12000] =	vst v63  }
0xca: {  	s14 =	simm.s32 $0x2E80  }
0xcb: {  	[spmem:s3] =	stream.indirect.scatter.add.f32 [tilespmem:s23], [sflag:$0x3], $0x10, s14, s16, $0xb8;
	[tilespmem:$0x12000] =	vst v63  }
0xcc: {  	s15 =	simm.s32 $0x2F00  }
0xcd: {  	[spmem:s3] =	stream.indirect.scatter.add.f32 [tilespmem:s25], [sflag:$0x3], $0x10, s15, s16, $0xb8;
	[tilespmem:$0x12000] =	vst v63  }
0xce: {  	s17 =	simm.s32 $0x2F80  }
0xcf: {  	[spmem:s3] =	stream.indirect.scatter.add.f32 [tilespmem:s28], [sflag:$0x3], $0x10, s17, s16, $0xb8;
	[tilespmem:$0x12000] =	vst v63  }
0xd0: {  	_ =	swait.ge [sflag:s9], $0x800  }
0xd1: {  	[sflag:s9] =	ssyncset.done $0x0  }
0xd2: {  	[sflag:s9] =	ssyncadd.s32 $0xFFFFF800  }
0xd3: {  	_ =	swait.ge [sflag:s9], $0x800  }
0xd4: {  	[sflag:s9] =	ssyncset.done $0x0  }
0xd5: {  	[sflag:s9] =	ssyncadd.s32 $0xFFFFF800  }
0xd6: {  	_ =	swait.ge [sflag:s9], $0x800  }
0xd7: {  	[sflag:s9] =	ssyncset.done $0x0  }
0xd8: {  	[sflag:s9] =	ssyncadd.s32 $0xFFFFF800  }
0xd9: {  	_ =	swait.ge [sflag:s9], $0x800  }
0xda: {  	[sflag:s9] =	ssyncset.done $0x0  }
0xdb: {  	[sflag:s9] =	ssyncadd.s32 $0xFFFFF800  }
0xdc: {  	_ =	swait.ge [sflag:s9], $0x800  }
0xdd: {  	[sflag:s9] =	ssyncset.done $0x0  }
0xde: {  	[sflag:s9] =	ssyncadd.s32 $0xFFFFF800  }
0xdf: {  	_ =	swait.ge [sflag:s9], $0x800  }
0xe0: {  	[sflag:s9] =	ssyncset.done $0x0  }
0xe1: {  	[sflag:s9] =	ssyncadd.s32 $0xFFFFF800  }
0xe2: {  	_ =	swait.ge [sflag:s9], $0x800  }
0xe3: {  	[sflag:s9] =	ssyncset.done $0x0  }
0xe4: {  	[sflag:s9] =	ssyncadd.s32 $0xFFFFF800  }
0xe5: {  	s7 =	simm.s32 $0x4000;
	_ =	swait.ge [sflag:s9], $0x800  }
0xe6: {  	s12 =	simm.s32 $0x800;
	s13 =	simm.s32 $0x2000;
	[sflag:s9] =	ssyncset.done $0x0  }
.LBB2_2:
0xe7: {  	s6 =	sadd.s32 $0x400, s12  }
0xe8: {  	[sflag:s9] =	ssyncadd.s32 $0xFFFFF800;
	s4 =	smov.u32 s7;
	s7 =	sadd.s32 $0x2000, s7  }
0xe9: {  	[tilespmem:s0], [sflag:$0x2] =	stream.indirect.gather [hbm4b:s5+s16], $0x10, s6, s16, $0xb8;
	[tilespmem:$0x12000] =	vst v63  }
0xea: {  	p1 =	sne.s32 s7, $0xA000;
	s6 =	sadd.s32 $0x480, s12  }
0xeb: {  	[tilespmem:s2], [sflag:$0x2] =	stream.indirect.gather [hbm4b:s5+s16], $0x10, s6, s16, $0xb8;
	[tilespmem:$0x12000] =	vst v63  }
0xec: {  	s6 =	sadd.s32 $0x500, s12  }
0xed: {  	[tilespmem:s1], [sflag:$0x2] =	stream.indirect.gather [hbm4b:s5+s16], $0x10, s6, s16, $0xb8;
	[tilespmem:$0x12000] =	vst v63  }
0xee: {  	s6 =	sadd.s32 $0x580, s12  }
0xef: {  	[tilespmem:s19], [sflag:$0x2] =	stream.indirect.gather [hbm4b:s5+s16], $0x10, s6, s16, $0xb8;
	[tilespmem:$0x12000] =	vst v63  }
0xf0: {  	s6 =	sadd.s32 $0x600, s12  }
0xf1: {  	[tilespmem:s21], [sflag:$0x2] =	stream.indirect.gather [hbm4b:s5+s16], $0x10, s6, s16, $0xb8;
	[tilespmem:$0x12000] =	vst v63  }
0xf2: {  	s6 =	sadd.s32 $0x680, s12  }
0xf3: {  	[tilespmem:s23], [sflag:$0x2] =	stream.indirect.gather [hbm4b:s5+s16], $0x10, s6, s16, $0xb8;
	[tilespmem:$0x12000] =	vst v63  }
0xf4: {  	s6 =	sadd.s32 $0x700, s12  }
0xf5: {  	[tilespmem:s25], [sflag:$0x2] =	stream.indirect.gather [hbm4b:s5+s16], $0x10, s6, s16, $0xb8;
	[tilespmem:$0x12000] =	vst v63  }
0xf6: {  	s6 =	sadd.s32 $0x780, s12  }
0xf7: {  	[tilespmem:s28], [sflag:$0x2] =	stream.indirect.gather [hbm4b:s5+s16], $0x10, s6, s16, $0xb8;
	[tilespmem:$0x12000] =	vst v63  }
0xf8: {  	_ =	swait.ge [sflag:s30], $0x800  }
0xf9: {  	[sflag:s30] =	ssyncset.done $0x0  }
0xfa: {  	[sflag:s30] =	ssyncadd.s32 $0xFFFFF800  }
0xfb: {  	_ =	swait.ge [sflag:s30], $0x800  }
0xfc: {  	[sflag:s30] =	ssyncset.done $0x0  }
0xfd: {  	[sflag:s30] =	ssyncadd.s32 $0xFFFFF800  }
0xfe: {  	_ =	swait.ge [sflag:s30], $0x800  }
0xff: {  	[sflag:s30] =	ssyncset.done $0x0  }
0x100: {  	[sflag:s30] =	ssyncadd.s32 $0xFFFFF800  }
0x101: {  	_ =	swait.ge [sflag:s30], $0x800  }
0x102: {  	[sflag:s30] =	ssyncset.done $0x0  }
0x103: {  	[sflag:s30] =	ssyncadd.s32 $0xFFFFF800  }
0x104: {  	_ =	swait.ge [sflag:s30], $0x800  }
0x105: {  	[sflag:s30] =	ssyncset.done $0x0  }
0x106: {  	[sflag:s30] =	ssyncadd.s32 $0xFFFFF800  }
0x107: {  	_ =	swait.ge [sflag:s30], $0x800  }
0x108: {  	[sflag:s30] =	ssyncset.done $0x0  }
0x109: {  	[sflag:s30] =	ssyncadd.s32 $0xFFFFF800  }
0x10a: {  	_ =	swait.ge [sflag:s30], $0x800  }
0x10b: {  	[sflag:s30] =	ssyncset.done $0x0  }
0x10c: {  	[sflag:s30] =	ssyncadd.s32 $0xFFFFF800  }
0x10d: {  	_ =	swait.ge [sflag:s30], $0x800  }
0x10e: {  	[sflag:s30] =	ssyncset.done $0x0  }
0x10f: {  	s6 =	sadd.s32 $0x2800, s12;
	[sflag:s30] =	ssyncadd.s32 $0xFFFFF800  }
0x110: {  	[spmem:s3] =	stream.indirect.scatter.add.f32 [tilespmem:s18], [sflag:$0x3], $0x10, s6, s16, $0xb8;
	[tilespmem:$0x12000] =	vst v63  }
0x111: {  	s6 =	sadd.s32 $0x2880, s12  }
0x112: {  	[spmem:s3] =	stream.indirect.scatter.add.f32 [tilespmem:s20], [sflag:$0x3], $0x10, s6, s16, $0xb8;
	[tilespmem:$0x12000] =	vst v63  }
0x113: {  	s6 =	sadd.s32 $0x2900, s12  }
0x114: {  	[spmem:s3] =	stream.indirect.scatter.add.f32 [tilespmem:s22], [sflag:$0x3], $0x10, s6, s16, $0xb8;
	[tilespmem:$0x12000] =	vst v63  }
0x115: {  	s6 =	sadd.s32 $0x2980, s12  }
0x116: {  	[spmem:s3] =	stream.indirect.scatter.add.f32 [tilespmem:s24], [sflag:$0x3], $0x10, s6, s16, $0xb8;
	[tilespmem:$0x12000] =	vst v63  }
0x117: {  	s6 =	sadd.s32 $0x2A00, s12  }
0x118: {  	[spmem:s3] =	stream.indirect.scatter.add.f32 [tilespmem:s26], [sflag:$0x3], $0x10, s6, s16, $0xb8;
	[tilespmem:$0x12000] =	vst v63  }
0x119: {  	s6 =	sadd.s32 $0x2A80, s12  }
0x11a: {  	[spmem:s3] =	stream.indirect.scatter.add.f32 [tilespmem:s29], [sflag:$0x3], $0x10, s6, s16, $0xb8;
	[tilespmem:$0x12000] =	vst v63  }
0x11b: {  	s6 =	sadd.s32 $0x2B00, s12  }
0x11c: {  	[spmem:s3] =	stream.indirect.scatter.add.f32 [tilespmem:s31], [sflag:$0x3], $0x10, s6, s16, $0xb8;
	[tilespmem:$0x12000] =	vst v63  }
0x11d: {  	s8 =	simm.s32 $0x8800;
	s6 =	sadd.s32 $0x2B80, s12  }
0x11e: {  	[spmem:s3] =	stream.indirect.scatter.add.f32 [tilespmem:s8], [sflag:$0x3], $0x10, s6, s16, $0xb8;
	[tilespmem:$0x12000] =	vst v63  }
0x11f: {  	_ =	swait.ge [sflag:s9], $0x800  }
0x120: {  	[sflag:s9] =	ssyncset.done $0x0  }
0x121: {  	[sflag:s9] =	ssyncadd.s32 $0xFFFFF800  }
0x122: {  	_ =	swait.ge [sflag:s9], $0x800  }
0x123: {  	[sflag:s9] =	ssyncset.done $0x0  }
0x124: {  	[sflag:s9] =	ssyncadd.s32 $0xFFFFF800  }
0x125: {  	_ =	swait.ge [sflag:s9], $0x800  }
0x126: {  	[sflag:s9] =	ssyncset.done $0x0  }
0x127: {  	[sflag:s9] =	ssyncadd.s32 $0xFFFFF800  }
0x128: {  	_ =	swait.ge [sflag:s9], $0x800  }
0x129: {  	[sflag:s9] =	ssyncset.done $0x0  }
0x12a: {  	[sflag:s9] =	ssyncadd.s32 $0xFFFFF800  }
0x12b: {  	_ =	swait.ge [sflag:s9], $0x800  }
0x12c: {  	[sflag:s9] =	ssyncset.done $0x0  }
0x12d: {  	[sflag:s9] =	ssyncadd.s32 $0xFFFFF800  }
0x12e: {  	_ =	swait.ge [sflag:s9], $0x800  }
0x12f: {  	[sflag:s9] =	ssyncset.done $0x0  }
0x130: {  	[sflag:s9] =	ssyncadd.s32 $0xFFFFF800  }
0x131: {  	_ =	swait.ge [sflag:s9], $0x800  }
0x132: {  	[sflag:s9] =	ssyncset.done $0x0  }
0x133: {  	[sflag:s9] =	ssyncadd.s32 $0xFFFFF800  }
0x134: {  	p2 =	seq.s32 s13, $0x8000;
	_ =	swait.ge [sflag:s9], $0x800  }
0x135: {  	s6 =	sshra.s32 @!p2 s13, $0x2;
	s13 =	simm.s32 @!p2 $0x5000;
	[sflag:s9] =	ssyncset.done $0x0  }
0x136: {  	s14 =	simm.s32 @!p2 $0x80;
	s8 =	sadd.s32 @!p2 $0x800, s6;
	[sflag:s9] =	ssyncadd.s32 $0xFFFFF800  }
0x137: {  	[tilespmem:s13], [sflag:$0x1] =	stream.indirect.gather @!p2 [hbm4b:s5+s14], $0x10, s8, s14, $0xb8;
	[tilespmem:$0x12000] =	vst v63  }
0x138: {  	s15 =	sadd.s32 @!p2 $0x900, s6;
	s8 =	sadd.s32 @!p2 $0x880, s6;
	s13 =	simm.s32 @!p2 $0x5800  }
0x139: {  	[tilespmem:s13], [sflag:$0x1] =	stream.indirect.gather @!p2 [hbm4b:s5+s14], $0x10, s8, s14, $0xb8;
	[tilespmem:$0x12000] =	vst v63  }
0x13a: {  	s11 =	sadd.s32 @!p2 $0xA00, s6;
	s8 =	simm.s32 @!p2 $0x6000;
	s13 =	sadd.s32 @!p2 $0x980, s6  }
0x13b: {  	[tilespmem:s8], [sflag:$0x1] =	stream.indirect.gather @!p2 [hbm4b:s5+s14], $0x10, s15, s14, $0xb8;
	[tilespmem:$0x12000] =	vst v63  }
0x13c: {  	s17 =	sadd.s32 @!p2 $0xB00, s6;
	s8 =	simm.s32 @!p2 $0x6800;
	s15 =	sadd.s32 @!p2 $0xA80, s6  }
0x13d: {  	[tilespmem:s8], [sflag:$0x1] =	stream.indirect.gather @!p2 [hbm4b:s5+s14], $0x10, s13, s14, $0xb8;
	[tilespmem:$0x12000] =	vst v63  }
0x13e: {  	s6 =	sadd.s32 @!p2 $0xB80, s6;
	s8 =	simm.s32 @!p2 $0x7000;
	s13 =	smov.u32 s4  }
0x13f: {  	[tilespmem:s8], [sflag:$0x1] =	stream.indirect.gather @!p2 [hbm4b:s5+s14], $0x10, s11, s14, $0xb8;
	[tilespmem:$0x12000] =	vst v63  }
0x140: {  	s4 =	simm.s32 @!p2 $0x7800  }
0x141: {  	[tilespmem:s4], [sflag:$0x1] =	stream.indirect.gather @!p2 [hbm4b:s5+s14], $0x10, s15, s14, $0xb8;
	[tilespmem:$0x12000] =	vst v63  }
0x142: {  	s4 =	simm.s32 @!p2 $0x8000  }
0x143: {  	[tilespmem:s4], [sflag:$0x1] =	stream.indirect.gather @!p2 [hbm4b:s5+s14], $0x10, s17, s14, $0xb8;
	[tilespmem:$0x12000] =	vst v63  }
0x144: {  	s4 =	simm.s32 @!p2 $0x8800  }
0x145: {  	[tilespmem:s4], [sflag:$0x1] =	stream.indirect.gather @!p2 [hbm4b:s5+s14], $0x10, s6, s14, $0xb8;
	[tilespmem:$0x12000] =	vst v63  }
0x146: {  	_ =	swait.ge [sflag:s10], $0x800  }
0x147: {  	[sflag:s10] =	ssyncset.done $0x0  }
0x148: {  	[sflag:s10] =	ssyncadd.s32 $0xFFFFF800  }
0x149: {  	_ =	swait.ge [sflag:s10], $0x800  }
0x14a: {  	[sflag:s10] =	ssyncset.done $0x0  }
0x14b: {  	[sflag:s10] =	ssyncadd.s32 $0xFFFFF800  }
0x14c: {  	_ =	swait.ge [sflag:s10], $0x800  }
0x14d: {  	[sflag:s10] =	ssyncset.done $0x0  }
0x14e: {  	[sflag:s10] =	ssyncadd.s32 $0xFFFFF800  }
0x14f: {  	_ =	swait.ge [sflag:s10], $0x800  }
0x150: {  	[sflag:s10] =	ssyncset.done $0x0  }
0x151: {  	[sflag:s10] =	ssyncadd.s32 $0xFFFFF800  }
0x152: {  	_ =	swait.ge [sflag:s10], $0x800  }
0x153: {  	[sflag:s10] =	ssyncset.done $0x0  }
0x154: {  	[sflag:s10] =	ssyncadd.s32 $0xFFFFF800  }
0x155: {  	_ =	swait.ge [sflag:s10], $0x800  }
0x156: {  	[sflag:s10] =	ssyncset.done $0x0  }
0x157: {  	[sflag:s10] =	ssyncadd.s32 $0xFFFFF800  }
0x158: {  	_ =	swait.ge [sflag:s10], $0x800  }
0x159: {  	[sflag:s10] =	ssyncset.done $0x0  }
0x15a: {  	[sflag:s10] =	ssyncadd.s32 $0xFFFFF800  }
0x15b: {  	_ =	swait.ge [sflag:s10], $0x800  }
0x15c: {  	[sflag:s10] =	ssyncset.done $0x0  }
0x15d: {  	s4 =	sadd.s32 $0x2C00, s12;
	[sflag:s10] =	ssyncadd.s32 $0xFFFFF800  }
0x15e: {  	[spmem:s3] =	stream.indirect.scatter.add.f32 [tilespmem:s0], [sflag:$0x3], $0x10, s4, s16, $0xb8;
	[tilespmem:$0x12000] =	vst v63  }
0x15f: {  	s4 =	sadd.s32 $0x2C80, s12  }
0x160: {  	[spmem:s3] =	stream.indirect.scatter.add.f32 [tilespmem:s2], [sflag:$0x3], $0x10, s4, s16, $0xb8;
	[tilespmem:$0x12000] =	vst v63  }
0x161: {  	s4 =	sadd.s32 $0x2D00, s12  }
0x162: {  	[spmem:s3] =	stream.indirect.scatter.add.f32 [tilespmem:s1], [sflag:$0x3], $0x10, s4, s16, $0xb8;
	[tilespmem:$0x12000] =	vst v63  }
0x163: {  	s4 =	sadd.s32 $0x2D80, s12  }
0x164: {  	[spmem:s3] =	stream.indirect.scatter.add.f32 [tilespmem:s19], [sflag:$0x3], $0x10, s4, s16, $0xb8;
	[tilespmem:$0x12000] =	vst v63  }
0x165: {  	s4 =	sadd.s32 $0x2E00, s12  }
0x166: {  	[spmem:s3] =	stream.indirect.scatter.add.f32 [tilespmem:s21], [sflag:$0x3], $0x10, s4, s16, $0xb8;
	[tilespmem:$0x12000] =	vst v63  }
0x167: {  	s4 =	sadd.s32 $0x2E80, s12  }
0x168: {  	[spmem:s3] =	stream.indirect.scatter.add.f32 [tilespmem:s23], [sflag:$0x3], $0x10, s4, s16, $0xb8;
	[tilespmem:$0x12000] =	vst v63  }
0x169: {  	s4 =	sadd.s32 $0x2F00, s12  }
0x16a: {  	[spmem:s3] =	stream.indirect.scatter.add.f32 [tilespmem:s25], [sflag:$0x3], $0x10, s4, s16, $0xb8;
	[tilespmem:$0x12000] =	vst v63  }
0x16b: {  	s4 =	sadd.s32 $0x2F80, s12  }
0x16c: {  	[spmem:s3] =	stream.indirect.scatter.add.f32 [tilespmem:s28], [sflag:$0x3], $0x10, s4, s16, $0xb8;
	[tilespmem:$0x12000] =	vst v63  }
0x16d: {  	_ =	swait.ge [sflag:s9], $0x800  }
0x16e: {  	[sflag:s9] =	ssyncset.done $0x0  }
0x16f: {  	[sflag:s9] =	ssyncadd.s32 $0xFFFFF800  }
0x170: {  	_ =	swait.ge [sflag:s9], $0x800  }
0x171: {  	[sflag:s9] =	ssyncset.done $0x0  }
0x172: {  	[sflag:s9] =	ssyncadd.s32 $0xFFFFF800  }
0x173: {  	_ =	swait.ge [sflag:s9], $0x800  }
0x174: {  	[sflag:s9] =	ssyncset.done $0x0  }
0x175: {  	[sflag:s9] =	ssyncadd.s32 $0xFFFFF800  }
0x176: {  	_ =	swait.ge [sflag:s9], $0x800  }
0x177: {  	[sflag:s9] =	ssyncset.done $0x0  }
0x178: {  	[sflag:s9] =	ssyncadd.s32 $0xFFFFF800  }
0x179: {  	_ =	swait.ge [sflag:s9], $0x800  }
0x17a: {  	[sflag:s9] =	ssyncset.done $0x0  }
0x17b: {  	[sflag:s9] =	ssyncadd.s32 $0xFFFFF800  }
0x17c: {  	_ =	swait.ge [sflag:s9], $0x800  }
0x17d: {  	[sflag:s9] =	ssyncset.done $0x0  }
0x17e: {  	[sflag:s9] =	ssyncadd.s32 $0xFFFFF800  }
.Ltmp0:
0x17f: {  	_ =	swait.ge [sflag:s9], $0x800;
	(pc) =	sbr.rel @p1 .LBB2_2-.Ltmp0, $4  }
0x180: {  	[sflag:s9] =	ssyncset.done $0x0  }
0x181: {  	[sflag:s9] =	ssyncadd.s32 $0xFFFFF800  }
0x182: {  	_ =	swait.ge [sflag:s9], $0x800  }
0x183: {  	s12 =	sshra.s32 s13, $0x2;
	[sflag:s9] =	ssyncset.done $0x0  }
0x184: {  	s4 =	sadd.s32 $0x400, s12;
	[sflag:s9] =	ssyncadd.s32 $0xFFFFF800  }
0x185: {  	[tilespmem:s0], [sflag:$0x2] =	stream.indirect.gather [hbm4b:s5+s16], $0x10, s4, s16, $0xb8;
	[tilespmem:$0x12000] =	vst v63  }
0x186: {  	s11 =	sadd.s32 $0x480, s12  }
0x187: {  	[tilespmem:s2], [sflag:$0x2] =	stream.indirect.gather [hbm4b:s5+s16], $0x10, s11, s16, $0xb8;
	[tilespmem:$0x12000] =	vst v63  }
0x188: {  	s14 =	sadd.s32 $0x500, s12  }
0x189: {  	[tilespmem:s1], [sflag:$0x2] =	stream.indirect.gather [hbm4b:s5+s16], $0x10, s14, s16, $0xb8;
	[tilespmem:$0x12000] =	vst v63  }
0x18a: {  	s15 =	sadd.s32 $0x580, s12  }
0x18b: {  	[tilespmem:s19], [sflag:$0x2] =	stream.indirect.gather [hbm4b:s5+s16], $0x10, s15, s16, $0xb8;
	[tilespmem:$0x12000] =	vst v63  }
0x18c: {  	s17 =	sadd.s32 $0x600, s12  }
0x18d: {  	[tilespmem:s21], [sflag:$0x2] =	stream.indirect.gather [hbm4b:s5+s16], $0x10, s17, s16, $0xb8;
	[tilespmem:$0x12000] =	vst v63  }
0x18e: {  	s6 =	sadd.s32 $0x680, s12  }
0x18f: {  	[tilespmem:s23], [sflag:$0x2] =	stream.indirect.gather [hbm4b:s5+s16], $0x10, s6, s16, $0xb8;
	[tilespmem:$0x12000] =	vst v63  }
0x190: {  	s7 =	sadd.s32 $0x700, s12  }
0x191: {  	[tilespmem:s25], [sflag:$0x2] =	stream.indirect.gather [hbm4b:s5+s16], $0x10, s7, s16, $0xb8;
	[tilespmem:$0x12000] =	vst v63  }
0x192: {  	s8 =	sadd.s32 $0x780, s12  }
0x193: {  	[tilespmem:s28], [sflag:$0x2] =	stream.indirect.gather [hbm4b:s5+s16], $0x10, s8, s16, $0xb8;
	[tilespmem:$0x12000] =	vst v63  }
0x194: {  	_ =	swait.ge [sflag:s30], $0x800  }
0x195: {  	[sflag:s30] =	ssyncset.done $0x0  }
0x196: {  	[sflag:s30] =	ssyncadd.s32 $0xFFFFF800  }
0x197: {  	_ =	swait.ge [sflag:s30], $0x800  }
0x198: {  	[sflag:s30] =	ssyncset.done $0x0  }
0x199: {  	[sflag:s30] =	ssyncadd.s32 $0xFFFFF800  }
0x19a: {  	_ =	swait.ge [sflag:s30], $0x800  }
0x19b: {  	[sflag:s30] =	ssyncset.done $0x0  }
0x19c: {  	[sflag:s30] =	ssyncadd.s32 $0xFFFFF800  }
0x19d: {  	_ =	swait.ge [sflag:s30], $0x800  }
0x19e: {  	[sflag:s30] =	ssyncset.done $0x0  }
0x19f: {  	[sflag:s30] =	ssyncadd.s32 $0xFFFFF800  }
0x1a0: {  	_ =	swait.ge [sflag:s30], $0x800  }
0x1a1: {  	[sflag:s30] =	ssyncset.done $0x0  }
0x1a2: {  	[sflag:s30] =	ssyncadd.s32 $0xFFFFF800  }
0x1a3: {  	_ =	swait.ge [sflag:s30], $0x800  }
0x1a4: {  	[sflag:s30] =	ssyncset.done $0x0  }
0x1a5: {  	[sflag:s30] =	ssyncadd.s32 $0xFFFFF800  }
0x1a6: {  	_ =	swait.ge [sflag:s30], $0x800  }
0x1a7: {  	[sflag:s30] =	ssyncset.done $0x0  }
0x1a8: {  	[sflag:s30] =	ssyncadd.s32 $0xFFFFF800  }
0x1a9: {  	_ =	swait.ge [sflag:s30], $0x800  }
0x1aa: {  	[sflag:s30] =	ssyncset.done $0x0  }
0x1ab: {  	s11 =	sadd.s32 $0x2800, s12;
	[sflag:s30] =	ssyncadd.s32 $0xFFFFF800  }
0x1ac: {  	[spmem:s3] =	stream.indirect.scatter.add.f32 [tilespmem:s18], [sflag:$0x3], $0x10, s11, s16, $0xb8;
	[tilespmem:$0x12000] =	vst v63  }
0x1ad: {  	s14 =	sadd.s32 $0x2880, s12  }
0x1ae: {  	[spmem:s3] =	stream.indirect.scatter.add.f32 [tilespmem:s20], [sflag:$0x3], $0x10, s14, s16, $0xb8;
	[tilespmem:$0x12000] =	vst v63  }
0x1af: {  	s15 =	sadd.s32 $0x2900, s12  }
0x1b0: {  	[spmem:s3] =	stream.indirect.scatter.add.f32 [tilespmem:s22], [sflag:$0x3], $0x10, s15, s16, $0xb8;
	[tilespmem:$0x12000] =	vst v63  }
0x1b1: {  	s17 =	sadd.s32 $0x2980, s12  }
0x1b2: {  	[spmem:s3] =	stream.indirect.scatter.add.f32 [tilespmem:s24], [sflag:$0x3], $0x10, s17, s16, $0xb8;
	[tilespmem:$0x12000] =	vst v63  }
0x1b3: {  	s6 =	sadd.s32 $0x2A00, s12  }
0x1b4: {  	[spmem:s3] =	stream.indirect.scatter.add.f32 [tilespmem:s26], [sflag:$0x3], $0x10, s6, s16, $0xb8;
	[tilespmem:$0x12000] =	vst v63  }
0x1b5: {  	s7 =	sadd.s32 $0x2A80, s12  }
0x1b6: {  	[spmem:s3] =	stream.indirect.scatter.add.f32 [tilespmem:s29], [sflag:$0x3], $0x10, s7, s16, $0xb8;
	[tilespmem:$0x12000] =	vst v63  }
0x1b7: {  	s8 =	sadd.s32 $0x2B00, s12  }
0x1b8: {  	[spmem:s3] =	stream.indirect.scatter.add.f32 [tilespmem:s31], [sflag:$0x3], $0x10, s8, s16, $0xb8;
	[tilespmem:$0x12000] =	vst v63  }
0x1b9: {  	s11 =	sadd.s32 $0x2B80, s12;
	s6 =	simm.s32 $0x8800  }
0x1ba: {  	[spmem:s3] =	stream.indirect.scatter.add.f32 [tilespmem:s6], [sflag:$0x3], $0x10, s11, s16, $0xb8;
	[tilespmem:$0x12000] =	vst v63  }
0x1bb: {  	_ =	swait.ge [sflag:s9], $0x800  }
0x1bc: {  	[sflag:s9] =	ssyncset.done $0x0  }
0x1bd: {  	[sflag:s9] =	ssyncadd.s32 $0xFFFFF800  }
0x1be: {  	_ =	swait.ge [sflag:s9], $0x800  }
0x1bf: {  	[sflag:s9] =	ssyncset.done $0x0  }
0x1c0: {  	[sflag:s9] =	ssyncadd.s32 $0xFFFFF800  }
0x1c1: {  	_ =	swait.ge [sflag:s9], $0x800  }
0x1c2: {  	[sflag:s9] =	ssyncset.done $0x0  }
0x1c3: {  	[sflag:s9] =	ssyncadd.s32 $0xFFFFF800  }
0x1c4: {  	_ =	swait.ge [sflag:s9], $0x800  }
0x1c5: {  	[sflag:s9] =	ssyncset.done $0x0  }
0x1c6: {  	[sflag:s9] =	ssyncadd.s32 $0xFFFFF800  }
0x1c7: {  	_ =	swait.ge [sflag:s9], $0x800  }
0x1c8: {  	[sflag:s9] =	ssyncset.done $0x0  }
0x1c9: {  	[sflag:s9] =	ssyncadd.s32 $0xFFFFF800  }
0x1ca: {  	_ =	swait.ge [sflag:s9], $0x800  }
0x1cb: {  	[sflag:s9] =	ssyncset.done $0x0  }
0x1cc: {  	[sflag:s9] =	ssyncadd.s32 $0xFFFFF800  }
0x1cd: {  	_ =	swait.ge [sflag:s9], $0x800  }
0x1ce: {  	[sflag:s9] =	ssyncset.done $0x0  }
0x1cf: {  	p1 =	seq.s32 s13, $0x8000;
	[sflag:s9] =	ssyncadd.s32 $0xFFFFF800  }
0x1d0: {  	s4 =	sshra.s32 @!p1 s13, $0x2;
	_ =	swait.ge [sflag:s9], $0x800  }
0x1d1: {  	s7 =	sadd.s32 @!p1 $0x800, s4;
	[sflag:s9] =	ssyncset.done $0x0  }
0x1d2: {  	s8 =	simm.s32 @!p1 $0x80;
	s6 =	simm.s32 @!p1 $0x5000;
	[sflag:s9] =	ssyncadd.s32 $0xFFFFF800  }
0x1d3: {  	[tilespmem:s6], [sflag:$0x1] =	stream.indirect.gather @!p1 [hbm4b:s5+s8], $0x10, s7, s8, $0xb8;
	[tilespmem:$0x12000] =	vst v63  }
0x1d4: {  	s6 =	sadd.s32 @!p1 $0x880, s4;
	s7 =	simm.s32 @!p1 $0x5800  }
0x1d5: {  	[tilespmem:s7], [sflag:$0x1] =	stream.indirect.gather @!p1 [hbm4b:s5+s8], $0x10, s6, s8, $0xb8;
	[tilespmem:$0x12000] =	vst v63  }
0x1d6: {  	s6 =	sadd.s32 @!p1 $0x900, s4;
	s7 =	simm.s32 @!p1 $0x6000  }
0x1d7: {  	[tilespmem:s7], [sflag:$0x1] =	stream.indirect.gather @!p1 [hbm4b:s5+s8], $0x10, s6, s8, $0xb8;
	[tilespmem:$0x12000] =	vst v63  }
0x1d8: {  	s6 =	sadd.s32 @!p1 $0x980, s4;
	s7 =	simm.s32 @!p1 $0x6800  }
0x1d9: {  	[tilespmem:s7], [sflag:$0x1] =	stream.indirect.gather @!p1 [hbm4b:s5+s8], $0x10, s6, s8, $0xb8;
	[tilespmem:$0x12000] =	vst v63  }
0x1da: {  	s6 =	sadd.s32 @!p1 $0xA00, s4;
	s7 =	simm.s32 @!p1 $0x7000  }
0x1db: {  	[tilespmem:s7], [sflag:$0x1] =	stream.indirect.gather @!p1 [hbm4b:s5+s8], $0x10, s6, s8, $0xb8;
	[tilespmem:$0x12000] =	vst v63  }
0x1dc: {  	s6 =	sadd.s32 @!p1 $0xA80, s4;
	s7 =	simm.s32 @!p1 $0x7800  }
0x1dd: {  	[tilespmem:s7], [sflag:$0x1] =	stream.indirect.gather @!p1 [hbm4b:s5+s8], $0x10, s6, s8, $0xb8;
	[tilespmem:$0x12000] =	vst v63  }
0x1de: {  	s6 =	sadd.s32 @!p1 $0xB00, s4;
	s7 =	simm.s32 @!p1 $0x8000  }
0x1df: {  	[tilespmem:s7], [sflag:$0x1] =	stream.indirect.gather @!p1 [hbm4b:s5+s8], $0x10, s6, s8, $0xb8;
	[tilespmem:$0x12000] =	vst v63  }
0x1e0: {  	s4 =	sadd.s32 @!p1 $0xB80, s4;
	s6 =	simm.s32 @!p1 $0x8800  }
0x1e1: {  	[tilespmem:s6], [sflag:$0x1] =	stream.indirect.gather @!p1 [hbm4b:s5+s8], $0x10, s4, s8, $0xb8;
	[tilespmem:$0x12000] =	vst v63  }
0x1e2: {  	_ =	swait.ge [sflag:s10], $0x800  }
0x1e3: {  	[sflag:s10] =	ssyncset.done $0x0  }
0x1e4: {  	[sflag:s10] =	ssyncadd.s32 $0xFFFFF800  }
0x1e5: {  	_ =	swait.ge [sflag:s10], $0x800  }
0x1e6: {  	[sflag:s10] =	ssyncset.done $0x0  }
0x1e7: {  	[sflag:s10] =	ssyncadd.s32 $0xFFFFF800  }
0x1e8: {  	_ =	swait.ge [sflag:s10], $0x800  }
0x1e9: {  	[sflag:s10] =	ssyncset.done $0x0  }
0x1ea: {  	[sflag:s10] =	ssyncadd.s32 $0xFFFFF800  }
0x1eb: {  	_ =	swait.ge [sflag:s10], $0x800  }
0x1ec: {  	[sflag:s10] =	ssyncset.done $0x0  }
0x1ed: {  	[sflag:s10] =	ssyncadd.s32 $0xFFFFF800  }
0x1ee: {  	_ =	swait.ge [sflag:s10], $0x800  }
0x1ef: {  	[sflag:s10] =	ssyncset.done $0x0  }
0x1f0: {  	[sflag:s10] =	ssyncadd.s32 $0xFFFFF800  }
0x1f1: {  	_ =	swait.ge [sflag:s10], $0x800  }
0x1f2: {  	[sflag:s10] =	ssyncset.done $0x0  }
0x1f3: {  	[sflag:s10] =	ssyncadd.s32 $0xFFFFF800  }
0x1f4: {  	_ =	swait.ge [sflag:s10], $0x800  }
0x1f5: {  	[sflag:s10] =	ssyncset.done $0x0  }
0x1f6: {  	[sflag:s10] =	ssyncadd.s32 $0xFFFFF800  }
0x1f7: {  	_ =	swait.ge [sflag:s10], $0x800  }
0x1f8: {  	[sflag:s10] =	ssyncset.done $0x0  }
0x1f9: {  	s14 =	sadd.s32 $0x2C00, s12;
	[sflag:s10] =	ssyncadd.s32 $0xFFFFF800  }
0x1fa: {  	[spmem:s3] =	stream.indirect.scatter.add.f32 [tilespmem:s0], [sflag:$0x3], $0x10, s14, s16, $0xb8;
	[tilespmem:$0x12000] =	vst v63  }
0x1fb: {  	s15 =	sadd.s32 $0x2C80, s12  }
0x1fc: {  	[spmem:s3] =	stream.indirect.scatter.add.f32 [tilespmem:s2], [sflag:$0x3], $0x10, s15, s16, $0xb8;
	[tilespmem:$0x12000] =	vst v63  }
0x1fd: {  	s17 =	sadd.s32 $0x2D00, s12  }
0x1fe: {  	[spmem:s3] =	stream.indirect.scatter.add.f32 [tilespmem:s1], [sflag:$0x3], $0x10, s17, s16, $0xb8;
	[tilespmem:$0x12000] =	vst v63  }
0x1ff: {  	s6 =	sadd.s32 $0x2D80, s12  }
0x200: {  	[spmem:s3] =	stream.indirect.scatter.add.f32 [tilespmem:s19], [sflag:$0x3], $0x10, s6, s16, $0xb8;
	[tilespmem:$0x12000] =	vst v63  }
0x201: {  	s7 =	sadd.s32 $0x2E00, s12  }
0x202: {  	[spmem:s3] =	stream.indirect.scatter.add.f32 [tilespmem:s21], [sflag:$0x3], $0x10, s7, s16, $0xb8;
	[tilespmem:$0x12000] =	vst v63  }
0x203: {  	s8 =	sadd.s32 $0x2E80, s12  }
0x204: {  	[spmem:s3] =	stream.indirect.scatter.add.f32 [tilespmem:s23], [sflag:$0x3], $0x10, s8, s16, $0xb8;
	[tilespmem:$0x12000] =	vst v63  }
0x205: {  	s11 =	sadd.s32 $0x2F00, s12  }
0x206: {  	[spmem:s3] =	stream.indirect.scatter.add.f32 [tilespmem:s25], [sflag:$0x3], $0x10, s11, s16, $0xb8;
	[tilespmem:$0x12000] =	vst v63  }
0x207: {  	s13 =	sadd.s32 $0x2F80, s12  }
0x208: {  	[spmem:s3] =	stream.indirect.scatter.add.f32 [tilespmem:s28], [sflag:$0x3], $0x10, s13, s16, $0xb8;
	[tilespmem:$0x12000] =	vst v63  }
0x209: {  	_ =	swait.ge [sflag:s9], $0x800  }
0x20a: {  	[sflag:s9] =	ssyncset.done $0x0  }
0x20b: {  	[sflag:s9] =	ssyncadd.s32 $0xFFFFF800  }
0x20c: {  	_ =	swait.ge [sflag:s9], $0x800  }
0x20d: {  	[sflag:s9] =	ssyncset.done $0x0  }
0x20e: {  	[sflag:s9] =	ssyncadd.s32 $0xFFFFF800  }
0x20f: {  	_ =	swait.ge [sflag:s9], $0x800  }
0x210: {  	[sflag:s9] =	ssyncset.done $0x0  }
0x211: {  	[sflag:s9] =	ssyncadd.s32 $0xFFFFF800  }
0x212: {  	_ =	swait.ge [sflag:s9], $0x800  }
0x213: {  	[sflag:s9] =	ssyncset.done $0x0  }
0x214: {  	[sflag:s9] =	ssyncadd.s32 $0xFFFFF800  }
0x215: {  	_ =	swait.ge [sflag:s9], $0x800  }
0x216: {  	[sflag:s9] =	ssyncset.done $0x0  }
0x217: {  	[sflag:s9] =	ssyncadd.s32 $0xFFFFF800  }
0x218: {  	_ =	swait.ge [sflag:s9], $0x800  }
0x219: {  	[sflag:s9] =	ssyncset.done $0x0  }
0x21a: {  	[sflag:s9] =	ssyncadd.s32 $0xFFFFF800  }
0x21b: {  	_ =	swait.ge [sflag:s9], $0x800  }
0x21c: {  	[sflag:s9] =	ssyncset.done $0x0  }
0x21d: {  	[sflag:s9] =	ssyncadd.s32 $0xFFFFF800  }
0x21e: {  	_ =	swait.ge [sflag:s9], $0x800  }
0x21f: {  	[sflag:s9] =	ssyncset.done $0x0  }
0x220: {  	[sflag:s9] =	ssyncadd.s32 $0xFFFFF800  }
0x221: {  	[bflag:$0x0] =	sbarrier.arrive $0xFFFF  }
0x222: {  	s6 =	simm.s32 $0xD000;
	s7 =	simm.s32 $0x4;
	s8 =	rddreg [dreg:$0x7]  }
0x223: {  	[tilespmem:s6], [sflag:$0x4] =	stream.linear.gather [spmem:s8], $0x2800, $0x38;
	[tilespmem:$0x12000] =	vst v63  }
0x224: {  	_ =	swait.ge [sflag:s7], $0x2800  }
0x225: {  	[sflag:s7] =	ssyncset.done $0x0  }
0x226: {  	s11 =	simm.s32 $0x0;
	s14 =	rddreg [dreg:$0xb];
	[sflag:s7] =	ssyncadd.s32 $0xFFFFD800  }
0x227: {  	[hbm4b:s14+s11] =	stream.linear.scatter [tilespmem:s6], [sflag:$0x4], $0x2800, $0x38;
	[tilespmem:$0x12000] =	vst v63  }
0x228: {  	_ =	swait.ge [sflag:s7], $0x2800  }
0x229: {  	s15 =	rddreg [dreg:$0xd]  }
0x22a: {  	s17 =	rddreg [dreg:$0xc];
	s12 =	sadd.s32 $0x1, s15  }
0x22b: {  	p1 =	sne.s32 s12, s17  }
.Ltmp1:
0x22c: {  	_ = 	snop;
	(pc) =	sbr.rel @p1 .LBB2_1-.Ltmp1, $3  }
0x22d: {  	_ =	sdelay $0x1  }
0x22e: {  	[sflag:s7] =	ssyncset.done $0x0  }
0x22f: {  	[sflag:s7] =	ssyncadd.s32 $0xFFFFD800  }
0x230: {  	_ =	sfence.sel $0x180000  }
0x231: {  	[bflag:$0x0] =	sbarrier.arrive $0xFFFF  }
0x232: {  	_ =	strace $0x9000004A  }
0x233: {  	s0 =	stileid.u32;
	[bflag:$0x2] =	sbarrier.arrive $0xFFFF  }
0x234: {  	p0 =	sne.s32 s0, $0x0;
	s0 =	rddreg [dreg:$0x4]  }
0x235: {  	s0 =	sadd.s32 @!p0 $0x100000, s0  }
0x236: {  	[sflag:s0] =	ssyncadd.tile.s32 @!p0 $0x1;
	_ =	shalt  }
.Lfunc_end2:
_tile_overlayer_lowered:
.L_overlay_start_2:
0x237: {  	(tag) =	ssettag $0x2  }
0x238: {  	s0 =	rddreg [dreg:$0x0];
	s2 =	stileid.u32  }
0x239: {  	s1 =	rddreg [dreg:$0x1];
	p0 =	sne.s32 s2, $0x0  }
0x23a: {  	s3 =	rddreg [dreg:$0x2];
	[bflag:$0x3] =	sbarrier.arrive $0xFFFF;
	s2 =	simm.s32 @!p0 $0x1C04  }
0x23b: {  	[timem:s3], [sflag:s2] =	dma.local @!p0 [hbm:s0], s1  }
0x23c: {  	s0 =	simm.s32 @!p0 $0x4  }
0x23d: {  	_ =	swait.ge @!p0 [sflag:s0], s1  }
0x23e: {  	s1 =	ssub.s32 @!p0 $0x0, s1;
	[sflag:s0] =	ssyncset.done @!p0 $0x0  }
0x23f: {  	[sflag:s0] =	ssyncadd.s32 @!p0 s1  }
0x240: {  	[bflag:$0x3] =	sbarrier.arrive $0xFFFF  }
0x241: {  	_ =	shalt  }

// kernel: kernel.14.cloned.1.call-start
scs
__scs_entry_jumppad:
0x0: {  	(pc) =	sbr.rel $0x88, $3  }
0x1: {  	(tag) =	ssettag $0x0;
	lr =	simm.s32 $0x1  }
0x2: {  	[smem:$0x3F9B] =	sst lr;
	_ =	strace $0xD0000000  }
0x3: {  	_ = 	snop  }
0x4: {  	_ = 	snop  }
0x5: {  	_ = 	snop  }
0x6: {  	_ = 	snop  }
0x7: {  	_ = 	snop  }
__scs_overlays_trampoline_lowered:
0x8: {  	[smem:$0x3FAA] =	sst s0  }
0x9: {  	[smem:$0x3FAB] =	sst s1  }
0xa: {  	[smem:$0x3FAC] =	sst s2  }
0xb: {  	[smem:$0x3FAD] =	sst s3  }
0xc: {  	[smem:$0x3FAE] =	sst s4  }
0xd: {  	[smem:$0x3FAF] =	sst s5  }
0xe: {  	[smem:$0x3FB0] =	sst s6  }
0xf: {  	[smem:$0x3FB1] =	sst s7  }
0x10: {  	[smem:$0x3FB2] =	sst s8  }
0x11: {  	[smem:$0x3FB3] =	sst s9;
	s0 =	simm.s32 @!p0 $0x0  }
0x12: {  	s1 =	sld [smem:$0x3F99];
	s0 =	simm.s32 @p0 $0x1  }
0x13: {  	[smem:$0x3FB4] =	sst s0;
	s0 =	simm.s32 @!p1 $0x0  }
0x14: {  	s2 =	sld [smem:$0x3F98];
	s0 =	simm.s32 @p1 $0x1  }
0x15: {  	[smem:$0x3FB5] =	sst s0;
	s0 =	simm.s32 @!p2 $0x0  }
0x16: {  	s3 =	sld [smem:$0x3FDB];
	s0 =	simm.s32 @p2 $0x1  }
0x17: {  	s4 =	simm.s32 $0x1BF5;
	[smem:$0x3FB7] =	sst s0  }
0x18: {  	s0 =	sld [smem:$0x3F9A];
	_ =	swait.ge [sflag:s4], $0x0  }
0x19: {  	s7 =	sld [smem:$0x3F9B]  }
0x1a: {  	s8 =	sadd.s32 $0xFFFFE003, lr  }
0x1b: {  	s9 =	sadd.s32 $0xFFFFFEF7, lr;
	s5 =	simm.s32 $0xFFFFFFFF;
	p2 =	slt.u32 s8, $0xFFFFF086  }
0x1c: {  	p1 =	slt.u32 s9, $0xF7A;
	s5 =	simm.s32 @!p2 $0x0  }
0x1d: {  	s5 =	simm.s32 @p1 $0x1;
	p0 =	seq.s32 s7, s2  }
0x1e: {  	s7 =	smul.u32 @!p0 $0xF7A, s2;
	p2 =	seq.s32 @!p0 s5, $0x0  }
0x1f: {  	s9 =	smul.u32 $0xF7A, s1;
	s8 =	simm.s32 @!p0 $0x1BF5;
	p2 =	por !p2, p0  }
0x20: {  	[sflag:s8] =	ssyncset.s32 @!p0 $0xFFFFF086;
	s6 =	sadd.s32 @!p0 s3, s7;
	s7 =	simm.s32 @!p0 $0x108  }
0x21: {  	s3 =	sadd.s32 s3, s9;
	s6 =	sadd.s32 @!p0 $0x88, s6;
	s7 =	simm.s32 @p2 $0x1082  }
0x22: {  	[simem:s7], [sflag:s8] =	dma.local @!p0 [hbm:s6], $0xF7A  }
0x23: {  	s9 =	sor.u32 $0xD0000000, s2;
	s6 =	simm.s32 $0x108;
	_ =	swait.ge @!p0 [sflag:s8], $0x0  }
0x24: {  	s3 =	sadd.s32 $0x88, s3;
	s6 =	simm.s32 @!p1 $0x1082;
	[sflag:s4] =	ssyncset.s32 $0xFFFFF086  }
0x25: {  	[simem:s6], [sflag:s4] =	dma.local [hbm:s3], $0xF7A  }
0x26: {  	[smem:$0x3F9B] =	sst s1;
	(tag) =	ssettag s2;
	_ =	strace s9  }
0x27: {  	s1 =	sld [smem:$0x3FAB]  }
0x28: {  	s2 =	sld [smem:$0x3FAC]  }
0x29: {  	s4 =	sld [smem:$0x3FAE]  }
0x2a: {  	p0 =	seq.s32 s5, $0x0;
	s5 =	sld [smem:$0x3FAF]  }
0x2b: {  	s6 =	sld [smem:$0x3FB0]  }
0x2c: {  	s7 =	sld [smem:$0x3FB1]  }
0x2d: {  	s3 =	simm.s32 $0x108;
	s8 =	sld [smem:$0x3FB2]  }
0x2e: {  	s3 =	simm.s32 @!p0 $0x1082;
	s9 =	sld [smem:$0x3FB3]  }
0x2f: {  	lr =	sadd.s32 s0, s3;
	s0 =	sld [smem:$0x3FAA]  }
0x30: {  	s3 =	sld [smem:$0x3FAD]  }
0x31: {  	[smem:$0x3FB6] =	sst s10  }
0x32: {  	s10 =	sld [smem:$0x3FB4];
	_ =	sdelay $0x3  }
0x33: {  	p0 =	seq.s32 s10, $0x1;
	s10 =	sld [smem:$0x3FB6];
	_ =	sdelay $0x3  }
0x34: {  	[smem:$0x3FB6] =	sst s10  }
0x35: {  	s10 =	sld [smem:$0x3FB5];
	_ =	sdelay $0x3  }
0x36: {  	p1 =	seq.s32 s10, $0x1;
	s10 =	sld [smem:$0x3FB6];
	_ =	sdelay $0x3  }
0x37: {  	[smem:$0x3FB6] =	sst s10  }
0x38: {  	s10 =	sld [smem:$0x3FB7]  }
0x39: {  	_ = 	snop;
	(pc) =	sbr.ind lr, $3  }
0x3a: {  	_ = 	snop  }
0x3b: {  	_ = 	snop  }
0x3c: {  	p2 =	seq.s32 s10, $0x1;
	s10 =	sld [smem:$0x3FB6]  }
0x3d: {  	_ =	shalt  }
0x3e: {  	_ =	shalt  }
0x3f: {  	_ =	shalt  }
0x40: {  	_ =	shalt  }
0x41: {  	_ =	shalt  }
0x42: {  	_ =	shalt  }
0x43: {  	_ =	shalt  }
0x44: {  	_ =	shalt  }
0x45: {  	_ =	shalt  }
0x46: {  	_ =	shalt  }
0x47: {  	_ =	shalt  }
0x48: {  	_ =	shalt  }
0x49: {  	_ =	shalt  }
0x4a: {  	_ =	shalt  }
0x4b: {  	_ =	shalt  }
0x4c: {  	_ =	shalt  }
0x4d: {  	_ =	shalt  }
0x4e: {  	_ =	shalt  }
0x4f: {  	_ =	shalt  }
0x50: {  	_ =	shalt  }
0x51: {  	_ =	shalt  }
0x52: {  	_ =	shalt  }
0x53: {  	_ =	shalt  }
0x54: {  	_ =	shalt  }
0x55: {  	_ =	shalt  }
0x56: {  	_ =	shalt  }
0x57: {  	_ =	shalt  }
0x58: {  	_ =	shalt  }
0x59: {  	_ =	shalt  }
0x5a: {  	_ =	shalt  }
0x5b: {  	_ =	shalt  }
0x5c: {  	_ =	shalt  }
0x5d: {  	_ =	shalt  }
0x5e: {  	_ =	shalt  }
0x5f: {  	_ =	shalt  }
0x60: {  	_ =	shalt  }
0x61: {  	_ =	shalt  }
0x62: {  	_ =	shalt  }
0x63: {  	_ =	shalt  }
0x64: {  	_ =	shalt  }
0x65: {  	_ =	shalt  }
0x66: {  	_ =	shalt  }
0x67: {  	_ =	shalt  }
0x68: {  	_ =	shalt  }
0x69: {  	_ =	shalt  }
0x6a: {  	_ =	shalt  }
0x6b: {  	_ =	shalt  }
0x6c: {  	_ =	shalt  }
0x6d: {  	_ =	shalt  }
0x6e: {  	_ =	shalt  }
0x6f: {  	_ =	shalt  }
0x70: {  	_ =	shalt  }
0x71: {  	_ =	shalt  }
0x72: {  	_ =	shalt  }
0x73: {  	_ =	shalt  }
0x74: {  	_ =	shalt  }
0x75: {  	_ =	shalt  }
0x76: {  	_ =	shalt  }
0x77: {  	_ =	shalt  }
0x78: {  	_ =	shalt  }
0x79: {  	_ =	shalt  }
0x7a: {  	_ =	shalt  }
0x7b: {  	_ =	shalt  }
0x7c: {  	_ =	shalt  }
0x7d: {  	_ =	shalt  }
0x7e: {  	_ =	shalt  }
0x7f: {  	_ =	shalt  }
0x80: {  	_ =	shalt  }
0x81: {  	_ =	shalt  }
0x82: {  	_ =	shalt  }
0x83: {  	_ =	shalt  }
0x84: {  	_ =	shalt  }
0x85: {  	_ =	shalt  }
0x86: {  	_ =	shalt  }
0x87: {  	_ =	shalt  }
.Lfunc_end0:
.L_simem_size_0:
called_computation.2_lowered:
.L_overlay_start_0:
0x88: {  	s2 =	sld [smem:$0x3FD9]  }
0x89: {  	s3 =	sld [smem:$0x3FFE];
	_ =	sdelay $0x1  }
0x8a: {  	s1 =	srdreg.scid  }
0x8b: {  	s0 =	sand.u32 $0x1, s1  }
0x8c: {  	s17 =	sshll.u32 s0, $0xA;
	s2 =	sadd.s32 s3, s2  }
0x8d: {  	s2 =	sadd.s32 s2, s17  }
0x8e: {  	[smem:$0x3FC2] =	sst s2  }
0x8f: {  	_ = 	snop  }
0x90: {  	s2 =	sld [smem:$0x3FC8]  }
0x91: {  	s18 =	sld [smem:$0x3FD0];
	(tm) =	ssettm $0x1  }
0x92: {  	s4 =	sld [smem:$0x3FFB];
	_ =	sdelay $0x3  }
0x93: {  	_ =	strace s4  }
0x94: {  	s4 =	sld [smem:$0x3FFC];
	_ =	sdelay $0x3  }
0x95: {  	_ =	strace s4  }
0x96: {  	s4 =	sld [smem:$0x3FFD];
	_ =	sdelay $0x3  }
0x97: {  	_ =	strace s4  }
0x98: {  	_ =	strace $0x8FFFFFFF  }
0x99: {  	s19 =	sld [smem:$0x3FDB];
	_ =	sdelay $0x1  }
0x9a: {  	s5 =	simm.s32 $_scs_section_size  }
0x9b: {  	s6 =	simm.s32 $_size__tile_overlayer_lowered;
	s7 =	simm.s32 $_tile_overlayer_lowered  }
0x9c: {  	s22 =	simm.s32 $0x1BFF;
	s21 =	sshll.u32 s7, $0x1;
	s4 =	sadd.s32 s5, s19  }
0x9d: {  	s8 =	simm.s32 $0x0;
	s20 =	sshll.u32 s6, $0x1;
	s6 =	sadd.s32 s21, s4  }
0x9e: {  	[timem:s8], [sflag:s22] =	dma.local [hbm:s6], s20  }
0x9f: {  	_ =	swait.ge [sflag:s22], s20  }
0xa0: {  	s5 =	ssub.s32 $0x0, s20;
	[sflag:s22] =	ssyncset.done $0x0  }
0xa1: {  	[sflag:s22] =	ssyncadd.s32 s5;
	_ =	sdelay $0x1  }
0xa2: {  	s23 =	simm.s32 $0x1B8B  }
0xa3: {  	_ =	swait.ge [sflag:s23], $0x1  }
0xa4: {  	[sflag:s23] =	ssyncset.done $0x0  }
0xa5: {  	s25 =	simm.s32 $0x1B8E;
	s24 =	sld [smem:$0x3FFE];
	[sflag:s23] =	ssyncadd.s32 $0xFFFFFFFF  }
0xa6: {  	s26 =	simm.s32 $execute0_lowered;
	[smem:$0x3FD2] =	sst s25  }
0xa7: {  	s6 =	sshll.u32 s26, $0x1;
	_ =	strace $0x8000004C;
	[dreg:$0x1] =	wrdreg $0xFFFFFFFF  }
0xa8: {  	s28 =	simm.s32 $_size_execute0_lowered;
	s4 =	sadd.s32 s4, s6;
	[dreg:$0x0] =	wrdreg $0x0  }
0xa9: {  	s6 =	sshll.u32 s28, $0x1;
	[dreg:$0x2] =	wrdreg s4  }
0xaa: {  	[dreg:$0x3] =	wrdreg s6  }
0xab: {  	[dreg:$0x4] =	wrdreg $0xC0  }
0xac: {  	_ =	task [dreg:s8], $0x5FFFF  }
0xad: {  	[dreg:$0x1] =	wrdreg $0xFFFFFFFF  }
0xae: {  	[dreg:$0x0] =	wrdreg $0x60  }
0xaf: {  	[dreg:$0x2] =	wrdreg s24  }
0xb0: {  	[dreg:$0x3] =	wrdreg s2  }
0xb1: {  	[dreg:$0x4] =	wrdreg s18  }
0xb2: {  	[dreg:$0x5] =	wrdreg $0xF8000  }
0xb3: {  	[dreg:$0x6] =	wrdreg $0x9  }
0xb4: {  	_ =	task.clear_ibuf [dreg:s8], $0x7FFFF;
	_ =	strace $0x9000004C  }
0xb5: {  	s29 =	simm.s32 $0x9;
	_ =	strace $0x8000004E  }
0xb6: {  	_ =	swait.ge [sflag:s29], $0x1  }
0xb7: {  	[sflag:s29] =	ssyncadd.s32 $0xFFFFFFFF  }
0xb8: {  	_ =	strace $0x9000004E  }
0xb9: {  	_ =	sfence  }
0xba: {  	s30 =	sld [smem:$0x0];
	_ =	sdelay $0x2  }
0xbb: {  	s31 =	sshll.u32 s1, $0xD;
	s1 =	sshrl.u32 s1, $0x2  }
0xbc: {  	s3 =	sand.u32 $0x4000, s31;
	s1 =	sadd.s32 s1, s30  }
0xbd: {  	s0 =	sor.u32 s3, s0;
	s1 =	sshll.u32 s1, $0x11  }
0xbe: {  	s0 =	sor.u32 s1, s0  }
0xbf: {  	s0 =	sadd.s32 $0x8F2B, s0  }
0xc0: {  	[sflag:s0] =	ssyncadd.remote.s32 $0x1  }
0xc1: {  	_ =	sfence.sel $0xFFFF  }
0xc2: {  	[dreg:$0x0] =	wrdreg $0xFFFFFFFF;
	(pc) =	sbr.abs _section_cstart, $3  }
0xc3: {  	[dreg:$0x1] =	wrdreg $0xFFFFFFFF  }
0xc4: {  	_ =	task.clear_ibuf [dreg:s8], $0x2FFFF;
	_ =	strace $0x9FFFFFFF  }
0xc5: {  	(tm) =	ssettm $0x7FFFFFFF  }
tec
execute0_lowered:
.L_overlay_start_1:
0x0: {  	(tag) =	ssettag $0x1  }
0x1: {  	s0 =	rddreg [dreg:$0x0]  }
0x2: {  	s1 =	rddreg [dreg:$0x1]  }
0x3: {  	s3 =	rddreg [dreg:$0x3];
	s11 =	simm.s32 $0x0  }
0x4: {  	s2 =	srdreg.scid;
	s8 =	stileid.u32;
	s16 =	simm.s32 $0x80  }
0x5: {  	s19 =	simm.s32 $0xA800;
	s28 =	simm.s32 $0xC800;
	s30 =	simm.s32 $0x1  }
0x6: {  	s10 =	simm.s32 $0x2;
	s12 =	simm.s32 $0x0;
	s18 =	simm.s32 $0x5000  }
0x7: {  	s29 =	simm.s32 $0x7800;
	s31 =	simm.s32 $0x8000;
	[smem:$0x7FF] =	sst s11  }
0x8: {  	s2 =	sand.u32 $0x1, s2;
	s4 =	smul.u32 $0x500, s8;
	s5 =	sadd.s32 $0x2800, s0  }
0x9: {  	s20 =	sadd.s32 $0x2400, s0;
	s25 =	sadd.s32 $0x13600, s1;
	_ =	strace $0x8000004D  }
0xa: {  	s6 =	smul.u32 $0x5000, s2;
	s7 =	sshll.u32 s2, $0x4;
	[dreg:$0x5] =	wrdreg s20  }
0xb: {  	s2 =	ssub.s32 $0x2, s2;
	[dreg:$0x9] =	wrdreg s25;
	s25 =	simm.s32 $0xC000  }
0xc: {  	s20 =	simm.s32 $0x5800;
	s7 =	sor.u32 s8, s7;
	s8 =	smul.u32 $0xA000, s8  }
0xd: {  	s21 =	sshrl.u32 s2, $0x1;
	s4 =	sadd.s32 s4, s6;
	s9 =	smul.u32 $0xA00, s7  }
0xe: {  	s2 =	ssub.s32 s2, s21;
	p0 =	seq.s32 s7, $0x1F;
	s6 =	simm.s32 $0xD000  }
0xf: {  	s7 =	simm.s32 $0x4;
	s21 =	simm.s32 $0xB000;
	s0 =	sadd.s32 s4, s0  }
0x10: {  	s22 =	sshrl.u32 s8, $0x2;
	s26 =	smax.u32 s2, $0x1;
	s2 =	simm.s32 $0x9800  }
0x11: {  	s23 =	sadd.s32 s1, s9;
	s8 =	sadd.s32 s22, s3;
	[dreg:$0xc] =	wrdreg s26  }
0x12: {  	s1 =	sadd.s32 $0x13610, s1;
	s0 =	sadd.s32 $0x7800, s0;
	[dreg:$0x6] =	wrdreg s23  }
0x13: {  	s9 =	simm.s32 $0x3;
	s22 =	simm.s32 $0x6000;
	[dreg:$0xa] =	wrdreg s1  }
0x14: {  	s26 =	simm.s32 $0x7000;
	s24 =	sadd.s32 $0x10, s23;
	[dreg:$0xb] =	wrdreg s0  }
0x15: {  	s0 =	simm.s32 $0x9000;
	s1 =	simm.s32 $0xA000;
	[dreg:$0x7] =	wrdreg s8  }
0x16: {  	s23 =	simm.s32 $0xB800;
	[dreg:$0x8] =	wrdreg s24;
	s24 =	simm.s32 $0x6800  }
.LBB2_1:
0x17: {  	[dreg:$0xd] =	wrdreg s12  }
0x18: {  	s4 =	rddreg [dreg:$0x2]  }
0x19: {  	[tilespmem:s6], [sflag:$0x4] =	stream.linear.gather [hbm4b:s4+s11], $0x2800, $0x38;
	[tilespmem:$0x12000] =	vst v63  }
0x1a: {  	_ =	swait.ge [sflag:s7], $0x2800  }
0x1b: {  	[sflag:s7] =	ssyncset.done $0x0  }
0x1c: {  	[sflag:s7] =	ssyncadd.s32 $0xFFFFD800  }
0x1d: {  	[spmem:s8] =	stream.linear.scatter [tilespmem:s6], [sflag:$0x4], $0x2800, $0x38;
	[tilespmem:$0x12000] =	vst v63  }
0x1e: {  	_ =	swait.ge [sflag:s7], $0x2800  }
0x1f: {  	[sflag:s7] =	ssyncset.done $0x0  }
0x20: {  	[sflag:s7] =	ssyncadd.s32 $0xFFFFD800  }
0x21: {  	s12 =	simm.s32 @p0 $0x0;
	s13 =	simm.s32 @p0 $0x4;
	[bflag:$0x0] =	sbarrier.arrive $0xFFFF  }
0x22: {  	s4 =	simm.s32 @p0 $0x80;
	s7 =	simm.s32 @p0 $0x100;
	s6 =	rddreg [dreg:$0x9]  }
0x23: {  	[tilespmem:s12], [sflag:$0x4] =	stream.strided.gather @p0 [hbm4b:s6+s4], $0xA00, s7, s4, $0x38;
	[tilespmem:$0x12000] =	vst v63  }
0x24: {  	_ =	swait.ge @p0 [sflag:s13], $0xA00  }
0x25: {  	[sflag:s13] =	ssyncset.done @p0 $0x0  }
0x26: {  	s6 =	simm.s32 @p0 $0x2800;
	s8 =	rddreg [dreg:$0xa];
	[sflag:s13] =	ssyncadd.s32 @p0 $0xFFFFF600  }
0x27: {  	[tilespmem:s6], [sflag:$0x4] =	stream.strided.gather @p0 [hbm4b:s8+s4], $0xA00, s7, s4, $0x38;
	[tilespmem:$0x12000] =	vst v63  }
0x28: {  	_ =	swait.ge @p0 [sflag:s13], $0xA00  }
0x29: {  	[sflag:s13] =	ssyncset.done @p0 $0x0  }
0x2a: {  	s4 =	simm.s32 @p0 $0xA00;
	s6 =	rddreg [dreg:$0x5];
	[sflag:s13] =	ssyncadd.s32 @p0 $0xFFFFF600  }
0x2b: {  	[tilespmem:s4], [sflag:$0x4] =	stream.linear.gather @p0 [hbm4b:s6+s12], $0x1E00, $0x38;
	[tilespmem:$0x12000] =	vst v63  }
0x2c: {  	_ =	swait.ge @p0 [sflag:s13], $0x1E00  }
0x2d: {  	[sflag:s13] =	ssyncset.done @p0 $0x0  }
0x2e: {  	s4 =	simm.s32 @p0 $0x3200;
	[sflag:s13] =	ssyncadd.s32 @p0 $0xFFFFE200  }
0x2f: {  	[tilespmem:s4], [sflag:$0x4] =	stream.linear.gather @p0 [hbm4b:s6+s12], $0x1E00, $0x38;
	[tilespmem:$0x12000] =	vst v63  }
0x30: {  	_ =	swait.ge @p0 [sflag:s13], $0x1E00  }
0x31: {  	s7 =	simm.s32 @!p0 $0x0;
	s4 =	simm.s32 @!p0 $0x80;
	[sflag:s13] =	ssyncset.done @p0 $0x0  }
0x32: {  	s6 =	simm.s32 @!p0 $0x100;
	s8 =	rddreg [dreg:$0x6];
	[sflag:s13] =	ssyncadd.s32 @p0 $0xFFFFE200  }
0x33: {  	[tilespmem:s7], [sflag:$0x4] =	stream.strided.gather @!p0 [hbm4b:s8+s4], $0x2800, s6, s4, $0x38;
	[tilespmem:$0x12000] =	vst v63  }
0x34: {  	s7 =	simm.s32 @!p0 $0x4  }
0x35: {  	_ =	swait.ge @!p0 [sflag:s7], $0x2800  }
0x36: {  	[sflag:s7] =	ssyncset.done @!p0 $0x0  }
0x37: {  	s12 =	simm.s32 @!p0 $0x2800;
	s8 =	rddreg [dreg:$0x8];
	[sflag:s7] =	ssyncadd.s32 @!p0 $0xFFFFD800  }
0x38: {  	[tilespmem:s12], [sflag:$0x4] =	stream.strided.gather @!p0 [hbm4b:s8+s4], $0x2800, s6, s4, $0x38;
	[tilespmem:$0x12000] =	vst v63  }
0x39: {  	_ =	swait.ge @!p0 [sflag:s7], $0x2800  }
0x3a: {  	[sflag:s7] =	ssyncset.done @!p0 $0x0  }
0x3b: {  	s6 =	simm.s32 $0x5000;
	[sflag:s7] =	ssyncadd.s32 @!p0 $0xFFFFD800  }
0x3c: {  	[tilespmem:s6], [sflag:$0x1] =	stream.indirect.gather [hbm4b:s5+s16], $0x10, s11, s16, $0xb8;
	[tilespmem:$0x12000] =	vst v63  }
0x3d: {  	s7 =	simm.s32 $0x5800  }
0x3e: {  	[tilespmem:s7], [sflag:$0x1] =	stream.indirect.gather [hbm4b:s5+s16], $0x10, s16, s16, $0xb8;
	[tilespmem:$0x12000] =	vst v63  }
0x3f: {  	s8 =	simm.s32 $0x6000;
	s11 =	simm.s32 $0x100  }
0x40: {  	[tilespmem:s8], [sflag:$0x1] =	stream.indirect.gather [hbm4b:s5+s16], $0x10, s11, s16, $0xb8;
	[tilespmem:$0x12000] =	vst v63  }
0x41: {  	s12 =	simm.s32 $0x180;
	s11 =	simm.s32 $0x6800  }
0x42: {  	[tilespmem:s11], [sflag:$0x1] =	stream.indirect.gather [hbm4b:s5+s16], $0x10, s12, s16, $0xb8;
	[tilespmem:$0x12000] =	vst v63  }
0x43: {  	s13 =	simm.s32 $0x200;
	s12 =	simm.s32 $0x7000  }
0x44: {  	[tilespmem:s12], [sflag:$0x1] =	stream.indirect.gather [hbm4b:s5+s16], $0x10, s13, s16, $0xb8;
	[tilespmem:$0x12000] =	vst v63  }
0x45: {  	s14 =	simm.s32 $0x280;
	s13 =	simm.s32 $0x7800  }
0x46: {  	[tilespmem:s13], [sflag:$0x1] =	stream.indirect.gather [hbm4b:s5+s16], $0x10, s14, s16, $0xb8;
	[tilespmem:$0x12000] =	vst v63  }
0x47: {  	s15 =	simm.s32 $0x300;
	s14 =	simm.s32 $0x8000  }
0x48: {  	[tilespmem:s14], [sflag:$0x1] =	stream.indirect.gather [hbm4b:s5+s16], $0x10, s15, s16, $0xb8;
	[tilespmem:$0x12000] =	vst v63  }
0x49: {  	s17 =	simm.s32 $0x380;
	s15 =	simm.s32 $0x8800  }
0x4a: {  	[tilespmem:s15], [sflag:$0x1] =	stream.indirect.gather [hbm4b:s5+s16], $0x10, s17, s16, $0xb8;
	[tilespmem:$0x12000] =	vst v63  }
0x4b: {  	s17 =	simm.s32 $0x400  }
0x4c: {  	[tilespmem:s0], [sflag:$0x2] =	stream.indirect.gather [hbm4b:s5+s16], $0x10, s17, s16, $0xb8;
	[tilespmem:$0x12000] =	vst v63  }
0x4d: {  	s17 =	simm.s32 $0x480  }
0x4e: {  	[tilespmem:s2], [sflag:$0x2] =	stream.indirect.gather [hbm4b:s5+s16], $0x10, s17, s16, $0xb8;
	[tilespmem:$0x12000] =	vst v63  }
0x4f: {  	s17 =	simm.s32 $0x500  }
0x50: {  	[tilespmem:s1], [sflag:$0x2] =	stream.indirect.gather [hbm4b:s5+s16], $0x10, s17, s16, $0xb8;
	[tilespmem:$0x12000] =	vst v63  }
0x51: {  	s17 =	simm.s32 $0x580  }
0x52: {  	[tilespmem:s19], [sflag:$0x2] =	stream.indirect.gather [hbm4b:s5+s16], $0x10, s17, s16, $0xb8;
	[tilespmem:$0x12000] =	vst v63  }
0x53: {  	s17 =	simm.s32 $0x600  }
0x54: {  	[tilespmem:s21], [sflag:$0x2] =	stream.indirect.gather [hbm4b:s5+s16], $0x10, s17, s16, $0xb8;
	[tilespmem:$0x12000] =	vst v63  }
0x55: {  	s17 =	simm.s32 $0x680  }
0x56: {  	[tilespmem:s23], [sflag:$0x2] =	stream.indirect.gather [hbm4b:s5+s16], $0x10, s17, s16, $0xb8;
	[tilespmem:$0x12000] =	vst v63  }
0x57: {  	s17 =	simm.s32 $0x700  }
0x58: {  	[tilespmem:s25], [sflag:$0x2] =	stream.indirect.gather [hbm4b:s5+s16], $0x10, s17, s16, $0xb8;
	[tilespmem:$0x12000] =	vst v63  }
0x59: {  	s17 =	simm.s32 $0x780  }
0x5a: {  	[tilespmem:s28], [sflag:$0x2] =	stream.indirect.gather [hbm4b:s5+s16], $0x10, s17, s16, $0xb8;
	[tilespmem:$0x12000] =	vst v63  }
0x5b: {  	_ =	swait.ge [sflag:s30], $0x800  }
0x5c: {  	[sflag:s30] =	ssyncset.done $0x0  }
0x5d: {  	[sflag:s30] =	ssyncadd.s32 $0xFFFFF800  }
0x5e: {  	_ =	swait.ge [sflag:s30], $0x800  }
0x5f: {  	[sflag:s30] =	ssyncset.done $0x0  }
0x60: {  	[sflag:s30] =	ssyncadd.s32 $0xFFFFF800  }
0x61: {  	_ =	swait.ge [sflag:s30], $0x800  }
0x62: {  	[sflag:s30] =	ssyncset.done $0x0  }
0x63: {  	[sflag:s30] =	ssyncadd.s32 $0xFFFFF800  }
0x64: {  	_ =	swait.ge [sflag:s30], $0x800  }
0x65: {  	[sflag:s30] =	ssyncset.done $0x0  }
0x66: {  	[sflag:s30] =	ssyncadd.s32 $0xFFFFF800  }
0x67: {  	_ =	swait.ge [sflag:s30], $0x800  }
0x68: {  	[sflag:s30] =	ssyncset.done $0x0  }
0x69: {  	[sflag:s30] =	ssyncadd.s32 $0xFFFFF800  }
0x6a: {  	_ =	swait.ge [sflag:s30], $0x800  }
0x6b: {  	[sflag:s30] =	ssyncset.done $0x0  }
0x6c: {  	[sflag:s30] =	ssyncadd.s32 $0xFFFFF800  }
0x6d: {  	_ =	swait.ge [sflag:s30], $0x800  }
0x6e: {  	[sflag:s30] =	ssyncset.done $0x0  }
0x6f: {  	[sflag:s30] =	ssyncadd.s32 $0xFFFFF800  }
0x70: {  	_ =	swait.ge [sflag:s30], $0x800  }
0x71: {  	[sflag:s30] =	ssyncset.done $0x0  }
0x72: {  	s17 =	simm.s32 $0x2800;
	[sflag:s30] =	ssyncadd.s32 $0xFFFFF800  }
0x73: {  	[spmem:s3] =	stream.indirect.scatter.add.f32 [tilespmem:s6], [sflag:$0x3], $0x10, s17, s16, $0xb8;
	[tilespmem:$0x12000] =	vst v63  }
0x74: {  	s6 =	simm.s32 $0x2880  }
0x75: {  	[spmem:s3] =	stream.indirect.scatter.add.f32 [tilespmem:s7], [sflag:$0x3], $0x10, s6, s16, $0xb8;
	[tilespmem:$0x12000] =	vst v63  }
0x76: {  	s7 =	simm.s32 $0x2900  }
0x77: {  	[spmem:s3] =	stream.indirect.scatter.add.f32 [tilespmem:s8], [sflag:$0x3], $0x10, s7, s16, $0xb8;
	[tilespmem:$0x12000] =	vst v63  }
0x78: {  	s8 =	simm.s32 $0x2980  }
0x79: {  	[spmem:s3] =	stream.indirect.scatter.add.f32 [tilespmem:s11], [sflag:$0x3], $0x10, s8, s16, $0xb8;
	[tilespmem:$0x12000] =	vst v63  }
0x7a: {  	s11 =	simm.s32 $0x2A00  }
0x7b: {  	[spmem:s3] =	stream.indirect.scatter.add.f32 [tilespmem:s12], [sflag:$0x3], $0x10, s11, s16, $0xb8;
	[tilespmem:$0x12000] =	vst v63  }
0x7c: {  	s12 =	simm.s32 $0x2A80  }
0x7d: {  	[spmem:s3] =	stream.indirect.scatter.add.f32 [tilespmem:s13], [sflag:$0x3], $0x10, s12, s16, $0xb8;
	[tilespmem:$0x12000] =	vst v63  }
0x7e: {  	s17 =	simm.s32 $0x2B00  }
0x7f: {  	[spmem:s3] =	stream.indirect.scatter.add.f32 [tilespmem:s14], [sflag:$0x3], $0x10, s17, s16, $0xb8;
	[tilespmem:$0x12000] =	vst v63  }
0x80: {  	s6 =	simm.s32 $0x2B80  }
0x81: {  	[spmem:s3] =	stream.indirect.scatter.add.f32 [tilespmem:s15], [sflag:$0x3], $0x10, s6, s16, $0xb8;
	[tilespmem:$0x12000] =	vst v63  }
0x82: {  	_ =	swait.ge [sflag:s9], $0x800  }
0x83: {  	[sflag:s9] =	ssyncset.done $0x0  }
0x84: {  	[sflag:s9] =	ssyncadd.s32 $0xFFFFF800  }
0x85: {  	_ =	swait.ge [sflag:s9], $0x800  }
0x86: {  	[sflag:s9] =	ssyncset.done $0x0  }
0x87: {  	[sflag:s9] =	ssyncadd.s32 $0xFFFFF800  }
0x88: {  	_ =	swait.ge [sflag:s9], $0x800  }
0x89: {  	[sflag:s9] =	ssyncset.done $0x0  }
0x8a: {  	[sflag:s9] =	ssyncadd.s32 $0xFFFFF800  }
0x8b: {  	_ =	swait.ge [sflag:s9], $0x800  }
0x8c: {  	[sflag:s9] =	ssyncset.done $0x0  }
0x8d: {  	[sflag:s9] =	ssyncadd.s32 $0xFFFFF800  }
0x8e: {  	_ =	swait.ge [sflag:s9], $0x800  }
0x8f: {  	[sflag:s9] =	ssyncset.done $0x0  }
0x90: {  	[sflag:s9] =	ssyncadd.s32 $0xFFFFF800  }
0x91: {  	_ =	swait.ge [sflag:s9], $0x800  }
0x92: {  	[sflag:s9] =	ssyncset.done $0x0  }
0x93: {  	[sflag:s9] =	ssyncadd.s32 $0xFFFFF800  }
0x94: {  	_ =	swait.ge [sflag:s9], $0x800  }
0x95: {  	[sflag:s9] =	ssyncset.done $0x0  }
0x96: {  	[sflag:s9] =	ssyncadd.s32 $0xFFFFF800  }
0x97: {  	p1 =	por $0x0, $0x0;
	_ =	swait.ge [sflag:s9], $0x800  }
0x98: {  	s4 =	simm.s32 @!p1 $0x5000;
	[sflag:s9] =	ssyncset.done $0x0  }
0x99: {  	s7 =	simm.s32 @!p1 $0x80;
	s6 =	simm.s32 @!p1 $0x800;
	[sflag:s9] =	ssyncadd.s32 $0xFFFFF800  }
0x9a: {  	[tilespmem:s4], [sflag:$0x1] =	stream.indirect.gather @!p1 [hbm4b:s5+s7], $0x10, s6, s7, $0xb8;
	[tilespmem:$0x12000] =	vst v63  }
0x9b: {  	s4 =	simm.s32 @!p1 $0x880;
	s6 =	simm.s32 @!p1 $0x5800  }
0x9c: {  	[tilespmem:s6], [sflag:$0x1] =	stream.indirect.gather @!p1 [hbm4b:s5+s7], $0x10, s4, s7, $0xb8;
	[tilespmem:$0x12000] =	vst v63  }
0x9d: {  	s4 =	simm.s32 @!p1 $0x900;
	s6 =	simm.s32 @!p1 $0x6000  }
0x9e: {  	[tilespmem:s6], [sflag:$0x1] =	stream.indirect.gather @!p1 [hbm4b:s5+s7], $0x10, s4, s7, $0xb8;
	[tilespmem:$0x12000] =	vst v63  }
0x9f: {  	s4 =	simm.s32 @!p1 $0x980;
	s6 =	simm.s32 @!p1 $0x6800  }
0xa0: {  	[tilespmem:s6], [sflag:$0x1] =	stream.indirect.gather @!p1 [hbm4b:s5+s7], $0x10, s4, s7, $0xb8;
	[tilespmem:$0x12000] =	vst v63  }
0xa1: {  	s4 =	simm.s32 @!p1 $0xA00;
	s6 =	simm.s32 @!p1 $0x7000  }
0xa2: {  	[tilespmem:s6], [sflag:$0x1] =	stream.indirect.gather @!p1 [hbm4b:s5+s7], $0x10, s4, s7, $0xb8;
	[tilespmem:$0x12000] =	vst v63  }
0xa3: {  	s4 =	simm.s32 @!p1 $0xA80;
	s6 =	simm.s32 @!p1 $0x7800  }
0xa4: {  	[tilespmem:s6], [sflag:$0x1] =	stream.indirect.gather @!p1 [hbm4b:s5+s7], $0x10, s4, s7, $0xb8;
	[tilespmem:$0x12000] =	vst v63  }
0xa5: {  	s4 =	simm.s32 @!p1 $0xB00;
	s6 =	simm.s32 @!p1 $0x8000  }
0xa6: {  	[tilespmem:s6], [sflag:$0x1] =	stream.indirect.gather @!p1 [hbm4b:s5+s7], $0x10, s4, s7, $0xb8;
	[tilespmem:$0x12000] =	vst v63  }
0xa7: {  	s4 =	simm.s32 @!p1 $0xB80;
	s6 =	simm.s32 @!p1 $0x8800  }
0xa8: {  	[tilespmem:s6], [sflag:$0x1] =	stream.indirect.gather @!p1 [hbm4b:s5+s7], $0x10, s4, s7, $0xb8;
	[tilespmem:$0x12000] =	vst v63  }
0xa9: {  	_ =	swait.ge [sflag:s10], $0x800  }
0xaa: {  	[sflag:s10] =	ssyncset.done $0x0  }
0xab: {  	[sflag:s10] =	ssyncadd.s32 $0xFFFFF800  }
0xac: {  	_ =	swait.ge [sflag:s10], $0x800  }
0xad: {  	[sflag:s10] =	ssyncset.done $0x0  }
0xae: {  	[sflag:s10] =	ssyncadd.s32 $0xFFFFF800  }
0xaf: {  	_ =	swait.ge [sflag:s10], $0x800  }
0xb0: {  	[sflag:s10] =	ssyncset.done $0x0  }
0xb1: {  	[sflag:s10] =	ssyncadd.s32 $0xFFFFF800  }
0xb2: {  	_ =	swait.ge [sflag:s10], $0x800  }
0xb3: {  	[sflag:s10] =	ssyncset.done $0x0  }
0xb4: {  	[sflag:s10] =	ssyncadd.s32 $0xFFFFF800  }
0xb5: {  	_ =	swait.ge [sflag:s10], $0x800  }
0xb6: {  	[sflag:s10] =	ssyncset.done $0x0  }
0xb7: {  	[sflag:s10] =	ssyncadd.s32 $0xFFFFF800  }
0xb8: {  	_ =	swait.ge [sflag:s10], $0x800  }
0xb9: {  	[sflag:s10] =	ssyncset.done $0x0  }
0xba: {  	[sflag:s10] =	ssyncadd.s32 $0xFFFFF800  }
0xbb: {  	_ =	swait.ge [sflag:s10], $0x800  }
0xbc: {  	[sflag:s10] =	ssyncset.done $0x0  }
0xbd: {  	[sflag:s10] =	ssyncadd.s32 $0xFFFFF800  }
0xbe: {  	_ =	swait.ge [sflag:s10], $0x800  }
0xbf: {  	[sflag:s10] =	ssyncset.done $0x0  }
0xc0: {  	s7 =	simm.s32 $0x2C00;
	[sflag:s10] =	ssyncadd.s32 $0xFFFFF800  }
0xc1: {  	[spmem:s3] =	stream.indirect.scatter.add.f32 [tilespmem:s0], [sflag:$0x3], $0x10, s7, s16, $0xb8;
	[tilespmem:$0x12000] =	vst v63  }
0xc2: {  	s8 =	simm.s32 $0x2C80  }
0xc3: {  	[spmem:s3] =	stream.indirect.scatter.add.f32 [tilespmem:s2], [sflag:$0x3], $0x10, s8, s16, $0xb8;
	[tilespmem:$0x12000] =	vst v63  }
0xc4: {  	s11 =	simm.s32 $0x2D00  }
0xc5: {  	[spmem:s3] =	stream.indirect.scatter.add.f32 [tilespmem:s1], [sflag:$0x3], $0x10, s11, s16, $0xb8;
	[tilespmem:$0x12000] =	vst v63  }
0xc6: {  	s12 =	simm.s32 $0x2D80  }
0xc7: {  	[spmem:s3] =	stream.indirect.scatter.add.f32 [tilespmem:s19], [sflag:$0x3], $0x10, s12, s16, $0xb8;
	[tilespmem:$0x12000] =	vst v63  }
0xc8: {  	s13 =	simm.s32 $0x2E00  }
0xc9: {  	[spmem:s3] =	stream.indirect.scatter.add.f32 [tilespmem:s21], [sflag:$0x3], $0x10, s13, s16, $0xb8;
	[tilespmem:$0x12000] =	vst v63  }
0xca: {  	s14 =	simm.s32 $0x2E80  }
0xcb: {  	[spmem:s3] =	stream.indirect.scatter.add.f32 [tilespmem:s23], [sflag:$0x3], $0x10, s14, s16, $0xb8;
	[tilespmem:$0x12000] =	vst v63  }
0xcc: {  	s15 =	simm.s32 $0x2F00  }
0xcd: {  	[spmem:s3] =	stream.indirect.scatter.add.f32 [tilespmem:s25], [sflag:$0x3], $0x10, s15, s16, $0xb8;
	[tilespmem:$0x12000] =	vst v63  }
0xce: {  	s17 =	simm.s32 $0x2F80  }
0xcf: {  	[spmem:s3] =	stream.indirect.scatter.add.f32 [tilespmem:s28], [sflag:$0x3], $0x10, s17, s16, $0xb8;
	[tilespmem:$0x12000] =	vst v63  }
0xd0: {  	_ =	swait.ge [sflag:s9], $0x800  }
0xd1: {  	[sflag:s9] =	ssyncset.done $0x0  }
0xd2: {  	[sflag:s9] =	ssyncadd.s32 $0xFFFFF800  }
0xd3: {  	_ =	swait.ge [sflag:s9], $0x800  }
0xd4: {  	[sflag:s9] =	ssyncset.done $0x0  }
0xd5: {  	[sflag:s9] =	ssyncadd.s32 $0xFFFFF800  }
0xd6: {  	_ =	swait.ge [sflag:s9], $0x800  }
0xd7: {  	[sflag:s9] =	ssyncset.done $0x0  }
0xd8: {  	[sflag:s9] =	ssyncadd.s32 $0xFFFFF800  }
0xd9: {  	_ =	swait.ge [sflag:s9], $0x800  }
0xda: {  	[sflag:s9] =	ssyncset.done $0x0  }
0xdb: {  	[sflag:s9] =	ssyncadd.s32 $0xFFFFF800  }
0xdc: {  	_ =	swait.ge [sflag:s9], $0x800  }
0xdd: {  	[sflag:s9] =	ssyncset.done $0x0  }
0xde: {  	[sflag:s9] =	ssyncadd.s32 $0xFFFFF800  }
0xdf: {  	_ =	swait.ge [sflag:s9], $0x800  }
0xe0: {  	[sflag:s9] =	ssyncset.done $0x0  }
0xe1: {  	[sflag:s9] =	ssyncadd.s32 $0xFFFFF800  }
0xe2: {  	_ =	swait.ge [sflag:s9], $0x800  }
0xe3: {  	[sflag:s9] =	ssyncset.done $0x0  }
0xe4: {  	[sflag:s9] =	ssyncadd.s32 $0xFFFFF800  }
0xe5: {  	s7 =	simm.s32 $0x4000;
	_ =	swait.ge [sflag:s9], $0x800  }
0xe6: {  	s12 =	simm.s32 $0x800;
	s13 =	simm.s32 $0x2000;
	[sflag:s9] =	ssyncset.done $0x0  }
.LBB2_2:
0xe7: {  	s6 =	sadd.s32 $0x400, s12  }
0xe8: {  	[sflag:s9] =	ssyncadd.s32 $0xFFFFF800;
	s4 =	smov.u32 s7;
	s7 =	sadd.s32 $0x2000, s7  }
0xe9: {  	[tilespmem:s0], [sflag:$0x2] =	stream.indirect.gather [hbm4b:s5+s16], $0x10, s6, s16, $0xb8;
	[tilespmem:$0x12000] =	vst v63  }
0xea: {  	p1 =	sne.s32 s7, $0xA000;
	s6 =	sadd.s32 $0x480, s12  }
0xeb: {  	[tilespmem:s2], [sflag:$0x2] =	stream.indirect.gather [hbm4b:s5+s16], $0x10, s6, s16, $0xb8;
	[tilespmem:$0x12000] =	vst v63  }
0xec: {  	s6 =	sadd.s32 $0x500, s12  }
0xed: {  	[tilespmem:s1], [sflag:$0x2] =	stream.indirect.gather [hbm4b:s5+s16], $0x10, s6, s16, $0xb8;
	[tilespmem:$0x12000] =	vst v63  }
0xee: {  	s6 =	sadd.s32 $0x580, s12  }
0xef: {  	[tilespmem:s19], [sflag:$0x2] =	stream.indirect.gather [hbm4b:s5+s16], $0x10, s6, s16, $0xb8;
	[tilespmem:$0x12000] =	vst v63  }
0xf0: {  	s6 =	sadd.s32 $0x600, s12  }
0xf1: {  	[tilespmem:s21], [sflag:$0x2] =	stream.indirect.gather [hbm4b:s5+s16], $0x10, s6, s16, $0xb8;
	[tilespmem:$0x12000] =	vst v63  }
0xf2: {  	s6 =	sadd.s32 $0x680, s12  }
0xf3: {  	[tilespmem:s23], [sflag:$0x2] =	stream.indirect.gather [hbm4b:s5+s16], $0x10, s6, s16, $0xb8;
	[tilespmem:$0x12000] =	vst v63  }
0xf4: {  	s6 =	sadd.s32 $0x700, s12  }
0xf5: {  	[tilespmem:s25], [sflag:$0x2] =	stream.indirect.gather [hbm4b:s5+s16], $0x10, s6, s16, $0xb8;
	[tilespmem:$0x12000] =	vst v63  }
0xf6: {  	s6 =	sadd.s32 $0x780, s12  }
0xf7: {  	[tilespmem:s28], [sflag:$0x2] =	stream.indirect.gather [hbm4b:s5+s16], $0x10, s6, s16, $0xb8;
	[tilespmem:$0x12000] =	vst v63  }
0xf8: {  	_ =	swait.ge [sflag:s30], $0x800  }
0xf9: {  	[sflag:s30] =	ssyncset.done $0x0  }
0xfa: {  	[sflag:s30] =	ssyncadd.s32 $0xFFFFF800  }
0xfb: {  	_ =	swait.ge [sflag:s30], $0x800  }
0xfc: {  	[sflag:s30] =	ssyncset.done $0x0  }
0xfd: {  	[sflag:s30] =	ssyncadd.s32 $0xFFFFF800  }
0xfe: {  	_ =	swait.ge [sflag:s30], $0x800  }
0xff: {  	[sflag:s30] =	ssyncset.done $0x0  }
0x100: {  	[sflag:s30] =	ssyncadd.s32 $0xFFFFF800  }
0x101: {  	_ =	swait.ge [sflag:s30], $0x800  }
0x102: {  	[sflag:s30] =	ssyncset.done $0x0  }
0x103: {  	[sflag:s30] =	ssyncadd.s32 $0xFFFFF800  }
0x104: {  	_ =	swait.ge [sflag:s30], $0x800  }
0x105: {  	[sflag:s30] =	ssyncset.done $0x0  }
0x106: {  	[sflag:s30] =	ssyncadd.s32 $0xFFFFF800  }
0x107: {  	_ =	swait.ge [sflag:s30], $0x800  }
0x108: {  	[sflag:s30] =	ssyncset.done $0x0  }
0x109: {  	[sflag:s30] =	ssyncadd.s32 $0xFFFFF800  }
0x10a: {  	_ =	swait.ge [sflag:s30], $0x800  }
0x10b: {  	[sflag:s30] =	ssyncset.done $0x0  }
0x10c: {  	[sflag:s30] =	ssyncadd.s32 $0xFFFFF800  }
0x10d: {  	_ =	swait.ge [sflag:s30], $0x800  }
0x10e: {  	[sflag:s30] =	ssyncset.done $0x0  }
0x10f: {  	s6 =	sadd.s32 $0x2800, s12;
	[sflag:s30] =	ssyncadd.s32 $0xFFFFF800  }
0x110: {  	[spmem:s3] =	stream.indirect.scatter.add.f32 [tilespmem:s18], [sflag:$0x3], $0x10, s6, s16, $0xb8;
	[tilespmem:$0x12000] =	vst v63  }
0x111: {  	s6 =	sadd.s32 $0x2880, s12  }
0x112: {  	[spmem:s3] =	stream.indirect.scatter.add.f32 [tilespmem:s20], [sflag:$0x3], $0x10, s6, s16, $0xb8;
	[tilespmem:$0x12000] =	vst v63  }
0x113: {  	s6 =	sadd.s32 $0x2900, s12  }
0x114: {  	[spmem:s3] =	stream.indirect.scatter.add.f32 [tilespmem:s22], [sflag:$0x3], $0x10, s6, s16, $0xb8;
	[tilespmem:$0x12000] =	vst v63  }
0x115: {  	s6 =	sadd.s32 $0x2980, s12  }
0x116: {  	[spmem:s3] =	stream.indirect.scatter.add.f32 [tilespmem:s24], [sflag:$0x3], $0x10, s6, s16, $0xb8;
	[tilespmem:$0x12000] =	vst v63  }
0x117: {  	s6 =	sadd.s32 $0x2A00, s12  }
0x118: {  	[spmem:s3] =	stream.indirect.scatter.add.f32 [tilespmem:s26], [sflag:$0x3], $0x10, s6, s16, $0xb8;
	[tilespmem:$0x12000] =	vst v63  }
0x119: {  	s6 =	sadd.s32 $0x2A80, s12  }
0x11a: {  	[spmem:s3] =	stream.indirect.scatter.add.f32 [tilespmem:s29], [sflag:$0x3], $0x10, s6, s16, $0xb8;
	[tilespmem:$0x12000] =	vst v63  }
0x11b: {  	s6 =	sadd.s32 $0x2B00, s12  }
0x11c: {  	[spmem:s3] =	stream.indirect.scatter.add.f32 [tilespmem:s31], [sflag:$0x3], $0x10, s6, s16, $0xb8;
	[tilespmem:$0x12000] =	vst v63  }
0x11d: {  	s8 =	simm.s32 $0x8800;
	s6 =	sadd.s32 $0x2B80, s12  }
0x11e: {  	[spmem:s3] =	stream.indirect.scatter.add.f32 [tilespmem:s8], [sflag:$0x3], $0x10, s6, s16, $0xb8;
	[tilespmem:$0x12000] =	vst v63  }
0x11f: {  	_ =	swait.ge [sflag:s9], $0x800  }
0x120: {  	[sflag:s9] =	ssyncset.done $0x0  }
0x121: {  	[sflag:s9] =	ssyncadd.s32 $0xFFFFF800  }
0x122: {  	_ =	swait.ge [sflag:s9], $0x800  }
0x123: {  	[sflag:s9] =	ssyncset.done $0x0  }
0x124: {  	[sflag:s9] =	ssyncadd.s32 $0xFFFFF800  }
0x125: {  	_ =	swait.ge [sflag:s9], $0x800  }
0x126: {  	[sflag:s9] =	ssyncset.done $0x0  }
0x127: {  	[sflag:s9] =	ssyncadd.s32 $0xFFFFF800  }
0x128: {  	_ =	swait.ge [sflag:s9], $0x800  }
0x129: {  	[sflag:s9] =	ssyncset.done $0x0  }
0x12a: {  	[sflag:s9] =	ssyncadd.s32 $0xFFFFF800  }
0x12b: {  	_ =	swait.ge [sflag:s9], $0x800  }
0x12c: {  	[sflag:s9] =	ssyncset.done $0x0  }
0x12d: {  	[sflag:s9] =	ssyncadd.s32 $0xFFFFF800  }
0x12e: {  	_ =	swait.ge [sflag:s9], $0x800  }
0x12f: {  	[sflag:s9] =	ssyncset.done $0x0  }
0x130: {  	[sflag:s9] =	ssyncadd.s32 $0xFFFFF800  }
0x131: {  	_ =	swait.ge [sflag:s9], $0x800  }
0x132: {  	[sflag:s9] =	ssyncset.done $0x0  }
0x133: {  	[sflag:s9] =	ssyncadd.s32 $0xFFFFF800  }
0x134: {  	p2 =	seq.s32 s13, $0x8000;
	_ =	swait.ge [sflag:s9], $0x800  }
0x135: {  	s6 =	sshra.s32 @!p2 s13, $0x2;
	s13 =	simm.s32 @!p2 $0x5000;
	[sflag:s9] =	ssyncset.done $0x0  }
0x136: {  	s14 =	simm.s32 @!p2 $0x80;
	s8 =	sadd.s32 @!p2 $0x800, s6;
	[sflag:s9] =	ssyncadd.s32 $0xFFFFF800  }
0x137: {  	[tilespmem:s13], [sflag:$0x1] =	stream.indirect.gather @!p2 [hbm4b:s5+s14], $0x10, s8, s14, $0xb8;
	[tilespmem:$0x12000] =	vst v63  }
0x138: {  	s15 =	sadd.s32 @!p2 $0x900, s6;
	s8 =	sadd.s32 @!p2 $0x880, s6;
	s13 =	simm.s32 @!p2 $0x5800  }
0x139: {  	[tilespmem:s13], [sflag:$0x1] =	stream.indirect.gather @!p2 [hbm4b:s5+s14], $0x10, s8, s14, $0xb8;
	[tilespmem:$0x12000] =	vst v63  }
0x13a: {  	s11 =	sadd.s32 @!p2 $0xA00, s6;
	s8 =	simm.s32 @!p2 $0x6000;
	s13 =	sadd.s32 @!p2 $0x980, s6  }
0x13b: {  	[tilespmem:s8], [sflag:$0x1] =	stream.indirect.gather @!p2 [hbm4b:s5+s14], $0x10, s15, s14, $0xb8;
	[tilespmem:$0x12000] =	vst v63  }
0x13c: {  	s17 =	sadd.s32 @!p2 $0xB00, s6;
	s8 =	simm.s32 @!p2 $0x6800;
	s15 =	sadd.s32 @!p2 $0xA80, s6  }
0x13d: {  	[tilespmem:s8], [sflag:$0x1] =	stream.indirect.gather @!p2 [hbm4b:s5+s14], $0x10, s13, s14, $0xb8;
	[tilespmem:$0x12000] =	vst v63  }
0x13e: {  	s6 =	sadd.s32 @!p2 $0xB80, s6;
	s8 =	simm.s32 @!p2 $0x7000;
	s13 =	smov.u32 s4  }
0x13f: {  	[tilespmem:s8], [sflag:$0x1] =	stream.indirect.gather @!p2 [hbm4b:s5+s14], $0x10, s11, s14, $0xb8;
	[tilespmem:$0x12000] =	vst v63  }
0x140: {  	s4 =	simm.s32 @!p2 $0x7800  }
0x141: {  	[tilespmem:s4], [sflag:$0x1] =	stream.indirect.gather @!p2 [hbm4b:s5+s14], $0x10, s15, s14, $0xb8;
	[tilespmem:$0x12000] =	vst v63  }
0x142: {  	s4 =	simm.s32 @!p2 $0x8000  }
0x143: {  	[tilespmem:s4], [sflag:$0x1] =	stream.indirect.gather @!p2 [hbm4b:s5+s14], $0x10, s17, s14, $0xb8;
	[tilespmem:$0x12000] =	vst v63  }
0x144: {  	s4 =	simm.s32 @!p2 $0x8800  }
0x145: {  	[tilespmem:s4], [sflag:$0x1] =	stream.indirect.gather @!p2 [hbm4b:s5+s14], $0x10, s6, s14, $0xb8;
	[tilespmem:$0x12000] =	vst v63  }
0x146: {  	_ =	swait.ge [sflag:s10], $0x800  }
0x147: {  	[sflag:s10] =	ssyncset.done $0x0  }
0x148: {  	[sflag:s10] =	ssyncadd.s32 $0xFFFFF800  }
0x149: {  	_ =	swait.ge [sflag:s10], $0x800  }
0x14a: {  	[sflag:s10] =	ssyncset.done $0x0  }
0x14b: {  	[sflag:s10] =	ssyncadd.s32 $0xFFFFF800  }
0x14c: {  	_ =	swait.ge [sflag:s10], $0x800  }
0x14d: {  	[sflag:s10] =	ssyncset.done $0x0  }
0x14e: {  	[sflag:s10] =	ssyncadd.s32 $0xFFFFF800  }
0x14f: {  	_ =	swait.ge [sflag:s10], $0x800  }
0x150: {  	[sflag:s10] =	ssyncset.done $0x0  }
0x151: {  	[sflag:s10] =	ssyncadd.s32 $0xFFFFF800  }
0x152: {  	_ =	swait.ge [sflag:s10], $0x800  }
0x153: {  	[sflag:s10] =	ssyncset.done $0x0  }
0x154: {  	[sflag:s10] =	ssyncadd.s32 $0xFFFFF800  }
0x155: {  	_ =	swait.ge [sflag:s10], $0x800  }
0x156: {  	[sflag:s10] =	ssyncset.done $0x0  }
0x157: {  	[sflag:s10] =	ssyncadd.s32 $0xFFFFF800  }
0x158: {  	_ =	swait.ge [sflag:s10], $0x800  }
0x159: {  	[sflag:s10] =	ssyncset.done $0x0  }
0x15a: {  	[sflag:s10] =	ssyncadd.s32 $0xFFFFF800  }
0x15b: {  	_ =	swait.ge [sflag:s10], $0x800  }
0x15c: {  	[sflag:s10] =	ssyncset.done $0x0  }
0x15d: {  	s4 =	sadd.s32 $0x2C00, s12;
	[sflag:s10] =	ssyncadd.s32 $0xFFFFF800  }
0x15e: {  	[spmem:s3] =	stream.indirect.scatter.add.f32 [tilespmem:s0], [sflag:$0x3], $0x10, s4, s16, $0xb8;
	[tilespmem:$0x12000] =	vst v63  }
0x15f: {  	s4 =	sadd.s32 $0x2C80, s12  }
0x160: {  	[spmem:s3] =	stream.indirect.scatter.add.f32 [tilespmem:s2], [sflag:$0x3], $0x10, s4, s16, $0xb8;
	[tilespmem:$0x12000] =	vst v63  }
0x161: {  	s4 =	sadd.s32 $0x2D00, s12  }
0x162: {  	[spmem:s3] =	stream.indirect.scatter.add.f32 [tilespmem:s1], [sflag:$0x3], $0x10, s4, s16, $0xb8;
	[tilespmem:$0x12000] =	vst v63  }
0x163: {  	s4 =	sadd.s32 $0x2D80, s12  }
0x164: {  	[spmem:s3] =	stream.indirect.scatter.add.f32 [tilespmem:s19], [sflag:$0x3], $0x10, s4, s16, $0xb8;
	[tilespmem:$0x12000] =	vst v63  }
0x165: {  	s4 =	sadd.s32 $0x2E00, s12  }
0x166: {  	[spmem:s3] =	stream.indirect.scatter.add.f32 [tilespmem:s21], [sflag:$0x3], $0x10, s4, s16, $0xb8;
	[tilespmem:$0x12000] =	vst v63  }
0x167: {  	s4 =	sadd.s32 $0x2E80, s12  }
0x168: {  	[spmem:s3] =	stream.indirect.scatter.add.f32 [tilespmem:s23], [sflag:$0x3], $0x10, s4, s16, $0xb8;
	[tilespmem:$0x12000] =	vst v63  }
0x169: {  	s4 =	sadd.s32 $0x2F00, s12  }
0x16a: {  	[spmem:s3] =	stream.indirect.scatter.add.f32 [tilespmem:s25], [sflag:$0x3], $0x10, s4, s16, $0xb8;
	[tilespmem:$0x12000] =	vst v63  }
0x16b: {  	s4 =	sadd.s32 $0x2F80, s12  }
0x16c: {  	[spmem:s3] =	stream.indirect.scatter.add.f32 [tilespmem:s28], [sflag:$0x3], $0x10, s4, s16, $0xb8;
	[tilespmem:$0x12000] =	vst v63  }
0x16d: {  	_ =	swait.ge [sflag:s9], $0x800  }
0x16e: {  	[sflag:s9] =	ssyncset.done $0x0  }
0x16f: {  	[sflag:s9] =	ssyncadd.s32 $0xFFFFF800  }
0x170: {  	_ =	swait.ge [sflag:s9], $0x800  }
0x171: {  	[sflag:s9] =	ssyncset.done $0x0  }
0x172: {  	[sflag:s9] =	ssyncadd.s32 $0xFFFFF800  }
0x173: {  	_ =	swait.ge [sflag:s9], $0x800  }
0x174: {  	[sflag:s9] =	ssyncset.done $0x0  }
0x175: {  	[sflag:s9] =	ssyncadd.s32 $0xFFFFF800  }
0x176: {  	_ =	swait.ge [sflag:s9], $0x800  }
0x177: {  	[sflag:s9] =	ssyncset.done $0x0  }
0x178: {  	[sflag:s9] =	ssyncadd.s32 $0xFFFFF800  }
0x179: {  	_ =	swait.ge [sflag:s9], $0x800  }
0x17a: {  	[sflag:s9] =	ssyncset.done $0x0  }
0x17b: {  	[sflag:s9] =	ssyncadd.s32 $0xFFFFF800  }
0x17c: {  	_ =	swait.ge [sflag:s9], $0x800  }
0x17d: {  	[sflag:s9] =	ssyncset.done $0x0  }
0x17e: {  	[sflag:s9] =	ssyncadd.s32 $0xFFFFF800  }
.Ltmp0:
0x17f: {  	_ =	swait.ge [sflag:s9], $0x800;
	(pc) =	sbr.rel @p1 .LBB2_2-.Ltmp0, $4  }
0x180: {  	[sflag:s9] =	ssyncset.done $0x0  }
0x181: {  	[sflag:s9] =	ssyncadd.s32 $0xFFFFF800  }
0x182: {  	_ =	swait.ge [sflag:s9], $0x800  }
0x183: {  	s12 =	sshra.s32 s13, $0x2;
	[sflag:s9] =	ssyncset.done $0x0  }
0x184: {  	s4 =	sadd.s32 $0x400, s12;
	[sflag:s9] =	ssyncadd.s32 $0xFFFFF800  }
0x185: {  	[tilespmem:s0], [sflag:$0x2] =	stream.indirect.gather [hbm4b:s5+s16], $0x10, s4, s16, $0xb8;
	[tilespmem:$0x12000] =	vst v63  }
0x186: {  	s11 =	sadd.s32 $0x480, s12  }
0x187: {  	[tilespmem:s2], [sflag:$0x2] =	stream.indirect.gather [hbm4b:s5+s16], $0x10, s11, s16, $0xb8;
	[tilespmem:$0x12000] =	vst v63  }
0x188: {  	s14 =	sadd.s32 $0x500, s12  }
0x189: {  	[tilespmem:s1], [sflag:$0x2] =	stream.indirect.gather [hbm4b:s5+s16], $0x10, s14, s16, $0xb8;
	[tilespmem:$0x12000] =	vst v63  }
0x18a: {  	s15 =	sadd.s32 $0x580, s12  }
0x18b: {  	[tilespmem:s19], [sflag:$0x2] =	stream.indirect.gather [hbm4b:s5+s16], $0x10, s15, s16, $0xb8;
	[tilespmem:$0x12000] =	vst v63  }
0x18c: {  	s17 =	sadd.s32 $0x600, s12  }
0x18d: {  	[tilespmem:s21], [sflag:$0x2] =	stream.indirect.gather [hbm4b:s5+s16], $0x10, s17, s16, $0xb8;
	[tilespmem:$0x12000] =	vst v63  }
0x18e: {  	s6 =	sadd.s32 $0x680, s12  }
0x18f: {  	[tilespmem:s23], [sflag:$0x2] =	stream.indirect.gather [hbm4b:s5+s16], $0x10, s6, s16, $0xb8;
	[tilespmem:$0x12000] =	vst v63  }
0x190: {  	s7 =	sadd.s32 $0x700, s12  }
0x191: {  	[tilespmem:s25], [sflag:$0x2] =	stream.indirect.gather [hbm4b:s5+s16], $0x10, s7, s16, $0xb8;
	[tilespmem:$0x12000] =	vst v63  }
0x192: {  	s8 =	sadd.s32 $0x780, s12  }
0x193: {  	[tilespmem:s28], [sflag:$0x2] =	stream.indirect.gather [hbm4b:s5+s16], $0x10, s8, s16, $0xb8;
	[tilespmem:$0x12000] =	vst v63  }
0x194: {  	_ =	swait.ge [sflag:s30], $0x800  }
0x195: {  	[sflag:s30] =	ssyncset.done $0x0  }
0x196: {  	[sflag:s30] =	ssyncadd.s32 $0xFFFFF800  }
0x197: {  	_ =	swait.ge [sflag:s30], $0x800  }
0x198: {  	[sflag:s30] =	ssyncset.done $0x0  }
0x199: {  	[sflag:s30] =	ssyncadd.s32 $0xFFFFF800  }
0x19a: {  	_ =	swait.ge [sflag:s30], $0x800  }
0x19b: {  	[sflag:s30] =	ssyncset.done $0x0  }
0x19c: {  	[sflag:s30] =	ssyncadd.s32 $0xFFFFF800  }
0x19d: {  	_ =	swait.ge [sflag:s30], $0x800  }
0x19e: {  	[sflag:s30] =	ssyncset.done $0x0  }
0x19f: {  	[sflag:s30] =	ssyncadd.s32 $0xFFFFF800  }
0x1a0: {  	_ =	swait.ge [sflag:s30], $0x800  }
0x1a1: {  	[sflag:s30] =	ssyncset.done $0x0  }
0x1a2: {  	[sflag:s30] =	ssyncadd.s32 $0xFFFFF800  }
0x1a3: {  	_ =	swait.ge [sflag:s30], $0x800  }
0x1a4: {  	[sflag:s30] =	ssyncset.done $0x0  }
0x1a5: {  	[sflag:s30] =	ssyncadd.s32 $0xFFFFF800  }
0x1a6: {  	_ =	swait.ge [sflag:s30], $0x800  }
0x1a7: {  	[sflag:s30] =	ssyncset.done $0x0  }
0x1a8: {  	[sflag:s30] =	ssyncadd.s32 $0xFFFFF800  }
0x1a9: {  	_ =	swait.ge [sflag:s30], $0x800  }
0x1aa: {  	[sflag:s30] =	ssyncset.done $0x0  }
0x1ab: {  	s11 =	sadd.s32 $0x2800, s12;
	[sflag:s30] =	ssyncadd.s32 $0xFFFFF800  }
0x1ac: {  	[spmem:s3] =	stream.indirect.scatter.add.f32 [tilespmem:s18], [sflag:$0x3], $0x10, s11, s16, $0xb8;
	[tilespmem:$0x12000] =	vst v63  }
0x1ad: {  	s14 =	sadd.s32 $0x2880, s12  }
0x1ae: {  	[spmem:s3] =	stream.indirect.scatter.add.f32 [tilespmem:s20], [sflag:$0x3], $0x10, s14, s16, $0xb8;
	[tilespmem:$0x12000] =	vst v63  }
0x1af: {  	s15 =	sadd.s32 $0x2900, s12  }
0x1b0: {  	[spmem:s3] =	stream.indirect.scatter.add.f32 [tilespmem:s22], [sflag:$0x3], $0x10, s15, s16, $0xb8;
	[tilespmem:$0x12000] =	vst v63  }
0x1b1: {  	s17 =	sadd.s32 $0x2980, s12  }
0x1b2: {  	[spmem:s3] =	stream.indirect.scatter.add.f32 [tilespmem:s24], [sflag:$0x3], $0x10, s17, s16, $0xb8;
	[tilespmem:$0x12000] =	vst v63  }
0x1b3: {  	s6 =	sadd.s32 $0x2A00, s12  }
0x1b4: {  	[spmem:s3] =	stream.indirect.scatter.add.f32 [tilespmem:s26], [sflag:$0x3], $0x10, s6, s16, $0xb8;
	[tilespmem:$0x12000] =	vst v63  }
0x1b5: {  	s7 =	sadd.s32 $0x2A80, s12  }
0x1b6: {  	[spmem:s3] =	stream.indirect.scatter.add.f32 [tilespmem:s29], [sflag:$0x3], $0x10, s7, s16, $0xb8;
	[tilespmem:$0x12000] =	vst v63  }
0x1b7: {  	s8 =	sadd.s32 $0x2B00, s12  }
0x1b8: {  	[spmem:s3] =	stream.indirect.scatter.add.f32 [tilespmem:s31], [sflag:$0x3], $0x10, s8, s16, $0xb8;
	[tilespmem:$0x12000] =	vst v63  }
0x1b9: {  	s11 =	sadd.s32 $0x2B80, s12;
	s6 =	simm.s32 $0x8800  }
0x1ba: {  	[spmem:s3] =	stream.indirect.scatter.add.f32 [tilespmem:s6], [sflag:$0x3], $0x10, s11, s16, $0xb8;
	[tilespmem:$0x12000] =	vst v63  }
0x1bb: {  	_ =	swait.ge [sflag:s9], $0x800  }
0x1bc: {  	[sflag:s9] =	ssyncset.done $0x0  }
0x1bd: {  	[sflag:s9] =	ssyncadd.s32 $0xFFFFF800  }
0x1be: {  	_ =	swait.ge [sflag:s9], $0x800  }
0x1bf: {  	[sflag:s9] =	ssyncset.done $0x0  }
0x1c0: {  	[sflag:s9] =	ssyncadd.s32 $0xFFFFF800  }
0x1c1: {  	_ =	swait.ge [sflag:s9], $0x800  }
0x1c2: {  	[sflag:s9] =	ssyncset.done $0x0  }
0x1c3: {  	[sflag:s9] =	ssyncadd.s32 $0xFFFFF800  }
0x1c4: {  	_ =	swait.ge [sflag:s9], $0x800  }
0x1c5: {  	[sflag:s9] =	ssyncset.done $0x0  }
0x1c6: {  	[sflag:s9] =	ssyncadd.s32 $0xFFFFF800  }
0x1c7: {  	_ =	swait.ge [sflag:s9], $0x800  }
0x1c8: {  	[sflag:s9] =	ssyncset.done $0x0  }
0x1c9: {  	[sflag:s9] =	ssyncadd.s32 $0xFFFFF800  }
0x1ca: {  	_ =	swait.ge [sflag:s9], $0x800  }
0x1cb: {  	[sflag:s9] =	ssyncset.done $0x0  }
0x1cc: {  	[sflag:s9] =	ssyncadd.s32 $0xFFFFF800  }
0x1cd: {  	_ =	swait.ge [sflag:s9], $0x800  }
0x1ce: {  	[sflag:s9] =	ssyncset.done $0x0  }
0x1cf: {  	p1 =	seq.s32 s13, $0x8000;
	[sflag:s9] =	ssyncadd.s32 $0xFFFFF800  }
0x1d0: {  	s4 =	sshra.s32 @!p1 s13, $0x2;
	_ =	swait.ge [sflag:s9], $0x800  }
0x1d1: {  	s7 =	sadd.s32 @!p1 $0x800, s4;
	[sflag:s9] =	ssyncset.done $0x0  }
0x1d2: {  	s8 =	simm.s32 @!p1 $0x80;
	s6 =	simm.s32 @!p1 $0x5000;
	[sflag:s9] =	ssyncadd.s32 $0xFFFFF800  }
0x1d3: {  	[tilespmem:s6], [sflag:$0x1] =	stream.indirect.gather @!p1 [hbm4b:s5+s8], $0x10, s7, s8, $0xb8;
	[tilespmem:$0x12000] =	vst v63  }
0x1d4: {  	s6 =	sadd.s32 @!p1 $0x880, s4;
	s7 =	simm.s32 @!p1 $0x5800  }
0x1d5: {  	[tilespmem:s7], [sflag:$0x1] =	stream.indirect.gather @!p1 [hbm4b:s5+s8], $0x10, s6, s8, $0xb8;
	[tilespmem:$0x12000] =	vst v63  }
0x1d6: {  	s6 =	sadd.s32 @!p1 $0x900, s4;
	s7 =	simm.s32 @!p1 $0x6000  }
0x1d7: {  	[tilespmem:s7], [sflag:$0x1] =	stream.indirect.gather @!p1 [hbm4b:s5+s8], $0x10, s6, s8, $0xb8;
	[tilespmem:$0x12000] =	vst v63  }
0x1d8: {  	s6 =	sadd.s32 @!p1 $0x980, s4;
	s7 =	simm.s32 @!p1 $0x6800  }
0x1d9: {  	[tilespmem:s7], [sflag:$0x1] =	stream.indirect.gather @!p1 [hbm4b:s5+s8], $0x10, s6, s8, $0xb8;
	[tilespmem:$0x12000] =	vst v63  }
0x1da: {  	s6 =	sadd.s32 @!p1 $0xA00, s4;
	s7 =	simm.s32 @!p1 $0x7000  }
0x1db: {  	[tilespmem:s7], [sflag:$0x1] =	stream.indirect.gather @!p1 [hbm4b:s5+s8], $0x10, s6, s8, $0xb8;
	[tilespmem:$0x12000] =	vst v63  }
0x1dc: {  	s6 =	sadd.s32 @!p1 $0xA80, s4;
	s7 =	simm.s32 @!p1 $0x7800  }
0x1dd: {  	[tilespmem:s7], [sflag:$0x1] =	stream.indirect.gather @!p1 [hbm4b:s5+s8], $0x10, s6, s8, $0xb8;
	[tilespmem:$0x12000] =	vst v63  }
0x1de: {  	s6 =	sadd.s32 @!p1 $0xB00, s4;
	s7 =	simm.s32 @!p1 $0x8000  }
0x1df: {  	[tilespmem:s7], [sflag:$0x1] =	stream.indirect.gather @!p1 [hbm4b:s5+s8], $0x10, s6, s8, $0xb8;
	[tilespmem:$0x12000] =	vst v63  }
0x1e0: {  	s4 =	sadd.s32 @!p1 $0xB80, s4;
	s6 =	simm.s32 @!p1 $0x8800  }
0x1e1: {  	[tilespmem:s6], [sflag:$0x1] =	stream.indirect.gather @!p1 [hbm4b:s5+s8], $0x10, s4, s8, $0xb8;
	[tilespmem:$0x12000] =	vst v63  }
0x1e2: {  	_ =	swait.ge [sflag:s10], $0x800  }
0x1e3: {  	[sflag:s10] =	ssyncset.done $0x0  }
0x1e4: {  	[sflag:s10] =	ssyncadd.s32 $0xFFFFF800  }
0x1e5: {  	_ =	swait.ge [sflag:s10], $0x800  }
0x1e6: {  	[sflag:s10] =	ssyncset.done $0x0  }
0x1e7: {  	[sflag:s10] =	ssyncadd.s32 $0xFFFFF800  }
0x1e8: {  	_ =	swait.ge [sflag:s10], $0x800  }
0x1e9: {  	[sflag:s10] =	ssyncset.done $0x0  }
0x1ea: {  	[sflag:s10] =	ssyncadd.s32 $0xFFFFF800  }
0x1eb: {  	_ =	swait.ge [sflag:s10], $0x800  }
0x1ec: {  	[sflag:s10] =	ssyncset.done $0x0  }
0x1ed: {  	[sflag:s10] =	ssyncadd.s32 $0xFFFFF800  }
0x1ee: {  	_ =	swait.ge [sflag:s10], $0x800  }
0x1ef: {  	[sflag:s10] =	ssyncset.done $0x0  }
0x1f0: {  	[sflag:s10] =	ssyncadd.s32 $0xFFFFF800  }
0x1f1: {  	_ =	swait.ge [sflag:s10], $0x800  }
0x1f2: {  	[sflag:s10] =	ssyncset.done $0x0  }
0x1f3: {  	[sflag:s10] =	ssyncadd.s32 $0xFFFFF800  }
0x1f4: {  	_ =	swait.ge [sflag:s10], $0x800  }
0x1f5: {  	[sflag:s10] =	ssyncset.done $0x0  }
0x1f6: {  	[sflag:s10] =	ssyncadd.s32 $0xFFFFF800  }
0x1f7: {  	_ =	swait.ge [sflag:s10], $0x800  }
0x1f8: {  	[sflag:s10] =	ssyncset.done $0x0  }
0x1f9: {  	s14 =	sadd.s32 $0x2C00, s12;
	[sflag:s10] =	ssyncadd.s32 $0xFFFFF800  }
0x1fa: {  	[spmem:s3] =	stream.indirect.scatter.add.f32 [tilespmem:s0], [sflag:$0x3], $0x10, s14, s16, $0xb8;
	[tilespmem:$0x12000] =	vst v63  }
0x1fb: {  	s15 =	sadd.s32 $0x2C80, s12  }
0x1fc: {  	[spmem:s3] =	stream.indirect.scatter.add.f32 [tilespmem:s2], [sflag:$0x3], $0x10, s15, s16, $0xb8;
	[tilespmem:$0x12000] =	vst v63  }
0x1fd: {  	s17 =	sadd.s32 $0x2D00, s12  }
0x1fe: {  	[spmem:s3] =	stream.indirect.scatter.add.f32 [tilespmem:s1], [sflag:$0x3], $0x10, s17, s16, $0xb8;
	[tilespmem:$0x12000] =	vst v63  }
0x1ff: {  	s6 =	sadd.s32 $0x2D80, s12  }
0x200: {  	[spmem:s3] =	stream.indirect.scatter.add.f32 [tilespmem:s19], [sflag:$0x3], $0x10, s6, s16, $0xb8;
	[tilespmem:$0x12000] =	vst v63  }
0x201: {  	s7 =	sadd.s32 $0x2E00, s12  }
0x202: {  	[spmem:s3] =	stream.indirect.scatter.add.f32 [tilespmem:s21], [sflag:$0x3], $0x10, s7, s16, $0xb8;
	[tilespmem:$0x12000] =	vst v63  }
0x203: {  	s8 =	sadd.s32 $0x2E80, s12  }
0x204: {  	[spmem:s3] =	stream.indirect.scatter.add.f32 [tilespmem:s23], [sflag:$0x3], $0x10, s8, s16, $0xb8;
	[tilespmem:$0x12000] =	vst v63  }
0x205: {  	s11 =	sadd.s32 $0x2F00, s12  }
0x206: {  	[spmem:s3] =	stream.indirect.scatter.add.f32 [tilespmem:s25], [sflag:$0x3], $0x10, s11, s16, $0xb8;
	[tilespmem:$0x12000] =	vst v63  }
0x207: {  	s13 =	sadd.s32 $0x2F80, s12  }
0x208: {  	[spmem:s3] =	stream.indirect.scatter.add.f32 [tilespmem:s28], [sflag:$0x3], $0x10, s13, s16, $0xb8;
	[tilespmem:$0x12000] =	vst v63  }
0x209: {  	_ =	swait.ge [sflag:s9], $0x800  }
0x20a: {  	[sflag:s9] =	ssyncset.done $0x0  }
0x20b: {  	[sflag:s9] =	ssyncadd.s32 $0xFFFFF800  }
0x20c: {  	_ =	swait.ge [sflag:s9], $0x800  }
0x20d: {  	[sflag:s9] =	ssyncset.done $0x0  }
0x20e: {  	[sflag:s9] =	ssyncadd.s32 $0xFFFFF800  }
0x20f: {  	_ =	swait.ge [sflag:s9], $0x800  }
0x210: {  	[sflag:s9] =	ssyncset.done $0x0  }
0x211: {  	[sflag:s9] =	ssyncadd.s32 $0xFFFFF800  }
0x212: {  	_ =	swait.ge [sflag:s9], $0x800  }
0x213: {  	[sflag:s9] =	ssyncset.done $0x0  }
0x214: {  	[sflag:s9] =	ssyncadd.s32 $0xFFFFF800  }
0x215: {  	_ =	swait.ge [sflag:s9], $0x800  }
0x216: {  	[sflag:s9] =	ssyncset.done $0x0  }
0x217: {  	[sflag:s9] =	ssyncadd.s32 $0xFFFFF800  }
0x218: {  	_ =	swait.ge [sflag:s9], $0x800  }
0x219: {  	[sflag:s9] =	ssyncset.done $0x0  }
0x21a: {  	[sflag:s9] =	ssyncadd.s32 $0xFFFFF800  }
0x21b: {  	_ =	swait.ge [sflag:s9], $0x800  }
0x21c: {  	[sflag:s9] =	ssyncset.done $0x0  }
0x21d: {  	[sflag:s9] =	ssyncadd.s32 $0xFFFFF800  }
0x21e: {  	_ =	swait.ge [sflag:s9], $0x800  }
0x21f: {  	[sflag:s9] =	ssyncset.done $0x0  }
0x220: {  	[sflag:s9] =	ssyncadd.s32 $0xFFFFF800  }
0x221: {  	[bflag:$0x0] =	sbarrier.arrive $0xFFFF  }
0x222: {  	s6 =	simm.s32 $0xD000;
	s7 =	simm.s32 $0x4;
	s8 =	rddreg [dreg:$0x7]  }
0x223: {  	[tilespmem:s6], [sflag:$0x4] =	stream.linear.gather [spmem:s8], $0x2800, $0x38;
	[tilespmem:$0x12000] =	vst v63  }
0x224: {  	_ =	swait.ge [sflag:s7], $0x2800  }
0x225: {  	[sflag:s7] =	ssyncset.done $0x0  }
0x226: {  	s11 =	simm.s32 $0x0;
	s14 =	rddreg [dreg:$0xb];
	[sflag:s7] =	ssyncadd.s32 $0xFFFFD800  }
0x227: {  	[hbm4b:s14+s11] =	stream.linear.scatter [tilespmem:s6], [sflag:$0x4], $0x2800, $0x38;
	[tilespmem:$0x12000] =	vst v63  }
0x228: {  	_ =	swait.ge [sflag:s7], $0x2800  }
0x229: {  	s15 =	rddreg [dreg:$0xd]  }
0x22a: {  	s17 =	rddreg [dreg:$0xc];
	s12 =	sadd.s32 $0x1, s15  }
0x22b: {  	p1 =	sne.s32 s12, s17  }
.Ltmp1:
0x22c: {  	_ = 	snop;
	(pc) =	sbr.rel @p1 .LBB2_1-.Ltmp1, $3  }
0x22d: {  	_ =	sdelay $0x1  }
0x22e: {  	[sflag:s7] =	ssyncset.done $0x0  }
0x22f: {  	[sflag:s7] =	ssyncadd.s32 $0xFFFFD800  }
0x230: {  	_ =	sfence.sel $0x180000  }
0x231: {  	[bflag:$0x0] =	sbarrier.arrive $0xFFFF  }
0x232: {  	_ =	strace $0x9000004D  }
0x233: {  	s0 =	stileid.u32;
	[bflag:$0x2] =	sbarrier.arrive $0xFFFF  }
0x234: {  	p0 =	sne.s32 s0, $0x0;
	s0 =	rddreg [dreg:$0x4]  }
0x235: {  	s0 =	sadd.s32 @!p0 $0x100000, s0  }
0x236: {  	[sflag:s0] =	ssyncadd.tile.s32 @!p0 $0x1;
	_ =	shalt  }
.Lfunc_end2:
_tile_overlayer_lowered:
.L_overlay_start_2:
0x237: {  	(tag) =	ssettag $0x2  }
0x238: {  	s0 =	rddreg [dreg:$0x0];
	s2 =	stileid.u32  }
0x239: {  	s1 =	rddreg [dreg:$0x1];
	p0 =	sne.s32 s2, $0x0  }
0x23a: {  	s3 =	rddreg [dreg:$0x2];
	[bflag:$0x3] =	sbarrier.arrive $0xFFFF;
	s2 =	simm.s32 @!p0 $0x1C04  }
0x23b: {  	[timem:s3], [sflag:s2] =	dma.local @!p0 [hbm:s0], s1  }
0x23c: {  	s0 =	simm.s32 @!p0 $0x4  }
0x23d: {  	_ =	swait.ge @!p0 [sflag:s0], s1  }
0x23e: {  	s1 =	ssub.s32 @!p0 $0x0, s1;
	[sflag:s0] =	ssyncset.done @!p0 $0x0  }
0x23f: {  	[sflag:s0] =	ssyncadd.s32 @!p0 s1  }
0x240: {  	[bflag:$0x3] =	sbarrier.arrive $0xFFFF  }
0x241: {  	_ =	shalt  }

// kernel: kernel.8.cloned.1.call-start
scs
__scs_entry_jumppad:
0x0: {  	(pc) =	sbr.rel $0x88, $3  }
0x1: {  	(tag) =	ssettag $0x0;
	lr =	simm.s32 $0x1  }
0x2: {  	[smem:$0x3F9B] =	sst lr;
	_ =	strace $0xD0000000  }
0x3: {  	_ = 	snop  }
0x4: {  	_ = 	snop  }
0x5: {  	_ = 	snop  }
0x6: {  	_ = 	snop  }
0x7: {  	_ = 	snop  }
__scs_overlays_trampoline_lowered:
0x8: {  	[smem:$0x3FAA] =	sst s0  }
0x9: {  	[smem:$0x3FAB] =	sst s1  }
0xa: {  	[smem:$0x3FAC] =	sst s2  }
0xb: {  	[smem:$0x3FAD] =	sst s3  }
0xc: {  	[smem:$0x3FAE] =	sst s4  }
0xd: {  	[smem:$0x3FAF] =	sst s5  }
0xe: {  	[smem:$0x3FB0] =	sst s6  }
0xf: {  	[smem:$0x3FB1] =	sst s7  }
0x10: {  	[smem:$0x3FB2] =	sst s8  }
0x11: {  	[smem:$0x3FB3] =	sst s9;
	s0 =	simm.s32 @!p0 $0x0  }
0x12: {  	s1 =	sld [smem:$0x3F99];
	s0 =	simm.s32 @p0 $0x1  }
0x13: {  	[smem:$0x3FB4] =	sst s0;
	s0 =	simm.s32 @!p1 $0x0  }
0x14: {  	s2 =	sld [smem:$0x3F98];
	s0 =	simm.s32 @p1 $0x1  }
0x15: {  	[smem:$0x3FB5] =	sst s0;
	s0 =	simm.s32 @!p2 $0x0  }
0x16: {  	s3 =	sld [smem:$0x3FDB];
	s0 =	simm.s32 @p2 $0x1  }
0x17: {  	s4 =	simm.s32 $0x1BF5;
	[smem:$0x3FB7] =	sst s0  }
0x18: {  	s0 =	sld [smem:$0x3F9A];
	_ =	swait.ge [sflag:s4], $0x0  }
0x19: {  	s7 =	sld [smem:$0x3F9B]  }
0x1a: {  	s8 =	sadd.s32 $0xFFFFE003, lr  }
0x1b: {  	s9 =	sadd.s32 $0xFFFFFEF7, lr;
	s5 =	simm.s32 $0xFFFFFFFF;
	p2 =	slt.u32 s8, $0xFFFFF086  }
0x1c: {  	p1 =	slt.u32 s9, $0xF7A;
	s5 =	simm.s32 @!p2 $0x0  }
0x1d: {  	s5 =	simm.s32 @p1 $0x1;
	p0 =	seq.s32 s7, s2  }
0x1e: {  	s7 =	smul.u32 @!p0 $0xF7A, s2;
	p2 =	seq.s32 @!p0 s5, $0x0  }
0x1f: {  	s9 =	smul.u32 $0xF7A, s1;
	s8 =	simm.s32 @!p0 $0x1BF5;
	p2 =	por !p2, p0  }
0x20: {  	[sflag:s8] =	ssyncset.s32 @!p0 $0xFFFFF086;
	s6 =	sadd.s32 @!p0 s3, s7;
	s7 =	simm.s32 @!p0 $0x108  }
0x21: {  	s3 =	sadd.s32 s3, s9;
	s6 =	sadd.s32 @!p0 $0x88, s6;
	s7 =	simm.s32 @p2 $0x1082  }
0x22: {  	[simem:s7], [sflag:s8] =	dma.local @!p0 [hbm:s6], $0xF7A  }
0x23: {  	s9 =	sor.u32 $0xD0000000, s2;
	s6 =	simm.s32 $0x108;
	_ =	swait.ge @!p0 [sflag:s8], $0x0  }
0x24: {  	s3 =	sadd.s32 $0x88, s3;
	s6 =	simm.s32 @!p1 $0x1082;
	[sflag:s4] =	ssyncset.s32 $0xFFFFF086  }
0x25: {  	[simem:s6], [sflag:s4] =	dma.local [hbm:s3], $0xF7A  }
0x26: {  	[smem:$0x3F9B] =	sst s1;
	(tag) =	ssettag s2;
	_ =	strace s9  }
0x27: {  	s1 =	sld [smem:$0x3FAB]  }
0x28: {  	s2 =	sld [smem:$0x3FAC]  }
0x29: {  	s4 =	sld [smem:$0x3FAE]  }
0x2a: {  	p0 =	seq.s32 s5, $0x0;
	s5 =	sld [smem:$0x3FAF]  }
0x2b: {  	s6 =	sld [smem:$0x3FB0]  }
0x2c: {  	s7 =	sld [smem:$0x3FB1]  }
0x2d: {  	s3 =	simm.s32 $0x108;
	s8 =	sld [smem:$0x3FB2]  }
0x2e: {  	s3 =	simm.s32 @!p0 $0x1082;
	s9 =	sld [smem:$0x3FB3]  }
0x2f: {  	lr =	sadd.s32 s0, s3;
	s0 =	sld [smem:$0x3FAA]  }
0x30: {  	s3 =	sld [smem:$0x3FAD]  }
0x31: {  	[smem:$0x3FB6] =	sst s10  }
0x32: {  	s10 =	sld [smem:$0x3FB4];
	_ =	sdelay $0x3  }
0x33: {  	p0 =	seq.s32 s10, $0x1;
	s10 =	sld [smem:$0x3FB6];
	_ =	sdelay $0x3  }
0x34: {  	[smem:$0x3FB6] =	sst s10  }
0x35: {  	s10 =	sld [smem:$0x3FB5];
	_ =	sdelay $0x3  }
0x36: {  	p1 =	seq.s32 s10, $0x1;
	s10 =	sld [smem:$0x3FB6];
	_ =	sdelay $0x3  }
0x37: {  	[smem:$0x3FB6] =	sst s10  }
0x38: {  	s10 =	sld [smem:$0x3FB7]  }
0x39: {  	_ = 	snop;
	(pc) =	sbr.ind lr, $3  }
0x3a: {  	_ = 	snop  }
0x3b: {  	_ = 	snop  }
0x3c: {  	p2 =	seq.s32 s10, $0x1;
	s10 =	sld [smem:$0x3FB6]  }
0x3d: {  	_ =	shalt  }
0x3e: {  	_ =	shalt  }
0x3f: {  	_ =	shalt  }
0x40: {  	_ =	shalt  }
0x41: {  	_ =	shalt  }
0x42: {  	_ =	shalt  }
0x43: {  	_ =	shalt  }
0x44: {  	_ =	shalt  }
0x45: {  	_ =	shalt  }
0x46: {  	_ =	shalt  }
0x47: {  	_ =	shalt  }
0x48: {  	_ =	shalt  }
0x49: {  	_ =	shalt  }
0x4a: {  	_ =	shalt  }
0x4b: {  	_ =	shalt  }
0x4c: {  	_ =	shalt  }
0x4d: {  	_ =	shalt  }
0x4e: {  	_ =	shalt  }
0x4f: {  	_ =	shalt  }
0x50: {  	_ =	shalt  }
0x51: {  	_ =	shalt  }
0x52: {  	_ =	shalt  }
0x53: {  	_ =	shalt  }
0x54: {  	_ =	shalt  }
0x55: {  	_ =	shalt  }
0x56: {  	_ =	shalt  }
0x57: {  	_ =	shalt  }
0x58: {  	_ =	shalt  }
0x59: {  	_ =	shalt  }
0x5a: {  	_ =	shalt  }
0x5b: {  	_ =	shalt  }
0x5c: {  	_ =	shalt  }
0x5d: {  	_ =	shalt  }
0x5e: {  	_ =	shalt  }
0x5f: {  	_ =	shalt  }
0x60: {  	_ =	shalt  }
0x61: {  	_ =	shalt  }
0x62: {  	_ =	shalt  }
0x63: {  	_ =	shalt  }
0x64: {  	_ =	shalt  }
0x65: {  	_ =	shalt  }
0x66: {  	_ =	shalt  }
0x67: {  	_ =	shalt  }
0x68: {  	_ =	shalt  }
0x69: {  	_ =	shalt  }
0x6a: {  	_ =	shalt  }
0x6b: {  	_ =	shalt  }
0x6c: {  	_ =	shalt  }
0x6d: {  	_ =	shalt  }
0x6e: {  	_ =	shalt  }
0x6f: {  	_ =	shalt  }
0x70: {  	_ =	shalt  }
0x71: {  	_ =	shalt  }
0x72: {  	_ =	shalt  }
0x73: {  	_ =	shalt  }
0x74: {  	_ =	shalt  }
0x75: {  	_ =	shalt  }
0x76: {  	_ =	shalt  }
0x77: {  	_ =	shalt  }
0x78: {  	_ =	shalt  }
0x79: {  	_ =	shalt  }
0x7a: {  	_ =	shalt  }
0x7b: {  	_ =	shalt  }
0x7c: {  	_ =	shalt  }
0x7d: {  	_ =	shalt  }
0x7e: {  	_ =	shalt  }
0x7f: {  	_ =	shalt  }
0x80: {  	_ =	shalt  }
0x81: {  	_ =	shalt  }
0x82: {  	_ =	shalt  }
0x83: {  	_ =	shalt  }
0x84: {  	_ =	shalt  }
0x85: {  	_ =	shalt  }
0x86: {  	_ =	shalt  }
0x87: {  	_ =	shalt  }
.Lfunc_end0:
.L_simem_size_0:
called_computation_lowered:
.L_overlay_start_0:
0x88: {  	s2 =	sld [smem:$0x3FD9]  }
0x89: {  	s3 =	sld [smem:$0x3FFE];
	_ =	sdelay $0x1  }
0x8a: {  	s1 =	srdreg.scid  }
0x8b: {  	s0 =	sand.u32 $0x1, s1  }
0x8c: {  	s17 =	sshll.u32 s0, $0xA;
	s2 =	sadd.s32 s3, s2  }
0x8d: {  	s2 =	sadd.s32 s2, s17  }
0x8e: {  	[smem:$0x3FC2] =	sst s2  }
0x8f: {  	_ = 	snop  }
0x90: {  	s2 =	sld [smem:$0x3FC8]  }
0x91: {  	s18 =	sld [smem:$0x3FD0];
	(tm) =	ssettm $0x1  }
0x92: {  	s4 =	sld [smem:$0x3FFB];
	_ =	sdelay $0x3  }
0x93: {  	_ =	strace s4  }
0x94: {  	s4 =	sld [smem:$0x3FFC];
	_ =	sdelay $0x3  }
0x95: {  	_ =	strace s4  }
0x96: {  	s4 =	sld [smem:$0x3FFD];
	_ =	sdelay $0x3  }
0x97: {  	_ =	strace s4  }
0x98: {  	_ =	strace $0x8FFFFFFF  }
0x99: {  	s19 =	sld [smem:$0x3FDB];
	_ =	sdelay $0x1  }
0x9a: {  	s5 =	simm.s32 $_scs_section_size  }
0x9b: {  	s6 =	simm.s32 $_size__tile_overlayer_lowered;
	s7 =	simm.s32 $_tile_overlayer_lowered  }
0x9c: {  	s22 =	simm.s32 $0x1BFF;
	s21 =	sshll.u32 s7, $0x1;
	s4 =	sadd.s32 s5, s19  }
0x9d: {  	s8 =	simm.s32 $0x0;
	s20 =	sshll.u32 s6, $0x1;
	s6 =	sadd.s32 s21, s4  }
0x9e: {  	[timem:s8], [sflag:s22] =	dma.local [hbm:s6], s20  }
0x9f: {  	_ =	swait.ge [sflag:s22], s20  }
0xa0: {  	s5 =	ssub.s32 $0x0, s20;
	[sflag:s22] =	ssyncset.done $0x0  }
0xa1: {  	[sflag:s22] =	ssyncadd.s32 s5;
	_ =	sdelay $0x1  }
0xa2: {  	s23 =	simm.s32 $0x1B8B  }
0xa3: {  	_ =	swait.ge [sflag:s23], $0x1  }
0xa4: {  	[sflag:s23] =	ssyncset.done $0x0  }
0xa5: {  	s25 =	simm.s32 $0x1B8E;
	s24 =	sld [smem:$0x3FFE];
	[sflag:s23] =	ssyncadd.s32 $0xFFFFFFFF  }
0xa6: {  	s26 =	simm.s32 $execute0_lowered;
	[smem:$0x3FD2] =	sst s25  }
0xa7: {  	s6 =	sshll.u32 s26, $0x1;
	_ =	strace $0x80000046;
	[dreg:$0x1] =	wrdreg $0xFFFFFFFF  }
0xa8: {  	s28 =	simm.s32 $_size_execute0_lowered;
	s4 =	sadd.s32 s4, s6;
	[dreg:$0x0] =	wrdreg $0x0  }
0xa9: {  	s6 =	sshll.u32 s28, $0x1;
	[dreg:$0x2] =	wrdreg s4  }
0xaa: {  	[dreg:$0x3] =	wrdreg s6  }
0xab: {  	[dreg:$0x4] =	wrdreg $0xC0  }
0xac: {  	_ =	task [dreg:s8], $0x5FFFF  }
0xad: {  	[dreg:$0x1] =	wrdreg $0xFFFFFFFF  }
0xae: {  	[dreg:$0x0] =	wrdreg $0x60  }
0xaf: {  	[dreg:$0x2] =	wrdreg s2  }
0xb0: {  	[dreg:$0x3] =	wrdreg s24  }
0xb1: {  	[dreg:$0x4] =	wrdreg s18  }
0xb2: {  	[dreg:$0x5] =	wrdreg $0x2B000  }
0xb3: {  	[dreg:$0x6] =	wrdreg $0x9  }
0xb4: {  	_ =	task.clear_ibuf [dreg:s8], $0x7FFFF;
	_ =	strace $0x90000046  }
0xb5: {  	s29 =	simm.s32 $0x9;
	_ =	strace $0x80000048  }
0xb6: {  	_ =	swait.ge [sflag:s29], $0x1  }
0xb7: {  	[sflag:s29] =	ssyncadd.s32 $0xFFFFFFFF  }
0xb8: {  	_ =	strace $0x90000048  }
0xb9: {  	_ =	sfence  }
0xba: {  	s30 =	sld [smem:$0x0];
	_ =	sdelay $0x2  }
0xbb: {  	s31 =	sshll.u32 s1, $0xD;
	s1 =	sshrl.u32 s1, $0x2  }
0xbc: {  	s3 =	sand.u32 $0x4000, s31;
	s1 =	sadd.s32 s1, s30  }
0xbd: {  	s0 =	sor.u32 s3, s0;
	s1 =	sshll.u32 s1, $0x11  }
0xbe: {  	s0 =	sor.u32 s1, s0  }
0xbf: {  	s0 =	sadd.s32 $0x8F2B, s0  }
0xc0: {  	[sflag:s0] =	ssyncadd.remote.s32 $0x1  }
0xc1: {  	_ =	sfence.sel $0xFFFF  }
0xc2: {  	[dreg:$0x0] =	wrdreg $0xFFFFFFFF;
	(pc) =	sbr.abs _section_cstart, $3  }
0xc3: {  	[dreg:$0x1] =	wrdreg $0xFFFFFFFF  }
0xc4: {  	_ =	task.clear_ibuf [dreg:s8], $0x2FFFF;
	_ =	strace $0x9FFFFFFF  }
0xc5: {  	(tm) =	ssettm $0x7FFFFFFF  }
tec
execute0_lowered:
.L_overlay_start_1:
0x0: {  	(tag) =	ssettag $0x1  }
0x1: {  	s0 =	rddreg [dreg:$0x0]  }
0x2: {  	s1 =	rddreg [dreg:$0x1]  }
0x3: {  	s3 =	rddreg [dreg:$0x3]  }
0x4: {  	s2 =	srdreg.scid;
	s9 =	stileid.u32;
	s4 =	simm.s32 $0x0  }
0x5: {  	s13 =	simm.s32 $0x2;
	s14 =	simm.s32 $0x2800;
	s15 =	simm.s32 $0x80  }
0x6: {  	s28 =	simm.s32 $0x2180;
	s29 =	simm.s32 $0x2200;
	s30 =	simm.s32 $0x2280  }
0x7: {  	s31 =	simm.s32 $0x2300;
	s16 =	simm.s32 $0x2500;
	s17 =	simm.s32 $0x2580  }
0x8: {  	s18 =	simm.s32 $0x2600;
	s19 =	simm.s32 $0x2680;
	s20 =	simm.s32 $0x2700  }
0x9: {  	s21 =	simm.s32 $0x2780;
	s22 =	simm.s32 $0x1;
	s23 =	simm.s32 $0x0  }
0xa: {  	s2 =	sand.u32 $0x1, s2;
	s7 =	smul.u32 $0x280, s9;
	[smem:$0x7FF] =	sst s4  }
0xb: {  	s5 =	sadd.s32 $0x2400, s1;
	s6 =	smul.u32 $0x2800, s2;
	s8 =	sshll.u32 s2, $0x4  }
0xc: {  	_ =	strace $0x80000047;
	s2 =	ssub.s32 $0x2, s2;
	s12 =	sor.u32 s9, s8  }
0xd: {  	s10 =	sshrl.u32 s2, $0x1;
	s25 =	sadd.s32 s7, s6;
	s9 =	smul.u32 $0xA00, s12  }
0xe: {  	s6 =	sadd.s32 $0x2800, s1;
	s2 =	ssub.s32 s2, s10;
	s7 =	sadd.s32 s7, s3  }
0xf: {  	p0 =	seq.s32 s12, $0x1F;
	s12 =	simm.s32 $0x2880;
	s8 =	sshrl.u32 s25, $0x3  }
0x10: {  	s11 =	smax.u32 s2, $0x1;
	s2 =	simm.s32 $0x2480;
	s1 =	sadd.s32 s8, s1  }
0x11: {  	s26 =	sadd.s32 s9, s0;
	s9 =	sadd.s32 $0x13610, s0;
	s0 =	simm.s32 $0x2380  }
0x12: {  	s8 =	sadd.s32 $0x10, s26;
	s10 =	sadd.s32 $0x2A00, s1;
	s1 =	simm.s32 $0x2400  }
.LBB2_1:
0x13: {  	s24 =	rddreg [dreg:$0x2]  }
0x14: {  	[tilespmem:s12], [sflag:$0x2] =	stream.linear.gather [hbm4b:s24+s4], $0x280, $0x38;
	[tilespmem:$0x2D80] =	vst v63  }
0x15: {  	_ =	swait.ge [sflag:s13], $0x280  }
0x16: {  	[sflag:s13] =	ssyncset.done $0x0  }
0x17: {  	[sflag:s13] =	ssyncadd.s32 $0xFFFFFD80  }
0x18: {  	[spmem:s7] =	stream.linear.scatter [tilespmem:s12], [sflag:$0x2], $0x280, $0x38;
	[tilespmem:$0x2D80] =	vst v63  }
0x19: {  	_ =	swait.ge [sflag:s13], $0x280  }
0x1a: {  	[sflag:s13] =	ssyncset.done $0x0  }
0x1b: {  	[sflag:s13] =	ssyncadd.s32 $0xFFFFFD80  }
0x1c: {  	[bflag:$0x0] =	sbarrier.arrive $0xFFFF  }
0x1d: {  	[tilespmem:s14], [sflag:$0x2] =	stream.linear.gather [hbm4b:s6+s4], $0x80, $0x38;
	[tilespmem:$0x2D80] =	vst v63  }
0x1e: {  	_ =	swait.ge [sflag:s13], $0x80  }
0x1f: {  	s25 =	simm.s32 @p0 $0x100;
	[sflag:s13] =	ssyncset.done $0x0  }
0x20: {  	s26 =	simm.s32 @p0 $0x0;
	s24 =	simm.s32 @p0 $0x80;
	[sflag:s13] =	ssyncadd.s32 $0xFFFFFF80  }
0x21: {  	[tilespmem:s26], [sflag:$0x2] =	stream.strided.gather @p0 [hbm4b:s9+s24], $0xA00, s25, s24, $0x38;
	[tilespmem:$0x2D80] =	vst v63  }
0x22: {  	s24 =	simm.s32 @p0 $0x2  }
0x23: {  	_ =	swait.ge @p0 [sflag:s24], $0xA00  }
0x24: {  	[sflag:s24] =	ssyncset.done @p0 $0x0  }
0x25: {  	s25 =	simm.s32 @p0 $0xA00;
	[sflag:s24] =	ssyncadd.s32 @p0 $0xFFFFF600  }
0x26: {  	[tilespmem:s25], [sflag:$0x2] =	stream.linear.gather @p0 [hbm4b:s5+s26], $0x1E00, $0x38;
	[tilespmem:$0x2D80] =	vst v63  }
0x27: {  	_ =	swait.ge @p0 [sflag:s24], $0x1E00  }
0x28: {  	s25 =	simm.s32 @!p0 $0x100;
	[sflag:s24] =	ssyncset.done @p0 $0x0  }
0x29: {  	s26 =	simm.s32 @!p0 $0x0;
	[sflag:s24] =	ssyncadd.s32 @p0 $0xFFFFE200;
	s24 =	simm.s32 @!p0 $0x80  }
0x2a: {  	[tilespmem:s26], [sflag:$0x2] =	stream.strided.gather @!p0 [hbm4b:s8+s24], $0x2800, s25, s24, $0x38;
	[tilespmem:$0x2D80] =	vst v63  }
0x2b: {  	s24 =	simm.s32 @!p0 $0x2  }
0x2c: {  	_ =	swait.ge @!p0 [sflag:s24], $0x2800  }
0x2d: {  	[sflag:s24] =	ssyncset.done @!p0 $0x0  }
0x2e: {  	[sflag:s24] =	ssyncadd.s32 @!p0 $0xFFFFD800  }
0x2f: {  	[spmem:s3] =	stream.indirect.scatter.add.f32 [tilespmem:s14], [sflag:$0x1], $0x1, s4, s15, $0xb8;
	[tilespmem:$0x2D80] =	vst v63  }
0x30: {  	_ = 	snop  }
0x31: {  	[spmem:s3] =	stream.indirect.scatter.add.f32 [tilespmem:s14], [sflag:$0x1], $0x1, s15, s15, $0xb8;
	[tilespmem:$0x2D80] =	vst v63  }
0x32: {  	s26 =	simm.s32 $0x100  }
0x33: {  	[spmem:s3] =	stream.indirect.scatter.add.f32 [tilespmem:s14], [sflag:$0x1], $0x1, s26, s15, $0xb8;
	[tilespmem:$0x2D80] =	vst v63  }
0x34: {  	s25 =	simm.s32 $0x180  }
0x35: {  	[spmem:s3] =	stream.indirect.scatter.add.f32 [tilespmem:s14], [sflag:$0x1], $0x1, s25, s15, $0xb8;
	[tilespmem:$0x2D80] =	vst v63  }
0x36: {  	s26 =	simm.s32 $0x200  }
0x37: {  	[spmem:s3] =	stream.indirect.scatter.add.f32 [tilespmem:s14], [sflag:$0x1], $0x1, s26, s15, $0xb8;
	[tilespmem:$0x2D80] =	vst v63  }
0x38: {  	s25 =	simm.s32 $0x280  }
0x39: {  	[spmem:s3] =	stream.indirect.scatter.add.f32 [tilespmem:s14], [sflag:$0x1], $0x1, s25, s15, $0xb8;
	[tilespmem:$0x2D80] =	vst v63  }
0x3a: {  	s26 =	simm.s32 $0x300  }
0x3b: {  	[spmem:s3] =	stream.indirect.scatter.add.f32 [tilespmem:s14], [sflag:$0x1], $0x1, s26, s15, $0xb8;
	[tilespmem:$0x2D80] =	vst v63  }
0x3c: {  	s25 =	simm.s32 $0x380  }
0x3d: {  	[spmem:s3] =	stream.indirect.scatter.add.f32 [tilespmem:s14], [sflag:$0x1], $0x1, s25, s15, $0xb8;
	[tilespmem:$0x2D80] =	vst v63  }
0x3e: {  	s26 =	simm.s32 $0x400  }
0x3f: {  	[spmem:s3] =	stream.indirect.scatter.add.f32 [tilespmem:s14], [sflag:$0x1], $0x1, s26, s15, $0xb8;
	[tilespmem:$0x2D80] =	vst v63  }
0x40: {  	s25 =	simm.s32 $0x480  }
0x41: {  	[spmem:s3] =	stream.indirect.scatter.add.f32 [tilespmem:s14], [sflag:$0x1], $0x1, s25, s15, $0xb8;
	[tilespmem:$0x2D80] =	vst v63  }
0x42: {  	s26 =	simm.s32 $0x500  }
0x43: {  	[spmem:s3] =	stream.indirect.scatter.add.f32 [tilespmem:s14], [sflag:$0x1], $0x1, s26, s15, $0xb8;
	[tilespmem:$0x2D80] =	vst v63  }
0x44: {  	s25 =	simm.s32 $0x580  }
0x45: {  	[spmem:s3] =	stream.indirect.scatter.add.f32 [tilespmem:s14], [sflag:$0x1], $0x1, s25, s15, $0xb8;
	[tilespmem:$0x2D80] =	vst v63  }
0x46: {  	s26 =	simm.s32 $0x600  }
0x47: {  	[spmem:s3] =	stream.indirect.scatter.add.f32 [tilespmem:s14], [sflag:$0x1], $0x1, s26, s15, $0xb8;
	[tilespmem:$0x2D80] =	vst v63  }
0x48: {  	s25 =	simm.s32 $0x680  }
0x49: {  	[spmem:s3] =	stream.indirect.scatter.add.f32 [tilespmem:s14], [sflag:$0x1], $0x1, s25, s15, $0xb8;
	[tilespmem:$0x2D80] =	vst v63  }
0x4a: {  	s26 =	simm.s32 $0x700  }
0x4b: {  	[spmem:s3] =	stream.indirect.scatter.add.f32 [tilespmem:s14], [sflag:$0x1], $0x1, s26, s15, $0xb8;
	[tilespmem:$0x2D80] =	vst v63  }
0x4c: {  	s25 =	simm.s32 $0x780  }
0x4d: {  	[spmem:s3] =	stream.indirect.scatter.add.f32 [tilespmem:s14], [sflag:$0x1], $0x1, s25, s15, $0xb8;
	[tilespmem:$0x2D80] =	vst v63  }
0x4e: {  	s26 =	simm.s32 $0x800  }
0x4f: {  	[spmem:s3] =	stream.indirect.scatter.add.f32 [tilespmem:s14], [sflag:$0x1], $0x1, s26, s15, $0xb8;
	[tilespmem:$0x2D80] =	vst v63  }
0x50: {  	s25 =	simm.s32 $0x880  }
0x51: {  	[spmem:s3] =	stream.indirect.scatter.add.f32 [tilespmem:s14], [sflag:$0x1], $0x1, s25, s15, $0xb8;
	[tilespmem:$0x2D80] =	vst v63  }
0x52: {  	s26 =	simm.s32 $0x900  }
0x53: {  	[spmem:s3] =	stream.indirect.scatter.add.f32 [tilespmem:s14], [sflag:$0x1], $0x1, s26, s15, $0xb8;
	[tilespmem:$0x2D80] =	vst v63  }
0x54: {  	s25 =	simm.s32 $0x980  }
0x55: {  	[spmem:s3] =	stream.indirect.scatter.add.f32 [tilespmem:s14], [sflag:$0x1], $0x1, s25, s15, $0xb8;
	[tilespmem:$0x2D80] =	vst v63  }
0x56: {  	s26 =	simm.s32 $0xA00  }
0x57: {  	[spmem:s3] =	stream.indirect.scatter.add.f32 [tilespmem:s14], [sflag:$0x1], $0x1, s26, s15, $0xb8;
	[tilespmem:$0x2D80] =	vst v63  }
0x58: {  	s25 =	simm.s32 $0xA80  }
0x59: {  	[spmem:s3] =	stream.indirect.scatter.add.f32 [tilespmem:s14], [sflag:$0x1], $0x1, s25, s15, $0xb8;
	[tilespmem:$0x2D80] =	vst v63  }
0x5a: {  	s26 =	simm.s32 $0xB00  }
0x5b: {  	[spmem:s3] =	stream.indirect.scatter.add.f32 [tilespmem:s14], [sflag:$0x1], $0x1, s26, s15, $0xb8;
	[tilespmem:$0x2D80] =	vst v63  }
0x5c: {  	s25 =	simm.s32 $0xB80  }
0x5d: {  	[spmem:s3] =	stream.indirect.scatter.add.f32 [tilespmem:s14], [sflag:$0x1], $0x1, s25, s15, $0xb8;
	[tilespmem:$0x2D80] =	vst v63  }
0x5e: {  	s26 =	simm.s32 $0xC00  }
0x5f: {  	[spmem:s3] =	stream.indirect.scatter.add.f32 [tilespmem:s14], [sflag:$0x1], $0x1, s26, s15, $0xb8;
	[tilespmem:$0x2D80] =	vst v63  }
0x60: {  	s25 =	simm.s32 $0xC80  }
0x61: {  	[spmem:s3] =	stream.indirect.scatter.add.f32 [tilespmem:s14], [sflag:$0x1], $0x1, s25, s15, $0xb8;
	[tilespmem:$0x2D80] =	vst v63  }
0x62: {  	s26 =	simm.s32 $0xD00  }
0x63: {  	[spmem:s3] =	stream.indirect.scatter.add.f32 [tilespmem:s14], [sflag:$0x1], $0x1, s26, s15, $0xb8;
	[tilespmem:$0x2D80] =	vst v63  }
0x64: {  	s25 =	simm.s32 $0xD80  }
0x65: {  	[spmem:s3] =	stream.indirect.scatter.add.f32 [tilespmem:s14], [sflag:$0x1], $0x1, s25, s15, $0xb8;
	[tilespmem:$0x2D80] =	vst v63  }
0x66: {  	s26 =	simm.s32 $0xE00  }
0x67: {  	[spmem:s3] =	stream.indirect.scatter.add.f32 [tilespmem:s14], [sflag:$0x1], $0x1, s26, s15, $0xb8;
	[tilespmem:$0x2D80] =	vst v63  }
0x68: {  	s25 =	simm.s32 $0xE80  }
0x69: {  	[spmem:s3] =	stream.indirect.scatter.add.f32 [tilespmem:s14], [sflag:$0x1], $0x1, s25, s15, $0xb8;
	[tilespmem:$0x2D80] =	vst v63  }
0x6a: {  	s26 =	simm.s32 $0xF00  }
0x6b: {  	[spmem:s3] =	stream.indirect.scatter.add.f32 [tilespmem:s14], [sflag:$0x1], $0x1, s26, s15, $0xb8;
	[tilespmem:$0x2D80] =	vst v63  }
0x6c: {  	s25 =	simm.s32 $0xF80  }
0x6d: {  	[spmem:s3] =	stream.indirect.scatter.add.f32 [tilespmem:s14], [sflag:$0x1], $0x1, s25, s15, $0xb8;
	[tilespmem:$0x2D80] =	vst v63  }
0x6e: {  	s26 =	simm.s32 $0x1000  }
0x6f: {  	[spmem:s3] =	stream.indirect.scatter.add.f32 [tilespmem:s14], [sflag:$0x1], $0x1, s26, s15, $0xb8;
	[tilespmem:$0x2D80] =	vst v63  }
0x70: {  	s25 =	simm.s32 $0x1080  }
0x71: {  	[spmem:s3] =	stream.indirect.scatter.add.f32 [tilespmem:s14], [sflag:$0x1], $0x1, s25, s15, $0xb8;
	[tilespmem:$0x2D80] =	vst v63  }
0x72: {  	s26 =	simm.s32 $0x1100  }
0x73: {  	[spmem:s3] =	stream.indirect.scatter.add.f32 [tilespmem:s14], [sflag:$0x1], $0x1, s26, s15, $0xb8;
	[tilespmem:$0x2D80] =	vst v63  }
0x74: {  	s25 =	simm.s32 $0x1180  }
0x75: {  	[spmem:s3] =	stream.indirect.scatter.add.f32 [tilespmem:s14], [sflag:$0x1], $0x1, s25, s15, $0xb8;
	[tilespmem:$0x2D80] =	vst v63  }
0x76: {  	s26 =	simm.s32 $0x1200  }
0x77: {  	[spmem:s3] =	stream.indirect.scatter.add.f32 [tilespmem:s14], [sflag:$0x1], $0x1, s26, s15, $0xb8;
	[tilespmem:$0x2D80] =	vst v63  }
0x78: {  	s25 =	simm.s32 $0x1280  }
0x79: {  	[spmem:s3] =	stream.indirect.scatter.add.f32 [tilespmem:s14], [sflag:$0x1], $0x1, s25, s15, $0xb8;
	[tilespmem:$0x2D80] =	vst v63  }
0x7a: {  	s26 =	simm.s32 $0x1300  }
0x7b: {  	[spmem:s3] =	stream.indirect.scatter.add.f32 [tilespmem:s14], [sflag:$0x1], $0x1, s26, s15, $0xb8;
	[tilespmem:$0x2D80] =	vst v63  }
0x7c: {  	s25 =	simm.s32 $0x1380  }
0x7d: {  	[spmem:s3] =	stream.indirect.scatter.add.f32 [tilespmem:s14], [sflag:$0x1], $0x1, s25, s15, $0xb8;
	[tilespmem:$0x2D80] =	vst v63  }
0x7e: {  	s26 =	simm.s32 $0x1400  }
0x7f: {  	[spmem:s3] =	stream.indirect.scatter.add.f32 [tilespmem:s14], [sflag:$0x1], $0x1, s26, s15, $0xb8;
	[tilespmem:$0x2D80] =	vst v63  }
0x80: {  	s25 =	simm.s32 $0x1480  }
0x81: {  	[spmem:s3] =	stream.indirect.scatter.add.f32 [tilespmem:s14], [sflag:$0x1], $0x1, s25, s15, $0xb8;
	[tilespmem:$0x2D80] =	vst v63  }
0x82: {  	s26 =	simm.s32 $0x1500  }
0x83: {  	[spmem:s3] =	stream.indirect.scatter.add.f32 [tilespmem:s14], [sflag:$0x1], $0x1, s26, s15, $0xb8;
	[tilespmem:$0x2D80] =	vst v63  }
0x84: {  	s25 =	simm.s32 $0x1580  }
0x85: {  	[spmem:s3] =	stream.indirect.scatter.add.f32 [tilespmem:s14], [sflag:$0x1], $0x1, s25, s15, $0xb8;
	[tilespmem:$0x2D80] =	vst v63  }
0x86: {  	s26 =	simm.s32 $0x1600  }
0x87: {  	[spmem:s3] =	stream.indirect.scatter.add.f32 [tilespmem:s14], [sflag:$0x1], $0x1, s26, s15, $0xb8;
	[tilespmem:$0x2D80] =	vst v63  }
0x88: {  	s25 =	simm.s32 $0x1680  }
0x89: {  	[spmem:s3] =	stream.indirect.scatter.add.f32 [tilespmem:s14], [sflag:$0x1], $0x1, s25, s15, $0xb8;
	[tilespmem:$0x2D80] =	vst v63  }
0x8a: {  	s26 =	simm.s32 $0x1700  }
0x8b: {  	[spmem:s3] =	stream.indirect.scatter.add.f32 [tilespmem:s14], [sflag:$0x1], $0x1, s26, s15, $0xb8;
	[tilespmem:$0x2D80] =	vst v63  }
0x8c: {  	s25 =	simm.s32 $0x1780  }
0x8d: {  	[spmem:s3] =	stream.indirect.scatter.add.f32 [tilespmem:s14], [sflag:$0x1], $0x1, s25, s15, $0xb8;
	[tilespmem:$0x2D80] =	vst v63  }
0x8e: {  	s26 =	simm.s32 $0x1800  }
0x8f: {  	[spmem:s3] =	stream.indirect.scatter.add.f32 [tilespmem:s14], [sflag:$0x1], $0x1, s26, s15, $0xb8;
	[tilespmem:$0x2D80] =	vst v63  }
0x90: {  	s25 =	simm.s32 $0x1880  }
0x91: {  	[spmem:s3] =	stream.indirect.scatter.add.f32 [tilespmem:s14], [sflag:$0x1], $0x1, s25, s15, $0xb8;
	[tilespmem:$0x2D80] =	vst v63  }
0x92: {  	s26 =	simm.s32 $0x1900  }
0x93: {  	[spmem:s3] =	stream.indirect.scatter.add.f32 [tilespmem:s14], [sflag:$0x1], $0x1, s26, s15, $0xb8;
	[tilespmem:$0x2D80] =	vst v63  }
0x94: {  	s25 =	simm.s32 $0x1980  }
0x95: {  	[spmem:s3] =	stream.indirect.scatter.add.f32 [tilespmem:s14], [sflag:$0x1], $0x1, s25, s15, $0xb8;
	[tilespmem:$0x2D80] =	vst v63  }
0x96: {  	s26 =	simm.s32 $0x1A00  }
0x97: {  	[spmem:s3] =	stream.indirect.scatter.add.f32 [tilespmem:s14], [sflag:$0x1], $0x1, s26, s15, $0xb8;
	[tilespmem:$0x2D80] =	vst v63  }
0x98: {  	s25 =	simm.s32 $0x1A80  }
0x99: {  	[spmem:s3] =	stream.indirect.scatter.add.f32 [tilespmem:s14], [sflag:$0x1], $0x1, s25, s15, $0xb8;
	[tilespmem:$0x2D80] =	vst v63  }
0x9a: {  	s26 =	simm.s32 $0x1B00  }
0x9b: {  	[spmem:s3] =	stream.indirect.scatter.add.f32 [tilespmem:s14], [sflag:$0x1], $0x1, s26, s15, $0xb8;
	[tilespmem:$0x2D80] =	vst v63  }
0x9c: {  	s25 =	simm.s32 $0x1B80  }
0x9d: {  	[spmem:s3] =	stream.indirect.scatter.add.f32 [tilespmem:s14], [sflag:$0x1], $0x1, s25, s15, $0xb8;
	[tilespmem:$0x2D80] =	vst v63  }
0x9e: {  	s26 =	simm.s32 $0x1C00  }
0x9f: {  	[spmem:s3] =	stream.indirect.scatter.add.f32 [tilespmem:s14], [sflag:$0x1], $0x1, s26, s15, $0xb8;
	[tilespmem:$0x2D80] =	vst v63  }
0xa0: {  	s25 =	simm.s32 $0x1C80  }
0xa1: {  	[spmem:s3] =	stream.indirect.scatter.add.f32 [tilespmem:s14], [sflag:$0x1], $0x1, s25, s15, $0xb8;
	[tilespmem:$0x2D80] =	vst v63  }
0xa2: {  	s26 =	simm.s32 $0x1D00  }
0xa3: {  	[spmem:s3] =	stream.indirect.scatter.add.f32 [tilespmem:s14], [sflag:$0x1], $0x1, s26, s15, $0xb8;
	[tilespmem:$0x2D80] =	vst v63  }
0xa4: {  	s25 =	simm.s32 $0x1D80  }
0xa5: {  	[spmem:s3] =	stream.indirect.scatter.add.f32 [tilespmem:s14], [sflag:$0x1], $0x1, s25, s15, $0xb8;
	[tilespmem:$0x2D80] =	vst v63  }
0xa6: {  	s26 =	simm.s32 $0x1E00  }
0xa7: {  	[spmem:s3] =	stream.indirect.scatter.add.f32 [tilespmem:s14], [sflag:$0x1], $0x1, s26, s15, $0xb8;
	[tilespmem:$0x2D80] =	vst v63  }
0xa8: {  	s25 =	simm.s32 $0x1E80  }
0xa9: {  	[spmem:s3] =	stream.indirect.scatter.add.f32 [tilespmem:s14], [sflag:$0x1], $0x1, s25, s15, $0xb8;
	[tilespmem:$0x2D80] =	vst v63  }
0xaa: {  	s26 =	simm.s32 $0x1F00  }
0xab: {  	[spmem:s3] =	stream.indirect.scatter.add.f32 [tilespmem:s14], [sflag:$0x1], $0x1, s26, s15, $0xb8;
	[tilespmem:$0x2D80] =	vst v63  }
0xac: {  	s25 =	simm.s32 $0x1F80  }
0xad: {  	[spmem:s3] =	stream.indirect.scatter.add.f32 [tilespmem:s14], [sflag:$0x1], $0x1, s25, s15, $0xb8;
	[tilespmem:$0x2D80] =	vst v63  }
0xae: {  	s26 =	simm.s32 $0x2000  }
0xaf: {  	[spmem:s3] =	stream.indirect.scatter.add.f32 [tilespmem:s14], [sflag:$0x1], $0x1, s26, s15, $0xb8;
	[tilespmem:$0x2D80] =	vst v63  }
0xb0: {  	s25 =	simm.s32 $0x2080  }
0xb1: {  	[spmem:s3] =	stream.indirect.scatter.add.f32 [tilespmem:s14], [sflag:$0x1], $0x1, s25, s15, $0xb8;
	[tilespmem:$0x2D80] =	vst v63  }
0xb2: {  	s26 =	simm.s32 $0x2100  }
0xb3: {  	[spmem:s3] =	stream.indirect.scatter.add.f32 [tilespmem:s14], [sflag:$0x1], $0x1, s26, s15, $0xb8;
	[tilespmem:$0x2D80] =	vst v63  }
0xb4: {  	_ = 	snop  }
0xb5: {  	[spmem:s3] =	stream.indirect.scatter.add.f32 [tilespmem:s14], [sflag:$0x1], $0x1, s28, s15, $0xb8;
	[tilespmem:$0x2D80] =	vst v63  }
0xb6: {  	_ = 	snop  }
0xb7: {  	[spmem:s3] =	stream.indirect.scatter.add.f32 [tilespmem:s14], [sflag:$0x1], $0x1, s29, s15, $0xb8;
	[tilespmem:$0x2D80] =	vst v63  }
0xb8: {  	_ = 	snop  }
0xb9: {  	[spmem:s3] =	stream.indirect.scatter.add.f32 [tilespmem:s14], [sflag:$0x1], $0x1, s30, s15, $0xb8;
	[tilespmem:$0x2D80] =	vst v63  }
0xba: {  	_ = 	snop  }
0xbb: {  	[spmem:s3] =	stream.indirect.scatter.add.f32 [tilespmem:s14], [sflag:$0x1], $0x1, s31, s15, $0xb8;
	[tilespmem:$0x2D80] =	vst v63  }
0xbc: {  	_ = 	snop  }
0xbd: {  	[spmem:s3] =	stream.indirect.scatter.add.f32 [tilespmem:s14], [sflag:$0x1], $0x1, s0, s15, $0xb8;
	[tilespmem:$0x2D80] =	vst v63  }
0xbe: {  	_ = 	snop  }
0xbf: {  	[spmem:s3] =	stream.indirect.scatter.add.f32 [tilespmem:s14], [sflag:$0x1], $0x1, s1, s15, $0xb8;
	[tilespmem:$0x2D80] =	vst v63  }
0xc0: {  	_ = 	snop  }
0xc1: {  	[spmem:s3] =	stream.indirect.scatter.add.f32 [tilespmem:s14], [sflag:$0x1], $0x1, s2, s15, $0xb8;
	[tilespmem:$0x2D80] =	vst v63  }
0xc2: {  	_ = 	snop  }
0xc3: {  	[spmem:s3] =	stream.indirect.scatter.add.f32 [tilespmem:s14], [sflag:$0x1], $0x1, s16, s15, $0xb8;
	[tilespmem:$0x2D80] =	vst v63  }
0xc4: {  	_ = 	snop  }
0xc5: {  	[spmem:s3] =	stream.indirect.scatter.add.f32 [tilespmem:s14], [sflag:$0x1], $0x1, s17, s15, $0xb8;
	[tilespmem:$0x2D80] =	vst v63  }
0xc6: {  	_ = 	snop  }
0xc7: {  	[spmem:s3] =	stream.indirect.scatter.add.f32 [tilespmem:s14], [sflag:$0x1], $0x1, s18, s15, $0xb8;
	[tilespmem:$0x2D80] =	vst v63  }
0xc8: {  	_ = 	snop  }
0xc9: {  	[spmem:s3] =	stream.indirect.scatter.add.f32 [tilespmem:s14], [sflag:$0x1], $0x1, s19, s15, $0xb8;
	[tilespmem:$0x2D80] =	vst v63  }
0xca: {  	_ = 	snop  }
0xcb: {  	[spmem:s3] =	stream.indirect.scatter.add.f32 [tilespmem:s14], [sflag:$0x1], $0x1, s20, s15, $0xb8;
	[tilespmem:$0x2D80] =	vst v63  }
0xcc: {  	_ = 	snop  }
0xcd: {  	[spmem:s3] =	stream.indirect.scatter.add.f32 [tilespmem:s14], [sflag:$0x1], $0x1, s21, s15, $0xb8;
	[tilespmem:$0x2D80] =	vst v63  }
0xce: {  	_ =	swait.ge [sflag:s22], $0x80  }
0xcf: {  	[sflag:s22] =	ssyncset.done $0x0  }
0xd0: {  	[sflag:s22] =	ssyncadd.s32 $0xFFFFFF80  }
0xd1: {  	_ =	swait.ge [sflag:s22], $0x80  }
0xd2: {  	[sflag:s22] =	ssyncset.done $0x0  }
0xd3: {  	[sflag:s22] =	ssyncadd.s32 $0xFFFFFF80  }
0xd4: {  	_ =	swait.ge [sflag:s22], $0x80  }
0xd5: {  	[sflag:s22] =	ssyncset.done $0x0  }
0xd6: {  	[sflag:s22] =	ssyncadd.s32 $0xFFFFFF80  }
0xd7: {  	_ =	swait.ge [sflag:s22], $0x80  }
0xd8: {  	[sflag:s22] =	ssyncset.done $0x0  }
0xd9: {  	[sflag:s22] =	ssyncadd.s32 $0xFFFFFF80  }
0xda: {  	_ =	swait.ge [sflag:s22], $0x80  }
0xdb: {  	[sflag:s22] =	ssyncset.done $0x0  }
0xdc: {  	[sflag:s22] =	ssyncadd.s32 $0xFFFFFF80  }
0xdd: {  	_ =	swait.ge [sflag:s22], $0x80  }
0xde: {  	[sflag:s22] =	ssyncset.done $0x0  }
0xdf: {  	[sflag:s22] =	ssyncadd.s32 $0xFFFFFF80  }
0xe0: {  	_ =	swait.ge [sflag:s22], $0x80  }
0xe1: {  	[sflag:s22] =	ssyncset.done $0x0  }
0xe2: {  	[sflag:s22] =	ssyncadd.s32 $0xFFFFFF80  }
0xe3: {  	_ =	swait.ge [sflag:s22], $0x80  }
0xe4: {  	s24 =	simm.s32 $0x9;
	[sflag:s22] =	ssyncset.done $0x0  }
.LBB2_2:
0xe5: {  	p1 =	sne.s32 s24, $0x1;
	s24 =	sadd.s32 $0xFFFFFFFF, s24;
	[sflag:s22] =	ssyncadd.s32 $0xFFFFFF80  }
0xe6: {  	_ =	swait.ge [sflag:s22], $0x80  }
0xe7: {  	[sflag:s22] =	ssyncset.done $0x0  }
0xe8: {  	[sflag:s22] =	ssyncadd.s32 $0xFFFFFF80  }
0xe9: {  	_ =	swait.ge [sflag:s22], $0x80  }
0xea: {  	[sflag:s22] =	ssyncset.done $0x0  }
0xeb: {  	[sflag:s22] =	ssyncadd.s32 $0xFFFFFF80  }
0xec: {  	_ =	swait.ge [sflag:s22], $0x80  }
0xed: {  	[sflag:s22] =	ssyncset.done $0x0  }
0xee: {  	[sflag:s22] =	ssyncadd.s32 $0xFFFFFF80  }
0xef: {  	_ =	swait.ge [sflag:s22], $0x80  }
0xf0: {  	[sflag:s22] =	ssyncset.done $0x0  }
0xf1: {  	[sflag:s22] =	ssyncadd.s32 $0xFFFFFF80  }
0xf2: {  	_ =	swait.ge [sflag:s22], $0x80  }
0xf3: {  	[sflag:s22] =	ssyncset.done $0x0  }
0xf4: {  	[sflag:s22] =	ssyncadd.s32 $0xFFFFFF80  }
0xf5: {  	_ =	swait.ge [sflag:s22], $0x80  }
0xf6: {  	[sflag:s22] =	ssyncset.done $0x0  }
0xf7: {  	[sflag:s22] =	ssyncadd.s32 $0xFFFFFF80  }
.Ltmp0:
0xf8: {  	_ =	swait.ge [sflag:s22], $0x80;
	(pc) =	sbr.rel @p1 .LBB2_2-.Ltmp0, $4  }
0xf9: {  	[sflag:s22] =	ssyncset.done $0x0  }
0xfa: {  	[sflag:s22] =	ssyncadd.s32 $0xFFFFFF80  }
0xfb: {  	_ =	swait.ge [sflag:s22], $0x80  }
0xfc: {  	[sflag:s22] =	ssyncset.done $0x0  }
0xfd: {  	[sflag:s22] =	ssyncadd.s32 $0xFFFFFF80  }
0xfe: {  	[bflag:$0x0] =	sbarrier.arrive $0xFFFF  }
0xff: {  	[tilespmem:s12], [sflag:$0x2] =	stream.linear.gather [spmem:s7], $0x280, $0x38;
	[tilespmem:$0x2D80] =	vst v63  }
0x100: {  	s23 =	sadd.s32 $0x1, s23;
	_ =	swait.ge [sflag:s13], $0x280  }
0x101: {  	p1 =	sne.s32 s23, s11;
	[sflag:s13] =	ssyncset.done $0x0  }
.Ltmp1:
0x102: {  	[sflag:s13] =	ssyncadd.s32 $0xFFFFFD80;
	(pc) =	sbr.rel @p1 .LBB2_1-.Ltmp1, $4  }
0x103: {  	[hbm4b:s10+s4] =	stream.linear.scatter [tilespmem:s12], [sflag:$0x2], $0x280, $0x38;
	[tilespmem:$0x2D80] =	vst v63  }
0x104: {  	_ =	swait.ge [sflag:s13], $0x280  }
0x105: {  	[sflag:s13] =	ssyncset.done $0x0  }
0x106: {  	[sflag:s13] =	ssyncadd.s32 $0xFFFFFD80  }
0x107: {  	_ =	sfence.sel $0x180000  }
0x108: {  	[bflag:$0x0] =	sbarrier.arrive $0xFFFF  }
0x109: {  	_ =	strace $0x90000047  }
0x10a: {  	s0 =	stileid.u32;
	[bflag:$0x2] =	sbarrier.arrive $0xFFFF  }
0x10b: {  	p0 =	sne.s32 s0, $0x0;
	s0 =	rddreg [dreg:$0x4]  }
0x10c: {  	s0 =	sadd.s32 @!p0 $0x100000, s0  }
0x10d: {  	[sflag:s0] =	ssyncadd.tile.s32 @!p0 $0x1;
	_ =	shalt  }
.Lfunc_end2:
_tile_overlayer_lowered:
.L_overlay_start_2:
0x10e: {  	(tag) =	ssettag $0x2  }
0x10f: {  	s0 =	rddreg [dreg:$0x0];
	s2 =	stileid.u32  }
0x110: {  	s1 =	rddreg [dreg:$0x1];
	p0 =	sne.s32 s2, $0x0  }
0x111: {  	s3 =	rddreg [dreg:$0x2];
	[bflag:$0x3] =	sbarrier.arrive $0xFFFF;
	s2 =	simm.s32 @!p0 $0x1C02  }
0x112: {  	[timem:s3], [sflag:s2] =	dma.local @!p0 [hbm:s0], s1  }
0x113: {  	s0 =	simm.s32 @!p0 $0x2  }
0x114: {  	_ =	swait.ge @!p0 [sflag:s0], s1  }
0x115: {  	s1 =	ssub.s32 @!p0 $0x0, s1;
	[sflag:s0] =	ssyncset.done @!p0 $0x0  }
0x116: {  	[sflag:s0] =	ssyncadd.s32 @!p0 s1  }
0x117: {  	[bflag:$0x3] =	sbarrier.arrive $0xFFFF  }
0x118: {  	_ =	shalt  }

</sc_bundles>
